<compile_context>
chip_gen: v7x
topology: tpu7x:2x2x1
jax: 0.10.2.dev20260603
libtpu: 0.0.44.dev20260713+nightly
codegen_flags: <defaults>
</compile_context>

<pallas_src>
import functools

import jax
import jax.numpy as jnp
from jax import lax
from jax.experimental import pallas as pl
from jax.experimental.pallas import tpu as pltpu, tpu_sc as plsc

N = 10000
NP = 10240
D = 128
E = 160000
NC = 2
NS = 16
NW = NC * NS
EPW = E // NW
CH = 128
NCH = 40
EPWP = NCH * CH
RPT = NP // NS
BLK = 1000
GRID = N // BLK
BN_EPS = 1e-5

_mesh = plsc.VectorSubcoreMesh(core_axis_name="c", subcore_axis_name="s")
_sc_params = pltpu.CompilerParams(needs_layout_passes=False)


def _fill(vref, val, n16):
    def body(i, carry):
        vref[pl.ds(i * 16, 16)] = jnp.full((16,), val, jnp.float32)
        return carry
    lax.fori_loop(0, n16, body, 0)



@functools.partial(
    pl.kernel,
    out_type=jax.ShapeDtypeStruct((NC, NP), jnp.float32),
    mesh=_mesh,
    compiler_params=_sc_params,
    scratch_types=[
        pltpu.VMEM((NCH, CH), jnp.int32),
        pltpu.VMEM((CH,), jnp.float32),
        pltpu.VMEM((RPT,), jnp.float32),
        pltpu.SemaphoreType.DMA,
        pltpu.VMEM_SHARED((NP,), jnp.float32),
    ],
)
def _sc_count(dstw, cnt_out, idx_v, ones_v, zeros_v, sem, cnt_sh):
    cid = lax.axis_index("c")
    sid = lax.axis_index("s")
    w = cid * NS + sid
    ld = pltpu.async_copy(dstw.at[w], idx_v, sem)
    _fill(ones_v, 1.0, CH // 16)
    _fill(zeros_v, 0.0, RPT // 16)
    pltpu.sync_copy(zeros_v, cnt_sh.at[pl.ds(sid * RPT, RPT)])
    ld.wait()
    plsc.subcore_barrier()

    def chunk(k, carry):
        pltpu.async_copy(ones_v, cnt_sh.at[idx_v.at[k]], sem, add=True)
        return carry
    lax.fori_loop(0, NCH, chunk, 0)

    def drain(k, carry):
        pltpu.make_async_copy(ones_v, cnt_sh.at[idx_v.at[0]], sem).wait()
        return carry
    lax.fori_loop(0, NCH, drain, 0)
    plsc.subcore_barrier()
    pltpu.sync_copy(cnt_sh.at[pl.ds(sid * RPT, RPT)],
                    cnt_out.at[cid, pl.ds(sid * RPT, RPT)])


@functools.partial(
    pl.kernel,
    out_type=jax.ShapeDtypeStruct((NC, NP, D), jnp.float32),
    mesh=_mesh,
    compiler_params=_sc_params,
    scratch_types=[
        pltpu.VMEM((NCH, CH), jnp.int32),
        pltpu.VMEM((NCH, CH), jnp.int32),
        pltpu.VMEM((CH, D), jnp.float32),
        pltpu.VMEM((CH, D), jnp.float32),
        pltpu.SemaphoreType.DMA,
        pltpu.SemaphoreType.DMA,
        pltpu.SemaphoreType.DMA,
        pltpu.SemaphoreType.DMA,
        pltpu.SemaphoreType.DMA,
        pltpu.VMEM_SHARED((NP, D), jnp.float32),
    ],
)
def _sc_segsum(g, srcw, dstw, acc_out, si_v, di_v, gbuf0, gbuf1,
               sem0, sem1, ssem0, ssem1, semz, acc_sh):
    cid = lax.axis_index("c")
    sid = lax.axis_index("s")
    w = cid * NS + sid
    ld_s = pltpu.async_copy(srcw.at[w], si_v, sem0)
    ld_d = pltpu.async_copy(dstw.at[w], di_v, sem1)

    def zb(i, carry):
        for j in range(D // 16):
            gbuf0[i, pl.ds(j * 16, 16)] = jnp.zeros((16,), jnp.float32)
        return carry
    lax.fori_loop(0, CH, zb, 0)
    for r in range(RPT // CH):
        pltpu.async_copy(gbuf0, acc_sh.at[pl.ds(sid * RPT + r * CH, CH)], semz)
    for r in range(RPT // CH):
        pltpu.make_async_copy(gbuf0, acc_sh.at[pl.ds(sid * RPT, CH)],
                              semz).wait()
    ld_s.wait()
    ld_d.wait()
    plsc.subcore_barrier()

    pltpu.async_copy(g.at[si_v.at[0]], gbuf0, sem0)

    def pipe(t, carry):
        k0 = 2 * t
        pltpu.async_copy(g.at[si_v.at[k0 + 1]], gbuf1, sem1)
        pltpu.make_async_copy(g.at[si_v.at[k0]], gbuf0, sem0).wait()
        pltpu.sync_copy(gbuf0, acc_sh.at[di_v.at[k0]], add=True)

        @pl.when(t < NCH // 2 - 1)
        def _():
            pltpu.async_copy(g.at[si_v.at[k0 + 2]], gbuf0, sem0)
        pltpu.make_async_copy(g.at[si_v.at[k0 + 1]], gbuf1, sem1).wait()
        pltpu.sync_copy(gbuf1, acc_sh.at[di_v.at[k0 + 1]], add=True)
        return carry
    lax.fori_loop(0, NCH // 2, pipe, 0)
    plsc.subcore_barrier()
    for r in range(RPT // CH):
        off = sid * RPT + r * CH
        pltpu.async_copy(acc_sh.at[pl.ds(off, CH)],
                         acc_out.at[cid, pl.ds(off, CH)], semz)
    for r in range(RPT // CH):
        pltpu.make_async_copy(acc_sh.at[pl.ds(sid * RPT, CH)],
                              acc_out.at[cid, pl.ds(sid * RPT, CH)],
                              semz).wait()


@functools.partial(
    pl.kernel,
    out_type=jax.ShapeDtypeStruct((NC, NP), jnp.float32),
    mesh=_mesh,
    compiler_params=_sc_params,
    scratch_types=[
        pltpu.VMEM((NCH, CH), jnp.int32),
        pltpu.VMEM((NCH, CH), jnp.int32),
        pltpu.VMEM((NP,), jnp.float32),
        pltpu.VMEM((NP,), jnp.float32),
        pltpu.VMEM((NP,), jnp.float32),
        pltpu.VMEM((NCH, CH), jnp.float32),
        pltpu.VMEM((RPT,), jnp.float32),
        pltpu.SemaphoreType.DMA,
        pltpu.SemaphoreType.DMA,
        pltpu.VMEM_SHARED((NP,), jnp.float32),
    ],
)
def _sc_line1(a, b, dinv, srcw, dstw, m_out,
              si_v, di_v, a_v, b_v, w_v, val_v, zeros_v, sem, ssem, m_sh):
    cid = lax.axis_index("c")
    sid = lax.axis_index("s")
    w = cid * NS + sid
    cps = [pltpu.async_copy(srcw.at[w], si_v, sem),
           pltpu.async_copy(dstw.at[w], di_v, sem),
           pltpu.async_copy(a, a_v.at[pl.ds(0, N)], sem),
           pltpu.async_copy(b, b_v.at[pl.ds(0, N)], sem),
           pltpu.async_copy(dinv, w_v.at[pl.ds(0, N)], sem)]
    _fill(zeros_v, 0.0, RPT // 16)
    pltpu.sync_copy(zeros_v, m_sh.at[pl.ds(sid * RPT, RPT)])
    def tail(i, carry):
        b_v[pl.ds(N + i * 16, 16)] = jnp.zeros((16,), jnp.float32)
        return carry
    lax.fori_loop(0, (NP - N) // 16, tail, 0)
    for cp in cps:
        cp.wait()
    plsc.subcore_barrier()

    def chunk(k, carry):
        for j in range(CH // 16):
            s = si_v[k, pl.ds(j * 16, 16)]
            dd = di_v[k, pl.ds(j * 16, 16)]
            av = plsc.load_gather(a_v, [s])
            bv = plsc.load_gather(b_v, [dd])
            wv = plsc.load_gather(w_v, [s])
            val_v[k, pl.ds(j * 16, 16)] = wv * (av + bv)
        pltpu.async_copy(val_v.at[k], m_sh.at[di_v.at[k]], ssem, add=True)
        return carry
    lax.fori_loop(0, NCH, chunk, 0)

    def drain(k, carry):
        pltpu.make_async_copy(val_v.at[0], m_sh.at[di_v.at[0]], ssem).wait()
        return carry
    lax.fori_loop(0, NCH, drain, 0)
    plsc.subcore_barrier()
    pltpu.sync_copy(m_sh.at[pl.ds(sid * RPT, RPT)],
                    m_out.at[cid, pl.ds(sid * RPT, RPT)])


@functools.partial(
    pl.kernel,
    out_type=jax.ShapeDtypeStruct((E,), jnp.float32),
    mesh=_mesh,
    compiler_params=_sc_params,
    scratch_types=[
        pltpu.VMEM((NCH, CH), jnp.int32),
        pltpu.VMEM((NCH, CH), jnp.int32),
        pltpu.VMEM((NP,), jnp.float32),
        pltpu.VMEM((NP,), jnp.float32),
        pltpu.VMEM((NP,), jnp.float32),
        pltpu.VMEM((NP,), jnp.float32),
        pltpu.VMEM((NP,), jnp.float32),
        pltpu.VMEM((16,), jnp.float32),
        pltpu.VMEM((EPWP,), jnp.float32),
        pltpu.SemaphoreType.DMA,
    ],
)
def _sc_line2(a, b, dinv, mparts, b3, srcw, dstw, out,
              si_v, di_v, a_v, b_v, w_v, m_v, m2_v, b3_v, o_v, sem):
    cid = lax.axis_index("c")
    sid = lax.axis_index("s")
    w = cid * NS + sid
    cps = [pltpu.async_copy(srcw.at[w], si_v, sem),
           pltpu.async_copy(dstw.at[w], di_v, sem),
           pltpu.async_copy(a, a_v.at[pl.ds(0, N)], sem),
           pltpu.async_copy(b, b_v.at[pl.ds(0, N)], sem),
           pltpu.async_copy(dinv, w_v.at[pl.ds(0, N)], sem),
           pltpu.async_copy(mparts.at[0], m_v, sem),
           pltpu.async_copy(mparts.at[1], m2_v, sem),
           pltpu.async_copy(b3, b3_v, sem)]
    def tail(i, carry):
        b_v[pl.ds(N + i * 16, 16)] = jnp.zeros((16,), jnp.float32)
        return carry
    lax.fori_loop(0, (NP - N) // 16, tail, 0)
    for cp in cps:
        cp.wait()

    def madd(i, carry):
        off = pl.ds(i * 16, 16)
        m_v[off] = m_v[off] + m2_v[off]
        return carry
    lax.fori_loop(0, NP // 16, madd, 0)
    b3v = b3_v[...]

    def chunk(k, carry):
        for j in range(CH // 16):
            s = si_v[k, pl.ds(j * 16, 16)]
            dd = di_v[k, pl.ds(j * 16, 16)]
            av = plsc.load_gather(a_v, [s])
            bv = plsc.load_gather(b_v, [dd])
            wv = plsc.load_gather(w_v, [s])
            mv = plsc.load_gather(m_v, [s])
            z = wv * mv + wv * wv * (av + bv) + b3v
            o_v[pl.ds(k * CH + j * 16, 16)] = 1.0 / (1.0 + jnp.exp(-z))
        return carry
    lax.fori_loop(0, NCH, chunk, 0)
    pltpu.sync_copy(o_v.at[pl.ds(0, EPW)], out.at[pl.ds(w * EPW, EPW)])



def _tc_prep1_body(x_ref, w1_ref, cnt_ref, g1_ref, dinv_ref):
    cnt = cnt_ref[0] + cnt_ref[1]
    dinv = lax.rsqrt(cnt + 1.0)
    h = jnp.dot(x_ref[...], w1_ref[...], preferred_element_type=jnp.float32)
    g1_ref[...] = dinv * h
    dinv_ref[...] = dinv


def _tc_prep1(x, W1, cnt31):
    return pl.pallas_call(
        _tc_prep1_body,
        grid=(GRID,),
        in_specs=[
            pl.BlockSpec((BLK, D), lambda j: (j, 0)),
            pl.BlockSpec((D, D), lambda j: (0, 0)),
            pl.BlockSpec((NC, BLK, 1), lambda j: (0, j, 0)),
        ],
        out_specs=[
            pl.BlockSpec((BLK, D), lambda j: (j, 0)),
            pl.BlockSpec((BLK, 1), lambda j: (j, 0)),
        ],
        out_shape=[
            jax.ShapeDtypeStruct((N, D), jnp.float32),
            jax.ShapeDtypeStruct((N, 1), jnp.float32),
        ],
    )(x, W1, cnt31)


def _tc_mid_body(acc_ref, g1_ref, dinv_ref, b1_ref, w2_ref, gam_ref,
                 bet_ref, g2_ref, o1_s, st_s):
    p = pl.program_id(0)
    j = pl.program_id(1)

    @pl.when(p == 0)
    def _():
        accs = acc_ref[0] + acc_ref[1] + g1_ref[...]
        o = dinv_ref[...] * accs + b1_ref[...]
        o1_s[pl.ds(j * BLK, BLK), :] = o
        s1 = jnp.sum(o, axis=0, keepdims=True)
        s2 = jnp.sum(o * o, axis=0, keepdims=True)
        st = jnp.concatenate([s1, s2], axis=0)

        @pl.when(j == 0)
        def _():
            st_s[...] = st

        @pl.when(j > 0)
        def _():
            st_s[...] = st_s[...] + st

    @pl.when(p == 1)
    def _():
        mean = st_s[0:1] / N
        var = st_s[1:2] / N - mean * mean
        inv = lax.rsqrt(var + BN_EPS)
        o1 = o1_s[pl.ds(j * BLK, BLK), :]
        o = gam_ref[...] * (o1 - mean) * inv + bet_ref[...]
        o = jnp.maximum(o, 0.0)
        h2 = jnp.dot(o, w2_ref[...], preferred_element_type=jnp.float32)
        g2_ref[...] = dinv_ref[...] * h2


def _tc_mid(acc1, g1, dinv, b1r, W2, gamr, betr):
    return pl.pallas_call(
        _tc_mid_body,
        grid=(2, GRID),
        in_specs=[
            pl.BlockSpec((NC, BLK, D), lambda p, j: (0, j * (1 - p), 0)),
            pl.BlockSpec((BLK, D), lambda p, j: (j * (1 - p), 0)),
            pl.BlockSpec((BLK, 1), lambda p, j: (j, 0)),
            pl.BlockSpec((1, D), lambda p, j: (0, 0)),
            pl.BlockSpec((D, D), lambda p, j: (0, 0)),
            pl.BlockSpec((1, D), lambda p, j: (0, 0)),
            pl.BlockSpec((1, D), lambda p, j: (0, 0)),
        ],
        out_specs=pl.BlockSpec((BLK, D), lambda p, j: (j * p, 0)),
        out_shape=jax.ShapeDtypeStruct((N, D), jnp.float32),
        scratch_shapes=[
            pltpu.VMEM((N, D), jnp.float32),
            pltpu.VMEM((2, D), jnp.float32),
        ],
    )(acc1, g1, dinv, b1r, W2, gamr, betr)


def _tc_fin_body(acc_ref, g2_ref, dinv_ref, b2_ref, w3t_ref, a_ref, b_ref):
    accs = acc_ref[0] + acc_ref[1] + g2_ref[...]
    o2 = jnp.maximum(dinv_ref[...] * accs + b2_ref[...], 0.0)
    ab = jnp.dot(o2, w3t_ref[...].T, preferred_element_type=jnp.float32)
    a_ref[...] = ab[:, 0:1]
    b_ref[...] = ab[:, 1:2]


def _tc_fin(acc2, g2, dinv, b2r, w3t):
    return pl.pallas_call(
        _tc_fin_body,
        grid=(GRID,),
        in_specs=[
            pl.BlockSpec((NC, BLK, D), lambda j: (0, j, 0)),
            pl.BlockSpec((BLK, D), lambda j: (j, 0)),
            pl.BlockSpec((BLK, 1), lambda j: (j, 0)),
            pl.BlockSpec((1, D), lambda j: (0, 0)),
            pl.BlockSpec((2, D), lambda j: (0, 0)),
        ],
        out_specs=[
            pl.BlockSpec((BLK, 1), lambda j: (j, 0)),
            pl.BlockSpec((BLK, 1), lambda j: (j, 0)),
        ],
        out_shape=[
            jax.ShapeDtypeStruct((N, 1), jnp.float32),
            jax.ShapeDtypeStruct((N, 1), jnp.float32),
        ],
    )(acc2, g2, dinv, b2r, w3t)



def kernel(x, edge_index, W1, b1, gamma1, beta1, W2, b2, W3, b3):
    src = edge_index[0].astype(jnp.int32)
    dst = edge_index[1].astype(jnp.int32)
    npad = EPWP - EPW
    padv = jnp.arange(npad, dtype=jnp.int32) % (NP - N)
    pads = jnp.broadcast_to(padv, (NW, npad))
    padd = jnp.broadcast_to(N + padv, (NW, npad))
    srcw = jnp.concatenate([src.reshape(NW, EPW), pads], axis=1)
    dstw = jnp.concatenate([dst.reshape(NW, EPW), padd], axis=1)
    srcw = srcw.reshape(NW, NCH, CH)
    dstw = dstw.reshape(NW, NCH, CH)

    b1r = b1.reshape(1, D)
    b2r = b2.reshape(1, D)
    gamr = gamma1.reshape(1, D)
    betr = beta1.reshape(1, D)
    w3t = W3.reshape(2, D)
    b3r = jnp.full((16,), b3[0], jnp.float32)

    cnt31 = _sc_count(dstw).reshape(NC, NP, 1)
    g1, dinv = _tc_prep1(x, W1, cnt31)
    acc1 = _sc_segsum(g1, srcw, dstw)
    g2 = _tc_mid(acc1, g1, dinv, b1r, W2, gamr, betr)
    acc2 = _sc_segsum(g2, srcw, dstw)
    av, bv = _tc_fin(acc2, g2, dinv, b2r, w3t)
    af = av.reshape(N)
    bf = bv.reshape(N)
    dinvf = dinv.reshape(N)
    mparts = _sc_line1(af, bf, dinvf, srcw, dstw)
    oute = _sc_line2(af, bf, dinvf, mparts, b3r, srcw, dstw)
    return oute.reshape(E, 1)

# --- scband reference (transcript-rebuilt; emitter-appended) ---
"""Pipeline reference for scband-line-gcn2-41712722378984 (READ-ONLY COPY).

The authoritative reference and input builder live on the scoring server;
editing this copy changes nothing except your own understanding.
"""

import jax, jax.numpy as jnp
import numpy as np

N = 10000
E = 160000
D_IN = 128
HID = 128
D_OUT = 1


def _glorot(k, shape):
    limit = float(np.sqrt(6.0 / (shape[0] + shape[1])))
    return jax.random.uniform(k, shape, jnp.float32, -limit, limit)


def setup_inputs(seed: int = 0) -> dict:
    key = jax.random.key(seed)
    ks = jax.random.split(key, 8)
    x = jax.random.normal(ks[0], (N, D_IN), dtype=jnp.float32)
    edge_index = jax.random.randint(ks[1], (2, E), 0, N)
    W1 = _glorot(ks[2], (D_IN, HID))
    b1 = jnp.zeros((HID,), jnp.float32)
    gamma1 = jnp.ones((HID,), jnp.float32)
    beta1 = jnp.zeros((HID,), jnp.float32)
    W2 = _glorot(ks[3], (HID, HID))
    b2 = jnp.zeros((HID,), jnp.float32)
    W3 = _glorot(ks[4], (2 * HID, D_OUT))
    b3 = jnp.zeros((D_OUT,), jnp.float32)
    return {"x": x, "edge_index": edge_index, "W1": W1, "b1": b1,
            "gamma1": gamma1, "beta1": beta1, "W2": W2, "b2": b2,
            "W3": W3, "b3": b3}


def gcn_conv(x, src, dst, W, b, n):
    # GCNConv: linear -> add self loops -> symmetric norm -> scatter-add -> bias
    h = x @ W
    loop = jnp.arange(n)
    s = jnp.concatenate([src, loop])
    d = jnp.concatenate([dst, loop])
    deg = jnp.zeros((n,), h.dtype).at[d].add(1.0)
    dinv = jnp.where(deg > 0, deg ** -0.5, 0.0)
    norm = dinv[s] * dinv[d]
    out = jnp.zeros((n, h.shape[1]), h.dtype).at[d].add(norm[:, None] * h[s])
    return out + b


def batch_norm(x, gamma, beta, eps=1e-5):
    mean = jnp.mean(x, axis=0)
    var = jnp.var(x, axis=0)
    return gamma * (x - mean) / jnp.sqrt(var + eps) + beta


def line_graph_edges(src, dst):
    # directed line graph: edge i -> edge j iff dst(i) == src(j)
    E_ = src.shape[0]
    order = jnp.argsort(src)
    ssrc = src[order]
    starts = jnp.searchsorted(ssrc, dst, side='left')
    ends = jnp.searchsorted(ssrc, dst, side='right')
    counts = ends - starts
    line_src = jnp.repeat(jnp.arange(E_), counts)
    group_start = jnp.cumsum(counts) - counts
    offs = jnp.arange(line_src.shape[0]) - jnp.repeat(group_start, counts)
    line_dst = order[starts[line_src] + offs]
    return line_src, line_dst


def line_graph_gcn_conv(line_x, src, dst, W, b, n):
    # GCNConv on the directed line graph (edge i -> edge j iff dst(i) == src(j))
    # computed without materializing line edges: the line-graph in-degree of
    # line node j is |{i : dst(i) == src(j)}| + 1 (self loop), and the
    # scatter-add over line edges factors through a segment-sum keyed by dst.
    h = line_x @ W
    cnt = jnp.zeros((n,), h.dtype).at[dst].add(1.0)
    deg = cnt[src] + 1.0
    dinv = jnp.where(deg > 0, deg ** -0.5, 0.0)
    M = jnp.zeros((n, h.shape[1]), h.dtype).at[dst].add(dinv[:, None] * h)
    out = dinv[:, None] * M[src] + (dinv * dinv)[:, None] * h
    return out + b


def reference(x, edge_index, W1, b1, gamma1, beta1, W2, b2, W3, b3):
    src, dst = edge_index[0], edge_index[1]
    n = x.shape[0]
    # gcn1: conv -> batch_norm -> relu
    h = gcn_conv(x, src, dst, W1, b1, n)
    h = batch_norm(h, gamma1, beta1)
    h = jax.nn.relu(h)
    # gcn2: conv -> relu
    h = gcn_conv(h, src, dst, W2, b2, n)
    h = jax.nn.relu(h)
    # to_line_graph with node_feat_mixing='cat'
    line_x = jnp.concatenate([h[src], h[dst]], axis=1)
    out = line_graph_gcn_conv(line_x, src, dst, W3, b3, n)
    return jax.nn.sigmoid(out)

if __name__ == "__main__":
    import jax
    _d = setup_inputs()
    print(jax.jit(kernel)(*tuple(_d.values())))

</pallas_src>

<mosaic_0001>
#map = affine_map<(d0, d1) -> (0, 0, 0)>
#map1 = affine_map<(d0, d1) -> (0, 0)>
module attributes {stable_mosaic.version = 14 : i64} {
  func.func @_sc_count(%arg0: i32, %arg1: i32, %arg2: memref<32x40x128xi32, #tpu.memory_space<hbm>>, %arg3: memref<2x10240xf32, #tpu.memory_space<hbm>>, %arg4: memref<40x128xi32, #tpu.memory_space<vmem>>, %arg5: memref<128xf32, #tpu.memory_space<vmem>>, %arg6: memref<640xf32, #tpu.memory_space<vmem>>, %arg7: memref<!tpu.dma_semaphore, #tpu.memory_space<semaphore_mem>>, %arg8: memref<10240xf32, #tpu.memory_space<vmem_shared>>) attributes {dimension_semantics = [#tpu.dimension_semantics<core_parallel>, #tpu.dimension_semantics<subcore_parallel>], iteration_bounds = array<i64: 2, 16>, scalar_prefetch = 0 : i64, scratch_operands = 5 : i64, tpu.core_type = #tpu.core_type<sc_vector_subcore>, window_params = [{transform_indices = #map}, {transform_indices = #map1}]} {
    %mul3A = arith.constant 16 : i32
    %mul3A_0 = arith.muli %arg0, %mul3A : i32
    %add3A = arith.addi %mul3A_0, %arg1 : i32
    %dma_start3A = arith.constant 0 : i32
    %dma_start3A_1 = arith.constant 0 : i32
    %dma_start3A_2 = tpu.memref_slice %arg2[%add3A, %dma_start3A, %dma_start3A_1] : memref<32x40x128xi32, #tpu.memory_space<hbm>> -> memref<1x40x128xi32, #tpu.memory_space<hbm>>
    %dma_start3A_3 = tpu.memref_squeeze %dma_start3A_2 : memref<1x40x128xi32, #tpu.memory_space<hbm>> -> memref<40x128xi32, #tpu.memory_space<hbm>>
    %dma_start3A_4 = arith.constant 0 : i32
    %dma_start3A_5 = arith.constant 0 : i32
    %dma_start3A_6 = tpu.memref_slice %arg2[%add3A, %dma_start3A_4, %dma_start3A_5] : memref<32x40x128xi32, #tpu.memory_space<hbm>> -> memref<1x40x128xi32, #tpu.memory_space<hbm>>
    %dma_start3A_7 = tpu.memref_squeeze %dma_start3A_6 : memref<1x40x128xi32, #tpu.memory_space<hbm>> -> memref<40x128xi32, #tpu.memory_space<hbm>>
    tpu.enqueue_dma source(%dma_start3A_7 : memref<40x128xi32, #tpu.memory_space<hbm>>) target(%arg4 : memref<40x128xi32, #tpu.memory_space<vmem>>) target_semaphore(%arg7 : memref<!tpu.dma_semaphore, #tpu.memory_space<semaphore_mem>>)
    %scan3A = arith.constant 0 : i32
    %scan3A_8 = arith.constant 0 : i32
    %scan3A_9 = arith.constant 8 : i32
    %scan3A_10 = arith.addi %scan3A_8, %scan3A_9 : i32
    %scan3A_11 = arith.constant 1 : i32
    scf.for %scan3A_45 = %scan3A_8 to %scan3A_10 step %scan3A_11  : i32 {
      %broadcast_in_dim3A = arith.constant 1.000000e+00 : f32
      %broadcast_in_dim3A_46 = vector.broadcast %broadcast_in_dim3A : f32 to vector<16xf32>
      %mul3A_47 = arith.constant 16 : i32
      %mul3A_48 = arith.muli %scan3A_45, %mul3A_47 : i32
      %swap3A = arith.index_cast %mul3A_48 : i32 to index
      %swap3A_49 = tpu.vector_load %arg5[%swap3A] {strides = array<i32>} : memref<128xf32, #tpu.memory_space<vmem>>, vector<16xf32>,
      tpu.vector_store %arg5[%swap3A], %broadcast_in_dim3A_46 {strides = array<i32>} : memref<128xf32, #tpu.memory_space<vmem>>, vector<16xf32>,
    }
    %scan3A_12 = arith.constant 8 : i32
    %scan3A_13 = arith.constant 0 : i32
    %scan3A_14 = arith.constant 0 : i32
    %scan3A_15 = arith.constant 40 : i32
    %scan3A_16 = arith.addi %scan3A_14, %scan3A_15 : i32
    %scan3A_17 = arith.constant 1 : i32
    scf.for %scan3A_45 = %scan3A_14 to %scan3A_16 step %scan3A_17  : i32 {
      %broadcast_in_dim3A = arith.constant 0.000000e+00 : f32
      %broadcast_in_dim3A_46 = vector.broadcast %broadcast_in_dim3A : f32 to vector<16xf32>
      %mul3A_47 = arith.constant 16 : i32
      %mul3A_48 = arith.muli %scan3A_45, %mul3A_47 : i32
      %swap3A = arith.index_cast %mul3A_48 : i32 to index
      %swap3A_49 = tpu.vector_load %arg6[%swap3A] {strides = array<i32>} : memref<640xf32, #tpu.memory_space<vmem>>, vector<16xf32>,
      tpu.vector_store %arg6[%swap3A], %broadcast_in_dim3A_46 {strides = array<i32>} : memref<640xf32, #tpu.memory_space<vmem>>, vector<16xf32>,
    }
    %scan3A_18 = arith.constant 40 : i32
    %mul3A_19 = arith.constant 640 : i32
    %mul3A_20 = arith.muli %arg1, %mul3A_19 : i32
    "tpu.region"() ({
      %run_scoped3A = tpu.sem_alloc : memref<!tpu.dma_semaphore, #tpu.memory_space<semaphore_mem>>
      %dma_start3A_45 = tpu.memref_slice %arg8[%mul3A_20] : memref<10240xf32, #tpu.memory_space<vmem_shared>> -> memref<640xf32, #tpu.memory_space<vmem_shared>>
      %dma_start3A_46 = tpu.memref_slice %arg8[%mul3A_20] : memref<10240xf32, #tpu.memory_space<vmem_shared>> -> memref<640xf32, #tpu.memory_space<vmem_shared>>
      tpu.enqueue_dma source(%arg6 : memref<640xf32, #tpu.memory_space<vmem>>) target(%dma_start3A_46 : memref<640xf32, #tpu.memory_space<vmem_shared>>) target_semaphore(%run_scoped3A : memref<!tpu.dma_semaphore, #tpu.memory_space<semaphore_mem>>)
      %dma_wait3A_47 = tpu.memref_slice %arg8[%mul3A_20] : memref<10240xf32, #tpu.memory_space<vmem_shared>> -> memref<640xf32, #tpu.memory_space<vmem_shared>>
      %dma_wait3A_48 = tpu.memref_slice %arg8[%mul3A_20] : memref<10240xf32, #tpu.memory_space<vmem_shared>> -> memref<640xf32, #tpu.memory_space<vmem_shared>>
      tpu.wait_dma2 semaphore(%run_scoped3A : memref<!tpu.dma_semaphore, #tpu.memory_space<semaphore_mem>>) src(%arg6 : memref<640xf32, #tpu.memory_space<vmem>>) dst(%dma_wait3A_48 : memref<640xf32, #tpu.memory_space<vmem_shared>>)
      tpu.yield
    }) : () -> ()
    %dma_wait3A = arith.constant 0 : i32
    %dma_wait3A_21 = arith.constant 0 : i32
    %dma_wait3A_22 = tpu.memref_slice %arg2[%add3A, %dma_wait3A, %dma_wait3A_21] : memref<32x40x128xi32, #tpu.memory_space<hbm>> -> memref<1x40x128xi32, #tpu.memory_space<hbm>>
    %dma_wait3A_23 = tpu.memref_squeeze %dma_wait3A_22 : memref<1x40x128xi32, #tpu.memory_space<hbm>> -> memref<40x128xi32, #tpu.memory_space<hbm>>
    %dma_wait3A_24 = arith.constant 0 : i32
    %dma_wait3A_25 = arith.constant 0 : i32
    %dma_wait3A_26 = tpu.memref_slice %arg2[%add3A, %dma_wait3A_24, %dma_wait3A_25] : memref<32x40x128xi32, #tpu.memory_space<hbm>> -> memref<1x40x128xi32, #tpu.memory_space<hbm>>
    %dma_wait3A_27 = tpu.memref_squeeze %dma_wait3A_26 : memref<1x40x128xi32, #tpu.memory_space<hbm>> -> memref<40x128xi32, #tpu.memory_space<hbm>>
    tpu.wait_dma2 semaphore(%arg7 : memref<!tpu.dma_semaphore, #tpu.memory_space<semaphore_mem>>) src(%dma_wait3A_27 : memref<40x128xi32, #tpu.memory_space<hbm>>) dst(%arg4 : memref<40x128xi32, #tpu.memory_space<vmem>>)
    %barrier3A = arith.constant 0 : index
    tpu.barrier barrier_id(%barrier3A)
    %scan3A_28 = arith.constant 0 : i32
    %scan3A_29 = arith.constant 0 : i32
    %scan3A_30 = arith.constant 40 : i32
    %scan3A_31 = arith.addi %scan3A_29, %scan3A_30 : i32
    %scan3A_32 = arith.constant 1 : i32
    scf.for %scan3A_45 = %scan3A_29 to %scan3A_31 step %scan3A_32  : i32 {
      %dma_start3A_46 = arith.constant 0 : i32
      %dma_start3A_47 = tpu.memref_slice %arg4[%scan3A_45, %dma_start3A_46] : memref<40x128xi32, #tpu.memory_space<vmem>> -> memref<1x128xi32, #tpu.memory_space<vmem>>
      %dma_start3A_48 = tpu.memref_squeeze %dma_start3A_47 : memref<1x128xi32, #tpu.memory_space<vmem>> -> memref<128xi32, #tpu.memory_space<vmem>>
      %dma_start3A_49 = arith.constant 0 : i32
      %dma_start3A_50 = tpu.memref_slice %arg8[%dma_start3A_49] : memref<10240xf32, #tpu.memory_space<vmem_shared>> -> memref<10240xf32, #tpu.memory_space<vmem_shared>>
      tpu.enqueue_indirect_dma source(%arg5 : memref<128xf32, #tpu.memory_space<vmem>>) target(%dma_start3A_50 : memref<10240xf32, #tpu.memory_space<vmem_shared>>) offsets(%dma_start3A_48 : memref<128xi32, #tpu.memory_space<vmem>>) semaphore(%arg7 : memref<!tpu.dma_semaphore, #tpu.memory_space<semaphore_mem>>) {add = true}
    }
    %scan3A_33 = arith.constant 40 : i32
    %scan3A_34 = arith.constant 0 : i32
    %scan3A_35 = arith.constant 0 : i32
    %scan3A_36 = arith.constant 40 : i32
    %scan3A_37 = arith.addi %scan3A_35, %scan3A_36 : i32
    %scan3A_38 = arith.constant 1 : i32
    scf.for %scan3A_45 = %scan3A_35 to %scan3A_37 step %scan3A_38  : i32 {
      %dma_wait3A_46 = arith.constant 0 : i32
      %dma_wait3A_47 = arith.constant 0 : i32
      %dma_wait3A_48 = tpu.memref_slice %arg4[%dma_wait3A_46, %dma_wait3A_47] : memref<40x128xi32, #tpu.memory_space<vmem>> -> memref<1x128xi32, #tpu.memory_space<vmem>>
      %dma_wait3A_49 = tpu.memref_squeeze %dma_wait3A_48 : memref<1x128xi32, #tpu.memory_space<vmem>> -> memref<128xi32, #tpu.memory_space<vmem>>
      %dma_wait3A_50 = arith.constant 0 : i32
      %dma_wait3A_51 = tpu.memref_slice %arg8[%dma_wait3A_50] : memref<10240xf32, #tpu.memory_space<vmem_shared>> -> memref<10240xf32, #tpu.memory_space<vmem_shared>>
      tpu.wait_indirect_dma semaphore(%arg7 : memref<!tpu.dma_semaphore, #tpu.memory_space<semaphore_mem>>) src(%arg5 : memref<128xf32, #tpu.memory_space<vmem>>) dst(%dma_wait3A_51 : memref<10240xf32, #tpu.memory_space<vmem_shared>>)
    }
    %scan3A_39 = arith.constant 40 : i32
    %barrier3A_40 = arith.constant 0 : index
    tpu.barrier barrier_id(%barrier3A_40)
    %mul3A_41 = arith.constant 640 : i32
    %mul3A_42 = arith.muli %arg1, %mul3A_41 : i32
    %mul3A_43 = arith.constant 640 : i32
    %mul3A_44 = arith.muli %arg1, %mul3A_43 : i32
    "tpu.region"() ({
      %run_scoped3A = tpu.sem_alloc : memref<!tpu.dma_semaphore, #tpu.memory_space<semaphore_mem>>
      %dma_start3A_45 = tpu.memref_slice %arg3[%arg0, %mul3A_44] : memref<2x10240xf32, #tpu.memory_space<hbm>> -> memref<1x640xf32, #tpu.memory_space<hbm>>
      %dma_start3A_46 = tpu.memref_squeeze %dma_start3A_45 : memref<1x640xf32, #tpu.memory_space<hbm>> -> memref<640xf32, #tpu.memory_space<hbm>>
      %dma_start3A_47 = tpu.memref_slice %arg8[%mul3A_42] : memref<10240xf32, #tpu.memory_space<vmem_shared>> -> memref<640xf32, #tpu.memory_space<vmem_shared>>
      tpu.enqueue_dma source(%dma_start3A_47 : memref<640xf32, #tpu.memory_space<vmem_shared>>) target(%dma_start3A_46 : memref<640xf32, #tpu.memory_space<hbm>>) target_semaphore(%run_scoped3A : memref<!tpu.dma_semaphore, #tpu.memory_space<semaphore_mem>>)
      %dma_wait3A_48 = tpu.memref_slice %arg3[%arg0, %mul3A_44] : memref<2x10240xf32, #tpu.memory_space<hbm>> -> memref<1x640xf32, #tpu.memory_space<hbm>>
      %dma_wait3A_49 = tpu.memref_squeeze %dma_wait3A_48 : memref<1x640xf32, #tpu.memory_space<hbm>> -> memref<640xf32, #tpu.memory_space<hbm>>
      %dma_wait3A_50 = tpu.memref_slice %arg8[%mul3A_42] : memref<10240xf32, #tpu.memory_space<vmem_shared>> -> memref<640xf32, #tpu.memory_space<vmem_shared>>
      tpu.wait_dma2 semaphore(%run_scoped3A : memref<!tpu.dma_semaphore, #tpu.memory_space<semaphore_mem>>) src(%dma_wait3A_50 : memref<640xf32, #tpu.memory_space<vmem_shared>>) dst(%dma_wait3A_49 : memref<640xf32, #tpu.memory_space<hbm>>)
      tpu.yield
    }) : () -> ()
    return
  }
}

#map = affine_map<(d0, d1) -> (0, 0)>
#map1 = affine_map<(d0, d1) -> (0, 0, 0)>
module attributes {stable_mosaic.version = 14 : i64} {
  func.func @_sc_segsum(%arg0: i32, %arg1: i32, %arg2: memref<10000x128xf32, #tpu.memory_space<hbm>>, %arg3: memref<32x40x128xi32, #tpu.memory_space<hbm>>, %arg4: memref<32x40x128xi32, #tpu.memory_space<hbm>>, %arg5: memref<2x10240x128xf32, #tpu.memory_space<hbm>>, %arg6: memref<40x128xi32, #tpu.memory_space<vmem>>, %arg7: memref<40x128xi32, #tpu.memory_space<vmem>>, %arg8: memref<128x128xf32, #tpu.memory_space<vmem>>, %arg9: memref<128x128xf32, #tpu.memory_space<vmem>>, %arg10: memref<!tpu.dma_semaphore, #tpu.memory_space<semaphore_mem>>, %arg11: memref<!tpu.dma_semaphore, #tpu.memory_space<semaphore_mem>>, %arg12: memref<!tpu.dma_semaphore, #tpu.memory_space<semaphore_mem>>, %arg13: memref<!tpu.dma_semaphore, #tpu.memory_space<semaphore_mem>>, %arg14: memref<!tpu.dma_semaphore, #tpu.memory_space<semaphore_mem>>, %arg15: memref<10240x128xf32, #tpu.memory_space<vmem_shared>>) attributes {dimension_semantics = [#tpu.dimension_semantics<core_parallel>, #tpu.dimension_semantics<subcore_parallel>], iteration_bounds = array<i64: 2, 16>, scalar_prefetch = 0 : i64, scratch_operands = 10 : i64, tpu.core_type = #tpu.core_type<sc_vector_subcore>, window_params = [{transform_indices = #map}, {transform_indices = #map1}, {transform_indices = #map1}, {transform_indices = #map1}]} {
    %mul3A = arith.constant 16 : i32
    %mul3A_0 = arith.muli %arg0, %mul3A : i32
    %add3A = arith.addi %mul3A_0, %arg1 : i32
    %dma_start3A = arith.constant 0 : i32
    %dma_start3A_1 = arith.constant 0 : i32
    %dma_start3A_2 = tpu.memref_slice %arg3[%add3A, %dma_start3A, %dma_start3A_1] : memref<32x40x128xi32, #tpu.memory_space<hbm>> -> memref<1x40x128xi32, #tpu.memory_space<hbm>>
    %dma_start3A_3 = tpu.memref_squeeze %dma_start3A_2 : memref<1x40x128xi32, #tpu.memory_space<hbm>> -> memref<40x128xi32, #tpu.memory_space<hbm>>
    %dma_start3A_4 = arith.constant 0 : i32
    %dma_start3A_5 = arith.constant 0 : i32
    %dma_start3A_6 = tpu.memref_slice %arg3[%add3A, %dma_start3A_4, %dma_start3A_5] : memref<32x40x128xi32, #tpu.memory_space<hbm>> -> memref<1x40x128xi32, #tpu.memory_space<hbm>>
    %dma_start3A_7 = tpu.memref_squeeze %dma_start3A_6 : memref<1x40x128xi32, #tpu.memory_space<hbm>> -> memref<40x128xi32, #tpu.memory_space<hbm>>
    tpu.enqueue_dma source(%dma_start3A_7 : memref<40x128xi32, #tpu.memory_space<hbm>>) target(%arg6 : memref<40x128xi32, #tpu.memory_space<vmem>>) target_semaphore(%arg10 : memref<!tpu.dma_semaphore, #tpu.memory_space<semaphore_mem>>)
    %dma_start3A_8 = arith.constant 0 : i32
    %dma_start3A_9 = arith.constant 0 : i32
    %dma_start3A_10 = tpu.memref_slice %arg4[%add3A, %dma_start3A_8, %dma_start3A_9] : memref<32x40x128xi32, #tpu.memory_space<hbm>> -> memref<1x40x128xi32, #tpu.memory_space<hbm>>
    %dma_start3A_11 = tpu.memref_squeeze %dma_start3A_10 : memref<1x40x128xi32, #tpu.memory_space<hbm>> -> memref<40x128xi32, #tpu.memory_space<hbm>>
    %dma_start3A_12 = arith.constant 0 : i32
    %dma_start3A_13 = arith.constant 0 : i32
    %dma_start3A_14 = tpu.memref_slice %arg4[%add3A, %dma_start3A_12, %dma_start3A_13] : memref<32x40x128xi32, #tpu.memory_space<hbm>> -> memref<1x40x128xi32, #tpu.memory_space<hbm>>
    %dma_start3A_15 = tpu.memref_squeeze %dma_start3A_14 : memref<1x40x128xi32, #tpu.memory_space<hbm>> -> memref<40x128xi32, #tpu.memory_space<hbm>>
    tpu.enqueue_dma source(%dma_start3A_15 : memref<40x128xi32, #tpu.memory_space<hbm>>) target(%arg7 : memref<40x128xi32, #tpu.memory_space<vmem>>) target_semaphore(%arg11 : memref<!tpu.dma_semaphore, #tpu.memory_space<semaphore_mem>>)
    %scan3A = arith.constant 0 : i32
    %scan3A_16 = arith.constant 0 : i32
    %scan3A_17 = arith.constant 128 : i32
    %scan3A_18 = arith.addi %scan3A_16, %scan3A_17 : i32
    %scan3A_19 = arith.constant 1 : i32
    scf.for %scan3A_210 = %scan3A_16 to %scan3A_18 step %scan3A_19  : i32 {
      %broadcast_in_dim3A = arith.constant 0.000000e+00 : f32
      %broadcast_in_dim3A_211 = vector.broadcast %broadcast_in_dim3A : f32 to vector<16xf32>
      %swap3A = arith.index_cast %scan3A_210 : i32 to index
      %swap3A_212 = arith.constant 0 : index
      %swap3A_213 = tpu.vector_load %arg8[%swap3A, %swap3A_212] {strides = array<i32>} : memref<128x128xf32, #tpu.memory_space<vmem>>, vector<16xf32>,
      tpu.vector_store %arg8[%swap3A, %swap3A_212], %broadcast_in_dim3A_211 {strides = array<i32>} : memref<128x128xf32, #tpu.memory_space<vmem>>, vector<16xf32>,
      %broadcast_in_dim3A_214 = arith.constant 0.000000e+00 : f32
      %broadcast_in_dim3A_215 = vector.broadcast %broadcast_in_dim3A_214 : f32 to vector<16xf32>
      %swap3A_216 = arith.index_cast %scan3A_210 : i32 to index
      %swap3A_217 = arith.constant 16 : index
      %swap3A_218 = tpu.vector_load %arg8[%swap3A_216, %swap3A_217] {strides = array<i32>} : memref<128x128xf32, #tpu.memory_space<vmem>>, vector<16xf32>,
      tpu.vector_store %arg8[%swap3A_216, %swap3A_217], %broadcast_in_dim3A_215 {strides = array<i32>} : memref<128x128xf32, #tpu.memory_space<vmem>>, vector<16xf32>,
      %broadcast_in_dim3A_219 = arith.constant 0.000000e+00 : f32
      %broadcast_in_dim3A_220 = vector.broadcast %broadcast_in_dim3A_219 : f32 to vector<16xf32>
      %swap3A_221 = arith.index_cast %scan3A_210 : i32 to index
      %swap3A_222 = arith.constant 32 : index
      %swap3A_223 = tpu.vector_load %arg8[%swap3A_221, %swap3A_222] {strides = array<i32>} : memref<128x128xf32, #tpu.memory_space<vmem>>, vector<16xf32>,
      tpu.vector_store %arg8[%swap3A_221, %swap3A_222], %broadcast_in_dim3A_220 {strides = array<i32>} : memref<128x128xf32, #tpu.memory_space<vmem>>, vector<16xf32>,
      %broadcast_in_dim3A_224 = arith.constant 0.000000e+00 : f32
      %broadcast_in_dim3A_225 = vector.broadcast %broadcast_in_dim3A_224 : f32 to vector<16xf32>
      %swap3A_226 = arith.index_cast %scan3A_210 : i32 to index
      %swap3A_227 = arith.constant 48 : index
      %swap3A_228 = tpu.vector_load %arg8[%swap3A_226, %swap3A_227] {strides = array<i32>} : memref<128x128xf32, #tpu.memory_space<vmem>>, vector<16xf32>,
      tpu.vector_store %arg8[%swap3A_226, %swap3A_227], %broadcast_in_dim3A_225 {strides = array<i32>} : memref<128x128xf32, #tpu.memory_space<vmem>>, vector<16xf32>,
      %broadcast_in_dim3A_229 = arith.constant 0.000000e+00 : f32
      %broadcast_in_dim3A_230 = vector.broadcast %broadcast_in_dim3A_229 : f32 to vector<16xf32>
      %swap3A_231 = arith.index_cast %scan3A_210 : i32 to index
      %swap3A_232 = arith.constant 64 : index
      %swap3A_233 = tpu.vector_load %arg8[%swap3A_231, %swap3A_232] {strides = array<i32>} : memref<128x128xf32, #tpu.memory_space<vmem>>, vector<16xf32>,
      tpu.vector_store %arg8[%swap3A_231, %swap3A_232], %broadcast_in_dim3A_230 {strides = array<i32>} : memref<128x128xf32, #tpu.memory_space<vmem>>, vector<16xf32>,
      %broadcast_in_dim3A_234 = arith.constant 0.000000e+00 : f32
      %broadcast_in_dim3A_235 = vector.broadcast %broadcast_in_dim3A_234 : f32 to vector<16xf32>
      %swap3A_236 = arith.index_cast %scan3A_210 : i32 to index
      %swap3A_237 = arith.constant 80 : index
      %swap3A_238 = tpu.vector_load %arg8[%swap3A_236, %swap3A_237] {strides = array<i32>} : memref<128x128xf32, #tpu.memory_space<vmem>>, vector<16xf32>,
      tpu.vector_store %arg8[%swap3A_236, %swap3A_237], %broadcast_in_dim3A_235 {strides = array<i32>} : memref<128x128xf32, #tpu.memory_space<vmem>>, vector<16xf32>,
      %broadcast_in_dim3A_239 = arith.constant 0.000000e+00 : f32
      %broadcast_in_dim3A_240 = vector.broadcast %broadcast_in_dim3A_239 : f32 to vector<16xf32>
      %swap3A_241 = arith.index_cast %scan3A_210 : i32 to index
      %swap3A_242 = arith.constant 96 : index
      %swap3A_243 = tpu.vector_load %arg8[%swap3A_241, %swap3A_242] {strides = array<i32>} : memref<128x128xf32, #tpu.memory_space<vmem>>, vector<16xf32>,
      tpu.vector_store %arg8[%swap3A_241, %swap3A_242], %broadcast_in_dim3A_240 {strides = array<i32>} : memref<128x128xf32, #tpu.memory_space<vmem>>, vector<16xf32>,
      %broadcast_in_dim3A_244 = arith.constant 0.000000e+00 : f32
      %broadcast_in_dim3A_245 = vector.broadcast %broadcast_in_dim3A_244 : f32 to vector<16xf32>
      %swap3A_246 = arith.index_cast %scan3A_210 : i32 to index
      %swap3A_247 = arith.constant 112 : index
      %swap3A_248 = tpu.vector_load %arg8[%swap3A_246, %swap3A_247] {strides = array<i32>} : memref<128x128xf32, #tpu.memory_space<vmem>>, vector<16xf32>,
      tpu.vector_store %arg8[%swap3A_246, %swap3A_247], %broadcast_in_dim3A_245 {strides = array<i32>} : memref<128x128xf32, #tpu.memory_space<vmem>>, vector<16xf32>,
    }
    %scan3A_20 = arith.constant 128 : i32
    %mul3A_21 = arith.constant 640 : i32
    %mul3A_22 = arith.muli %arg1, %mul3A_21 : i32
    %add3A_23 = arith.constant 0 : i32
    %add3A_24 = arith.addi %mul3A_22, %add3A_23 : i32
    %dma_start3A_25 = arith.constant 0 : i32
    %dma_start3A_26 = tpu.memref_slice %arg15[%add3A_24, %dma_start3A_25] : memref<10240x128xf32, #tpu.memory_space<vmem_shared>> -> memref<128x128xf32, #tpu.memory_space<vmem_shared>>
    %dma_start3A_27 = arith.constant 0 : i32
    %dma_start3A_28 = tpu.memref_slice %arg15[%add3A_24, %dma_start3A_27] : memref<10240x128xf32, #tpu.memory_space<vmem_shared>> -> memref<128x128xf32, #tpu.memory_space<vmem_shared>>
    tpu.enqueue_dma source(%arg8 : memref<128x128xf32, #tpu.memory_space<vmem>>) target(%dma_start3A_28 : memref<128x128xf32, #tpu.memory_space<vmem_shared>>) target_semaphore(%arg14 : memref<!tpu.dma_semaphore, #tpu.memory_space<semaphore_mem>>)
    %mul3A_29 = arith.constant 640 : i32
    %mul3A_30 = arith.muli %arg1, %mul3A_29 : i32
    %add3A_31 = arith.constant 128 : i32
    %add3A_32 = arith.addi %mul3A_30, %add3A_31 : i32
    %dma_start3A_33 = arith.constant 0 : i32
    %dma_start3A_34 = tpu.memref_slice %arg15[%add3A_32, %dma_start3A_33] : memref<10240x128xf32, #tpu.memory_space<vmem_shared>> -> memref<128x128xf32, #tpu.memory_space<vmem_shared>>
    %dma_start3A_35 = arith.constant 0 : i32
    %dma_start3A_36 = tpu.memref_slice %arg15[%add3A_32, %dma_start3A_35] : memref<10240x128xf32, #tpu.memory_space<vmem_shared>> -> memref<128x128xf32, #tpu.memory_space<vmem_shared>>
    tpu.enqueue_dma source(%arg8 : memref<128x128xf32, #tpu.memory_space<vmem>>) target(%dma_start3A_36 : memref<128x128xf32, #tpu.memory_space<vmem_shared>>) target_semaphore(%arg14 : memref<!tpu.dma_semaphore, #tpu.memory_space<semaphore_mem>>)
    %mul3A_37 = arith.constant 640 : i32
    %mul3A_38 = arith.muli %arg1, %mul3A_37 : i32
    %add3A_39 = arith.constant 256 : i32
    %add3A_40 = arith.addi %mul3A_38, %add3A_39 : i32
    %dma_start3A_41 = arith.constant 0 : i32
    %dma_start3A_42 = tpu.memref_slice %arg15[%add3A_40, %dma_start3A_41] : memref<10240x128xf32, #tpu.memory_space<vmem_shared>> -> memref<128x128xf32, #tpu.memory_space<vmem_shared>>
    %dma_start3A_43 = arith.constant 0 : i32
    %dma_start3A_44 = tpu.memref_slice %arg15[%add3A_40, %dma_start3A_43] : memref<10240x128xf32, #tpu.memory_space<vmem_shared>> -> memref<128x128xf32, #tpu.memory_space<vmem_shared>>
    tpu.enqueue_dma source(%arg8 : memref<128x128xf32, #tpu.memory_space<vmem>>) target(%dma_start3A_44 : memref<128x128xf32, #tpu.memory_space<vmem_shared>>) target_semaphore(%arg14 : memref<!tpu.dma_semaphore, #tpu.memory_space<semaphore_mem>>)
    %mul3A_45 = arith.constant 640 : i32
    %mul3A_46 = arith.muli %arg1, %mul3A_45 : i32
    %add3A_47 = arith.constant 384 : i32
    %add3A_48 = arith.addi %mul3A_46, %add3A_47 : i32
    %dma_start3A_49 = arith.constant 0 : i32
    %dma_start3A_50 = tpu.memref_slice %arg15[%add3A_48, %dma_start3A_49] : memref<10240x128xf32, #tpu.memory_space<vmem_shared>> -> memref<128x128xf32, #tpu.memory_space<vmem_shared>>
    %dma_start3A_51 = arith.constant 0 : i32
    %dma_start3A_52 = tpu.memref_slice %arg15[%add3A_48, %dma_start3A_51] : memref<10240x128xf32, #tpu.memory_space<vmem_shared>> -> memref<128x128xf32, #tpu.memory_space<vmem_shared>>
    tpu.enqueue_dma source(%arg8 : memref<128x128xf32, #tpu.memory_space<vmem>>) target(%dma_start3A_52 : memref<128x128xf32, #tpu.memory_space<vmem_shared>>) target_semaphore(%arg14 : memref<!tpu.dma_semaphore, #tpu.memory_space<semaphore_mem>>)
    %mul3A_53 = arith.constant 640 : i32
    %mul3A_54 = arith.muli %arg1, %mul3A_53 : i32
    %add3A_55 = arith.constant 512 : i32
    %add3A_56 = arith.addi %mul3A_54, %add3A_55 : i32
    %dma_start3A_57 = arith.constant 0 : i32
    %dma_start3A_58 = tpu.memref_slice %arg15[%add3A_56, %dma_start3A_57] : memref<10240x128xf32, #tpu.memory_space<vmem_shared>> -> memref<128x128xf32, #tpu.memory_space<vmem_shared>>
    %dma_start3A_59 = arith.constant 0 : i32
    %dma_start3A_60 = tpu.memref_slice %arg15[%add3A_56, %dma_start3A_59] : memref<10240x128xf32, #tpu.memory_space<vmem_shared>> -> memref<128x128xf32, #tpu.memory_space<vmem_shared>>
    tpu.enqueue_dma source(%arg8 : memref<128x128xf32, #tpu.memory_space<vmem>>) target(%dma_start3A_60 : memref<128x128xf32, #tpu.memory_space<vmem_shared>>) target_semaphore(%arg14 : memref<!tpu.dma_semaphore, #tpu.memory_space<semaphore_mem>>)
    %mul3A_61 = arith.constant 640 : i32
    %mul3A_62 = arith.muli %arg1, %mul3A_61 : i32
    %dma_wait3A = arith.constant 0 : i32
    %dma_wait3A_63 = tpu.memref_slice %arg15[%mul3A_62, %dma_wait3A] : memref<10240x128xf32, #tpu.memory_space<vmem_shared>> -> memref<128x128xf32, #tpu.memory_space<vmem_shared>>
    %dma_wait3A_64 = arith.constant 0 : i32
    %dma_wait3A_65 = tpu.memref_slice %arg15[%mul3A_62, %dma_wait3A_64] : memref<10240x128xf32, #tpu.memory_space<vmem_shared>> -> memref<128x128xf32, #tpu.memory_space<vmem_shared>>
    tpu.wait_dma2 semaphore(%arg14 : memref<!tpu.dma_semaphore, #tpu.memory_space<semaphore_mem>>) src(%arg8 : memref<128x128xf32, #tpu.memory_space<vmem>>) dst(%dma_wait3A_65 : memref<128x128xf32, #tpu.memory_space<vmem_shared>>)
    %mul3A_66 = arith.constant 640 : i32
    %mul3A_67 = arith.muli %arg1, %mul3A_66 : i32
    %dma_wait3A_68 = arith.constant 0 : i32
    %dma_wait3A_69 = tpu.memref_slice %arg15[%mul3A_67, %dma_wait3A_68] : memref<10240x128xf32, #tpu.memory_space<vmem_shared>> -> memref<128x128xf32, #tpu.memory_space<vmem_shared>>
    %dma_wait3A_70 = arith.constant 0 : i32
    %dma_wait3A_71 = tpu.memref_slice %arg15[%mul3A_67, %dma_wait3A_70] : memref<10240x128xf32, #tpu.memory_space<vmem_shared>> -> memref<128x128xf32, #tpu.memory_space<vmem_shared>>
    tpu.wait_dma2 semaphore(%arg14 : memref<!tpu.dma_semaphore, #tpu.memory_space<semaphore_mem>>) src(%arg8 : memref<128x128xf32, #tpu.memory_space<vmem>>) dst(%dma_wait3A_71 : memref<128x128xf32, #tpu.memory_space<vmem_shared>>)
    %mul3A_72 = arith.constant 640 : i32
    %mul3A_73 = arith.muli %arg1, %mul3A_72 : i32
    %dma_wait3A_74 = arith.constant 0 : i32
    %dma_wait3A_75 = tpu.memref_slice %arg15[%mul3A_73, %dma_wait3A_74] : memref<10240x128xf32, #tpu.memory_space<vmem_shared>> -> memref<128x128xf32, #tpu.memory_space<vmem_shared>>
    %dma_wait3A_76 = arith.constant 0 : i32
    %dma_wait3A_77 = tpu.memref_slice %arg15[%mul3A_73, %dma_wait3A_76] : memref<10240x128xf32, #tpu.memory_space<vmem_shared>> -> memref<128x128xf32, #tpu.memory_space<vmem_shared>>
    tpu.wait_dma2 semaphore(%arg14 : memref<!tpu.dma_semaphore, #tpu.memory_space<semaphore_mem>>) src(%arg8 : memref<128x128xf32, #tpu.memory_space<vmem>>) dst(%dma_wait3A_77 : memref<128x128xf32, #tpu.memory_space<vmem_shared>>)
    %mul3A_78 = arith.constant 640 : i32
    %mul3A_79 = arith.muli %arg1, %mul3A_78 : i32
    %dma_wait3A_80 = arith.constant 0 : i32
    %dma_wait3A_81 = tpu.memref_slice %arg15[%mul3A_79, %dma_wait3A_80] : memref<10240x128xf32, #tpu.memory_space<vmem_shared>> -> memref<128x128xf32, #tpu.memory_space<vmem_shared>>
    %dma_wait3A_82 = arith.constant 0 : i32
    %dma_wait3A_83 = tpu.memref_slice %arg15[%mul3A_79, %dma_wait3A_82] : memref<10240x128xf32, #tpu.memory_space<vmem_shared>> -> memref<128x128xf32, #tpu.memory_space<vmem_shared>>
    tpu.wait_dma2 semaphore(%arg14 : memref<!tpu.dma_semaphore, #tpu.memory_space<semaphore_mem>>) src(%arg8 : memref<128x128xf32, #tpu.memory_space<vmem>>) dst(%dma_wait3A_83 : memref<128x128xf32, #tpu.memory_space<vmem_shared>>)
    %mul3A_84 = arith.constant 640 : i32
    %mul3A_85 = arith.muli %arg1, %mul3A_84 : i32
    %dma_wait3A_86 = arith.constant 0 : i32
    %dma_wait3A_87 = tpu.memref_slice %arg15[%mul3A_85, %dma_wait3A_86] : memref<10240x128xf32, #tpu.memory_space<vmem_shared>> -> memref<128x128xf32, #tpu.memory_space<vmem_shared>>
    %dma_wait3A_88 = arith.constant 0 : i32
    %dma_wait3A_89 = tpu.memref_slice %arg15[%mul3A_85, %dma_wait3A_88] : memref<10240x128xf32, #tpu.memory_space<vmem_shared>> -> memref<128x128xf32, #tpu.memory_space<vmem_shared>>
    tpu.wait_dma2 semaphore(%arg14 : memref<!tpu.dma_semaphore, #tpu.memory_space<semaphore_mem>>) src(%arg8 : memref<128x128xf32, #tpu.memory_space<vmem>>) dst(%dma_wait3A_89 : memref<128x128xf32, #tpu.memory_space<vmem_shared>>)
    %dma_wait3A_90 = arith.constant 0 : i32
    %dma_wait3A_91 = arith.constant 0 : i32
    %dma_wait3A_92 = tpu.memref_slice %arg3[%add3A, %dma_wait3A_90, %dma_wait3A_91] : memref<32x40x128xi32, #tpu.memory_space<hbm>> -> memref<1x40x128xi32, #tpu.memory_space<hbm>>
    %dma_wait3A_93 = tpu.memref_squeeze %dma_wait3A_92 : memref<1x40x128xi32, #tpu.memory_space<hbm>> -> memref<40x128xi32, #tpu.memory_space<hbm>>
    %dma_wait3A_94 = arith.constant 0 : i32
    %dma_wait3A_95 = arith.constant 0 : i32
    %dma_wait3A_96 = tpu.memref_slice %arg3[%add3A, %dma_wait3A_94, %dma_wait3A_95] : memref<32x40x128xi32, #tpu.memory_space<hbm>> -> memref<1x40x128xi32, #tpu.memory_space<hbm>>
    %dma_wait3A_97 = tpu.memref_squeeze %dma_wait3A_96 : memref<1x40x128xi32, #tpu.memory_space<hbm>> -> memref<40x128xi32, #tpu.memory_space<hbm>>
    tpu.wait_dma2 semaphore(%arg10 : memref<!tpu.dma_semaphore, #tpu.memory_space<semaphore_mem>>) src(%dma_wait3A_97 : memref<40x128xi32, #tpu.memory_space<hbm>>) dst(%arg6 : memref<40x128xi32, #tpu.memory_space<vmem>>)
    %dma_wait3A_98 = arith.constant 0 : i32
    %dma_wait3A_99 = arith.constant 0 : i32
    %dma_wait3A_100 = tpu.memref_slice %arg4[%add3A, %dma_wait3A_98, %dma_wait3A_99] : memref<32x40x128xi32, #tpu.memory_space<hbm>> -> memref<1x40x128xi32, #tpu.memory_space<hbm>>
    %dma_wait3A_101 = tpu.memref_squeeze %dma_wait3A_100 : memref<1x40x128xi32, #tpu.memory_space<hbm>> -> memref<40x128xi32, #tpu.memory_space<hbm>>
    %dma_wait3A_102 = arith.constant 0 : i32
    %dma_wait3A_103 = arith.constant 0 : i32
    %dma_wait3A_104 = tpu.memref_slice %arg4[%add3A, %dma_wait3A_102, %dma_wait3A_103] : memref<32x40x128xi32, #tpu.memory_space<hbm>> -> memref<1x40x128xi32, #tpu.memory_space<hbm>>
    %dma_wait3A_105 = tpu.memref_squeeze %dma_wait3A_104 : memref<1x40x128xi32, #tpu.memory_space<hbm>> -> memref<40x128xi32, #tpu.memory_space<hbm>>
    tpu.wait_dma2 semaphore(%arg11 : memref<!tpu.dma_semaphore, #tpu.memory_space<semaphore_mem>>) src(%dma_wait3A_105 : memref<40x128xi32, #tpu.memory_space<hbm>>) dst(%arg7 : memref<40x128xi32, #tpu.memory_space<vmem>>)
    %barrier3A = arith.constant 0 : index
    tpu.barrier barrier_id(%barrier3A)
    %dma_start3A_106 = arith.constant 0 : i32
    %dma_start3A_107 = arith.constant 0 : i32
    %dma_start3A_108 = tpu.memref_slice %arg6[%dma_start3A_106, %dma_start3A_107] : memref<40x128xi32, #tpu.memory_space<vmem>> -> memref<1x128xi32, #tpu.memory_space<vmem>>
    %dma_start3A_109 = tpu.memref_squeeze %dma_start3A_108 : memref<1x128xi32, #tpu.memory_space<vmem>> -> memref<128xi32, #tpu.memory_space<vmem>>
    %dma_start3A_110 = arith.constant 0 : i32
    %dma_start3A_111 = arith.constant 0 : i32
    %dma_start3A_112 = tpu.memref_slice %arg2[%dma_start3A_110, %dma_start3A_111] : memref<10000x128xf32, #tpu.memory_space<hbm>> -> memref<10000x128xf32, #tpu.memory_space<hbm>>
    tpu.enqueue_indirect_dma source(%dma_start3A_112 : memref<10000x128xf32, #tpu.memory_space<hbm>>) target(%arg8 : memref<128x128xf32, #tpu.memory_space<vmem>>) offsets(%dma_start3A_109 : memref<128xi32, #tpu.memory_space<vmem>>) semaphore(%arg10 : memref<!tpu.dma_semaphore, #tpu.memory_space<semaphore_mem>>)
    %scan3A_113 = arith.constant 0 : i32
    %scan3A_114 = arith.constant 0 : i32
    %scan3A_115 = arith.constant 20 : i32
    %scan3A_116 = arith.addi %scan3A_114, %scan3A_115 : i32
    %scan3A_117 = arith.constant 1 : i32
    scf.for %scan3A_210 = %scan3A_114 to %scan3A_116 step %scan3A_117  : i32 {
      %mul3A_211 = arith.constant 2 : i32
      %mul3A_212 = arith.muli %mul3A_211, %scan3A_210 : i32
      %add3A_213 = arith.constant 1 : i32
      %add3A_214 = arith.addi %mul3A_212, %add3A_213 : i32
      %dma_start3A_215 = arith.constant 0 : i32
      %dma_start3A_216 = tpu.memref_slice %arg6[%add3A_214, %dma_start3A_215] : memref<40x128xi32, #tpu.memory_space<vmem>> -> memref<1x128xi32, #tpu.memory_space<vmem>>
      %dma_start3A_217 = tpu.memref_squeeze %dma_start3A_216 : memref<1x128xi32, #tpu.memory_space<vmem>> -> memref<128xi32, #tpu.memory_space<vmem>>
      %dma_start3A_218 = arith.constant 0 : i32
      %dma_start3A_219 = arith.constant 0 : i32
      %dma_start3A_220 = tpu.memref_slice %arg2[%dma_start3A_218, %dma_start3A_219] : memref<10000x128xf32, #tpu.memory_space<hbm>> -> memref<10000x128xf32, #tpu.memory_space<hbm>>
      tpu.enqueue_indirect_dma source(%dma_start3A_220 : memref<10000x128xf32, #tpu.memory_space<hbm>>) target(%arg9 : memref<128x128xf32, #tpu.memory_space<vmem>>) offsets(%dma_start3A_217 : memref<128xi32, #tpu.memory_space<vmem>>) semaphore(%arg11 : memref<!tpu.dma_semaphore, #tpu.memory_space<semaphore_mem>>)
      %dma_wait3A_221 = arith.constant 0 : i32
      %dma_wait3A_222 = tpu.memref_slice %arg6[%mul3A_212, %dma_wait3A_221] : memref<40x128xi32, #tpu.memory_space<vmem>> -> memref<1x128xi32, #tpu.memory_space<vmem>>
      %dma_wait3A_223 = tpu.memref_squeeze %dma_wait3A_222 : memref<1x128xi32, #tpu.memory_space<vmem>> -> memref<128xi32, #tpu.memory_space<vmem>>
      %dma_wait3A_224 = arith.constant 0 : i32
      %dma_wait3A_225 = arith.constant 0 : i32
      %dma_wait3A_226 = tpu.memref_slice %arg2[%dma_wait3A_224, %dma_wait3A_225] : memref<10000x128xf32, #tpu.memory_space<hbm>> -> memref<10000x128xf32, #tpu.memory_space<hbm>>
      tpu.wait_indirect_dma semaphore(%arg10 : memref<!tpu.dma_semaphore, #tpu.memory_space<semaphore_mem>>) src(%dma_wait3A_226 : memref<10000x128xf32, #tpu.memory_space<hbm>>) dst(%arg8 : memref<128x128xf32, #tpu.memory_space<vmem>>)
      "tpu.region"() ({
        %run_scoped3A = tpu.sem_alloc : memref<!tpu.dma_semaphore, #tpu.memory_space<semaphore_mem>>
        %dma_start3A_239 = arith.constant 0 : i32
        %dma_start3A_240 = tpu.memref_slice %arg7[%mul3A_212, %dma_start3A_239] : memref<40x128xi32, #tpu.memory_space<vmem>> -> memref<1x128xi32, #tpu.memory_space<vmem>>
        %dma_start3A_241 = tpu.memref_squeeze %dma_start3A_240 : memref<1x128xi32, #tpu.memory_space<vmem>> -> memref<128xi32, #tpu.memory_space<vmem>>
        %dma_start3A_242 = arith.constant 0 : i32
        %dma_start3A_243 = arith.constant 0 : i32
        %dma_start3A_244 = tpu.memref_slice %arg15[%dma_start3A_242, %dma_start3A_243] : memref<10240x128xf32, #tpu.memory_space<vmem_shared>> -> memref<10240x128xf32, #tpu.memory_space<vmem_shared>>
        tpu.enqueue_indirect_dma source(%arg8 : memref<128x128xf32, #tpu.memory_space<vmem>>) target(%dma_start3A_244 : memref<10240x128xf32, #tpu.memory_space<vmem_shared>>) offsets(%dma_start3A_241 : memref<128xi32, #tpu.memory_space<vmem>>) semaphore(%run_scoped3A : memref<!tpu.dma_semaphore, #tpu.memory_space<semaphore_mem>>) {add = true}
        %dma_wait3A_245 = arith.constant 0 : i32
        %dma_wait3A_246 = tpu.memref_slice %arg7[%mul3A_212, %dma_wait3A_245] : memref<40x128xi32, #tpu.memory_space<vmem>> -> memref<1x128xi32, #tpu.memory_space<vmem>>
        %dma_wait3A_247 = tpu.memref_squeeze %dma_wait3A_246 : memref<1x128xi32, #tpu.memory_space<vmem>> -> memref<128xi32, #tpu.memory_space<vmem>>
        %dma_wait3A_248 = arith.constant 0 : i32
        %dma_wait3A_249 = arith.constant 0 : i32
        %dma_wait3A_250 = tpu.memref_slice %arg15[%dma_wait3A_248, %dma_wait3A_249] : memref<10240x128xf32, #tpu.memory_space<vmem_shared>> -> memref<10240x128xf32, #tpu.memory_space<vmem_shared>>
        tpu.wait_indirect_dma semaphore(%run_scoped3A : memref<!tpu.dma_semaphore, #tpu.memory_space<semaphore_mem>>) src(%arg8 : memref<128x128xf32, #tpu.memory_space<vmem>>) dst(%dma_wait3A_250 : memref<10240x128xf32, #tpu.memory_space<vmem_shared>>)
        tpu.yield
      }) : () -> ()
      %lt3A = arith.constant 19 : i32
      %lt3A_227 = arith.cmpi slt, %scan3A_210, %lt3A : i32
      %convert_element_type3A = arith.extui %lt3A_227 : i1 to i32
      %cond3A = arith.constant 0 : i32
      %cond3A_228 = arith.cmpi ne, %convert_element_type3A, %cond3A : i32
      scf.if %cond3A_228 {
        %add3A_239 = arith.constant 2 : i32
        %add3A_240 = arith.addi %mul3A_212, %add3A_239 : i32
        %dma_start3A_241 = arith.constant 0 : i32
        %dma_start3A_242 = tpu.memref_slice %arg6[%add3A_240, %dma_start3A_241] : memref<40x128xi32, #tpu.memory_space<vmem>> -> memref<1x128xi32, #tpu.memory_space<vmem>>
        %dma_start3A_243 = tpu.memref_squeeze %dma_start3A_242 : memref<1x128xi32, #tpu.memory_space<vmem>> -> memref<128xi32, #tpu.memory_space<vmem>>
        %dma_start3A_244 = arith.constant 0 : i32
        %dma_start3A_245 = arith.constant 0 : i32
        %dma_start3A_246 = tpu.memref_slice %arg2[%dma_start3A_244, %dma_start3A_245] : memref<10000x128xf32, #tpu.memory_space<hbm>> -> memref<10000x128xf32, #tpu.memory_space<hbm>>
        tpu.enqueue_indirect_dma source(%dma_start3A_246 : memref<10000x128xf32, #tpu.memory_space<hbm>>) target(%arg8 : memref<128x128xf32, #tpu.memory_space<vmem>>) offsets(%dma_start3A_243 : memref<128xi32, #tpu.memory_space<vmem>>) semaphore(%arg10 : memref<!tpu.dma_semaphore, #tpu.memory_space<semaphore_mem>>)
      } else {
      }
      %add3A_229 = arith.constant 1 : i32
      %add3A_230 = arith.addi %mul3A_212, %add3A_229 : i32
      %dma_wait3A_231 = arith.constant 0 : i32
      %dma_wait3A_232 = tpu.memref_slice %arg6[%add3A_230, %dma_wait3A_231] : memref<40x128xi32, #tpu.memory_space<vmem>> -> memref<1x128xi32, #tpu.memory_space<vmem>>
      %dma_wait3A_233 = tpu.memref_squeeze %dma_wait3A_232 : memref<1x128xi32, #tpu.memory_space<vmem>> -> memref<128xi32, #tpu.memory_space<vmem>>
      %dma_wait3A_234 = arith.constant 0 : i32
      %dma_wait3A_235 = arith.constant 0 : i32
      %dma_wait3A_236 = tpu.memref_slice %arg2[%dma_wait3A_234, %dma_wait3A_235] : memref<10000x128xf32, #tpu.memory_space<hbm>> -> memref<10000x128xf32, #tpu.memory_space<hbm>>
      tpu.wait_indirect_dma semaphore(%arg11 : memref<!tpu.dma_semaphore, #tpu.memory_space<semaphore_mem>>) src(%dma_wait3A_236 : memref<10000x128xf32, #tpu.memory_space<hbm>>) dst(%arg9 : memref<128x128xf32, #tpu.memory_space<vmem>>)
      %add3A_237 = arith.constant 1 : i32
      %add3A_238 = arith.addi %mul3A_212, %add3A_237 : i32
      "tpu.region"() ({
        %run_scoped3A = tpu.sem_alloc : memref<!tpu.dma_semaphore, #tpu.memory_space<semaphore_mem>>
        %dma_start3A_239 = arith.constant 0 : i32
        %dma_start3A_240 = tpu.memref_slice %arg7[%add3A_238, %dma_start3A_239] : memref<40x128xi32, #tpu.memory_space<vmem>> -> memref<1x128xi32, #tpu.memory_space<vmem>>
        %dma_start3A_241 = tpu.memref_squeeze %dma_start3A_240 : memref<1x128xi32, #tpu.memory_space<vmem>> -> memref<128xi32, #tpu.memory_space<vmem>>
        %dma_start3A_242 = arith.constant 0 : i32
        %dma_start3A_243 = arith.constant 0 : i32
        %dma_start3A_244 = tpu.memref_slice %arg15[%dma_start3A_242, %dma_start3A_243] : memref<10240x128xf32, #tpu.memory_space<vmem_shared>> -> memref<10240x128xf32, #tpu.memory_space<vmem_shared>>
        tpu.enqueue_indirect_dma source(%arg9 : memref<128x128xf32, #tpu.memory_space<vmem>>) target(%dma_start3A_244 : memref<10240x128xf32, #tpu.memory_space<vmem_shared>>) offsets(%dma_start3A_241 : memref<128xi32, #tpu.memory_space<vmem>>) semaphore(%run_scoped3A : memref<!tpu.dma_semaphore, #tpu.memory_space<semaphore_mem>>) {add = true}
        %dma_wait3A_245 = arith.constant 0 : i32
        %dma_wait3A_246 = tpu.memref_slice %arg7[%add3A_238, %dma_wait3A_245] : memref<40x128xi32, #tpu.memory_space<vmem>> -> memref<1x128xi32, #tpu.memory_space<vmem>>
        %dma_wait3A_247 = tpu.memref_squeeze %dma_wait3A_246 : memref<1x128xi32, #tpu.memory_space<vmem>> -> memref<128xi32, #tpu.memory_space<vmem>>
        %dma_wait3A_248 = arith.constant 0 : i32
        %dma_wait3A_249 = arith.constant 0 : i32
        %dma_wait3A_250 = tpu.memref_slice %arg15[%dma_wait3A_248, %dma_wait3A_249] : memref<10240x128xf32, #tpu.memory_space<vmem_shared>> -> memref<10240x128xf32, #tpu.memory_space<vmem_shared>>
        tpu.wait_indirect_dma semaphore(%run_scoped3A : memref<!tpu.dma_semaphore, #tpu.memory_space<semaphore_mem>>) src(%arg9 : memref<128x128xf32, #tpu.memory_space<vmem>>) dst(%dma_wait3A_250 : memref<10240x128xf32, #tpu.memory_space<vmem_shared>>)
        tpu.yield
      }) : () -> ()
    }
    %scan3A_118 = arith.constant 20 : i32
    %barrier3A_119 = arith.constant 0 : index
    tpu.barrier barrier_id(%barrier3A_119)
    %mul3A_120 = arith.constant 640 : i32
    %mul3A_121 = arith.muli %arg1, %mul3A_120 : i32
    %add3A_122 = arith.constant 0 : i32
    %add3A_123 = arith.addi %mul3A_121, %add3A_122 : i32
    %dma_start3A_124 = arith.constant 0 : i32
    %dma_start3A_125 = tpu.memref_slice %arg5[%arg0, %add3A_123, %dma_start3A_124] : memref<2x10240x128xf32, #tpu.memory_space<hbm>> -> memref<1x128x128xf32, #tpu.memory_space<hbm>>
    %dma_start3A_126 = tpu.memref_squeeze %dma_start3A_125 : memref<1x128x128xf32, #tpu.memory_space<hbm>> -> memref<128x128xf32, #tpu.memory_space<hbm>>
    %dma_start3A_127 = arith.constant 0 : i32
    %dma_start3A_128 = tpu.memref_slice %arg15[%add3A_123, %dma_start3A_127] : memref<10240x128xf32, #tpu.memory_space<vmem_shared>> -> memref<128x128xf32, #tpu.memory_space<vmem_shared>>
    tpu.enqueue_dma source(%dma_start3A_128 : memref<128x128xf32, #tpu.memory_space<vmem_shared>>) target(%dma_start3A_126 : memref<128x128xf32, #tpu.memory_space<hbm>>) target_semaphore(%arg14 : memref<!tpu.dma_semaphore, #tpu.memory_space<semaphore_mem>>)
    %mul3A_129 = arith.constant 640 : i32
    %mul3A_130 = arith.muli %arg1, %mul3A_129 : i32
    %add3A_131 = arith.constant 128 : i32
    %add3A_132 = arith.addi %mul3A_130, %add3A_131 : i32
    %dma_start3A_133 = arith.constant 0 : i32
    %dma_start3A_134 = tpu.memref_slice %arg5[%arg0, %add3A_132, %dma_start3A_133] : memref<2x10240x128xf32, #tpu.memory_space<hbm>> -> memref<1x128x128xf32, #tpu.memory_space<hbm>>
    %dma_start3A_135 = tpu.memref_squeeze %dma_start3A_134 : memref<1x128x128xf32, #tpu.memory_space<hbm>> -> memref<128x128xf32, #tpu.memory_space<hbm>>
    %dma_start3A_136 = arith.constant 0 : i32
    %dma_start3A_137 = tpu.memref_slice %arg15[%add3A_132, %dma_start3A_136] : memref<10240x128xf32, #tpu.memory_space<vmem_shared>> -> memref<128x128xf32, #tpu.memory_space<vmem_shared>>
    tpu.enqueue_dma source(%dma_start3A_137 : memref<128x128xf32, #tpu.memory_space<vmem_shared>>) target(%dma_start3A_135 : memref<128x128xf32, #tpu.memory_space<hbm>>) target_semaphore(%arg14 : memref<!tpu.dma_semaphore, #tpu.memory_space<semaphore_mem>>)
    %mul3A_138 = arith.constant 640 : i32
    %mul3A_139 = arith.muli %arg1, %mul3A_138 : i32
    %add3A_140 = arith.constant 256 : i32
    %add3A_141 = arith.addi %mul3A_139, %add3A_140 : i32
    %dma_start3A_142 = arith.constant 0 : i32
    %dma_start3A_143 = tpu.memref_slice %arg5[%arg0, %add3A_141, %dma_start3A_142] : memref<2x10240x128xf32, #tpu.memory_space<hbm>> -> memref<1x128x128xf32, #tpu.memory_space<hbm>>
    %dma_start3A_144 = tpu.memref_squeeze %dma_start3A_143 : memref<1x128x128xf32, #tpu.memory_space<hbm>> -> memref<128x128xf32, #tpu.memory_space<hbm>>
    %dma_start3A_145 = arith.constant 0 : i32
    %dma_start3A_146 = tpu.memref_slice %arg15[%add3A_141, %dma_start3A_145] : memref<10240x128xf32, #tpu.memory_space<vmem_shared>> -> memref<128x128xf32, #tpu.memory_space<vmem_shared>>
    tpu.enqueue_dma source(%dma_start3A_146 : memref<128x128xf32, #tpu.memory_space<vmem_shared>>) target(%dma_start3A_144 : memref<128x128xf32, #tpu.memory_space<hbm>>) target_semaphore(%arg14 : memref<!tpu.dma_semaphore, #tpu.memory_space<semaphore_mem>>)
    %mul3A_147 = arith.constant 640 : i32
    %mul3A_148 = arith.muli %arg1, %mul3A_147 : i32
    %add3A_149 = arith.constant 384 : i32
    %add3A_150 = arith.addi %mul3A_148, %add3A_149 : i32
    %dma_start3A_151 = arith.constant 0 : i32
    %dma_start3A_152 = tpu.memref_slice %arg5[%arg0, %add3A_150, %dma_start3A_151] : memref<2x10240x128xf32, #tpu.memory_space<hbm>> -> memref<1x128x128xf32, #tpu.memory_space<hbm>>
    %dma_start3A_153 = tpu.memref_squeeze %dma_start3A_152 : memref<1x128x128xf32, #tpu.memory_space<hbm>> -> memref<128x128xf32, #tpu.memory_space<hbm>>
    %dma_start3A_154 = arith.constant 0 : i32
    %dma_start3A_155 = tpu.memref_slice %arg15[%add3A_150, %dma_start3A_154] : memref<10240x128xf32, #tpu.memory_space<vmem_shared>> -> memref<128x128xf32, #tpu.memory_space<vmem_shared>>
    tpu.enqueue_dma source(%dma_start3A_155 : memref<128x128xf32, #tpu.memory_space<vmem_shared>>) target(%dma_start3A_153 : memref<128x128xf32, #tpu.memory_space<hbm>>) target_semaphore(%arg14 : memref<!tpu.dma_semaphore, #tpu.memory_space<semaphore_mem>>)
    %mul3A_156 = arith.constant 640 : i32
    %mul3A_157 = arith.muli %arg1, %mul3A_156 : i32
    %add3A_158 = arith.constant 512 : i32
    %add3A_159 = arith.addi %mul3A_157, %add3A_158 : i32
    %dma_start3A_160 = arith.constant 0 : i32
    %dma_start3A_161 = tpu.memref_slice %arg5[%arg0, %add3A_159, %dma_start3A_160] : memref<2x10240x128xf32, #tpu.memory_space<hbm>> -> memref<1x128x128xf32, #tpu.memory_space<hbm>>
    %dma_start3A_162 = tpu.memref_squeeze %dma_start3A_161 : memref<1x128x128xf32, #tpu.memory_space<hbm>> -> memref<128x128xf32, #tpu.memory_space<hbm>>
    %dma_start3A_163 = arith.constant 0 : i32
    %dma_start3A_164 = tpu.memref_slice %arg15[%add3A_159, %dma_start3A_163] : memref<10240x128xf32, #tpu.memory_space<vmem_shared>> -> memref<128x128xf32, #tpu.memory_space<vmem_shared>>
    tpu.enqueue_dma source(%dma_start3A_164 : memref<128x128xf32, #tpu.memory_space<vmem_shared>>) target(%dma_start3A_162 : memref<128x128xf32, #tpu.memory_space<hbm>>) target_semaphore(%arg14 : memref<!tpu.dma_semaphore, #tpu.memory_space<semaphore_mem>>)
    %mul3A_165 = arith.constant 640 : i32
    %mul3A_166 = arith.muli %arg1, %mul3A_165 : i32
    %mul3A_167 = arith.constant 640 : i32
    %mul3A_168 = arith.muli %arg1, %mul3A_167 : i32
    %dma_wait3A_169 = arith.constant 0 : i32
    %dma_wait3A_170 = tpu.memref_slice %arg5[%arg0, %mul3A_168, %dma_wait3A_169] : memref<2x10240x128xf32, #tpu.memory_space<hbm>> -> memref<1x128x128xf32, #tpu.memory_space<hbm>>
    %dma_wait3A_171 = tpu.memref_squeeze %dma_wait3A_170 : memref<1x128x128xf32, #tpu.memory_space<hbm>> -> memref<128x128xf32, #tpu.memory_space<hbm>>
    %dma_wait3A_172 = arith.constant 0 : i32
    %dma_wait3A_173 = tpu.memref_slice %arg15[%mul3A_166, %dma_wait3A_172] : memref<10240x128xf32, #tpu.memory_space<vmem_shared>> -> memref<128x128xf32, #tpu.memory_space<vmem_shared>>
    tpu.wait_dma2 semaphore(%arg14 : memref<!tpu.dma_semaphore, #tpu.memory_space<semaphore_mem>>) src(%dma_wait3A_173 : memref<128x128xf32, #tpu.memory_space<vmem_shared>>) dst(%dma_wait3A_171 : memref<128x128xf32, #tpu.memory_space<hbm>>)
    %mul3A_174 = arith.constant 640 : i32
    %mul3A_175 = arith.muli %arg1, %mul3A_174 : i32
    %mul3A_176 = arith.constant 640 : i32
    %mul3A_177 = arith.muli %arg1, %mul3A_176 : i32
    %dma_wait3A_178 = arith.constant 0 : i32
    %dma_wait3A_179 = tpu.memref_slice %arg5[%arg0, %mul3A_177, %dma_wait3A_178] : memref<2x10240x128xf32, #tpu.memory_space<hbm>> -> memref<1x128x128xf32, #tpu.memory_space<hbm>>
    %dma_wait3A_180 = tpu.memref_squeeze %dma_wait3A_179 : memref<1x128x128xf32, #tpu.memory_space<hbm>> -> memref<128x128xf32, #tpu.memory_space<hbm>>
    %dma_wait3A_181 = arith.constant 0 : i32
    %dma_wait3A_182 = tpu.memref_slice %arg15[%mul3A_175, %dma_wait3A_181] : memref<10240x128xf32, #tpu.memory_space<vmem_shared>> -> memref<128x128xf32, #tpu.memory_space<vmem_shared>>
    tpu.wait_dma2 semaphore(%arg14 : memref<!tpu.dma_semaphore, #tpu.memory_space<semaphore_mem>>) src(%dma_wait3A_182 : memref<128x128xf32, #tpu.memory_space<vmem_shared>>) dst(%dma_wait3A_180 : memref<128x128xf32, #tpu.memory_space<hbm>>)
    %mul3A_183 = arith.constant 640 : i32
    %mul3A_184 = arith.muli %arg1, %mul3A_183 : i32
    %mul3A_185 = arith.constant 640 : i32
    %mul3A_186 = arith.muli %arg1, %mul3A_185 : i32
    %dma_wait3A_187 = arith.constant 0 : i32
    %dma_wait3A_188 = tpu.memref_slice %arg5[%arg0, %mul3A_186, %dma_wait3A_187] : memref<2x10240x128xf32, #tpu.memory_space<hbm>> -> memref<1x128x128xf32, #tpu.memory_space<hbm>>
    %dma_wait3A_189 = tpu.memref_squeeze %dma_wait3A_188 : memref<1x128x128xf32, #tpu.memory_space<hbm>> -> memref<128x128xf32, #tpu.memory_space<hbm>>
    %dma_wait3A_190 = arith.constant 0 : i32
    %dma_wait3A_191 = tpu.memref_slice %arg15[%mul3A_184, %dma_wait3A_190] : memref<10240x128xf32, #tpu.memory_space<vmem_shared>> -> memref<128x128xf32, #tpu.memory_space<vmem_shared>>
    tpu.wait_dma2 semaphore(%arg14 : memref<!tpu.dma_semaphore, #tpu.memory_space<semaphore_mem>>) src(%dma_wait3A_191 : memref<128x128xf32, #tpu.memory_space<vmem_shared>>) dst(%dma_wait3A_189 : memref<128x128xf32, #tpu.memory_space<hbm>>)
    %mul3A_192 = arith.constant 640 : i32
    %mul3A_193 = arith.muli %arg1, %mul3A_192 : i32
    %mul3A_194 = arith.constant 640 : i32
    %mul3A_195 = arith.muli %arg1, %mul3A_194 : i32
    %dma_wait3A_196 = arith.constant 0 : i32
    %dma_wait3A_197 = tpu.memref_slice %arg5[%arg0, %mul3A_195, %dma_wait3A_196] : memref<2x10240x128xf32, #tpu.memory_space<hbm>> -> memref<1x128x128xf32, #tpu.memory_space<hbm>>
    %dma_wait3A_198 = tpu.memref_squeeze %dma_wait3A_197 : memref<1x128x128xf32, #tpu.memory_space<hbm>> -> memref<128x128xf32, #tpu.memory_space<hbm>>
    %dma_wait3A_199 = arith.constant 0 : i32
    %dma_wait3A_200 = tpu.memref_slice %arg15[%mul3A_193, %dma_wait3A_199] : memref<10240x128xf32, #tpu.memory_space<vmem_shared>> -> memref<128x128xf32, #tpu.memory_space<vmem_shared>>
    tpu.wait_dma2 semaphore(%arg14 : memref<!tpu.dma_semaphore, #tpu.memory_space<semaphore_mem>>) src(%dma_wait3A_200 : memref<128x128xf32, #tpu.memory_space<vmem_shared>>) dst(%dma_wait3A_198 : memref<128x128xf32, #tpu.memory_space<hbm>>)
    %mul3A_201 = arith.constant 640 : i32
    %mul3A_202 = arith.muli %arg1, %mul3A_201 : i32
    %mul3A_203 = arith.constant 640 : i32
    %mul3A_204 = arith.muli %arg1, %mul3A_203 : i32
    %dma_wait3A_205 = arith.constant 0 : i32
    %dma_wait3A_206 = tpu.memref_slice %arg5[%arg0, %mul3A_204, %dma_wait3A_205] : memref<2x10240x128xf32, #tpu.memory_space<hbm>> -> memref<1x128x128xf32, #tpu.memory_space<hbm>>
    %dma_wait3A_207 = tpu.memref_squeeze %dma_wait3A_206 : memref<1x128x128xf32, #tpu.memory_space<hbm>> -> memref<128x128xf32, #tpu.memory_space<hbm>>
    %dma_wait3A_208 = arith.constant 0 : i32
    %dma_wait3A_209 = tpu.memref_slice %arg15[%mul3A_202, %dma_wait3A_208] : memref<10240x128xf32, #tpu.memory_space<vmem_shared>> -> memref<128x128xf32, #tpu.memory_space<vmem_shared>>
    tpu.wait_dma2 semaphore(%arg14 : memref<!tpu.dma_semaphore, #tpu.memory_space<semaphore_mem>>) src(%dma_wait3A_209 : memref<128x128xf32, #tpu.memory_space<vmem_shared>>) dst(%dma_wait3A_207 : memref<128x128xf32, #tpu.memory_space<hbm>>)
    return
  }
}

#map = affine_map<(d0, d1) -> (0, 0)>
#map1 = affine_map<(d0, d1) -> (0, 0, 0)>
module attributes {stable_mosaic.version = 14 : i64} {
  func.func @_sc_segsum(%arg0: i32, %arg1: i32, %arg2: memref<10000x128xf32, #tpu.memory_space<hbm>>, %arg3: memref<32x40x128xi32, #tpu.memory_space<hbm>>, %arg4: memref<32x40x128xi32, #tpu.memory_space<hbm>>, %arg5: memref<2x10240x128xf32, #tpu.memory_space<hbm>>, %arg6: memref<40x128xi32, #tpu.memory_space<vmem>>, %arg7: memref<40x128xi32, #tpu.memory_space<vmem>>, %arg8: memref<128x128xf32, #tpu.memory_space<vmem>>, %arg9: memref<128x128xf32, #tpu.memory_space<vmem>>, %arg10: memref<!tpu.dma_semaphore, #tpu.memory_space<semaphore_mem>>, %arg11: memref<!tpu.dma_semaphore, #tpu.memory_space<semaphore_mem>>, %arg12: memref<!tpu.dma_semaphore, #tpu.memory_space<semaphore_mem>>, %arg13: memref<!tpu.dma_semaphore, #tpu.memory_space<semaphore_mem>>, %arg14: memref<!tpu.dma_semaphore, #tpu.memory_space<semaphore_mem>>, %arg15: memref<10240x128xf32, #tpu.memory_space<vmem_shared>>) attributes {dimension_semantics = [#tpu.dimension_semantics<core_parallel>, #tpu.dimension_semantics<subcore_parallel>], iteration_bounds = array<i64: 2, 16>, scalar_prefetch = 0 : i64, scratch_operands = 10 : i64, tpu.core_type = #tpu.core_type<sc_vector_subcore>, window_params = [{transform_indices = #map}, {transform_indices = #map1}, {transform_indices = #map1}, {transform_indices = #map1}]} {
    %mul3A = arith.constant 16 : i32
    %mul3A_0 = arith.muli %arg0, %mul3A : i32
    %add3A = arith.addi %mul3A_0, %arg1 : i32
    %dma_start3A = arith.constant 0 : i32
    %dma_start3A_1 = arith.constant 0 : i32
    %dma_start3A_2 = tpu.memref_slice %arg3[%add3A, %dma_start3A, %dma_start3A_1] : memref<32x40x128xi32, #tpu.memory_space<hbm>> -> memref<1x40x128xi32, #tpu.memory_space<hbm>>
    %dma_start3A_3 = tpu.memref_squeeze %dma_start3A_2 : memref<1x40x128xi32, #tpu.memory_space<hbm>> -> memref<40x128xi32, #tpu.memory_space<hbm>>
    %dma_start3A_4 = arith.constant 0 : i32
    %dma_start3A_5 = arith.constant 0 : i32
    %dma_start3A_6 = tpu.memref_slice %arg3[%add3A, %dma_start3A_4, %dma_start3A_5] : memref<32x40x128xi32, #tpu.memory_space<hbm>> -> memref<1x40x128xi32, #tpu.memory_space<hbm>>
    %dma_start3A_7 = tpu.memref_squeeze %dma_start3A_6 : memref<1x40x128xi32, #tpu.memory_space<hbm>> -> memref<40x128xi32, #tpu.memory_space<hbm>>
    tpu.enqueue_dma source(%dma_start3A_7 : memref<40x128xi32, #tpu.memory_space<hbm>>) target(%arg6 : memref<40x128xi32, #tpu.memory_space<vmem>>) target_semaphore(%arg10 : memref<!tpu.dma_semaphore, #tpu.memory_space<semaphore_mem>>)
    %dma_start3A_8 = arith.constant 0 : i32
    %dma_start3A_9 = arith.constant 0 : i32
    %dma_start3A_10 = tpu.memref_slice %arg4[%add3A, %dma_start3A_8, %dma_start3A_9] : memref<32x40x128xi32, #tpu.memory_space<hbm>> -> memref<1x40x128xi32, #tpu.memory_space<hbm>>
    %dma_start3A_11 = tpu.memref_squeeze %dma_start3A_10 : memref<1x40x128xi32, #tpu.memory_space<hbm>> -> memref<40x128xi32, #tpu.memory_space<hbm>>
    %dma_start3A_12 = arith.constant 0 : i32
    %dma_start3A_13 = arith.constant 0 : i32
    %dma_start3A_14 = tpu.memref_slice %arg4[%add3A, %dma_start3A_12, %dma_start3A_13] : memref<32x40x128xi32, #tpu.memory_space<hbm>> -> memref<1x40x128xi32, #tpu.memory_space<hbm>>
    %dma_start3A_15 = tpu.memref_squeeze %dma_start3A_14 : memref<1x40x128xi32, #tpu.memory_space<hbm>> -> memref<40x128xi32, #tpu.memory_space<hbm>>
    tpu.enqueue_dma source(%dma_start3A_15 : memref<40x128xi32, #tpu.memory_space<hbm>>) target(%arg7 : memref<40x128xi32, #tpu.memory_space<vmem>>) target_semaphore(%arg11 : memref<!tpu.dma_semaphore, #tpu.memory_space<semaphore_mem>>)
    %scan3A = arith.constant 0 : i32
    %scan3A_16 = arith.constant 0 : i32
    %scan3A_17 = arith.constant 128 : i32
    %scan3A_18 = arith.addi %scan3A_16, %scan3A_17 : i32
    %scan3A_19 = arith.constant 1 : i32
    scf.for %scan3A_210 = %scan3A_16 to %scan3A_18 step %scan3A_19  : i32 {
      %broadcast_in_dim3A = arith.constant 0.000000e+00 : f32
      %broadcast_in_dim3A_211 = vector.broadcast %broadcast_in_dim3A : f32 to vector<16xf32>
      %swap3A = arith.index_cast %scan3A_210 : i32 to index
      %swap3A_212 = arith.constant 0 : index
      %swap3A_213 = tpu.vector_load %arg8[%swap3A, %swap3A_212] {strides = array<i32>} : memref<128x128xf32, #tpu.memory_space<vmem>>, vector<16xf32>,
      tpu.vector_store %arg8[%swap3A, %swap3A_212], %broadcast_in_dim3A_211 {strides = array<i32>} : memref<128x128xf32, #tpu.memory_space<vmem>>, vector<16xf32>,
      %broadcast_in_dim3A_214 = arith.constant 0.000000e+00 : f32
      %broadcast_in_dim3A_215 = vector.broadcast %broadcast_in_dim3A_214 : f32 to vector<16xf32>
      %swap3A_216 = arith.index_cast %scan3A_210 : i32 to index
      %swap3A_217 = arith.constant 16 : index
      %swap3A_218 = tpu.vector_load %arg8[%swap3A_216, %swap3A_217] {strides = array<i32>} : memref<128x128xf32, #tpu.memory_space<vmem>>, vector<16xf32>,
      tpu.vector_store %arg8[%swap3A_216, %swap3A_217], %broadcast_in_dim3A_215 {strides = array<i32>} : memref<128x128xf32, #tpu.memory_space<vmem>>, vector<16xf32>,
      %broadcast_in_dim3A_219 = arith.constant 0.000000e+00 : f32
      %broadcast_in_dim3A_220 = vector.broadcast %broadcast_in_dim3A_219 : f32 to vector<16xf32>
      %swap3A_221 = arith.index_cast %scan3A_210 : i32 to index
      %swap3A_222 = arith.constant 32 : index
      %swap3A_223 = tpu.vector_load %arg8[%swap3A_221, %swap3A_222] {strides = array<i32>} : memref<128x128xf32, #tpu.memory_space<vmem>>, vector<16xf32>,
      tpu.vector_store %arg8[%swap3A_221, %swap3A_222], %broadcast_in_dim3A_220 {strides = array<i32>} : memref<128x128xf32, #tpu.memory_space<vmem>>, vector<16xf32>,
      %broadcast_in_dim3A_224 = arith.constant 0.000000e+00 : f32
      %broadcast_in_dim3A_225 = vector.broadcast %broadcast_in_dim3A_224 : f32 to vector<16xf32>
      %swap3A_226 = arith.index_cast %scan3A_210 : i32 to index
      %swap3A_227 = arith.constant 48 : index
      %swap3A_228 = tpu.vector_load %arg8[%swap3A_226, %swap3A_227] {strides = array<i32>} : memref<128x128xf32, #tpu.memory_space<vmem>>, vector<16xf32>,
      tpu.vector_store %arg8[%swap3A_226, %swap3A_227], %broadcast_in_dim3A_225 {strides = array<i32>} : memref<128x128xf32, #tpu.memory_space<vmem>>, vector<16xf32>,
      %broadcast_in_dim3A_229 = arith.constant 0.000000e+00 : f32
      %broadcast_in_dim3A_230 = vector.broadcast %broadcast_in_dim3A_229 : f32 to vector<16xf32>
      %swap3A_231 = arith.index_cast %scan3A_210 : i32 to index
      %swap3A_232 = arith.constant 64 : index
      %swap3A_233 = tpu.vector_load %arg8[%swap3A_231, %swap3A_232] {strides = array<i32>} : memref<128x128xf32, #tpu.memory_space<vmem>>, vector<16xf32>,
      tpu.vector_store %arg8[%swap3A_231, %swap3A_232], %broadcast_in_dim3A_230 {strides = array<i32>} : memref<128x128xf32, #tpu.memory_space<vmem>>, vector<16xf32>,
      %broadcast_in_dim3A_234 = arith.constant 0.000000e+00 : f32
      %broadcast_in_dim3A_235 = vector.broadcast %broadcast_in_dim3A_234 : f32 to vector<16xf32>
      %swap3A_236 = arith.index_cast %scan3A_210 : i32 to index
      %swap3A_237 = arith.constant 80 : index
      %swap3A_238 = tpu.vector_load %arg8[%swap3A_236, %swap3A_237] {strides = array<i32>} : memref<128x128xf32, #tpu.memory_space<vmem>>, vector<16xf32>,
      tpu.vector_store %arg8[%swap3A_236, %swap3A_237], %broadcast_in_dim3A_235 {strides = array<i32>} : memref<128x128xf32, #tpu.memory_space<vmem>>, vector<16xf32>,
      %broadcast_in_dim3A_239 = arith.constant 0.000000e+00 : f32
      %broadcast_in_dim3A_240 = vector.broadcast %broadcast_in_dim3A_239 : f32 to vector<16xf32>
      %swap3A_241 = arith.index_cast %scan3A_210 : i32 to index
      %swap3A_242 = arith.constant 96 : index
      %swap3A_243 = tpu.vector_load %arg8[%swap3A_241, %swap3A_242] {strides = array<i32>} : memref<128x128xf32, #tpu.memory_space<vmem>>, vector<16xf32>,
      tpu.vector_store %arg8[%swap3A_241, %swap3A_242], %broadcast_in_dim3A_240 {strides = array<i32>} : memref<128x128xf32, #tpu.memory_space<vmem>>, vector<16xf32>,
      %broadcast_in_dim3A_244 = arith.constant 0.000000e+00 : f32
      %broadcast_in_dim3A_245 = vector.broadcast %broadcast_in_dim3A_244 : f32 to vector<16xf32>
      %swap3A_246 = arith.index_cast %scan3A_210 : i32 to index
      %swap3A_247 = arith.constant 112 : index
      %swap3A_248 = tpu.vector_load %arg8[%swap3A_246, %swap3A_247] {strides = array<i32>} : memref<128x128xf32, #tpu.memory_space<vmem>>, vector<16xf32>,
      tpu.vector_store %arg8[%swap3A_246, %swap3A_247], %broadcast_in_dim3A_245 {strides = array<i32>} : memref<128x128xf32, #tpu.memory_space<vmem>>, vector<16xf32>,
    }
    %scan3A_20 = arith.constant 128 : i32
    %mul3A_21 = arith.constant 640 : i32
    %mul3A_22 = arith.muli %arg1, %mul3A_21 : i32
    %add3A_23 = arith.constant 0 : i32
    %add3A_24 = arith.addi %mul3A_22, %add3A_23 : i32
    %dma_start3A_25 = arith.constant 0 : i32
    %dma_start3A_26 = tpu.memref_slice %arg15[%add3A_24, %dma_start3A_25] : memref<10240x128xf32, #tpu.memory_space<vmem_shared>> -> memref<128x128xf32, #tpu.memory_space<vmem_shared>>
    %dma_start3A_27 = arith.constant 0 : i32
    %dma_start3A_28 = tpu.memref_slice %arg15[%add3A_24, %dma_start3A_27] : memref<10240x128xf32, #tpu.memory_space<vmem_shared>> -> memref<128x128xf32, #tpu.memory_space<vmem_shared>>
    tpu.enqueue_dma source(%arg8 : memref<128x128xf32, #tpu.memory_space<vmem>>) target(%dma_start3A_28 : memref<128x128xf32, #tpu.memory_space<vmem_shared>>) target_semaphore(%arg14 : memref<!tpu.dma_semaphore, #tpu.memory_space<semaphore_mem>>)
    %mul3A_29 = arith.constant 640 : i32
    %mul3A_30 = arith.muli %arg1, %mul3A_29 : i32
    %add3A_31 = arith.constant 128 : i32
    %add3A_32 = arith.addi %mul3A_30, %add3A_31 : i32
    %dma_start3A_33 = arith.constant 0 : i32
    %dma_start3A_34 = tpu.memref_slice %arg15[%add3A_32, %dma_start3A_33] : memref<10240x128xf32, #tpu.memory_space<vmem_shared>> -> memref<128x128xf32, #tpu.memory_space<vmem_shared>>
    %dma_start3A_35 = arith.constant 0 : i32
    %dma_start3A_36 = tpu.memref_slice %arg15[%add3A_32, %dma_start3A_35] : memref<10240x128xf32, #tpu.memory_space<vmem_shared>> -> memref<128x128xf32, #tpu.memory_space<vmem_shared>>
    tpu.enqueue_dma source(%arg8 : memref<128x128xf32, #tpu.memory_space<vmem>>) target(%dma_start3A_36 : memref<128x128xf32, #tpu.memory_space<vmem_shared>>) target_semaphore(%arg14 : memref<!tpu.dma_semaphore, #tpu.memory_space<semaphore_mem>>)
    %mul3A_37 = arith.constant 640 : i32
    %mul3A_38 = arith.muli %arg1, %mul3A_37 : i32
    %add3A_39 = arith.constant 256 : i32
    %add3A_40 = arith.addi %mul3A_38, %add3A_39 : i32
    %dma_start3A_41 = arith.constant 0 : i32
    %dma_start3A_42 = tpu.memref_slice %arg15[%add3A_40, %dma_start3A_41] : memref<10240x128xf32, #tpu.memory_space<vmem_shared>> -> memref<128x128xf32, #tpu.memory_space<vmem_shared>>
    %dma_start3A_43 = arith.constant 0 : i32
    %dma_start3A_44 = tpu.memref_slice %arg15[%add3A_40, %dma_start3A_43] : memref<10240x128xf32, #tpu.memory_space<vmem_shared>> -> memref<128x128xf32, #tpu.memory_space<vmem_shared>>
    tpu.enqueue_dma source(%arg8 : memref<128x128xf32, #tpu.memory_space<vmem>>) target(%dma_start3A_44 : memref<128x128xf32, #tpu.memory_space<vmem_shared>>) target_semaphore(%arg14 : memref<!tpu.dma_semaphore, #tpu.memory_space<semaphore_mem>>)
    %mul3A_45 = arith.constant 640 : i32
    %mul3A_46 = arith.muli %arg1, %mul3A_45 : i32
    %add3A_47 = arith.constant 384 : i32
    %add3A_48 = arith.addi %mul3A_46, %add3A_47 : i32
    %dma_start3A_49 = arith.constant 0 : i32
    %dma_start3A_50 = tpu.memref_slice %arg15[%add3A_48, %dma_start3A_49] : memref<10240x128xf32, #tpu.memory_space<vmem_shared>> -> memref<128x128xf32, #tpu.memory_space<vmem_shared>>
    %dma_start3A_51 = arith.constant 0 : i32
    %dma_start3A_52 = tpu.memref_slice %arg15[%add3A_48, %dma_start3A_51] : memref<10240x128xf32, #tpu.memory_space<vmem_shared>> -> memref<128x128xf32, #tpu.memory_space<vmem_shared>>
    tpu.enqueue_dma source(%arg8 : memref<128x128xf32, #tpu.memory_space<vmem>>) target(%dma_start3A_52 : memref<128x128xf32, #tpu.memory_space<vmem_shared>>) target_semaphore(%arg14 : memref<!tpu.dma_semaphore, #tpu.memory_space<semaphore_mem>>)
    %mul3A_53 = arith.constant 640 : i32
    %mul3A_54 = arith.muli %arg1, %mul3A_53 : i32
    %add3A_55 = arith.constant 512 : i32
    %add3A_56 = arith.addi %mul3A_54, %add3A_55 : i32
    %dma_start3A_57 = arith.constant 0 : i32
    %dma_start3A_58 = tpu.memref_slice %arg15[%add3A_56, %dma_start3A_57] : memref<10240x128xf32, #tpu.memory_space<vmem_shared>> -> memref<128x128xf32, #tpu.memory_space<vmem_shared>>
    %dma_start3A_59 = arith.constant 0 : i32
    %dma_start3A_60 = tpu.memref_slice %arg15[%add3A_56, %dma_start3A_59] : memref<10240x128xf32, #tpu.memory_space<vmem_shared>> -> memref<128x128xf32, #tpu.memory_space<vmem_shared>>
    tpu.enqueue_dma source(%arg8 : memref<128x128xf32, #tpu.memory_space<vmem>>) target(%dma_start3A_60 : memref<128x128xf32, #tpu.memory_space<vmem_shared>>) target_semaphore(%arg14 : memref<!tpu.dma_semaphore, #tpu.memory_space<semaphore_mem>>)
    %mul3A_61 = arith.constant 640 : i32
    %mul3A_62 = arith.muli %arg1, %mul3A_61 : i32
    %dma_wait3A = arith.constant 0 : i32
    %dma_wait3A_63 = tpu.memref_slice %arg15[%mul3A_62, %dma_wait3A] : memref<10240x128xf32, #tpu.memory_space<vmem_shared>> -> memref<128x128xf32, #tpu.memory_space<vmem_shared>>
    %dma_wait3A_64 = arith.constant 0 : i32
    %dma_wait3A_65 = tpu.memref_slice %arg15[%mul3A_62, %dma_wait3A_64] : memref<10240x128xf32, #tpu.memory_space<vmem_shared>> -> memref<128x128xf32, #tpu.memory_space<vmem_shared>>
    tpu.wait_dma2 semaphore(%arg14 : memref<!tpu.dma_semaphore, #tpu.memory_space<semaphore_mem>>) src(%arg8 : memref<128x128xf32, #tpu.memory_space<vmem>>) dst(%dma_wait3A_65 : memref<128x128xf32, #tpu.memory_space<vmem_shared>>)
    %mul3A_66 = arith.constant 640 : i32
    %mul3A_67 = arith.muli %arg1, %mul3A_66 : i32
    %dma_wait3A_68 = arith.constant 0 : i32
    %dma_wait3A_69 = tpu.memref_slice %arg15[%mul3A_67, %dma_wait3A_68] : memref<10240x128xf32, #tpu.memory_space<vmem_shared>> -> memref<128x128xf32, #tpu.memory_space<vmem_shared>>
    %dma_wait3A_70 = arith.constant 0 : i32
    %dma_wait3A_71 = tpu.memref_slice %arg15[%mul3A_67, %dma_wait3A_70] : memref<10240x128xf32, #tpu.memory_space<vmem_shared>> -> memref<128x128xf32, #tpu.memory_space<vmem_shared>>
    tpu.wait_dma2 semaphore(%arg14 : memref<!tpu.dma_semaphore, #tpu.memory_space<semaphore_mem>>) src(%arg8 : memref<128x128xf32, #tpu.memory_space<vmem>>) dst(%dma_wait3A_71 : memref<128x128xf32, #tpu.memory_space<vmem_shared>>)
    %mul3A_72 = arith.constant 640 : i32
    %mul3A_73 = arith.muli %arg1, %mul3A_72 : i32
    %dma_wait3A_74 = arith.constant 0 : i32
    %dma_wait3A_75 = tpu.memref_slice %arg15[%mul3A_73, %dma_wait3A_74] : memref<10240x128xf32, #tpu.memory_space<vmem_shared>> -> memref<128x128xf32, #tpu.memory_space<vmem_shared>>
    %dma_wait3A_76 = arith.constant 0 : i32
    %dma_wait3A_77 = tpu.memref_slice %arg15[%mul3A_73, %dma_wait3A_76] : memref<10240x128xf32, #tpu.memory_space<vmem_shared>> -> memref<128x128xf32, #tpu.memory_space<vmem_shared>>
    tpu.wait_dma2 semaphore(%arg14 : memref<!tpu.dma_semaphore, #tpu.memory_space<semaphore_mem>>) src(%arg8 : memref<128x128xf32, #tpu.memory_space<vmem>>) dst(%dma_wait3A_77 : memref<128x128xf32, #tpu.memory_space<vmem_shared>>)
    %mul3A_78 = arith.constant 640 : i32
    %mul3A_79 = arith.muli %arg1, %mul3A_78 : i32
    %dma_wait3A_80 = arith.constant 0 : i32
    %dma_wait3A_81 = tpu.memref_slice %arg15[%mul3A_79, %dma_wait3A_80] : memref<10240x128xf32, #tpu.memory_space<vmem_shared>> -> memref<128x128xf32, #tpu.memory_space<vmem_shared>>
    %dma_wait3A_82 = arith.constant 0 : i32
    %dma_wait3A_83 = tpu.memref_slice %arg15[%mul3A_79, %dma_wait3A_82] : memref<10240x128xf32, #tpu.memory_space<vmem_shared>> -> memref<128x128xf32, #tpu.memory_space<vmem_shared>>
    tpu.wait_dma2 semaphore(%arg14 : memref<!tpu.dma_semaphore, #tpu.memory_space<semaphore_mem>>) src(%arg8 : memref<128x128xf32, #tpu.memory_space<vmem>>) dst(%dma_wait3A_83 : memref<128x128xf32, #tpu.memory_space<vmem_shared>>)
    %mul3A_84 = arith.constant 640 : i32
    %mul3A_85 = arith.muli %arg1, %mul3A_84 : i32
    %dma_wait3A_86 = arith.constant 0 : i32
    %dma_wait3A_87 = tpu.memref_slice %arg15[%mul3A_85, %dma_wait3A_86] : memref<10240x128xf32, #tpu.memory_space<vmem_shared>> -> memref<128x128xf32, #tpu.memory_space<vmem_shared>>
    %dma_wait3A_88 = arith.constant 0 : i32
    %dma_wait3A_89 = tpu.memref_slice %arg15[%mul3A_85, %dma_wait3A_88] : memref<10240x128xf32, #tpu.memory_space<vmem_shared>> -> memref<128x128xf32, #tpu.memory_space<vmem_shared>>
    tpu.wait_dma2 semaphore(%arg14 : memref<!tpu.dma_semaphore, #tpu.memory_space<semaphore_mem>>) src(%arg8 : memref<128x128xf32, #tpu.memory_space<vmem>>) dst(%dma_wait3A_89 : memref<128x128xf32, #tpu.memory_space<vmem_shared>>)
    %dma_wait3A_90 = arith.constant 0 : i32
    %dma_wait3A_91 = arith.constant 0 : i32
    %dma_wait3A_92 = tpu.memref_slice %arg3[%add3A, %dma_wait3A_90, %dma_wait3A_91] : memref<32x40x128xi32, #tpu.memory_space<hbm>> -> memref<1x40x128xi32, #tpu.memory_space<hbm>>
    %dma_wait3A_93 = tpu.memref_squeeze %dma_wait3A_92 : memref<1x40x128xi32, #tpu.memory_space<hbm>> -> memref<40x128xi32, #tpu.memory_space<hbm>>
    %dma_wait3A_94 = arith.constant 0 : i32
    %dma_wait3A_95 = arith.constant 0 : i32
    %dma_wait3A_96 = tpu.memref_slice %arg3[%add3A, %dma_wait3A_94, %dma_wait3A_95] : memref<32x40x128xi32, #tpu.memory_space<hbm>> -> memref<1x40x128xi32, #tpu.memory_space<hbm>>
    %dma_wait3A_97 = tpu.memref_squeeze %dma_wait3A_96 : memref<1x40x128xi32, #tpu.memory_space<hbm>> -> memref<40x128xi32, #tpu.memory_space<hbm>>
    tpu.wait_dma2 semaphore(%arg10 : memref<!tpu.dma_semaphore, #tpu.memory_space<semaphore_mem>>) src(%dma_wait3A_97 : memref<40x128xi32, #tpu.memory_space<hbm>>) dst(%arg6 : memref<40x128xi32, #tpu.memory_space<vmem>>)
    %dma_wait3A_98 = arith.constant 0 : i32
    %dma_wait3A_99 = arith.constant 0 : i32
    %dma_wait3A_100 = tpu.memref_slice %arg4[%add3A, %dma_wait3A_98, %dma_wait3A_99] : memref<32x40x128xi32, #tpu.memory_space<hbm>> -> memref<1x40x128xi32, #tpu.memory_space<hbm>>
    %dma_wait3A_101 = tpu.memref_squeeze %dma_wait3A_100 : memref<1x40x128xi32, #tpu.memory_space<hbm>> -> memref<40x128xi32, #tpu.memory_space<hbm>>
    %dma_wait3A_102 = arith.constant 0 : i32
    %dma_wait3A_103 = arith.constant 0 : i32
    %dma_wait3A_104 = tpu.memref_slice %arg4[%add3A, %dma_wait3A_102, %dma_wait3A_103] : memref<32x40x128xi32, #tpu.memory_space<hbm>> -> memref<1x40x128xi32, #tpu.memory_space<hbm>>
    %dma_wait3A_105 = tpu.memref_squeeze %dma_wait3A_104 : memref<1x40x128xi32, #tpu.memory_space<hbm>> -> memref<40x128xi32, #tpu.memory_space<hbm>>
    tpu.wait_dma2 semaphore(%arg11 : memref<!tpu.dma_semaphore, #tpu.memory_space<semaphore_mem>>) src(%dma_wait3A_105 : memref<40x128xi32, #tpu.memory_space<hbm>>) dst(%arg7 : memref<40x128xi32, #tpu.memory_space<vmem>>)
    %barrier3A = arith.constant 0 : index
    tpu.barrier barrier_id(%barrier3A)
    %dma_start3A_106 = arith.constant 0 : i32
    %dma_start3A_107 = arith.constant 0 : i32
    %dma_start3A_108 = tpu.memref_slice %arg6[%dma_start3A_106, %dma_start3A_107] : memref<40x128xi32, #tpu.memory_space<vmem>> -> memref<1x128xi32, #tpu.memory_space<vmem>>
    %dma_start3A_109 = tpu.memref_squeeze %dma_start3A_108 : memref<1x128xi32, #tpu.memory_space<vmem>> -> memref<128xi32, #tpu.memory_space<vmem>>
    %dma_start3A_110 = arith.constant 0 : i32
    %dma_start3A_111 = arith.constant 0 : i32
    %dma_start3A_112 = tpu.memref_slice %arg2[%dma_start3A_110, %dma_start3A_111] : memref<10000x128xf32, #tpu.memory_space<hbm>> -> memref<10000x128xf32, #tpu.memory_space<hbm>>
    tpu.enqueue_indirect_dma source(%dma_start3A_112 : memref<10000x128xf32, #tpu.memory_space<hbm>>) target(%arg8 : memref<128x128xf32, #tpu.memory_space<vmem>>) offsets(%dma_start3A_109 : memref<128xi32, #tpu.memory_space<vmem>>) semaphore(%arg10 : memref<!tpu.dma_semaphore, #tpu.memory_space<semaphore_mem>>)
    %scan3A_113 = arith.constant 0 : i32
    %scan3A_114 = arith.constant 0 : i32
    %scan3A_115 = arith.constant 20 : i32
    %scan3A_116 = arith.addi %scan3A_114, %scan3A_115 : i32
    %scan3A_117 = arith.constant 1 : i32
    scf.for %scan3A_210 = %scan3A_114 to %scan3A_116 step %scan3A_117  : i32 {
      %mul3A_211 = arith.constant 2 : i32
      %mul3A_212 = arith.muli %mul3A_211, %scan3A_210 : i32
      %add3A_213 = arith.constant 1 : i32
      %add3A_214 = arith.addi %mul3A_212, %add3A_213 : i32
      %dma_start3A_215 = arith.constant 0 : i32
      %dma_start3A_216 = tpu.memref_slice %arg6[%add3A_214, %dma_start3A_215] : memref<40x128xi32, #tpu.memory_space<vmem>> -> memref<1x128xi32, #tpu.memory_space<vmem>>
      %dma_start3A_217 = tpu.memref_squeeze %dma_start3A_216 : memref<1x128xi32, #tpu.memory_space<vmem>> -> memref<128xi32, #tpu.memory_space<vmem>>
      %dma_start3A_218 = arith.constant 0 : i32
      %dma_start3A_219 = arith.constant 0 : i32
      %dma_start3A_220 = tpu.memref_slice %arg2[%dma_start3A_218, %dma_start3A_219] : memref<10000x128xf32, #tpu.memory_space<hbm>> -> memref<10000x128xf32, #tpu.memory_space<hbm>>
      tpu.enqueue_indirect_dma source(%dma_start3A_220 : memref<10000x128xf32, #tpu.memory_space<hbm>>) target(%arg9 : memref<128x128xf32, #tpu.memory_space<vmem>>) offsets(%dma_start3A_217 : memref<128xi32, #tpu.memory_space<vmem>>) semaphore(%arg11 : memref<!tpu.dma_semaphore, #tpu.memory_space<semaphore_mem>>)
      %dma_wait3A_221 = arith.constant 0 : i32
      %dma_wait3A_222 = tpu.memref_slice %arg6[%mul3A_212, %dma_wait3A_221] : memref<40x128xi32, #tpu.memory_space<vmem>> -> memref<1x128xi32, #tpu.memory_space<vmem>>
      %dma_wait3A_223 = tpu.memref_squeeze %dma_wait3A_222 : memref<1x128xi32, #tpu.memory_space<vmem>> -> memref<128xi32, #tpu.memory_space<vmem>>
      %dma_wait3A_224 = arith.constant 0 : i32
      %dma_wait3A_225 = arith.constant 0 : i32
      %dma_wait3A_226 = tpu.memref_slice %arg2[%dma_wait3A_224, %dma_wait3A_225] : memref<10000x128xf32, #tpu.memory_space<hbm>> -> memref<10000x128xf32, #tpu.memory_space<hbm>>
      tpu.wait_indirect_dma semaphore(%arg10 : memref<!tpu.dma_semaphore, #tpu.memory_space<semaphore_mem>>) src(%dma_wait3A_226 : memref<10000x128xf32, #tpu.memory_space<hbm>>) dst(%arg8 : memref<128x128xf32, #tpu.memory_space<vmem>>)
      "tpu.region"() ({
        %run_scoped3A = tpu.sem_alloc : memref<!tpu.dma_semaphore, #tpu.memory_space<semaphore_mem>>
        %dma_start3A_239 = arith.constant 0 : i32
        %dma_start3A_240 = tpu.memref_slice %arg7[%mul3A_212, %dma_start3A_239] : memref<40x128xi32, #tpu.memory_space<vmem>> -> memref<1x128xi32, #tpu.memory_space<vmem>>
        %dma_start3A_241 = tpu.memref_squeeze %dma_start3A_240 : memref<1x128xi32, #tpu.memory_space<vmem>> -> memref<128xi32, #tpu.memory_space<vmem>>
        %dma_start3A_242 = arith.constant 0 : i32
        %dma_start3A_243 = arith.constant 0 : i32
        %dma_start3A_244 = tpu.memref_slice %arg15[%dma_start3A_242, %dma_start3A_243] : memref<10240x128xf32, #tpu.memory_space<vmem_shared>> -> memref<10240x128xf32, #tpu.memory_space<vmem_shared>>
        tpu.enqueue_indirect_dma source(%arg8 : memref<128x128xf32, #tpu.memory_space<vmem>>) target(%dma_start3A_244 : memref<10240x128xf32, #tpu.memory_space<vmem_shared>>) offsets(%dma_start3A_241 : memref<128xi32, #tpu.memory_space<vmem>>) semaphore(%run_scoped3A : memref<!tpu.dma_semaphore, #tpu.memory_space<semaphore_mem>>) {add = true}
        %dma_wait3A_245 = arith.constant 0 : i32
        %dma_wait3A_246 = tpu.memref_slice %arg7[%mul3A_212, %dma_wait3A_245] : memref<40x128xi32, #tpu.memory_space<vmem>> -> memref<1x128xi32, #tpu.memory_space<vmem>>
        %dma_wait3A_247 = tpu.memref_squeeze %dma_wait3A_246 : memref<1x128xi32, #tpu.memory_space<vmem>> -> memref<128xi32, #tpu.memory_space<vmem>>
        %dma_wait3A_248 = arith.constant 0 : i32
        %dma_wait3A_249 = arith.constant 0 : i32
        %dma_wait3A_250 = tpu.memref_slice %arg15[%dma_wait3A_248, %dma_wait3A_249] : memref<10240x128xf32, #tpu.memory_space<vmem_shared>> -> memref<10240x128xf32, #tpu.memory_space<vmem_shared>>
        tpu.wait_indirect_dma semaphore(%run_scoped3A : memref<!tpu.dma_semaphore, #tpu.memory_space<semaphore_mem>>) src(%arg8 : memref<128x128xf32, #tpu.memory_space<vmem>>) dst(%dma_wait3A_250 : memref<10240x128xf32, #tpu.memory_space<vmem_shared>>)
        tpu.yield
      }) : () -> ()
      %lt3A = arith.constant 19 : i32
      %lt3A_227 = arith.cmpi slt, %scan3A_210, %lt3A : i32
      %convert_element_type3A = arith.extui %lt3A_227 : i1 to i32
      %cond3A = arith.constant 0 : i32
      %cond3A_228 = arith.cmpi ne, %convert_element_type3A, %cond3A : i32
      scf.if %cond3A_228 {
        %add3A_239 = arith.constant 2 : i32
        %add3A_240 = arith.addi %mul3A_212, %add3A_239 : i32
        %dma_start3A_241 = arith.constant 0 : i32
        %dma_start3A_242 = tpu.memref_slice %arg6[%add3A_240, %dma_start3A_241] : memref<40x128xi32, #tpu.memory_space<vmem>> -> memref<1x128xi32, #tpu.memory_space<vmem>>
        %dma_start3A_243 = tpu.memref_squeeze %dma_start3A_242 : memref<1x128xi32, #tpu.memory_space<vmem>> -> memref<128xi32, #tpu.memory_space<vmem>>
        %dma_start3A_244 = arith.constant 0 : i32
        %dma_start3A_245 = arith.constant 0 : i32
        %dma_start3A_246 = tpu.memref_slice %arg2[%dma_start3A_244, %dma_start3A_245] : memref<10000x128xf32, #tpu.memory_space<hbm>> -> memref<10000x128xf32, #tpu.memory_space<hbm>>
        tpu.enqueue_indirect_dma source(%dma_start3A_246 : memref<10000x128xf32, #tpu.memory_space<hbm>>) target(%arg8 : memref<128x128xf32, #tpu.memory_space<vmem>>) offsets(%dma_start3A_243 : memref<128xi32, #tpu.memory_space<vmem>>) semaphore(%arg10 : memref<!tpu.dma_semaphore, #tpu.memory_space<semaphore_mem>>)
      } else {
      }
      %add3A_229 = arith.constant 1 : i32
      %add3A_230 = arith.addi %mul3A_212, %add3A_229 : i32
      %dma_wait3A_231 = arith.constant 0 : i32
      %dma_wait3A_232 = tpu.memref_slice %arg6[%add3A_230, %dma_wait3A_231] : memref<40x128xi32, #tpu.memory_space<vmem>> -> memref<1x128xi32, #tpu.memory_space<vmem>>
      %dma_wait3A_233 = tpu.memref_squeeze %dma_wait3A_232 : memref<1x128xi32, #tpu.memory_space<vmem>> -> memref<128xi32, #tpu.memory_space<vmem>>
      %dma_wait3A_234 = arith.constant 0 : i32
      %dma_wait3A_235 = arith.constant 0 : i32
      %dma_wait3A_236 = tpu.memref_slice %arg2[%dma_wait3A_234, %dma_wait3A_235] : memref<10000x128xf32, #tpu.memory_space<hbm>> -> memref<10000x128xf32, #tpu.memory_space<hbm>>
      tpu.wait_indirect_dma semaphore(%arg11 : memref<!tpu.dma_semaphore, #tpu.memory_space<semaphore_mem>>) src(%dma_wait3A_236 : memref<10000x128xf32, #tpu.memory_space<hbm>>) dst(%arg9 : memref<128x128xf32, #tpu.memory_space<vmem>>)
      %add3A_237 = arith.constant 1 : i32
      %add3A_238 = arith.addi %mul3A_212, %add3A_237 : i32
      "tpu.region"() ({
        %run_scoped3A = tpu.sem_alloc : memref<!tpu.dma_semaphore, #tpu.memory_space<semaphore_mem>>
        %dma_start3A_239 = arith.constant 0 : i32
        %dma_start3A_240 = tpu.memref_slice %arg7[%add3A_238, %dma_start3A_239] : memref<40x128xi32, #tpu.memory_space<vmem>> -> memref<1x128xi32, #tpu.memory_space<vmem>>
        %dma_start3A_241 = tpu.memref_squeeze %dma_start3A_240 : memref<1x128xi32, #tpu.memory_space<vmem>> -> memref<128xi32, #tpu.memory_space<vmem>>
        %dma_start3A_242 = arith.constant 0 : i32
        %dma_start3A_243 = arith.constant 0 : i32
        %dma_start3A_244 = tpu.memref_slice %arg15[%dma_start3A_242, %dma_start3A_243] : memref<10240x128xf32, #tpu.memory_space<vmem_shared>> -> memref<10240x128xf32, #tpu.memory_space<vmem_shared>>
        tpu.enqueue_indirect_dma source(%arg9 : memref<128x128xf32, #tpu.memory_space<vmem>>) target(%dma_start3A_244 : memref<10240x128xf32, #tpu.memory_space<vmem_shared>>) offsets(%dma_start3A_241 : memref<128xi32, #tpu.memory_space<vmem>>) semaphore(%run_scoped3A : memref<!tpu.dma_semaphore, #tpu.memory_space<semaphore_mem>>) {add = true}
        %dma_wait3A_245 = arith.constant 0 : i32
        %dma_wait3A_246 = tpu.memref_slice %arg7[%add3A_238, %dma_wait3A_245] : memref<40x128xi32, #tpu.memory_space<vmem>> -> memref<1x128xi32, #tpu.memory_space<vmem>>
        %dma_wait3A_247 = tpu.memref_squeeze %dma_wait3A_246 : memref<1x128xi32, #tpu.memory_space<vmem>> -> memref<128xi32, #tpu.memory_space<vmem>>
        %dma_wait3A_248 = arith.constant 0 : i32
        %dma_wait3A_249 = arith.constant 0 : i32
        %dma_wait3A_250 = tpu.memref_slice %arg15[%dma_wait3A_248, %dma_wait3A_249] : memref<10240x128xf32, #tpu.memory_space<vmem_shared>> -> memref<10240x128xf32, #tpu.memory_space<vmem_shared>>
        tpu.wait_indirect_dma semaphore(%run_scoped3A : memref<!tpu.dma_semaphore, #tpu.memory_space<semaphore_mem>>) src(%arg9 : memref<128x128xf32, #tpu.memory_space<vmem>>) dst(%dma_wait3A_250 : memref<10240x128xf32, #tpu.memory_space<vmem_shared>>)
        tpu.yield
      }) : () -> ()
    }
    %scan3A_118 = arith.constant 20 : i32
    %barrier3A_119 = arith.constant 0 : index
    tpu.barrier barrier_id(%barrier3A_119)
    %mul3A_120 = arith.constant 640 : i32
    %mul3A_121 = arith.muli %arg1, %mul3A_120 : i32
    %add3A_122 = arith.constant 0 : i32
    %add3A_123 = arith.addi %mul3A_121, %add3A_122 : i32
    %dma_start3A_124 = arith.constant 0 : i32
    %dma_start3A_125 = tpu.memref_slice %arg5[%arg0, %add3A_123, %dma_start3A_124] : memref<2x10240x128xf32, #tpu.memory_space<hbm>> -> memref<1x128x128xf32, #tpu.memory_space<hbm>>
    %dma_start3A_126 = tpu.memref_squeeze %dma_start3A_125 : memref<1x128x128xf32, #tpu.memory_space<hbm>> -> memref<128x128xf32, #tpu.memory_space<hbm>>
    %dma_start3A_127 = arith.constant 0 : i32
    %dma_start3A_128 = tpu.memref_slice %arg15[%add3A_123, %dma_start3A_127] : memref<10240x128xf32, #tpu.memory_space<vmem_shared>> -> memref<128x128xf32, #tpu.memory_space<vmem_shared>>
    tpu.enqueue_dma source(%dma_start3A_128 : memref<128x128xf32, #tpu.memory_space<vmem_shared>>) target(%dma_start3A_126 : memref<128x128xf32, #tpu.memory_space<hbm>>) target_semaphore(%arg14 : memref<!tpu.dma_semaphore, #tpu.memory_space<semaphore_mem>>)
    %mul3A_129 = arith.constant 640 : i32
    %mul3A_130 = arith.muli %arg1, %mul3A_129 : i32
    %add3A_131 = arith.constant 128 : i32
    %add3A_132 = arith.addi %mul3A_130, %add3A_131 : i32
    %dma_start3A_133 = arith.constant 0 : i32
    %dma_start3A_134 = tpu.memref_slice %arg5[%arg0, %add3A_132, %dma_start3A_133] : memref<2x10240x128xf32, #tpu.memory_space<hbm>> -> memref<1x128x128xf32, #tpu.memory_space<hbm>>
    %dma_start3A_135 = tpu.memref_squeeze %dma_start3A_134 : memref<1x128x128xf32, #tpu.memory_space<hbm>> -> memref<128x128xf32, #tpu.memory_space<hbm>>
    %dma_start3A_136 = arith.constant 0 : i32
    %dma_start3A_137 = tpu.memref_slice %arg15[%add3A_132, %dma_start3A_136] : memref<10240x128xf32, #tpu.memory_space<vmem_shared>> -> memref<128x128xf32, #tpu.memory_space<vmem_shared>>
    tpu.enqueue_dma source(%dma_start3A_137 : memref<128x128xf32, #tpu.memory_space<vmem_shared>>) target(%dma_start3A_135 : memref<128x128xf32, #tpu.memory_space<hbm>>) target_semaphore(%arg14 : memref<!tpu.dma_semaphore, #tpu.memory_space<semaphore_mem>>)
    %mul3A_138 = arith.constant 640 : i32
    %mul3A_139 = arith.muli %arg1, %mul3A_138 : i32
    %add3A_140 = arith.constant 256 : i32
    %add3A_141 = arith.addi %mul3A_139, %add3A_140 : i32
    %dma_start3A_142 = arith.constant 0 : i32
    %dma_start3A_143 = tpu.memref_slice %arg5[%arg0, %add3A_141, %dma_start3A_142] : memref<2x10240x128xf32, #tpu.memory_space<hbm>> -> memref<1x128x128xf32, #tpu.memory_space<hbm>>
    %dma_start3A_144 = tpu.memref_squeeze %dma_start3A_143 : memref<1x128x128xf32, #tpu.memory_space<hbm>> -> memref<128x128xf32, #tpu.memory_space<hbm>>
    %dma_start3A_145 = arith.constant 0 : i32
    %dma_start3A_146 = tpu.memref_slice %arg15[%add3A_141, %dma_start3A_145] : memref<10240x128xf32, #tpu.memory_space<vmem_shared>> -> memref<128x128xf32, #tpu.memory_space<vmem_shared>>
    tpu.enqueue_dma source(%dma_start3A_146 : memref<128x128xf32, #tpu.memory_space<vmem_shared>>) target(%dma_start3A_144 : memref<128x128xf32, #tpu.memory_space<hbm>>) target_semaphore(%arg14 : memref<!tpu.dma_semaphore, #tpu.memory_space<semaphore_mem>>)
    %mul3A_147 = arith.constant 640 : i32
    %mul3A_148 = arith.muli %arg1, %mul3A_147 : i32
    %add3A_149 = arith.constant 384 : i32
    %add3A_150 = arith.addi %mul3A_148, %add3A_149 : i32
    %dma_start3A_151 = arith.constant 0 : i32
    %dma_start3A_152 = tpu.memref_slice %arg5[%arg0, %add3A_150, %dma_start3A_151] : memref<2x10240x128xf32, #tpu.memory_space<hbm>> -> memref<1x128x128xf32, #tpu.memory_space<hbm>>
    %dma_start3A_153 = tpu.memref_squeeze %dma_start3A_152 : memref<1x128x128xf32, #tpu.memory_space<hbm>> -> memref<128x128xf32, #tpu.memory_space<hbm>>
    %dma_start3A_154 = arith.constant 0 : i32
    %dma_start3A_155 = tpu.memref_slice %arg15[%add3A_150, %dma_start3A_154] : memref<10240x128xf32, #tpu.memory_space<vmem_shared>> -> memref<128x128xf32, #tpu.memory_space<vmem_shared>>
    tpu.enqueue_dma source(%dma_start3A_155 : memref<128x128xf32, #tpu.memory_space<vmem_shared>>) target(%dma_start3A_153 : memref<128x128xf32, #tpu.memory_space<hbm>>) target_semaphore(%arg14 : memref<!tpu.dma_semaphore, #tpu.memory_space<semaphore_mem>>)
    %mul3A_156 = arith.constant 640 : i32
    %mul3A_157 = arith.muli %arg1, %mul3A_156 : i32
    %add3A_158 = arith.constant 512 : i32
    %add3A_159 = arith.addi %mul3A_157, %add3A_158 : i32
    %dma_start3A_160 = arith.constant 0 : i32
    %dma_start3A_161 = tpu.memref_slice %arg5[%arg0, %add3A_159, %dma_start3A_160] : memref<2x10240x128xf32, #tpu.memory_space<hbm>> -> memref<1x128x128xf32, #tpu.memory_space<hbm>>
    %dma_start3A_162 = tpu.memref_squeeze %dma_start3A_161 : memref<1x128x128xf32, #tpu.memory_space<hbm>> -> memref<128x128xf32, #tpu.memory_space<hbm>>
    %dma_start3A_163 = arith.constant 0 : i32
    %dma_start3A_164 = tpu.memref_slice %arg15[%add3A_159, %dma_start3A_163] : memref<10240x128xf32, #tpu.memory_space<vmem_shared>> -> memref<128x128xf32, #tpu.memory_space<vmem_shared>>
    tpu.enqueue_dma source(%dma_start3A_164 : memref<128x128xf32, #tpu.memory_space<vmem_shared>>) target(%dma_start3A_162 : memref<128x128xf32, #tpu.memory_space<hbm>>) target_semaphore(%arg14 : memref<!tpu.dma_semaphore, #tpu.memory_space<semaphore_mem>>)
    %mul3A_165 = arith.constant 640 : i32
    %mul3A_166 = arith.muli %arg1, %mul3A_165 : i32
    %mul3A_167 = arith.constant 640 : i32
    %mul3A_168 = arith.muli %arg1, %mul3A_167 : i32
    %dma_wait3A_169 = arith.constant 0 : i32
    %dma_wait3A_170 = tpu.memref_slice %arg5[%arg0, %mul3A_168, %dma_wait3A_169] : memref<2x10240x128xf32, #tpu.memory_space<hbm>> -> memref<1x128x128xf32, #tpu.memory_space<hbm>>
    %dma_wait3A_171 = tpu.memref_squeeze %dma_wait3A_170 : memref<1x128x128xf32, #tpu.memory_space<hbm>> -> memref<128x128xf32, #tpu.memory_space<hbm>>
    %dma_wait3A_172 = arith.constant 0 : i32
    %dma_wait3A_173 = tpu.memref_slice %arg15[%mul3A_166, %dma_wait3A_172] : memref<10240x128xf32, #tpu.memory_space<vmem_shared>> -> memref<128x128xf32, #tpu.memory_space<vmem_shared>>
    tpu.wait_dma2 semaphore(%arg14 : memref<!tpu.dma_semaphore, #tpu.memory_space<semaphore_mem>>) src(%dma_wait3A_173 : memref<128x128xf32, #tpu.memory_space<vmem_shared>>) dst(%dma_wait3A_171 : memref<128x128xf32, #tpu.memory_space<hbm>>)
    %mul3A_174 = arith.constant 640 : i32
    %mul3A_175 = arith.muli %arg1, %mul3A_174 : i32
    %mul3A_176 = arith.constant 640 : i32
    %mul3A_177 = arith.muli %arg1, %mul3A_176 : i32
    %dma_wait3A_178 = arith.constant 0 : i32
    %dma_wait3A_179 = tpu.memref_slice %arg5[%arg0, %mul3A_177, %dma_wait3A_178] : memref<2x10240x128xf32, #tpu.memory_space<hbm>> -> memref<1x128x128xf32, #tpu.memory_space<hbm>>
    %dma_wait3A_180 = tpu.memref_squeeze %dma_wait3A_179 : memref<1x128x128xf32, #tpu.memory_space<hbm>> -> memref<128x128xf32, #tpu.memory_space<hbm>>
    %dma_wait3A_181 = arith.constant 0 : i32
    %dma_wait3A_182 = tpu.memref_slice %arg15[%mul3A_175, %dma_wait3A_181] : memref<10240x128xf32, #tpu.memory_space<vmem_shared>> -> memref<128x128xf32, #tpu.memory_space<vmem_shared>>
    tpu.wait_dma2 semaphore(%arg14 : memref<!tpu.dma_semaphore, #tpu.memory_space<semaphore_mem>>) src(%dma_wait3A_182 : memref<128x128xf32, #tpu.memory_space<vmem_shared>>) dst(%dma_wait3A_180 : memref<128x128xf32, #tpu.memory_space<hbm>>)
    %mul3A_183 = arith.constant 640 : i32
    %mul3A_184 = arith.muli %arg1, %mul3A_183 : i32
    %mul3A_185 = arith.constant 640 : i32
    %mul3A_186 = arith.muli %arg1, %mul3A_185 : i32
    %dma_wait3A_187 = arith.constant 0 : i32
    %dma_wait3A_188 = tpu.memref_slice %arg5[%arg0, %mul3A_186, %dma_wait3A_187] : memref<2x10240x128xf32, #tpu.memory_space<hbm>> -> memref<1x128x128xf32, #tpu.memory_space<hbm>>
    %dma_wait3A_189 = tpu.memref_squeeze %dma_wait3A_188 : memref<1x128x128xf32, #tpu.memory_space<hbm>> -> memref<128x128xf32, #tpu.memory_space<hbm>>
    %dma_wait3A_190 = arith.constant 0 : i32
    %dma_wait3A_191 = tpu.memref_slice %arg15[%mul3A_184, %dma_wait3A_190] : memref<10240x128xf32, #tpu.memory_space<vmem_shared>> -> memref<128x128xf32, #tpu.memory_space<vmem_shared>>
    tpu.wait_dma2 semaphore(%arg14 : memref<!tpu.dma_semaphore, #tpu.memory_space<semaphore_mem>>) src(%dma_wait3A_191 : memref<128x128xf32, #tpu.memory_space<vmem_shared>>) dst(%dma_wait3A_189 : memref<128x128xf32, #tpu.memory_space<hbm>>)
    %mul3A_192 = arith.constant 640 : i32
    %mul3A_193 = arith.muli %arg1, %mul3A_192 : i32
    %mul3A_194 = arith.constant 640 : i32
    %mul3A_195 = arith.muli %arg1, %mul3A_194 : i32
    %dma_wait3A_196 = arith.constant 0 : i32
    %dma_wait3A_197 = tpu.memref_slice %arg5[%arg0, %mul3A_195, %dma_wait3A_196] : memref<2x10240x128xf32, #tpu.memory_space<hbm>> -> memref<1x128x128xf32, #tpu.memory_space<hbm>>
    %dma_wait3A_198 = tpu.memref_squeeze %dma_wait3A_197 : memref<1x128x128xf32, #tpu.memory_space<hbm>> -> memref<128x128xf32, #tpu.memory_space<hbm>>
    %dma_wait3A_199 = arith.constant 0 : i32
    %dma_wait3A_200 = tpu.memref_slice %arg15[%mul3A_193, %dma_wait3A_199] : memref<10240x128xf32, #tpu.memory_space<vmem_shared>> -> memref<128x128xf32, #tpu.memory_space<vmem_shared>>
    tpu.wait_dma2 semaphore(%arg14 : memref<!tpu.dma_semaphore, #tpu.memory_space<semaphore_mem>>) src(%dma_wait3A_200 : memref<128x128xf32, #tpu.memory_space<vmem_shared>>) dst(%dma_wait3A_198 : memref<128x128xf32, #tpu.memory_space<hbm>>)
    %mul3A_201 = arith.constant 640 : i32
    %mul3A_202 = arith.muli %arg1, %mul3A_201 : i32
    %mul3A_203 = arith.constant 640 : i32
    %mul3A_204 = arith.muli %arg1, %mul3A_203 : i32
    %dma_wait3A_205 = arith.constant 0 : i32
    %dma_wait3A_206 = tpu.memref_slice %arg5[%arg0, %mul3A_204, %dma_wait3A_205] : memref<2x10240x128xf32, #tpu.memory_space<hbm>> -> memref<1x128x128xf32, #tpu.memory_space<hbm>>
    %dma_wait3A_207 = tpu.memref_squeeze %dma_wait3A_206 : memref<1x128x128xf32, #tpu.memory_space<hbm>> -> memref<128x128xf32, #tpu.memory_space<hbm>>
    %dma_wait3A_208 = arith.constant 0 : i32
    %dma_wait3A_209 = tpu.memref_slice %arg15[%mul3A_202, %dma_wait3A_208] : memref<10240x128xf32, #tpu.memory_space<vmem_shared>> -> memref<128x128xf32, #tpu.memory_space<vmem_shared>>
    tpu.wait_dma2 semaphore(%arg14 : memref<!tpu.dma_semaphore, #tpu.memory_space<semaphore_mem>>) src(%dma_wait3A_209 : memref<128x128xf32, #tpu.memory_space<vmem_shared>>) dst(%dma_wait3A_207 : memref<128x128xf32, #tpu.memory_space<hbm>>)
    return
  }
}

#map = affine_map<(d0, d1) -> (0)>
#map1 = affine_map<(d0, d1) -> (0, 0, 0)>
#map2 = affine_map<(d0, d1) -> (0, 0)>
module attributes {stable_mosaic.version = 14 : i64} {
  func.func @_sc_line1(%arg0: i32, %arg1: i32, %arg2: memref<10000xf32, #tpu.memory_space<hbm>>, %arg3: memref<10000xf32, #tpu.memory_space<hbm>>, %arg4: memref<10000xf32, #tpu.memory_space<hbm>>, %arg5: memref<32x40x128xi32, #tpu.memory_space<hbm>>, %arg6: memref<32x40x128xi32, #tpu.memory_space<hbm>>, %arg7: memref<2x10240xf32, #tpu.memory_space<hbm>>, %arg8: memref<40x128xi32, #tpu.memory_space<vmem>>, %arg9: memref<40x128xi32, #tpu.memory_space<vmem>>, %arg10: memref<10240xf32, #tpu.memory_space<vmem>>, %arg11: memref<10240xf32, #tpu.memory_space<vmem>>, %arg12: memref<10240xf32, #tpu.memory_space<vmem>>, %arg13: memref<40x128xf32, #tpu.memory_space<vmem>>, %arg14: memref<640xf32, #tpu.memory_space<vmem>>, %arg15: memref<!tpu.dma_semaphore, #tpu.memory_space<semaphore_mem>>, %arg16: memref<!tpu.dma_semaphore, #tpu.memory_space<semaphore_mem>>, %arg17: memref<10240xf32, #tpu.memory_space<vmem_shared>>) attributes {dimension_semantics = [#tpu.dimension_semantics<core_parallel>, #tpu.dimension_semantics<subcore_parallel>], iteration_bounds = array<i64: 2, 16>, scalar_prefetch = 0 : i64, scratch_operands = 10 : i64, tpu.core_type = #tpu.core_type<sc_vector_subcore>, window_params = [{transform_indices = #map}, {transform_indices = #map}, {transform_indices = #map}, {transform_indices = #map1}, {transform_indices = #map1}, {transform_indices = #map2}]} {
    %mul3A = arith.constant 16 : i32
    %mul3A_0 = arith.muli %arg0, %mul3A : i32
    %add3A = arith.addi %mul3A_0, %arg1 : i32
    %dma_start3A = arith.constant 0 : i32
    %dma_start3A_1 = arith.constant 0 : i32
    %dma_start3A_2 = tpu.memref_slice %arg5[%add3A, %dma_start3A, %dma_start3A_1] : memref<32x40x128xi32, #tpu.memory_space<hbm>> -> memref<1x40x128xi32, #tpu.memory_space<hbm>>
    %dma_start3A_3 = tpu.memref_squeeze %dma_start3A_2 : memref<1x40x128xi32, #tpu.memory_space<hbm>> -> memref<40x128xi32, #tpu.memory_space<hbm>>
    %dma_start3A_4 = arith.constant 0 : i32
    %dma_start3A_5 = arith.constant 0 : i32
    %dma_start3A_6 = tpu.memref_slice %arg5[%add3A, %dma_start3A_4, %dma_start3A_5] : memref<32x40x128xi32, #tpu.memory_space<hbm>> -> memref<1x40x128xi32, #tpu.memory_space<hbm>>
    %dma_start3A_7 = tpu.memref_squeeze %dma_start3A_6 : memref<1x40x128xi32, #tpu.memory_space<hbm>> -> memref<40x128xi32, #tpu.memory_space<hbm>>
    tpu.enqueue_dma source(%dma_start3A_7 : memref<40x128xi32, #tpu.memory_space<hbm>>) target(%arg8 : memref<40x128xi32, #tpu.memory_space<vmem>>) target_semaphore(%arg15 : memref<!tpu.dma_semaphore, #tpu.memory_space<semaphore_mem>>)
    %dma_start3A_8 = arith.constant 0 : i32
    %dma_start3A_9 = arith.constant 0 : i32
    %dma_start3A_10 = tpu.memref_slice %arg6[%add3A, %dma_start3A_8, %dma_start3A_9] : memref<32x40x128xi32, #tpu.memory_space<hbm>> -> memref<1x40x128xi32, #tpu.memory_space<hbm>>
    %dma_start3A_11 = tpu.memref_squeeze %dma_start3A_10 : memref<1x40x128xi32, #tpu.memory_space<hbm>> -> memref<40x128xi32, #tpu.memory_space<hbm>>
    %dma_start3A_12 = arith.constant 0 : i32
    %dma_start3A_13 = arith.constant 0 : i32
    %dma_start3A_14 = tpu.memref_slice %arg6[%add3A, %dma_start3A_12, %dma_start3A_13] : memref<32x40x128xi32, #tpu.memory_space<hbm>> -> memref<1x40x128xi32, #tpu.memory_space<hbm>>
    %dma_start3A_15 = tpu.memref_squeeze %dma_start3A_14 : memref<1x40x128xi32, #tpu.memory_space<hbm>> -> memref<40x128xi32, #tpu.memory_space<hbm>>
    tpu.enqueue_dma source(%dma_start3A_15 : memref<40x128xi32, #tpu.memory_space<hbm>>) target(%arg9 : memref<40x128xi32, #tpu.memory_space<vmem>>) target_semaphore(%arg15 : memref<!tpu.dma_semaphore, #tpu.memory_space<semaphore_mem>>)
    %dma_start3A_16 = arith.constant 0 : i32
    %dma_start3A_17 = tpu.memref_slice %arg10[%dma_start3A_16] : memref<10240xf32, #tpu.memory_space<vmem>> -> memref<10000xf32, #tpu.memory_space<vmem>>
    %dma_start3A_18 = arith.constant 0 : i32
    %dma_start3A_19 = tpu.memref_slice %arg10[%dma_start3A_18] : memref<10240xf32, #tpu.memory_space<vmem>> -> memref<10000xf32, #tpu.memory_space<vmem>>
    tpu.enqueue_dma source(%arg2 : memref<10000xf32, #tpu.memory_space<hbm>>) target(%dma_start3A_19 : memref<10000xf32, #tpu.memory_space<vmem>>) target_semaphore(%arg15 : memref<!tpu.dma_semaphore, #tpu.memory_space<semaphore_mem>>)
    %dma_start3A_20 = arith.constant 0 : i32
    %dma_start3A_21 = tpu.memref_slice %arg11[%dma_start3A_20] : memref<10240xf32, #tpu.memory_space<vmem>> -> memref<10000xf32, #tpu.memory_space<vmem>>
    %dma_start3A_22 = arith.constant 0 : i32
    %dma_start3A_23 = tpu.memref_slice %arg11[%dma_start3A_22] : memref<10240xf32, #tpu.memory_space<vmem>> -> memref<10000xf32, #tpu.memory_space<vmem>>
    tpu.enqueue_dma source(%arg3 : memref<10000xf32, #tpu.memory_space<hbm>>) target(%dma_start3A_23 : memref<10000xf32, #tpu.memory_space<vmem>>) target_semaphore(%arg15 : memref<!tpu.dma_semaphore, #tpu.memory_space<semaphore_mem>>)
    %dma_start3A_24 = arith.constant 0 : i32
    %dma_start3A_25 = tpu.memref_slice %arg12[%dma_start3A_24] : memref<10240xf32, #tpu.memory_space<vmem>> -> memref<10000xf32, #tpu.memory_space<vmem>>
    %dma_start3A_26 = arith.constant 0 : i32
    %dma_start3A_27 = tpu.memref_slice %arg12[%dma_start3A_26] : memref<10240xf32, #tpu.memory_space<vmem>> -> memref<10000xf32, #tpu.memory_space<vmem>>
    tpu.enqueue_dma source(%arg4 : memref<10000xf32, #tpu.memory_space<hbm>>) target(%dma_start3A_27 : memref<10000xf32, #tpu.memory_space<vmem>>) target_semaphore(%arg15 : memref<!tpu.dma_semaphore, #tpu.memory_space<semaphore_mem>>)
    %scan3A = arith.constant 0 : i32
    %scan3A_28 = arith.constant 0 : i32
    %scan3A_29 = arith.constant 40 : i32
    %scan3A_30 = arith.addi %scan3A_28, %scan3A_29 : i32
    %scan3A_31 = arith.constant 1 : i32
    scf.for %scan3A_85 = %scan3A_28 to %scan3A_30 step %scan3A_31  : i32 {
      %broadcast_in_dim3A = arith.constant 0.000000e+00 : f32
      %broadcast_in_dim3A_86 = vector.broadcast %broadcast_in_dim3A : f32 to vector<16xf32>
      %mul3A_87 = arith.constant 16 : i32
      %mul3A_88 = arith.muli %scan3A_85, %mul3A_87 : i32
      %swap3A = arith.index_cast %mul3A_88 : i32 to index
      %swap3A_89 = tpu.vector_load %arg14[%swap3A] {strides = array<i32>} : memref<640xf32, #tpu.memory_space<vmem>>, vector<16xf32>,
      tpu.vector_store %arg14[%swap3A], %broadcast_in_dim3A_86 {strides = array<i32>} : memref<640xf32, #tpu.memory_space<vmem>>, vector<16xf32>,
    }
    %scan3A_32 = arith.constant 40 : i32
    %mul3A_33 = arith.constant 640 : i32
    %mul3A_34 = arith.muli %arg1, %mul3A_33 : i32
    "tpu.region"() ({
      %run_scoped3A = tpu.sem_alloc : memref<!tpu.dma_semaphore, #tpu.memory_space<semaphore_mem>>
      %dma_start3A_85 = tpu.memref_slice %arg17[%mul3A_34] : memref<10240xf32, #tpu.memory_space<vmem_shared>> -> memref<640xf32, #tpu.memory_space<vmem_shared>>
      %dma_start3A_86 = tpu.memref_slice %arg17[%mul3A_34] : memref<10240xf32, #tpu.memory_space<vmem_shared>> -> memref<640xf32, #tpu.memory_space<vmem_shared>>
      tpu.enqueue_dma source(%arg14 : memref<640xf32, #tpu.memory_space<vmem>>) target(%dma_start3A_86 : memref<640xf32, #tpu.memory_space<vmem_shared>>) target_semaphore(%run_scoped3A : memref<!tpu.dma_semaphore, #tpu.memory_space<semaphore_mem>>)
      %dma_wait3A_87 = tpu.memref_slice %arg17[%mul3A_34] : memref<10240xf32, #tpu.memory_space<vmem_shared>> -> memref<640xf32, #tpu.memory_space<vmem_shared>>
      %dma_wait3A_88 = tpu.memref_slice %arg17[%mul3A_34] : memref<10240xf32, #tpu.memory_space<vmem_shared>> -> memref<640xf32, #tpu.memory_space<vmem_shared>>
      tpu.wait_dma2 semaphore(%run_scoped3A : memref<!tpu.dma_semaphore, #tpu.memory_space<semaphore_mem>>) src(%arg14 : memref<640xf32, #tpu.memory_space<vmem>>) dst(%dma_wait3A_88 : memref<640xf32, #tpu.memory_space<vmem_shared>>)
      tpu.yield
    }) : () -> ()
    %scan3A_35 = arith.constant 0 : i32
    %scan3A_36 = arith.constant 0 : i32
    %scan3A_37 = arith.constant 15 : i32
    %scan3A_38 = arith.addi %scan3A_36, %scan3A_37 : i32
    %scan3A_39 = arith.constant 1 : i32
    scf.for %scan3A_85 = %scan3A_36 to %scan3A_38 step %scan3A_39  : i32 {
      %broadcast_in_dim3A = arith.constant 0.000000e+00 : f32
      %broadcast_in_dim3A_86 = vector.broadcast %broadcast_in_dim3A : f32 to vector<16xf32>
      %mul3A_87 = arith.constant 16 : i32
      %mul3A_88 = arith.muli %scan3A_85, %mul3A_87 : i32
      %add3A_89 = arith.constant 10000 : i32
      %add3A_90 = arith.addi %add3A_89, %mul3A_88 : i32
      %swap3A = arith.index_cast %add3A_90 : i32 to index
      %swap3A_91 = tpu.vector_load %arg11[%swap3A] {strides = array<i32>} : memref<10240xf32, #tpu.memory_space<vmem>>, vector<16xf32>,
      tpu.vector_store %arg11[%swap3A], %broadcast_in_dim3A_86 {strides = array<i32>} : memref<10240xf32, #tpu.memory_space<vmem>>, vector<16xf32>,
    }
    %scan3A_40 = arith.constant 15 : i32
    %dma_wait3A = arith.constant 0 : i32
    %dma_wait3A_41 = arith.constant 0 : i32
    %dma_wait3A_42 = tpu.memref_slice %arg5[%add3A, %dma_wait3A, %dma_wait3A_41] : memref<32x40x128xi32, #tpu.memory_space<hbm>> -> memref<1x40x128xi32, #tpu.memory_space<hbm>>
    %dma_wait3A_43 = tpu.memref_squeeze %dma_wait3A_42 : memref<1x40x128xi32, #tpu.memory_space<hbm>> -> memref<40x128xi32, #tpu.memory_space<hbm>>
    %dma_wait3A_44 = arith.constant 0 : i32
    %dma_wait3A_45 = arith.constant 0 : i32
    %dma_wait3A_46 = tpu.memref_slice %arg5[%add3A, %dma_wait3A_44, %dma_wait3A_45] : memref<32x40x128xi32, #tpu.memory_space<hbm>> -> memref<1x40x128xi32, #tpu.memory_space<hbm>>
    %dma_wait3A_47 = tpu.memref_squeeze %dma_wait3A_46 : memref<1x40x128xi32, #tpu.memory_space<hbm>> -> memref<40x128xi32, #tpu.memory_space<hbm>>
    tpu.wait_dma2 semaphore(%arg15 : memref<!tpu.dma_semaphore, #tpu.memory_space<semaphore_mem>>) src(%dma_wait3A_47 : memref<40x128xi32, #tpu.memory_space<hbm>>) dst(%arg8 : memref<40x128xi32, #tpu.memory_space<vmem>>)
    %dma_wait3A_48 = arith.constant 0 : i32
    %dma_wait3A_49 = arith.constant 0 : i32
    %dma_wait3A_50 = tpu.memref_slice %arg6[%add3A, %dma_wait3A_48, %dma_wait3A_49] : memref<32x40x128xi32, #tpu.memory_space<hbm>> -> memref<1x40x128xi32, #tpu.memory_space<hbm>>
    %dma_wait3A_51 = tpu.memref_squeeze %dma_wait3A_50 : memref<1x40x128xi32, #tpu.memory_space<hbm>> -> memref<40x128xi32, #tpu.memory_space<hbm>>
    %dma_wait3A_52 = arith.constant 0 : i32
    %dma_wait3A_53 = arith.constant 0 : i32
    %dma_wait3A_54 = tpu.memref_slice %arg6[%add3A, %dma_wait3A_52, %dma_wait3A_53] : memref<32x40x128xi32, #tpu.memory_space<hbm>> -> memref<1x40x128xi32, #tpu.memory_space<hbm>>
    %dma_wait3A_55 = tpu.memref_squeeze %dma_wait3A_54 : memref<1x40x128xi32, #tpu.memory_space<hbm>> -> memref<40x128xi32, #tpu.memory_space<hbm>>
    tpu.wait_dma2 semaphore(%arg15 : memref<!tpu.dma_semaphore, #tpu.memory_space<semaphore_mem>>) src(%dma_wait3A_55 : memref<40x128xi32, #tpu.memory_space<hbm>>) dst(%arg9 : memref<40x128xi32, #tpu.memory_space<vmem>>)
    %dma_wait3A_56 = arith.constant 0 : i32
    %dma_wait3A_57 = tpu.memref_slice %arg10[%dma_wait3A_56] : memref<10240xf32, #tpu.memory_space<vmem>> -> memref<10000xf32, #tpu.memory_space<vmem>>
    %dma_wait3A_58 = arith.constant 0 : i32
    %dma_wait3A_59 = tpu.memref_slice %arg10[%dma_wait3A_58] : memref<10240xf32, #tpu.memory_space<vmem>> -> memref<10000xf32, #tpu.memory_space<vmem>>
    tpu.wait_dma2 semaphore(%arg15 : memref<!tpu.dma_semaphore, #tpu.memory_space<semaphore_mem>>) src(%arg2 : memref<10000xf32, #tpu.memory_space<hbm>>) dst(%dma_wait3A_59 : memref<10000xf32, #tpu.memory_space<vmem>>)
    %dma_wait3A_60 = arith.constant 0 : i32
    %dma_wait3A_61 = tpu.memref_slice %arg11[%dma_wait3A_60] : memref<10240xf32, #tpu.memory_space<vmem>> -> memref<10000xf32, #tpu.memory_space<vmem>>
    %dma_wait3A_62 = arith.constant 0 : i32
    %dma_wait3A_63 = tpu.memref_slice %arg11[%dma_wait3A_62] : memref<10240xf32, #tpu.memory_space<vmem>> -> memref<10000xf32, #tpu.memory_space<vmem>>
    tpu.wait_dma2 semaphore(%arg15 : memref<!tpu.dma_semaphore, #tpu.memory_space<semaphore_mem>>) src(%arg3 : memref<10000xf32, #tpu.memory_space<hbm>>) dst(%dma_wait3A_63 : memref<10000xf32, #tpu.memory_space<vmem>>)
    %dma_wait3A_64 = arith.constant 0 : i32
    %dma_wait3A_65 = tpu.memref_slice %arg12[%dma_wait3A_64] : memref<10240xf32, #tpu.memory_space<vmem>> -> memref<10000xf32, #tpu.memory_space<vmem>>
    %dma_wait3A_66 = arith.constant 0 : i32
    %dma_wait3A_67 = tpu.memref_slice %arg12[%dma_wait3A_66] : memref<10240xf32, #tpu.memory_space<vmem>> -> memref<10000xf32, #tpu.memory_space<vmem>>
    tpu.wait_dma2 semaphore(%arg15 : memref<!tpu.dma_semaphore, #tpu.memory_space<semaphore_mem>>) src(%arg4 : memref<10000xf32, #tpu.memory_space<hbm>>) dst(%dma_wait3A_67 : memref<10000xf32, #tpu.memory_space<vmem>>)
    %barrier3A = arith.constant 0 : index
    tpu.barrier barrier_id(%barrier3A)
    %scan3A_68 = arith.constant 0 : i32
    %scan3A_69 = arith.constant 0 : i32
    %scan3A_70 = arith.constant 40 : i32
    %scan3A_71 = arith.addi %scan3A_69, %scan3A_70 : i32
    %scan3A_72 = arith.constant 1 : i32
    scf.for %scan3A_85 = %scan3A_69 to %scan3A_71 step %scan3A_72  : i32 {
      %get3A = arith.index_cast %scan3A_85 : i32 to index
      %get3A_86 = arith.constant 0 : index
      %get3A_87 = tpu.vector_load %arg8[%get3A, %get3A_86] {strides = array<i32>} : memref<40x128xi32, #tpu.memory_space<vmem>>, vector<16xi32>,
      %get3A_88 = arith.index_cast %scan3A_85 : i32 to index
      %get3A_89 = arith.constant 0 : index
      %get3A_90 = tpu.vector_load %arg9[%get3A_88, %get3A_89] {strides = array<i32>} : memref<40x128xi32, #tpu.memory_space<vmem>>, vector<16xi32>,
      %gather3A = tpu.vector_load_idx %arg10[%get3A_87] : memref<10240xf32, #tpu.memory_space<vmem>>[vector<16xi32>], vector<16xf32>,
      %gather3A_91 = tpu.vector_load_idx %arg11[%get3A_90] : memref<10240xf32, #tpu.memory_space<vmem>>[vector<16xi32>], vector<16xf32>,
      %gather3A_92 = tpu.vector_load_idx %arg12[%get3A_87] : memref<10240xf32, #tpu.memory_space<vmem>>[vector<16xi32>], vector<16xf32>,
      %add3A_93 = arith.addf %gather3A, %gather3A_91 : vector<16xf32>
      %mul3A_94 = arith.mulf %gather3A_92, %add3A_93 : vector<16xf32>
      %swap3A = arith.index_cast %scan3A_85 : i32 to index
      %swap3A_95 = arith.constant 0 : index
      %swap3A_96 = tpu.vector_load %arg13[%swap3A, %swap3A_95] {strides = array<i32>} : memref<40x128xf32, #tpu.memory_space<vmem>>, vector<16xf32>,
      tpu.vector_store %arg13[%swap3A, %swap3A_95], %mul3A_94 {strides = array<i32>} : memref<40x128xf32, #tpu.memory_space<vmem>>, vector<16xf32>,
      %get3A_97 = arith.index_cast %scan3A_85 : i32 to index
      %get3A_98 = arith.constant 16 : index
      %get3A_99 = tpu.vector_load %arg8[%get3A_97, %get3A_98] {strides = array<i32>} : memref<40x128xi32, #tpu.memory_space<vmem>>, vector<16xi32>,
      %get3A_100 = arith.index_cast %scan3A_85 : i32 to index
      %get3A_101 = arith.constant 16 : index
      %get3A_102 = tpu.vector_load %arg9[%get3A_100, %get3A_101] {strides = array<i32>} : memref<40x128xi32, #tpu.memory_space<vmem>>, vector<16xi32>,
      %gather3A_103 = tpu.vector_load_idx %arg10[%get3A_99] : memref<10240xf32, #tpu.memory_space<vmem>>[vector<16xi32>], vector<16xf32>,
      %gather3A_104 = tpu.vector_load_idx %arg11[%get3A_102] : memref<10240xf32, #tpu.memory_space<vmem>>[vector<16xi32>], vector<16xf32>,
      %gather3A_105 = tpu.vector_load_idx %arg12[%get3A_99] : memref<10240xf32, #tpu.memory_space<vmem>>[vector<16xi32>], vector<16xf32>,
      %add3A_106 = arith.addf %gather3A_103, %gather3A_104 : vector<16xf32>
      %mul3A_107 = arith.mulf %gather3A_105, %add3A_106 : vector<16xf32>
      %swap3A_108 = arith.index_cast %scan3A_85 : i32 to index
      %swap3A_109 = arith.constant 16 : index
      %swap3A_110 = tpu.vector_load %arg13[%swap3A_108, %swap3A_109] {strides = array<i32>} : memref<40x128xf32, #tpu.memory_space<vmem>>, vector<16xf32>,
      tpu.vector_store %arg13[%swap3A_108, %swap3A_109], %mul3A_107 {strides = array<i32>} : memref<40x128xf32, #tpu.memory_space<vmem>>, vector<16xf32>,
      %get3A_111 = arith.index_cast %scan3A_85 : i32 to index
      %get3A_112 = arith.constant 32 : index
      %get3A_113 = tpu.vector_load %arg8[%get3A_111, %get3A_112] {strides = array<i32>} : memref<40x128xi32, #tpu.memory_space<vmem>>, vector<16xi32>,
      %get3A_114 = arith.index_cast %scan3A_85 : i32 to index
      %get3A_115 = arith.constant 32 : index
      %get3A_116 = tpu.vector_load %arg9[%get3A_114, %get3A_115] {strides = array<i32>} : memref<40x128xi32, #tpu.memory_space<vmem>>, vector<16xi32>,
      %gather3A_117 = tpu.vector_load_idx %arg10[%get3A_113] : memref<10240xf32, #tpu.memory_space<vmem>>[vector<16xi32>], vector<16xf32>,
      %gather3A_118 = tpu.vector_load_idx %arg11[%get3A_116] : memref<10240xf32, #tpu.memory_space<vmem>>[vector<16xi32>], vector<16xf32>,
      %gather3A_119 = tpu.vector_load_idx %arg12[%get3A_113] : memref<10240xf32, #tpu.memory_space<vmem>>[vector<16xi32>], vector<16xf32>,
      %add3A_120 = arith.addf %gather3A_117, %gather3A_118 : vector<16xf32>
      %mul3A_121 = arith.mulf %gather3A_119, %add3A_120 : vector<16xf32>
      %swap3A_122 = arith.index_cast %scan3A_85 : i32 to index
      %swap3A_123 = arith.constant 32 : index
      %swap3A_124 = tpu.vector_load %arg13[%swap3A_122, %swap3A_123] {strides = array<i32>} : memref<40x128xf32, #tpu.memory_space<vmem>>, vector<16xf32>,
      tpu.vector_store %arg13[%swap3A_122, %swap3A_123], %mul3A_121 {strides = array<i32>} : memref<40x128xf32, #tpu.memory_space<vmem>>, vector<16xf32>,
      %get3A_125 = arith.index_cast %scan3A_85 : i32 to index
      %get3A_126 = arith.constant 48 : index
      %get3A_127 = tpu.vector_load %arg8[%get3A_125, %get3A_126] {strides = array<i32>} : memref<40x128xi32, #tpu.memory_space<vmem>>, vector<16xi32>,
      %get3A_128 = arith.index_cast %scan3A_85 : i32 to index
      %get3A_129 = arith.constant 48 : index
      %get3A_130 = tpu.vector_load %arg9[%get3A_128, %get3A_129] {strides = array<i32>} : memref<40x128xi32, #tpu.memory_space<vmem>>, vector<16xi32>,
      %gather3A_131 = tpu.vector_load_idx %arg10[%get3A_127] : memref<10240xf32, #tpu.memory_space<vmem>>[vector<16xi32>], vector<16xf32>,
      %gather3A_132 = tpu.vector_load_idx %arg11[%get3A_130] : memref<10240xf32, #tpu.memory_space<vmem>>[vector<16xi32>], vector<16xf32>,
      %gather3A_133 = tpu.vector_load_idx %arg12[%get3A_127] : memref<10240xf32, #tpu.memory_space<vmem>>[vector<16xi32>], vector<16xf32>,
      %add3A_134 = arith.addf %gather3A_131, %gather3A_132 : vector<16xf32>
      %mul3A_135 = arith.mulf %gather3A_133, %add3A_134 : vector<16xf32>
      %swap3A_136 = arith.index_cast %scan3A_85 : i32 to index
      %swap3A_137 = arith.constant 48 : index
      %swap3A_138 = tpu.vector_load %arg13[%swap3A_136, %swap3A_137] {strides = array<i32>} : memref<40x128xf32, #tpu.memory_space<vmem>>, vector<16xf32>,
      tpu.vector_store %arg13[%swap3A_136, %swap3A_137], %mul3A_135 {strides = array<i32>} : memref<40x128xf32, #tpu.memory_space<vmem>>, vector<16xf32>,
      %get3A_139 = arith.index_cast %scan3A_85 : i32 to index
      %get3A_140 = arith.constant 64 : index
      %get3A_141 = tpu.vector_load %arg8[%get3A_139, %get3A_140] {strides = array<i32>} : memref<40x128xi32, #tpu.memory_space<vmem>>, vector<16xi32>,
      %get3A_142 = arith.index_cast %scan3A_85 : i32 to index
      %get3A_143 = arith.constant 64 : index
      %get3A_144 = tpu.vector_load %arg9[%get3A_142, %get3A_143] {strides = array<i32>} : memref<40x128xi32, #tpu.memory_space<vmem>>, vector<16xi32>,
      %gather3A_145 = tpu.vector_load_idx %arg10[%get3A_141] : memref<10240xf32, #tpu.memory_space<vmem>>[vector<16xi32>], vector<16xf32>,
      %gather3A_146 = tpu.vector_load_idx %arg11[%get3A_144] : memref<10240xf32, #tpu.memory_space<vmem>>[vector<16xi32>], vector<16xf32>,
      %gather3A_147 = tpu.vector_load_idx %arg12[%get3A_141] : memref<10240xf32, #tpu.memory_space<vmem>>[vector<16xi32>], vector<16xf32>,
      %add3A_148 = arith.addf %gather3A_145, %gather3A_146 : vector<16xf32>
      %mul3A_149 = arith.mulf %gather3A_147, %add3A_148 : vector<16xf32>
      %swap3A_150 = arith.index_cast %scan3A_85 : i32 to index
      %swap3A_151 = arith.constant 64 : index
      %swap3A_152 = tpu.vector_load %arg13[%swap3A_150, %swap3A_151] {strides = array<i32>} : memref<40x128xf32, #tpu.memory_space<vmem>>, vector<16xf32>,
      tpu.vector_store %arg13[%swap3A_150, %swap3A_151], %mul3A_149 {strides = array<i32>} : memref<40x128xf32, #tpu.memory_space<vmem>>, vector<16xf32>,
      %get3A_153 = arith.index_cast %scan3A_85 : i32 to index
      %get3A_154 = arith.constant 80 : index
      %get3A_155 = tpu.vector_load %arg8[%get3A_153, %get3A_154] {strides = array<i32>} : memref<40x128xi32, #tpu.memory_space<vmem>>, vector<16xi32>,
      %get3A_156 = arith.index_cast %scan3A_85 : i32 to index
      %get3A_157 = arith.constant 80 : index
      %get3A_158 = tpu.vector_load %arg9[%get3A_156, %get3A_157] {strides = array<i32>} : memref<40x128xi32, #tpu.memory_space<vmem>>, vector<16xi32>,
      %gather3A_159 = tpu.vector_load_idx %arg10[%get3A_155] : memref<10240xf32, #tpu.memory_space<vmem>>[vector<16xi32>], vector<16xf32>,
      %gather3A_160 = tpu.vector_load_idx %arg11[%get3A_158] : memref<10240xf32, #tpu.memory_space<vmem>>[vector<16xi32>], vector<16xf32>,
      %gather3A_161 = tpu.vector_load_idx %arg12[%get3A_155] : memref<10240xf32, #tpu.memory_space<vmem>>[vector<16xi32>], vector<16xf32>,
      %add3A_162 = arith.addf %gather3A_159, %gather3A_160 : vector<16xf32>
      %mul3A_163 = arith.mulf %gather3A_161, %add3A_162 : vector<16xf32>
      %swap3A_164 = arith.index_cast %scan3A_85 : i32 to index
      %swap3A_165 = arith.constant 80 : index
      %swap3A_166 = tpu.vector_load %arg13[%swap3A_164, %swap3A_165] {strides = array<i32>} : memref<40x128xf32, #tpu.memory_space<vmem>>, vector<16xf32>,
      tpu.vector_store %arg13[%swap3A_164, %swap3A_165], %mul3A_163 {strides = array<i32>} : memref<40x128xf32, #tpu.memory_space<vmem>>, vector<16xf32>,
      %get3A_167 = arith.index_cast %scan3A_85 : i32 to index
      %get3A_168 = arith.constant 96 : index
      %get3A_169 = tpu.vector_load %arg8[%get3A_167, %get3A_168] {strides = array<i32>} : memref<40x128xi32, #tpu.memory_space<vmem>>, vector<16xi32>,
      %get3A_170 = arith.index_cast %scan3A_85 : i32 to index
      %get3A_171 = arith.constant 96 : index
      %get3A_172 = tpu.vector_load %arg9[%get3A_170, %get3A_171] {strides = array<i32>} : memref<40x128xi32, #tpu.memory_space<vmem>>, vector<16xi32>,
      %gather3A_173 = tpu.vector_load_idx %arg10[%get3A_169] : memref<10240xf32, #tpu.memory_space<vmem>>[vector<16xi32>], vector<16xf32>,
      %gather3A_174 = tpu.vector_load_idx %arg11[%get3A_172] : memref<10240xf32, #tpu.memory_space<vmem>>[vector<16xi32>], vector<16xf32>,
      %gather3A_175 = tpu.vector_load_idx %arg12[%get3A_169] : memref<10240xf32, #tpu.memory_space<vmem>>[vector<16xi32>], vector<16xf32>,
      %add3A_176 = arith.addf %gather3A_173, %gather3A_174 : vector<16xf32>
      %mul3A_177 = arith.mulf %gather3A_175, %add3A_176 : vector<16xf32>
      %swap3A_178 = arith.index_cast %scan3A_85 : i32 to index
      %swap3A_179 = arith.constant 96 : index
      %swap3A_180 = tpu.vector_load %arg13[%swap3A_178, %swap3A_179] {strides = array<i32>} : memref<40x128xf32, #tpu.memory_space<vmem>>, vector<16xf32>,
      tpu.vector_store %arg13[%swap3A_178, %swap3A_179], %mul3A_177 {strides = array<i32>} : memref<40x128xf32, #tpu.memory_space<vmem>>, vector<16xf32>,
      %get3A_181 = arith.index_cast %scan3A_85 : i32 to index
      %get3A_182 = arith.constant 112 : index
      %get3A_183 = tpu.vector_load %arg8[%get3A_181, %get3A_182] {strides = array<i32>} : memref<40x128xi32, #tpu.memory_space<vmem>>, vector<16xi32>,
      %get3A_184 = arith.index_cast %scan3A_85 : i32 to index
      %get3A_185 = arith.constant 112 : index
      %get3A_186 = tpu.vector_load %arg9[%get3A_184, %get3A_185] {strides = array<i32>} : memref<40x128xi32, #tpu.memory_space<vmem>>, vector<16xi32>,
      %gather3A_187 = tpu.vector_load_idx %arg10[%get3A_183] : memref<10240xf32, #tpu.memory_space<vmem>>[vector<16xi32>], vector<16xf32>,
      %gather3A_188 = tpu.vector_load_idx %arg11[%get3A_186] : memref<10240xf32, #tpu.memory_space<vmem>>[vector<16xi32>], vector<16xf32>,
      %gather3A_189 = tpu.vector_load_idx %arg12[%get3A_183] : memref<10240xf32, #tpu.memory_space<vmem>>[vector<16xi32>], vector<16xf32>,
      %add3A_190 = arith.addf %gather3A_187, %gather3A_188 : vector<16xf32>
      %mul3A_191 = arith.mulf %gather3A_189, %add3A_190 : vector<16xf32>
      %swap3A_192 = arith.index_cast %scan3A_85 : i32 to index
      %swap3A_193 = arith.constant 112 : index
      %swap3A_194 = tpu.vector_load %arg13[%swap3A_192, %swap3A_193] {strides = array<i32>} : memref<40x128xf32, #tpu.memory_space<vmem>>, vector<16xf32>,
      tpu.vector_store %arg13[%swap3A_192, %swap3A_193], %mul3A_191 {strides = array<i32>} : memref<40x128xf32, #tpu.memory_space<vmem>>, vector<16xf32>,
      %dma_start3A_195 = arith.constant 0 : i32
      %dma_start3A_196 = tpu.memref_slice %arg13[%scan3A_85, %dma_start3A_195] : memref<40x128xf32, #tpu.memory_space<vmem>> -> memref<1x128xf32, #tpu.memory_space<vmem>>
      %dma_start3A_197 = tpu.memref_squeeze %dma_start3A_196 : memref<1x128xf32, #tpu.memory_space<vmem>> -> memref<128xf32, #tpu.memory_space<vmem>>
      %dma_start3A_198 = arith.constant 0 : i32
      %dma_start3A_199 = tpu.memref_slice %arg9[%scan3A_85, %dma_start3A_198] : memref<40x128xi32, #tpu.memory_space<vmem>> -> memref<1x128xi32, #tpu.memory_space<vmem>>
      %dma_start3A_200 = tpu.memref_squeeze %dma_start3A_199 : memref<1x128xi32, #tpu.memory_space<vmem>> -> memref<128xi32, #tpu.memory_space<vmem>>
      %dma_start3A_201 = arith.constant 0 : i32
      %dma_start3A_202 = tpu.memref_slice %arg17[%dma_start3A_201] : memref<10240xf32, #tpu.memory_space<vmem_shared>> -> memref<10240xf32, #tpu.memory_space<vmem_shared>>
      tpu.enqueue_indirect_dma source(%dma_start3A_197 : memref<128xf32, #tpu.memory_space<vmem>>) target(%dma_start3A_202 : memref<10240xf32, #tpu.memory_space<vmem_shared>>) offsets(%dma_start3A_200 : memref<128xi32, #tpu.memory_space<vmem>>) semaphore(%arg16 : memref<!tpu.dma_semaphore, #tpu.memory_space<semaphore_mem>>) {add = true}
    }
    %scan3A_73 = arith.constant 40 : i32
    %scan3A_74 = arith.constant 0 : i32
    %scan3A_75 = arith.constant 0 : i32
    %scan3A_76 = arith.constant 40 : i32
    %scan3A_77 = arith.addi %scan3A_75, %scan3A_76 : i32
    %scan3A_78 = arith.constant 1 : i32
    scf.for %scan3A_85 = %scan3A_75 to %scan3A_77 step %scan3A_78  : i32 {
      %dma_wait3A_86 = arith.constant 0 : i32
      %dma_wait3A_87 = arith.constant 0 : i32
      %dma_wait3A_88 = arith.constant 0 : i32
      %dma_wait3A_89 = tpu.memref_slice %arg13[%dma_wait3A_86, %dma_wait3A_88] : memref<40x128xf32, #tpu.memory_space<vmem>> -> memref<1x128xf32, #tpu.memory_space<vmem>>
      %dma_wait3A_90 = tpu.memref_squeeze %dma_wait3A_89 : memref<1x128xf32, #tpu.memory_space<vmem>> -> memref<128xf32, #tpu.memory_space<vmem>>
      %dma_wait3A_91 = arith.constant 0 : i32
      %dma_wait3A_92 = tpu.memref_slice %arg9[%dma_wait3A_87, %dma_wait3A_91] : memref<40x128xi32, #tpu.memory_space<vmem>> -> memref<1x128xi32, #tpu.memory_space<vmem>>
      %dma_wait3A_93 = tpu.memref_squeeze %dma_wait3A_92 : memref<1x128xi32, #tpu.memory_space<vmem>> -> memref<128xi32, #tpu.memory_space<vmem>>
      %dma_wait3A_94 = arith.constant 0 : i32
      %dma_wait3A_95 = tpu.memref_slice %arg17[%dma_wait3A_94] : memref<10240xf32, #tpu.memory_space<vmem_shared>> -> memref<10240xf32, #tpu.memory_space<vmem_shared>>
      tpu.wait_indirect_dma semaphore(%arg16 : memref<!tpu.dma_semaphore, #tpu.memory_space<semaphore_mem>>) src(%dma_wait3A_90 : memref<128xf32, #tpu.memory_space<vmem>>) dst(%dma_wait3A_95 : memref<10240xf32, #tpu.memory_space<vmem_shared>>)
    }
    %scan3A_79 = arith.constant 40 : i32
    %barrier3A_80 = arith.constant 0 : index
    tpu.barrier barrier_id(%barrier3A_80)
    %mul3A_81 = arith.constant 640 : i32
    %mul3A_82 = arith.muli %arg1, %mul3A_81 : i32
    %mul3A_83 = arith.constant 640 : i32
    %mul3A_84 = arith.muli %arg1, %mul3A_83 : i32
    "tpu.region"() ({
      %run_scoped3A = tpu.sem_alloc : memref<!tpu.dma_semaphore, #tpu.memory_space<semaphore_mem>>
      %dma_start3A_85 = tpu.memref_slice %arg7[%arg0, %mul3A_84] : memref<2x10240xf32, #tpu.memory_space<hbm>> -> memref<1x640xf32, #tpu.memory_space<hbm>>
      %dma_start3A_86 = tpu.memref_squeeze %dma_start3A_85 : memref<1x640xf32, #tpu.memory_space<hbm>> -> memref<640xf32, #tpu.memory_space<hbm>>
      %dma_start3A_87 = tpu.memref_slice %arg17[%mul3A_82] : memref<10240xf32, #tpu.memory_space<vmem_shared>> -> memref<640xf32, #tpu.memory_space<vmem_shared>>
      tpu.enqueue_dma source(%dma_start3A_87 : memref<640xf32, #tpu.memory_space<vmem_shared>>) target(%dma_start3A_86 : memref<640xf32, #tpu.memory_space<hbm>>) target_semaphore(%run_scoped3A : memref<!tpu.dma_semaphore, #tpu.memory_space<semaphore_mem>>)
      %dma_wait3A_88 = tpu.memref_slice %arg7[%arg0, %mul3A_84] : memref<2x10240xf32, #tpu.memory_space<hbm>> -> memref<1x640xf32, #tpu.memory_space<hbm>>
      %dma_wait3A_89 = tpu.memref_squeeze %dma_wait3A_88 : memref<1x640xf32, #tpu.memory_space<hbm>> -> memref<640xf32, #tpu.memory_space<hbm>>
      %dma_wait3A_90 = tpu.memref_slice %arg17[%mul3A_82] : memref<10240xf32, #tpu.memory_space<vmem_shared>> -> memref<640xf32, #tpu.memory_space<vmem_shared>>
      tpu.wait_dma2 semaphore(%run_scoped3A : memref<!tpu.dma_semaphore, #tpu.memory_space<semaphore_mem>>) src(%dma_wait3A_90 : memref<640xf32, #tpu.memory_space<vmem_shared>>) dst(%dma_wait3A_89 : memref<640xf32, #tpu.memory_space<hbm>>)
      tpu.yield
    }) : () -> ()
    return
  }
}

#map = affine_map<(d0, d1) -> (0)>
#map1 = affine_map<(d0, d1) -> (0, 0)>
#map2 = affine_map<(d0, d1) -> (0, 0, 0)>
module attributes {stable_mosaic.version = 14 : i64} {
  func.func @_sc_line2(%arg0: i32, %arg1: i32, %arg2: memref<10000xf32, #tpu.memory_space<hbm>>, %arg3: memref<10000xf32, #tpu.memory_space<hbm>>, %arg4: memref<10000xf32, #tpu.memory_space<hbm>>, %arg5: memref<2x10240xf32, #tpu.memory_space<hbm>>, %arg6: memref<16xf32, #tpu.memory_space<hbm>>, %arg7: memref<32x40x128xi32, #tpu.memory_space<hbm>>, %arg8: memref<32x40x128xi32, #tpu.memory_space<hbm>>, %arg9: memref<160000xf32, #tpu.memory_space<hbm>>, %arg10: memref<40x128xi32, #tpu.memory_space<vmem>>, %arg11: memref<40x128xi32, #tpu.memory_space<vmem>>, %arg12: memref<10240xf32, #tpu.memory_space<vmem>>, %arg13: memref<10240xf32, #tpu.memory_space<vmem>>, %arg14: memref<10240xf32, #tpu.memory_space<vmem>>, %arg15: memref<10240xf32, #tpu.memory_space<vmem>>, %arg16: memref<10240xf32, #tpu.memory_space<vmem>>, %arg17: memref<16xf32, #tpu.memory_space<vmem>>, %arg18: memref<5120xf32, #tpu.memory_space<vmem>>, %arg19: memref<!tpu.dma_semaphore, #tpu.memory_space<semaphore_mem>>) attributes {dimension_semantics = [#tpu.dimension_semantics<core_parallel>, #tpu.dimension_semantics<subcore_parallel>], iteration_bounds = array<i64: 2, 16>, scalar_prefetch = 0 : i64, scratch_operands = 10 : i64, tpu.core_type = #tpu.core_type<sc_vector_subcore>, window_params = [{transform_indices = #map}, {transform_indices = #map}, {transform_indices = #map}, {transform_indices = #map1}, {transform_indices = #map}, {transform_indices = #map2}, {transform_indices = #map2}, {transform_indices = #map}]} {
    %mul3A = arith.constant 16 : i32
    %mul3A_0 = arith.muli %arg0, %mul3A : i32
    %add3A = arith.addi %mul3A_0, %arg1 : i32
    %dma_start3A = arith.constant 0 : i32
    %dma_start3A_1 = arith.constant 0 : i32
    %dma_start3A_2 = tpu.memref_slice %arg7[%add3A, %dma_start3A, %dma_start3A_1] : memref<32x40x128xi32, #tpu.memory_space<hbm>> -> memref<1x40x128xi32, #tpu.memory_space<hbm>>
    %dma_start3A_3 = tpu.memref_squeeze %dma_start3A_2 : memref<1x40x128xi32, #tpu.memory_space<hbm>> -> memref<40x128xi32, #tpu.memory_space<hbm>>
    %dma_start3A_4 = arith.constant 0 : i32
    %dma_start3A_5 = arith.constant 0 : i32
    %dma_start3A_6 = tpu.memref_slice %arg7[%add3A, %dma_start3A_4, %dma_start3A_5] : memref<32x40x128xi32, #tpu.memory_space<hbm>> -> memref<1x40x128xi32, #tpu.memory_space<hbm>>
    %dma_start3A_7 = tpu.memref_squeeze %dma_start3A_6 : memref<1x40x128xi32, #tpu.memory_space<hbm>> -> memref<40x128xi32, #tpu.memory_space<hbm>>
    tpu.enqueue_dma source(%dma_start3A_7 : memref<40x128xi32, #tpu.memory_space<hbm>>) target(%arg10 : memref<40x128xi32, #tpu.memory_space<vmem>>) target_semaphore(%arg19 : memref<!tpu.dma_semaphore, #tpu.memory_space<semaphore_mem>>)
    %dma_start3A_8 = arith.constant 0 : i32
    %dma_start3A_9 = arith.constant 0 : i32
    %dma_start3A_10 = tpu.memref_slice %arg8[%add3A, %dma_start3A_8, %dma_start3A_9] : memref<32x40x128xi32, #tpu.memory_space<hbm>> -> memref<1x40x128xi32, #tpu.memory_space<hbm>>
    %dma_start3A_11 = tpu.memref_squeeze %dma_start3A_10 : memref<1x40x128xi32, #tpu.memory_space<hbm>> -> memref<40x128xi32, #tpu.memory_space<hbm>>
    %dma_start3A_12 = arith.constant 0 : i32
    %dma_start3A_13 = arith.constant 0 : i32
    %dma_start3A_14 = tpu.memref_slice %arg8[%add3A, %dma_start3A_12, %dma_start3A_13] : memref<32x40x128xi32, #tpu.memory_space<hbm>> -> memref<1x40x128xi32, #tpu.memory_space<hbm>>
    %dma_start3A_15 = tpu.memref_squeeze %dma_start3A_14 : memref<1x40x128xi32, #tpu.memory_space<hbm>> -> memref<40x128xi32, #tpu.memory_space<hbm>>
    tpu.enqueue_dma source(%dma_start3A_15 : memref<40x128xi32, #tpu.memory_space<hbm>>) target(%arg11 : memref<40x128xi32, #tpu.memory_space<vmem>>) target_semaphore(%arg19 : memref<!tpu.dma_semaphore, #tpu.memory_space<semaphore_mem>>)
    %dma_start3A_16 = arith.constant 0 : i32
    %dma_start3A_17 = tpu.memref_slice %arg12[%dma_start3A_16] : memref<10240xf32, #tpu.memory_space<vmem>> -> memref<10000xf32, #tpu.memory_space<vmem>>
    %dma_start3A_18 = arith.constant 0 : i32
    %dma_start3A_19 = tpu.memref_slice %arg12[%dma_start3A_18] : memref<10240xf32, #tpu.memory_space<vmem>> -> memref<10000xf32, #tpu.memory_space<vmem>>
    tpu.enqueue_dma source(%arg2 : memref<10000xf32, #tpu.memory_space<hbm>>) target(%dma_start3A_19 : memref<10000xf32, #tpu.memory_space<vmem>>) target_semaphore(%arg19 : memref<!tpu.dma_semaphore, #tpu.memory_space<semaphore_mem>>)
    %dma_start3A_20 = arith.constant 0 : i32
    %dma_start3A_21 = tpu.memref_slice %arg13[%dma_start3A_20] : memref<10240xf32, #tpu.memory_space<vmem>> -> memref<10000xf32, #tpu.memory_space<vmem>>
    %dma_start3A_22 = arith.constant 0 : i32
    %dma_start3A_23 = tpu.memref_slice %arg13[%dma_start3A_22] : memref<10240xf32, #tpu.memory_space<vmem>> -> memref<10000xf32, #tpu.memory_space<vmem>>
    tpu.enqueue_dma source(%arg3 : memref<10000xf32, #tpu.memory_space<hbm>>) target(%dma_start3A_23 : memref<10000xf32, #tpu.memory_space<vmem>>) target_semaphore(%arg19 : memref<!tpu.dma_semaphore, #tpu.memory_space<semaphore_mem>>)
    %dma_start3A_24 = arith.constant 0 : i32
    %dma_start3A_25 = tpu.memref_slice %arg14[%dma_start3A_24] : memref<10240xf32, #tpu.memory_space<vmem>> -> memref<10000xf32, #tpu.memory_space<vmem>>
    %dma_start3A_26 = arith.constant 0 : i32
    %dma_start3A_27 = tpu.memref_slice %arg14[%dma_start3A_26] : memref<10240xf32, #tpu.memory_space<vmem>> -> memref<10000xf32, #tpu.memory_space<vmem>>
    tpu.enqueue_dma source(%arg4 : memref<10000xf32, #tpu.memory_space<hbm>>) target(%dma_start3A_27 : memref<10000xf32, #tpu.memory_space<vmem>>) target_semaphore(%arg19 : memref<!tpu.dma_semaphore, #tpu.memory_space<semaphore_mem>>)
    %dma_start3A_28 = arith.constant 0 : i32
    %dma_start3A_29 = arith.constant 0 : i32
    %dma_start3A_30 = tpu.memref_slice %arg5[%dma_start3A_28, %dma_start3A_29] : memref<2x10240xf32, #tpu.memory_space<hbm>> -> memref<1x10240xf32, #tpu.memory_space<hbm>>
    %dma_start3A_31 = tpu.memref_squeeze %dma_start3A_30 : memref<1x10240xf32, #tpu.memory_space<hbm>> -> memref<10240xf32, #tpu.memory_space<hbm>>
    %dma_start3A_32 = arith.constant 0 : i32
    %dma_start3A_33 = tpu.memref_slice %arg5[%dma_start3A_28, %dma_start3A_32] : memref<2x10240xf32, #tpu.memory_space<hbm>> -> memref<1x10240xf32, #tpu.memory_space<hbm>>
    %dma_start3A_34 = tpu.memref_squeeze %dma_start3A_33 : memref<1x10240xf32, #tpu.memory_space<hbm>> -> memref<10240xf32, #tpu.memory_space<hbm>>
    tpu.enqueue_dma source(%dma_start3A_34 : memref<10240xf32, #tpu.memory_space<hbm>>) target(%arg15 : memref<10240xf32, #tpu.memory_space<vmem>>) target_semaphore(%arg19 : memref<!tpu.dma_semaphore, #tpu.memory_space<semaphore_mem>>)
    %dma_start3A_35 = arith.constant 1 : i32
    %dma_start3A_36 = arith.constant 0 : i32
    %dma_start3A_37 = tpu.memref_slice %arg5[%dma_start3A_35, %dma_start3A_36] : memref<2x10240xf32, #tpu.memory_space<hbm>> -> memref<1x10240xf32, #tpu.memory_space<hbm>>
    %dma_start3A_38 = tpu.memref_squeeze %dma_start3A_37 : memref<1x10240xf32, #tpu.memory_space<hbm>> -> memref<10240xf32, #tpu.memory_space<hbm>>
    %dma_start3A_39 = arith.constant 0 : i32
    %dma_start3A_40 = tpu.memref_slice %arg5[%dma_start3A_35, %dma_start3A_39] : memref<2x10240xf32, #tpu.memory_space<hbm>> -> memref<1x10240xf32, #tpu.memory_space<hbm>>
    %dma_start3A_41 = tpu.memref_squeeze %dma_start3A_40 : memref<1x10240xf32, #tpu.memory_space<hbm>> -> memref<10240xf32, #tpu.memory_space<hbm>>
    tpu.enqueue_dma source(%dma_start3A_41 : memref<10240xf32, #tpu.memory_space<hbm>>) target(%arg16 : memref<10240xf32, #tpu.memory_space<vmem>>) target_semaphore(%arg19 : memref<!tpu.dma_semaphore, #tpu.memory_space<semaphore_mem>>)
    tpu.enqueue_dma source(%arg6 : memref<16xf32, #tpu.memory_space<hbm>>) target(%arg17 : memref<16xf32, #tpu.memory_space<vmem>>) target_semaphore(%arg19 : memref<!tpu.dma_semaphore, #tpu.memory_space<semaphore_mem>>)
    %scan3A = arith.constant 0 : i32
    %scan3A_42 = arith.constant 0 : i32
    %scan3A_43 = arith.constant 15 : i32
    %scan3A_44 = arith.addi %scan3A_42, %scan3A_43 : i32
    %scan3A_45 = arith.constant 1 : i32
    scf.for %scan3A_103 = %scan3A_42 to %scan3A_44 step %scan3A_45  : i32 {
      %broadcast_in_dim3A = arith.constant 0.000000e+00 : f32
      %broadcast_in_dim3A_104 = vector.broadcast %broadcast_in_dim3A : f32 to vector<16xf32>
      %mul3A_105 = arith.constant 16 : i32
      %mul3A_106 = arith.muli %scan3A_103, %mul3A_105 : i32
      %add3A_107 = arith.constant 10000 : i32
      %add3A_108 = arith.addi %add3A_107, %mul3A_106 : i32
      %swap3A = arith.index_cast %add3A_108 : i32 to index
      %swap3A_109 = tpu.vector_load %arg13[%swap3A] {strides = array<i32>} : memref<10240xf32, #tpu.memory_space<vmem>>, vector<16xf32>,
      tpu.vector_store %arg13[%swap3A], %broadcast_in_dim3A_104 {strides = array<i32>} : memref<10240xf32, #tpu.memory_space<vmem>>, vector<16xf32>,
    }
    %scan3A_46 = arith.constant 15 : i32
    %dma_wait3A = arith.constant 0 : i32
    %dma_wait3A_47 = arith.constant 0 : i32
    %dma_wait3A_48 = tpu.memref_slice %arg7[%add3A, %dma_wait3A, %dma_wait3A_47] : memref<32x40x128xi32, #tpu.memory_space<hbm>> -> memref<1x40x128xi32, #tpu.memory_space<hbm>>
    %dma_wait3A_49 = tpu.memref_squeeze %dma_wait3A_48 : memref<1x40x128xi32, #tpu.memory_space<hbm>> -> memref<40x128xi32, #tpu.memory_space<hbm>>
    %dma_wait3A_50 = arith.constant 0 : i32
    %dma_wait3A_51 = arith.constant 0 : i32
    %dma_wait3A_52 = tpu.memref_slice %arg7[%add3A, %dma_wait3A_50, %dma_wait3A_51] : memref<32x40x128xi32, #tpu.memory_space<hbm>> -> memref<1x40x128xi32, #tpu.memory_space<hbm>>
    %dma_wait3A_53 = tpu.memref_squeeze %dma_wait3A_52 : memref<1x40x128xi32, #tpu.memory_space<hbm>> -> memref<40x128xi32, #tpu.memory_space<hbm>>
    tpu.wait_dma2 semaphore(%arg19 : memref<!tpu.dma_semaphore, #tpu.memory_space<semaphore_mem>>) src(%dma_wait3A_53 : memref<40x128xi32, #tpu.memory_space<hbm>>) dst(%arg10 : memref<40x128xi32, #tpu.memory_space<vmem>>)
    %dma_wait3A_54 = arith.constant 0 : i32
    %dma_wait3A_55 = arith.constant 0 : i32
    %dma_wait3A_56 = tpu.memref_slice %arg8[%add3A, %dma_wait3A_54, %dma_wait3A_55] : memref<32x40x128xi32, #tpu.memory_space<hbm>> -> memref<1x40x128xi32, #tpu.memory_space<hbm>>
    %dma_wait3A_57 = tpu.memref_squeeze %dma_wait3A_56 : memref<1x40x128xi32, #tpu.memory_space<hbm>> -> memref<40x128xi32, #tpu.memory_space<hbm>>
    %dma_wait3A_58 = arith.constant 0 : i32
    %dma_wait3A_59 = arith.constant 0 : i32
    %dma_wait3A_60 = tpu.memref_slice %arg8[%add3A, %dma_wait3A_58, %dma_wait3A_59] : memref<32x40x128xi32, #tpu.memory_space<hbm>> -> memref<1x40x128xi32, #tpu.memory_space<hbm>>
    %dma_wait3A_61 = tpu.memref_squeeze %dma_wait3A_60 : memref<1x40x128xi32, #tpu.memory_space<hbm>> -> memref<40x128xi32, #tpu.memory_space<hbm>>
    tpu.wait_dma2 semaphore(%arg19 : memref<!tpu.dma_semaphore, #tpu.memory_space<semaphore_mem>>) src(%dma_wait3A_61 : memref<40x128xi32, #tpu.memory_space<hbm>>) dst(%arg11 : memref<40x128xi32, #tpu.memory_space<vmem>>)
    %dma_wait3A_62 = arith.constant 0 : i32
    %dma_wait3A_63 = tpu.memref_slice %arg12[%dma_wait3A_62] : memref<10240xf32, #tpu.memory_space<vmem>> -> memref<10000xf32, #tpu.memory_space<vmem>>
    %dma_wait3A_64 = arith.constant 0 : i32
    %dma_wait3A_65 = tpu.memref_slice %arg12[%dma_wait3A_64] : memref<10240xf32, #tpu.memory_space<vmem>> -> memref<10000xf32, #tpu.memory_space<vmem>>
    tpu.wait_dma2 semaphore(%arg19 : memref<!tpu.dma_semaphore, #tpu.memory_space<semaphore_mem>>) src(%arg2 : memref<10000xf32, #tpu.memory_space<hbm>>) dst(%dma_wait3A_65 : memref<10000xf32, #tpu.memory_space<vmem>>)
    %dma_wait3A_66 = arith.constant 0 : i32
    %dma_wait3A_67 = tpu.memref_slice %arg13[%dma_wait3A_66] : memref<10240xf32, #tpu.memory_space<vmem>> -> memref<10000xf32, #tpu.memory_space<vmem>>
    %dma_wait3A_68 = arith.constant 0 : i32
    %dma_wait3A_69 = tpu.memref_slice %arg13[%dma_wait3A_68] : memref<10240xf32, #tpu.memory_space<vmem>> -> memref<10000xf32, #tpu.memory_space<vmem>>
    tpu.wait_dma2 semaphore(%arg19 : memref<!tpu.dma_semaphore, #tpu.memory_space<semaphore_mem>>) src(%arg3 : memref<10000xf32, #tpu.memory_space<hbm>>) dst(%dma_wait3A_69 : memref<10000xf32, #tpu.memory_space<vmem>>)
    %dma_wait3A_70 = arith.constant 0 : i32
    %dma_wait3A_71 = tpu.memref_slice %arg14[%dma_wait3A_70] : memref<10240xf32, #tpu.memory_space<vmem>> -> memref<10000xf32, #tpu.memory_space<vmem>>
    %dma_wait3A_72 = arith.constant 0 : i32
    %dma_wait3A_73 = tpu.memref_slice %arg14[%dma_wait3A_72] : memref<10240xf32, #tpu.memory_space<vmem>> -> memref<10000xf32, #tpu.memory_space<vmem>>
    tpu.wait_dma2 semaphore(%arg19 : memref<!tpu.dma_semaphore, #tpu.memory_space<semaphore_mem>>) src(%arg4 : memref<10000xf32, #tpu.memory_space<hbm>>) dst(%dma_wait3A_73 : memref<10000xf32, #tpu.memory_space<vmem>>)
    %dma_wait3A_74 = arith.constant 0 : i32
    %dma_wait3A_75 = arith.constant 0 : i32
    %dma_wait3A_76 = tpu.memref_slice %arg5[%dma_wait3A_74, %dma_wait3A_75] : memref<2x10240xf32, #tpu.memory_space<hbm>> -> memref<1x10240xf32, #tpu.memory_space<hbm>>
    %dma_wait3A_77 = tpu.memref_squeeze %dma_wait3A_76 : memref<1x10240xf32, #tpu.memory_space<hbm>> -> memref<10240xf32, #tpu.memory_space<hbm>>
    %dma_wait3A_78 = arith.constant 0 : i32
    %dma_wait3A_79 = tpu.memref_slice %arg5[%dma_wait3A_74, %dma_wait3A_78] : memref<2x10240xf32, #tpu.memory_space<hbm>> -> memref<1x10240xf32, #tpu.memory_space<hbm>>
    %dma_wait3A_80 = tpu.memref_squeeze %dma_wait3A_79 : memref<1x10240xf32, #tpu.memory_space<hbm>> -> memref<10240xf32, #tpu.memory_space<hbm>>
    tpu.wait_dma2 semaphore(%arg19 : memref<!tpu.dma_semaphore, #tpu.memory_space<semaphore_mem>>) src(%dma_wait3A_80 : memref<10240xf32, #tpu.memory_space<hbm>>) dst(%arg15 : memref<10240xf32, #tpu.memory_space<vmem>>)
    %dma_wait3A_81 = arith.constant 1 : i32
    %dma_wait3A_82 = arith.constant 0 : i32
    %dma_wait3A_83 = tpu.memref_slice %arg5[%dma_wait3A_81, %dma_wait3A_82] : memref<2x10240xf32, #tpu.memory_space<hbm>> -> memref<1x10240xf32, #tpu.memory_space<hbm>>
    %dma_wait3A_84 = tpu.memref_squeeze %dma_wait3A_83 : memref<1x10240xf32, #tpu.memory_space<hbm>> -> memref<10240xf32, #tpu.memory_space<hbm>>
    %dma_wait3A_85 = arith.constant 0 : i32
    %dma_wait3A_86 = tpu.memref_slice %arg5[%dma_wait3A_81, %dma_wait3A_85] : memref<2x10240xf32, #tpu.memory_space<hbm>> -> memref<1x10240xf32, #tpu.memory_space<hbm>>
    %dma_wait3A_87 = tpu.memref_squeeze %dma_wait3A_86 : memref<1x10240xf32, #tpu.memory_space<hbm>> -> memref<10240xf32, #tpu.memory_space<hbm>>
    tpu.wait_dma2 semaphore(%arg19 : memref<!tpu.dma_semaphore, #tpu.memory_space<semaphore_mem>>) src(%dma_wait3A_87 : memref<10240xf32, #tpu.memory_space<hbm>>) dst(%arg16 : memref<10240xf32, #tpu.memory_space<vmem>>)
    tpu.wait_dma2 semaphore(%arg19 : memref<!tpu.dma_semaphore, #tpu.memory_space<semaphore_mem>>) src(%arg6 : memref<16xf32, #tpu.memory_space<hbm>>) dst(%arg17 : memref<16xf32, #tpu.memory_space<vmem>>)
    %scan3A_88 = arith.constant 0 : i32
    %scan3A_89 = arith.constant 0 : i32
    %scan3A_90 = arith.constant 640 : i32
    %scan3A_91 = arith.addi %scan3A_89, %scan3A_90 : i32
    %scan3A_92 = arith.constant 1 : i32
    scf.for %scan3A_103 = %scan3A_89 to %scan3A_91 step %scan3A_92  : i32 {
      %mul3A_104 = arith.constant 16 : i32
      %mul3A_105 = arith.muli %scan3A_103, %mul3A_104 : i32
      %get3A_106 = arith.index_cast %mul3A_105 : i32 to index
      %get3A_107 = tpu.vector_load %arg15[%get3A_106] {strides = array<i32>} : memref<10240xf32, #tpu.memory_space<vmem>>, vector<16xf32>,
      %get3A_108 = arith.index_cast %mul3A_105 : i32 to index
      %get3A_109 = tpu.vector_load %arg16[%get3A_108] {strides = array<i32>} : memref<10240xf32, #tpu.memory_space<vmem>>, vector<16xf32>,
      %add3A_110 = arith.addf %get3A_107, %get3A_109 : vector<16xf32>
      %swap3A = arith.index_cast %mul3A_105 : i32 to index
      %swap3A_111 = tpu.vector_load %arg15[%swap3A] {strides = array<i32>} : memref<10240xf32, #tpu.memory_space<vmem>>, vector<16xf32>,
      tpu.vector_store %arg15[%swap3A], %add3A_110 {strides = array<i32>} : memref<10240xf32, #tpu.memory_space<vmem>>, vector<16xf32>,
    }
    %scan3A_93 = arith.constant 640 : i32
    %get3A = arith.constant 0 : index
    %get3A_94 = tpu.vector_load %arg17[%get3A] {strides = array<i32>} : memref<16xf32, #tpu.memory_space<vmem>>, vector<16xf32>,
    %scan3A_95 = arith.constant 0 : i32
    %scan3A_96 = arith.constant 0 : i32
    %scan3A_97 = arith.constant 40 : i32
    %scan3A_98 = arith.addi %scan3A_96, %scan3A_97 : i32
    %scan3A_99 = arith.constant 1 : i32
    scf.for %scan3A_103 = %scan3A_96 to %scan3A_98 step %scan3A_99  : i32 {
      %get3A_104 = arith.index_cast %scan3A_103 : i32 to index
      %get3A_105 = arith.constant 0 : index
      %get3A_106 = tpu.vector_load %arg10[%get3A_104, %get3A_105] {strides = array<i32>} : memref<40x128xi32, #tpu.memory_space<vmem>>, vector<16xi32>,
      %get3A_107 = arith.index_cast %scan3A_103 : i32 to index
      %get3A_108 = arith.constant 0 : index
      %get3A_109 = tpu.vector_load %arg11[%get3A_107, %get3A_108] {strides = array<i32>} : memref<40x128xi32, #tpu.memory_space<vmem>>, vector<16xi32>,
      %gather3A = tpu.vector_load_idx %arg12[%get3A_106] : memref<10240xf32, #tpu.memory_space<vmem>>[vector<16xi32>], vector<16xf32>,
      %gather3A_110 = tpu.vector_load_idx %arg13[%get3A_109] : memref<10240xf32, #tpu.memory_space<vmem>>[vector<16xi32>], vector<16xf32>,
      %gather3A_111 = tpu.vector_load_idx %arg14[%get3A_106] : memref<10240xf32, #tpu.memory_space<vmem>>[vector<16xi32>], vector<16xf32>,
      %gather3A_112 = tpu.vector_load_idx %arg15[%get3A_106] : memref<10240xf32, #tpu.memory_space<vmem>>[vector<16xi32>], vector<16xf32>,
      %mul3A_113 = arith.mulf %gather3A_111, %gather3A_112 : vector<16xf32>
      %mul3A_114 = arith.mulf %gather3A_111, %gather3A_111 : vector<16xf32>
      %add3A_115 = arith.addf %gather3A, %gather3A_110 : vector<16xf32>
      %mul3A_116 = arith.mulf %mul3A_114, %add3A_115 : vector<16xf32>
      %add3A_117 = arith.addf %mul3A_113, %mul3A_116 : vector<16xf32>
      %add3A_118 = arith.addf %add3A_117, %get3A_94 : vector<16xf32>
      %neg3A = arith.constant 0.000000e+00 : f32
      %neg3A_119 = vector.broadcast %neg3A : f32 to vector<16xf32>
      %neg3A_120 = arith.subf %neg3A_119, %add3A_118 : vector<16xf32>
      %exp3A = math.exp %neg3A_120 : vector<16xf32>
      %add3A_121 = arith.constant 1.000000e+00 : f32
      %add3A_122 = vector.broadcast %add3A_121 : f32 to vector<16xf32>
      %add3A_123 = arith.addf %add3A_122, %exp3A : vector<16xf32>
      %div3A = arith.constant 1.000000e+00 : f32
      %div3A_124 = vector.broadcast %div3A : f32 to vector<16xf32>
      %div3A_125 = arith.divf %div3A_124, %add3A_123 : vector<16xf32>
      %mul3A_126 = arith.constant 128 : i32
      %mul3A_127 = arith.muli %scan3A_103, %mul3A_126 : i32
      %add3A_128 = arith.constant 0 : i32
      %add3A_129 = arith.addi %mul3A_127, %add3A_128 : i32
      %swap3A = arith.index_cast %add3A_129 : i32 to index
      %swap3A_130 = tpu.vector_load %arg18[%swap3A] {strides = array<i32>} : memref<5120xf32, #tpu.memory_space<vmem>>, vector<16xf32>,
      tpu.vector_store %arg18[%swap3A], %div3A_125 {strides = array<i32>} : memref<5120xf32, #tpu.memory_space<vmem>>, vector<16xf32>,
      %get3A_131 = arith.index_cast %scan3A_103 : i32 to index
      %get3A_132 = arith.constant 16 : index
      %get3A_133 = tpu.vector_load %arg10[%get3A_131, %get3A_132] {strides = array<i32>} : memref<40x128xi32, #tpu.memory_space<vmem>>, vector<16xi32>,
      %get3A_134 = arith.index_cast %scan3A_103 : i32 to index
      %get3A_135 = arith.constant 16 : index
      %get3A_136 = tpu.vector_load %arg11[%get3A_134, %get3A_135] {strides = array<i32>} : memref<40x128xi32, #tpu.memory_space<vmem>>, vector<16xi32>,
      %gather3A_137 = tpu.vector_load_idx %arg12[%get3A_133] : memref<10240xf32, #tpu.memory_space<vmem>>[vector<16xi32>], vector<16xf32>,
      %gather3A_138 = tpu.vector_load_idx %arg13[%get3A_136] : memref<10240xf32, #tpu.memory_space<vmem>>[vector<16xi32>], vector<16xf32>,
      %gather3A_139 = tpu.vector_load_idx %arg14[%get3A_133] : memref<10240xf32, #tpu.memory_space<vmem>>[vector<16xi32>], vector<16xf32>,
      %gather3A_140 = tpu.vector_load_idx %arg15[%get3A_133] : memref<10240xf32, #tpu.memory_space<vmem>>[vector<16xi32>], vector<16xf32>,
      %mul3A_141 = arith.mulf %gather3A_139, %gather3A_140 : vector<16xf32>
      %mul3A_142 = arith.mulf %gather3A_139, %gather3A_139 : vector<16xf32>
      %add3A_143 = arith.addf %gather3A_137, %gather3A_138 : vector<16xf32>
      %mul3A_144 = arith.mulf %mul3A_142, %add3A_143 : vector<16xf32>
      %add3A_145 = arith.addf %mul3A_141, %mul3A_144 : vector<16xf32>
      %add3A_146 = arith.addf %add3A_145, %get3A_94 : vector<16xf32>
      %neg3A_147 = arith.constant 0.000000e+00 : f32
      %neg3A_148 = vector.broadcast %neg3A_147 : f32 to vector<16xf32>
      %neg3A_149 = arith.subf %neg3A_148, %add3A_146 : vector<16xf32>
      %exp3A_150 = math.exp %neg3A_149 : vector<16xf32>
      %add3A_151 = arith.constant 1.000000e+00 : f32
      %add3A_152 = vector.broadcast %add3A_151 : f32 to vector<16xf32>
      %add3A_153 = arith.addf %add3A_152, %exp3A_150 : vector<16xf32>
      %div3A_154 = arith.constant 1.000000e+00 : f32
      %div3A_155 = vector.broadcast %div3A_154 : f32 to vector<16xf32>
      %div3A_156 = arith.divf %div3A_155, %add3A_153 : vector<16xf32>
      %mul3A_157 = arith.constant 128 : i32
      %mul3A_158 = arith.muli %scan3A_103, %mul3A_157 : i32
      %add3A_159 = arith.constant 16 : i32
      %add3A_160 = arith.addi %mul3A_158, %add3A_159 : i32
      %swap3A_161 = arith.index_cast %add3A_160 : i32 to index
      %swap3A_162 = tpu.vector_load %arg18[%swap3A_161] {strides = array<i32>} : memref<5120xf32, #tpu.memory_space<vmem>>, vector<16xf32>,
      tpu.vector_store %arg18[%swap3A_161], %div3A_156 {strides = array<i32>} : memref<5120xf32, #tpu.memory_space<vmem>>, vector<16xf32>,
      %get3A_163 = arith.index_cast %scan3A_103 : i32 to index
      %get3A_164 = arith.constant 32 : index
      %get3A_165 = tpu.vector_load %arg10[%get3A_163, %get3A_164] {strides = array<i32>} : memref<40x128xi32, #tpu.memory_space<vmem>>, vector<16xi32>,
      %get3A_166 = arith.index_cast %scan3A_103 : i32 to index
      %get3A_167 = arith.constant 32 : index
      %get3A_168 = tpu.vector_load %arg11[%get3A_166, %get3A_167] {strides = array<i32>} : memref<40x128xi32, #tpu.memory_space<vmem>>, vector<16xi32>,
      %gather3A_169 = tpu.vector_load_idx %arg12[%get3A_165] : memref<10240xf32, #tpu.memory_space<vmem>>[vector<16xi32>], vector<16xf32>,
      %gather3A_170 = tpu.vector_load_idx %arg13[%get3A_168] : memref<10240xf32, #tpu.memory_space<vmem>>[vector<16xi32>], vector<16xf32>,
      %gather3A_171 = tpu.vector_load_idx %arg14[%get3A_165] : memref<10240xf32, #tpu.memory_space<vmem>>[vector<16xi32>], vector<16xf32>,
      %gather3A_172 = tpu.vector_load_idx %arg15[%get3A_165] : memref<10240xf32, #tpu.memory_space<vmem>>[vector<16xi32>], vector<16xf32>,
      %mul3A_173 = arith.mulf %gather3A_171, %gather3A_172 : vector<16xf32>
      %mul3A_174 = arith.mulf %gather3A_171, %gather3A_171 : vector<16xf32>
      %add3A_175 = arith.addf %gather3A_169, %gather3A_170 : vector<16xf32>
      %mul3A_176 = arith.mulf %mul3A_174, %add3A_175 : vector<16xf32>
      %add3A_177 = arith.addf %mul3A_173, %mul3A_176 : vector<16xf32>
      %add3A_178 = arith.addf %add3A_177, %get3A_94 : vector<16xf32>
      %neg3A_179 = arith.constant 0.000000e+00 : f32
      %neg3A_180 = vector.broadcast %neg3A_179 : f32 to vector<16xf32>
      %neg3A_181 = arith.subf %neg3A_180, %add3A_178 : vector<16xf32>
      %exp3A_182 = math.exp %neg3A_181 : vector<16xf32>
      %add3A_183 = arith.constant 1.000000e+00 : f32
      %add3A_184 = vector.broadcast %add3A_183 : f32 to vector<16xf32>
      %add3A_185 = arith.addf %add3A_184, %exp3A_182 : vector<16xf32>
      %div3A_186 = arith.constant 1.000000e+00 : f32
      %div3A_187 = vector.broadcast %div3A_186 : f32 to vector<16xf32>
      %div3A_188 = arith.divf %div3A_187, %add3A_185 : vector<16xf32>
      %mul3A_189 = arith.constant 128 : i32
      %mul3A_190 = arith.muli %scan3A_103, %mul3A_189 : i32
      %add3A_191 = arith.constant 32 : i32
      %add3A_192 = arith.addi %mul3A_190, %add3A_191 : i32
      %swap3A_193 = arith.index_cast %add3A_192 : i32 to index
      %swap3A_194 = tpu.vector_load %arg18[%swap3A_193] {strides = array<i32>} : memref<5120xf32, #tpu.memory_space<vmem>>, vector<16xf32>,
      tpu.vector_store %arg18[%swap3A_193], %div3A_188 {strides = array<i32>} : memref<5120xf32, #tpu.memory_space<vmem>>, vector<16xf32>,
      %get3A_195 = arith.index_cast %scan3A_103 : i32 to index
      %get3A_196 = arith.constant 48 : index
      %get3A_197 = tpu.vector_load %arg10[%get3A_195, %get3A_196] {strides = array<i32>} : memref<40x128xi32, #tpu.memory_space<vmem>>, vector<16xi32>,
      %get3A_198 = arith.index_cast %scan3A_103 : i32 to index
      %get3A_199 = arith.constant 48 : index
      %get3A_200 = tpu.vector_load %arg11[%get3A_198, %get3A_199] {strides = array<i32>} : memref<40x128xi32, #tpu.memory_space<vmem>>, vector<16xi32>,
      %gather3A_201 = tpu.vector_load_idx %arg12[%get3A_197] : memref<10240xf32, #tpu.memory_space<vmem>>[vector<16xi32>], vector<16xf32>,
      %gather3A_202 = tpu.vector_load_idx %arg13[%get3A_200] : memref<10240xf32, #tpu.memory_space<vmem>>[vector<16xi32>], vector<16xf32>,
      %gather3A_203 = tpu.vector_load_idx %arg14[%get3A_197] : memref<10240xf32, #tpu.memory_space<vmem>>[vector<16xi32>], vector<16xf32>,
      %gather3A_204 = tpu.vector_load_idx %arg15[%get3A_197] : memref<10240xf32, #tpu.memory_space<vmem>>[vector<16xi32>], vector<16xf32>,
      %mul3A_205 = arith.mulf %gather3A_203, %gather3A_204 : vector<16xf32>
      %mul3A_206 = arith.mulf %gather3A_203, %gather3A_203 : vector<16xf32>
      %add3A_207 = arith.addf %gather3A_201, %gather3A_202 : vector<16xf32>
      %mul3A_208 = arith.mulf %mul3A_206, %add3A_207 : vector<16xf32>
      %add3A_209 = arith.addf %mul3A_205, %mul3A_208 : vector<16xf32>
      %add3A_210 = arith.addf %add3A_209, %get3A_94 : vector<16xf32>
      %neg3A_211 = arith.constant 0.000000e+00 : f32
      %neg3A_212 = vector.broadcast %neg3A_211 : f32 to vector<16xf32>
      %neg3A_213 = arith.subf %neg3A_212, %add3A_210 : vector<16xf32>
      %exp3A_214 = math.exp %neg3A_213 : vector<16xf32>
      %add3A_215 = arith.constant 1.000000e+00 : f32
      %add3A_216 = vector.broadcast %add3A_215 : f32 to vector<16xf32>
      %add3A_217 = arith.addf %add3A_216, %exp3A_214 : vector<16xf32>
      %div3A_218 = arith.constant 1.000000e+00 : f32
      %div3A_219 = vector.broadcast %div3A_218 : f32 to vector<16xf32>
      %div3A_220 = arith.divf %div3A_219, %add3A_217 : vector<16xf32>
      %mul3A_221 = arith.constant 128 : i32
      %mul3A_222 = arith.muli %scan3A_103, %mul3A_221 : i32
      %add3A_223 = arith.constant 48 : i32
      %add3A_224 = arith.addi %mul3A_222, %add3A_223 : i32
      %swap3A_225 = arith.index_cast %add3A_224 : i32 to index
      %swap3A_226 = tpu.vector_load %arg18[%swap3A_225] {strides = array<i32>} : memref<5120xf32, #tpu.memory_space<vmem>>, vector<16xf32>,
      tpu.vector_store %arg18[%swap3A_225], %div3A_220 {strides = array<i32>} : memref<5120xf32, #tpu.memory_space<vmem>>, vector<16xf32>,
      %get3A_227 = arith.index_cast %scan3A_103 : i32 to index
      %get3A_228 = arith.constant 64 : index
      %get3A_229 = tpu.vector_load %arg10[%get3A_227, %get3A_228] {strides = array<i32>} : memref<40x128xi32, #tpu.memory_space<vmem>>, vector<16xi32>,
      %get3A_230 = arith.index_cast %scan3A_103 : i32 to index
      %get3A_231 = arith.constant 64 : index
      %get3A_232 = tpu.vector_load %arg11[%get3A_230, %get3A_231] {strides = array<i32>} : memref<40x128xi32, #tpu.memory_space<vmem>>, vector<16xi32>,
      %gather3A_233 = tpu.vector_load_idx %arg12[%get3A_229] : memref<10240xf32, #tpu.memory_space<vmem>>[vector<16xi32>], vector<16xf32>,
      %gather3A_234 = tpu.vector_load_idx %arg13[%get3A_232] : memref<10240xf32, #tpu.memory_space<vmem>>[vector<16xi32>], vector<16xf32>,
      %gather3A_235 = tpu.vector_load_idx %arg14[%get3A_229] : memref<10240xf32, #tpu.memory_space<vmem>>[vector<16xi32>], vector<16xf32>,
      %gather3A_236 = tpu.vector_load_idx %arg15[%get3A_229] : memref<10240xf32, #tpu.memory_space<vmem>>[vector<16xi32>], vector<16xf32>,
      %mul3A_237 = arith.mulf %gather3A_235, %gather3A_236 : vector<16xf32>
      %mul3A_238 = arith.mulf %gather3A_235, %gather3A_235 : vector<16xf32>
      %add3A_239 = arith.addf %gather3A_233, %gather3A_234 : vector<16xf32>
      %mul3A_240 = arith.mulf %mul3A_238, %add3A_239 : vector<16xf32>
      %add3A_241 = arith.addf %mul3A_237, %mul3A_240 : vector<16xf32>
      %add3A_242 = arith.addf %add3A_241, %get3A_94 : vector<16xf32>
      %neg3A_243 = arith.constant 0.000000e+00 : f32
      %neg3A_244 = vector.broadcast %neg3A_243 : f32 to vector<16xf32>
      %neg3A_245 = arith.subf %neg3A_244, %add3A_242 : vector<16xf32>
      %exp3A_246 = math.exp %neg3A_245 : vector<16xf32>
      %add3A_247 = arith.constant 1.000000e+00 : f32
      %add3A_248 = vector.broadcast %add3A_247 : f32 to vector<16xf32>
      %add3A_249 = arith.addf %add3A_248, %exp3A_246 : vector<16xf32>
      %div3A_250 = arith.constant 1.000000e+00 : f32
      %div3A_251 = vector.broadcast %div3A_250 : f32 to vector<16xf32>
      %div3A_252 = arith.divf %div3A_251, %add3A_249 : vector<16xf32>
      %mul3A_253 = arith.constant 128 : i32
      %mul3A_254 = arith.muli %scan3A_103, %mul3A_253 : i32
      %add3A_255 = arith.constant 64 : i32
      %add3A_256 = arith.addi %mul3A_254, %add3A_255 : i32
      %swap3A_257 = arith.index_cast %add3A_256 : i32 to index
      %swap3A_258 = tpu.vector_load %arg18[%swap3A_257] {strides = array<i32>} : memref<5120xf32, #tpu.memory_space<vmem>>, vector<16xf32>,
      tpu.vector_store %arg18[%swap3A_257], %div3A_252 {strides = array<i32>} : memref<5120xf32, #tpu.memory_space<vmem>>, vector<16xf32>,
      %get3A_259 = arith.index_cast %scan3A_103 : i32 to index
      %get3A_260 = arith.constant 80 : index
      %get3A_261 = tpu.vector_load %arg10[%get3A_259, %get3A_260] {strides = array<i32>} : memref<40x128xi32, #tpu.memory_space<vmem>>, vector<16xi32>,
      %get3A_262 = arith.index_cast %scan3A_103 : i32 to index
      %get3A_263 = arith.constant 80 : index
      %get3A_264 = tpu.vector_load %arg11[%get3A_262, %get3A_263] {strides = array<i32>} : memref<40x128xi32, #tpu.memory_space<vmem>>, vector<16xi32>,
      %gather3A_265 = tpu.vector_load_idx %arg12[%get3A_261] : memref<10240xf32, #tpu.memory_space<vmem>>[vector<16xi32>], vector<16xf32>,
      %gather3A_266 = tpu.vector_load_idx %arg13[%get3A_264] : memref<10240xf32, #tpu.memory_space<vmem>>[vector<16xi32>], vector<16xf32>,
      %gather3A_267 = tpu.vector_load_idx %arg14[%get3A_261] : memref<10240xf32, #tpu.memory_space<vmem>>[vector<16xi32>], vector<16xf32>,
      %gather3A_268 = tpu.vector_load_idx %arg15[%get3A_261] : memref<10240xf32, #tpu.memory_space<vmem>>[vector<16xi32>], vector<16xf32>,
      %mul3A_269 = arith.mulf %gather3A_267, %gather3A_268 : vector<16xf32>
      %mul3A_270 = arith.mulf %gather3A_267, %gather3A_267 : vector<16xf32>
      %add3A_271 = arith.addf %gather3A_265, %gather3A_266 : vector<16xf32>
      %mul3A_272 = arith.mulf %mul3A_270, %add3A_271 : vector<16xf32>
      %add3A_273 = arith.addf %mul3A_269, %mul3A_272 : vector<16xf32>
      %add3A_274 = arith.addf %add3A_273, %get3A_94 : vector<16xf32>
      %neg3A_275 = arith.constant 0.000000e+00 : f32
      %neg3A_276 = vector.broadcast %neg3A_275 : f32 to vector<16xf32>
      %neg3A_277 = arith.subf %neg3A_276, %add3A_274 : vector<16xf32>
      %exp3A_278 = math.exp %neg3A_277 : vector<16xf32>
      %add3A_279 = arith.constant 1.000000e+00 : f32
      %add3A_280 = vector.broadcast %add3A_279 : f32 to vector<16xf32>
      %add3A_281 = arith.addf %add3A_280, %exp3A_278 : vector<16xf32>
      %div3A_282 = arith.constant 1.000000e+00 : f32
      %div3A_283 = vector.broadcast %div3A_282 : f32 to vector<16xf32>
      %div3A_284 = arith.divf %div3A_283, %add3A_281 : vector<16xf32>
      %mul3A_285 = arith.constant 128 : i32
      %mul3A_286 = arith.muli %scan3A_103, %mul3A_285 : i32
      %add3A_287 = arith.constant 80 : i32
      %add3A_288 = arith.addi %mul3A_286, %add3A_287 : i32
      %swap3A_289 = arith.index_cast %add3A_288 : i32 to index
      %swap3A_290 = tpu.vector_load %arg18[%swap3A_289] {strides = array<i32>} : memref<5120xf32, #tpu.memory_space<vmem>>, vector<16xf32>,
      tpu.vector_store %arg18[%swap3A_289], %div3A_284 {strides = array<i32>} : memref<5120xf32, #tpu.memory_space<vmem>>, vector<16xf32>,
      %get3A_291 = arith.index_cast %scan3A_103 : i32 to index
      %get3A_292 = arith.constant 96 : index
      %get3A_293 = tpu.vector_load %arg10[%get3A_291, %get3A_292] {strides = array<i32>} : memref<40x128xi32, #tpu.memory_space<vmem>>, vector<16xi32>,
      %get3A_294 = arith.index_cast %scan3A_103 : i32 to index
      %get3A_295 = arith.constant 96 : index
      %get3A_296 = tpu.vector_load %arg11[%get3A_294, %get3A_295] {strides = array<i32>} : memref<40x128xi32, #tpu.memory_space<vmem>>, vector<16xi32>,
      %gather3A_297 = tpu.vector_load_idx %arg12[%get3A_293] : memref<10240xf32, #tpu.memory_space<vmem>>[vector<16xi32>], vector<16xf32>,
      %gather3A_298 = tpu.vector_load_idx %arg13[%get3A_296] : memref<10240xf32, #tpu.memory_space<vmem>>[vector<16xi32>], vector<16xf32>,
      %gather3A_299 = tpu.vector_load_idx %arg14[%get3A_293] : memref<10240xf32, #tpu.memory_space<vmem>>[vector<16xi32>], vector<16xf32>,
      %gather3A_300 = tpu.vector_load_idx %arg15[%get3A_293] : memref<10240xf32, #tpu.memory_space<vmem>>[vector<16xi32>], vector<16xf32>,
      %mul3A_301 = arith.mulf %gather3A_299, %gather3A_300 : vector<16xf32>
      %mul3A_302 = arith.mulf %gather3A_299, %gather3A_299 : vector<16xf32>
      %add3A_303 = arith.addf %gather3A_297, %gather3A_298 : vector<16xf32>
      %mul3A_304 = arith.mulf %mul3A_302, %add3A_303 : vector<16xf32>
      %add3A_305 = arith.addf %mul3A_301, %mul3A_304 : vector<16xf32>
      %add3A_306 = arith.addf %add3A_305, %get3A_94 : vector<16xf32>
      %neg3A_307 = arith.constant 0.000000e+00 : f32
      %neg3A_308 = vector.broadcast %neg3A_307 : f32 to vector<16xf32>
      %neg3A_309 = arith.subf %neg3A_308, %add3A_306 : vector<16xf32>
      %exp3A_310 = math.exp %neg3A_309 : vector<16xf32>
      %add3A_311 = arith.constant 1.000000e+00 : f32
      %add3A_312 = vector.broadcast %add3A_311 : f32 to vector<16xf32>
      %add3A_313 = arith.addf %add3A_312, %exp3A_310 : vector<16xf32>
      %div3A_314 = arith.constant 1.000000e+00 : f32
      %div3A_315 = vector.broadcast %div3A_314 : f32 to vector<16xf32>
      %div3A_316 = arith.divf %div3A_315, %add3A_313 : vector<16xf32>
      %mul3A_317 = arith.constant 128 : i32
      %mul3A_318 = arith.muli %scan3A_103, %mul3A_317 : i32
      %add3A_319 = arith.constant 96 : i32
      %add3A_320 = arith.addi %mul3A_318, %add3A_319 : i32
      %swap3A_321 = arith.index_cast %add3A_320 : i32 to index
      %swap3A_322 = tpu.vector_load %arg18[%swap3A_321] {strides = array<i32>} : memref<5120xf32, #tpu.memory_space<vmem>>, vector<16xf32>,
      tpu.vector_store %arg18[%swap3A_321], %div3A_316 {strides = array<i32>} : memref<5120xf32, #tpu.memory_space<vmem>>, vector<16xf32>,
      %get3A_323 = arith.index_cast %scan3A_103 : i32 to index
      %get3A_324 = arith.constant 112 : index
      %get3A_325 = tpu.vector_load %arg10[%get3A_323, %get3A_324] {strides = array<i32>} : memref<40x128xi32, #tpu.memory_space<vmem>>, vector<16xi32>,
      %get3A_326 = arith.index_cast %scan3A_103 : i32 to index
      %get3A_327 = arith.constant 112 : index
      %get3A_328 = tpu.vector_load %arg11[%get3A_326, %get3A_327] {strides = array<i32>} : memref<40x128xi32, #tpu.memory_space<vmem>>, vector<16xi32>,
      %gather3A_329 = tpu.vector_load_idx %arg12[%get3A_325] : memref<10240xf32, #tpu.memory_space<vmem>>[vector<16xi32>], vector<16xf32>,
      %gather3A_330 = tpu.vector_load_idx %arg13[%get3A_328] : memref<10240xf32, #tpu.memory_space<vmem>>[vector<16xi32>], vector<16xf32>,
      %gather3A_331 = tpu.vector_load_idx %arg14[%get3A_325] : memref<10240xf32, #tpu.memory_space<vmem>>[vector<16xi32>], vector<16xf32>,
      %gather3A_332 = tpu.vector_load_idx %arg15[%get3A_325] : memref<10240xf32, #tpu.memory_space<vmem>>[vector<16xi32>], vector<16xf32>,
      %mul3A_333 = arith.mulf %gather3A_331, %gather3A_332 : vector<16xf32>
      %mul3A_334 = arith.mulf %gather3A_331, %gather3A_331 : vector<16xf32>
      %add3A_335 = arith.addf %gather3A_329, %gather3A_330 : vector<16xf32>
      %mul3A_336 = arith.mulf %mul3A_334, %add3A_335 : vector<16xf32>
      %add3A_337 = arith.addf %mul3A_333, %mul3A_336 : vector<16xf32>
      %add3A_338 = arith.addf %add3A_337, %get3A_94 : vector<16xf32>
      %neg3A_339 = arith.constant 0.000000e+00 : f32
      %neg3A_340 = vector.broadcast %neg3A_339 : f32 to vector<16xf32>
      %neg3A_341 = arith.subf %neg3A_340, %add3A_338 : vector<16xf32>
      %exp3A_342 = math.exp %neg3A_341 : vector<16xf32>
      %add3A_343 = arith.constant 1.000000e+00 : f32
      %add3A_344 = vector.broadcast %add3A_343 : f32 to vector<16xf32>
      %add3A_345 = arith.addf %add3A_344, %exp3A_342 : vector<16xf32>
      %div3A_346 = arith.constant 1.000000e+00 : f32
      %div3A_347 = vector.broadcast %div3A_346 : f32 to vector<16xf32>
      %div3A_348 = arith.divf %div3A_347, %add3A_345 : vector<16xf32>
      %mul3A_349 = arith.constant 128 : i32
      %mul3A_350 = arith.muli %scan3A_103, %mul3A_349 : i32
      %add3A_351 = arith.constant 112 : i32
      %add3A_352 = arith.addi %mul3A_350, %add3A_351 : i32
      %swap3A_353 = arith.index_cast %add3A_352 : i32 to index
      %swap3A_354 = tpu.vector_load %arg18[%swap3A_353] {strides = array<i32>} : memref<5120xf32, #tpu.memory_space<vmem>>, vector<16xf32>,
      tpu.vector_store %arg18[%swap3A_353], %div3A_348 {strides = array<i32>} : memref<5120xf32, #tpu.memory_space<vmem>>, vector<16xf32>,
    }
    %scan3A_100 = arith.constant 40 : i32
    %mul3A_101 = arith.constant 5000 : i32
    %mul3A_102 = arith.muli %add3A, %mul3A_101 : i32
    "tpu.region"() ({
      %run_scoped3A = tpu.sem_alloc : memref<!tpu.dma_semaphore, #tpu.memory_space<semaphore_mem>>
      %dma_start3A_103 = arith.constant 0 : i32
      %dma_start3A_104 = tpu.memref_slice %arg18[%dma_start3A_103] : memref<5120xf32, #tpu.memory_space<vmem>> -> memref<5000xf32, #tpu.memory_space<vmem>>
      %dma_start3A_105 = tpu.memref_slice %arg9[%mul3A_102] : memref<160000xf32, #tpu.memory_space<hbm>> -> memref<5000xf32, #tpu.memory_space<hbm>>
      %dma_start3A_106 = tpu.memref_slice %arg9[%mul3A_102] : memref<160000xf32, #tpu.memory_space<hbm>> -> memref<5000xf32, #tpu.memory_space<hbm>>
      %dma_start3A_107 = arith.constant 0 : i32
      %dma_start3A_108 = tpu.memref_slice %arg18[%dma_start3A_107] : memref<5120xf32, #tpu.memory_space<vmem>> -> memref<5000xf32, #tpu.memory_space<vmem>>
      tpu.enqueue_dma source(%dma_start3A_108 : memref<5000xf32, #tpu.memory_space<vmem>>) target(%dma_start3A_106 : memref<5000xf32, #tpu.memory_space<hbm>>) target_semaphore(%run_scoped3A : memref<!tpu.dma_semaphore, #tpu.memory_space<semaphore_mem>>)
      %dma_wait3A_109 = arith.constant 0 : i32
      %dma_wait3A_110 = tpu.memref_slice %arg18[%dma_wait3A_109] : memref<5120xf32, #tpu.memory_space<vmem>> -> memref<5000xf32, #tpu.memory_space<vmem>>
      %dma_wait3A_111 = tpu.memref_slice %arg9[%mul3A_102] : memref<160000xf32, #tpu.memory_space<hbm>> -> memref<5000xf32, #tpu.memory_space<hbm>>
      %dma_wait3A_112 = tpu.memref_slice %arg9[%mul3A_102] : memref<160000xf32, #tpu.memory_space<hbm>> -> memref<5000xf32, #tpu.memory_space<hbm>>
      %dma_wait3A_113 = arith.constant 0 : i32
      %dma_wait3A_114 = tpu.memref_slice %arg18[%dma_wait3A_113] : memref<5120xf32, #tpu.memory_space<vmem>> -> memref<5000xf32, #tpu.memory_space<vmem>>
      tpu.wait_dma2 semaphore(%run_scoped3A : memref<!tpu.dma_semaphore, #tpu.memory_space<semaphore_mem>>) src(%dma_wait3A_114 : memref<5000xf32, #tpu.memory_space<vmem>>) dst(%dma_wait3A_112 : memref<5000xf32, #tpu.memory_space<hbm>>)
      tpu.yield
    }) : () -> ()
    return
  }
}

module attributes {stable_mosaic.version = 14 : i64} {
  func.func @_tc_prep1_body(%arg0: i32, %arg1: memref<1000x128xf32, #tpu.memory_space<vmem>>, %arg2: memref<128x128xf32, #tpu.memory_space<vmem>>, %arg3: memref<2x1000x1xf32, #tpu.memory_space<vmem>>, %arg4: memref<1000x128xf32, #tpu.memory_space<vmem>>, %arg5: memref<1000x1xf32, #tpu.memory_space<vmem>>) attributes {dimension_semantics = [#tpu.dimension_semantics<arbitrary>], iteration_bounds = array<i64: 10>, scalar_prefetch = 0 : i64, scratch_operands = 0 : i64, tpu.core_type = #tpu.core_type<tc>, window_params = [{transform_indices = @transform_0, window_bounds = array<i64: 1000, 128>}, {pipeline_mode = #tpu.pipeline_mode<synchronous>, transform_indices = @transform_1, window_bounds = array<i64: 128, 128>}, {transform_indices = @transform_2, window_bounds = array<i64: 2, 1000, 1>}, {transform_indices = @transform_3, window_bounds = array<i64: 1000, 128>}, {transform_indices = @transform_4, window_bounds = array<i64: 1000, 1>}]} {
    %get3A = arith.constant 0 : index
    %get3A_0 = arith.constant 0 : index
    %get3A_1 = arith.constant 0 : index
    %get3A_2 = vector.load %arg3[%get3A, %get3A_0, %get3A_1] : memref<2x1000x1xf32, #tpu.memory_space<vmem>>, vector<1x1000x1xf32>
    %get3A_3 = vector.shape_cast %get3A_2 : vector<1x1000x1xf32> to vector<1000x1xf32>
    %get3A_4 = arith.constant 1 : index
    %get3A_5 = arith.constant 0 : index
    %get3A_6 = arith.constant 0 : index
    %get3A_7 = vector.load %arg3[%get3A_4, %get3A_5, %get3A_6] : memref<2x1000x1xf32, #tpu.memory_space<vmem>>, vector<1x1000x1xf32>
    %get3A_8 = vector.shape_cast %get3A_7 : vector<1x1000x1xf32> to vector<1000x1xf32>
    %add3A = arith.addf %get3A_3, %get3A_8 : vector<1000x1xf32>
    %add3A_9 = arith.constant 1.000000e+00 : f32
    %add3A_10 = vector.broadcast %add3A_9 : f32 to vector<1000x1xf32>
    %add3A_11 = arith.addf %add3A, %add3A_10 : vector<1000x1xf32>
    %rsqrt3A = math.rsqrt %add3A_11 : vector<1000x1xf32>
    %get3A_12 = arith.constant 0 : index
    %get3A_13 = arith.constant 0 : index
    %get3A_14 = vector.load %arg1[%get3A_12, %get3A_13] : memref<1000x128xf32, #tpu.memory_space<vmem>>, vector<1000x128xf32>
    %get3A_15 = arith.constant 0 : index
    %get3A_16 = arith.constant 0 : index
    %get3A_17 = vector.load %arg2[%get3A_15, %get3A_16] : memref<128x128xf32, #tpu.memory_space<vmem>>, vector<128x128xf32>
    %dot_general3A = arith.constant dense<0.000000e+00> : vector<1000x128xf32>
    %dot_general3A_18 = tpu.matmul %get3A_14, %get3A_17, %dot_general3A {dimension_numbers = #tpu.dot_dimension_numbers<[1], [0], [0], [1], [0, 0, 1, 1], [], []>, transpose_lhs_hint = false} : vector<1000x128xf32>, vector<128x128xf32>, vector<1000x128xf32> -> vector<1000x128xf32>
    %mul3A = vector.broadcast %rsqrt3A : vector<1000x1xf32> to vector<1000x128xf32>
    %mul3A_19 = arith.mulf %mul3A, %dot_general3A_18 : vector<1000x128xf32>
    %swap3A = arith.constant 0 : index
    %swap3A_20 = arith.constant 0 : index
    %swap3A_21 = vector.load %arg4[%swap3A, %swap3A_20] : memref<1000x128xf32, #tpu.memory_space<vmem>>, vector<1000x128xf32>
    tpu.vector_store %arg4[%swap3A, %swap3A_20], %mul3A_19 {strides = array<i32>} : memref<1000x128xf32, #tpu.memory_space<vmem>>, vector<1000x128xf32>,
    %swap3A_22 = arith.constant 0 : index
    %swap3A_23 = arith.constant 0 : index
    %swap3A_24 = vector.load %arg5[%swap3A_22, %swap3A_23] : memref<1000x1xf32, #tpu.memory_space<vmem>>, vector<1000x1xf32>
    tpu.vector_store %arg5[%swap3A_22, %swap3A_23], %rsqrt3A {strides = array<i32>} : memref<1000x1xf32, #tpu.memory_space<vmem>>, vector<1000x1xf32>,
    return
  }
  func.func @transform_0(%arg0: i32) -> (i32, i32) {
    %c0_i32 = arith.constant 0 : i32
    %c0_i32_0 = arith.constant 0 : i32
    return %arg0, %c0_i32 : i32, i32
  }
  func.func @transform_1(%arg0: i32) -> (i32, i32) {
    %c0_i32 = arith.constant 0 : i32
    %c0_i32_0 = arith.constant 0 : i32
    %c0_i32_1 = arith.constant 0 : i32
    return %c0_i32, %c0_i32_0 : i32, i32
  }
  func.func @transform_2(%arg0: i32) -> (i32, i32, i32) {
    %c0_i32 = arith.constant 0 : i32
    %c0_i32_0 = arith.constant 0 : i32
    %c0_i32_1 = arith.constant 0 : i32
    return %c0_i32, %arg0, %c0_i32_0 : i32, i32, i32
  }
  func.func @transform_3(%arg0: i32) -> (i32, i32) {
    %c0_i32 = arith.constant 0 : i32
    %c0_i32_0 = arith.constant 0 : i32
    return %arg0, %c0_i32 : i32, i32
  }
  func.func @transform_4(%arg0: i32) -> (i32, i32) {
    %c0_i32 = arith.constant 0 : i32
    %c0_i32_0 = arith.constant 0 : i32
    return %arg0, %c0_i32 : i32, i32
  }
}

module attributes {stable_mosaic.version = 14 : i64} {
  func.func @_tc_mid_body(%arg0: i32, %arg1: i32, %arg2: memref<2x1000x128xf32, #tpu.memory_space<vmem>>, %arg3: memref<1000x128xf32, #tpu.memory_space<vmem>>, %arg4: memref<1000x1xf32, #tpu.memory_space<vmem>>, %arg5: memref<1x128xf32, #tpu.memory_space<vmem>>, %arg6: memref<128x128xf32, #tpu.memory_space<vmem>>, %arg7: memref<1x128xf32, #tpu.memory_space<vmem>>, %arg8: memref<1x128xf32, #tpu.memory_space<vmem>>, %arg9: memref<1000x128xf32, #tpu.memory_space<vmem>>, %arg10: memref<10000x128xf32, #tpu.memory_space<vmem>>, %arg11: memref<2x128xf32, #tpu.memory_space<vmem>>) attributes {dimension_semantics = [#tpu.dimension_semantics<arbitrary>, #tpu.dimension_semantics<arbitrary>], iteration_bounds = array<i64: 2, 10>, scalar_prefetch = 0 : i64, scratch_operands = 2 : i64, tpu.core_type = #tpu.core_type<tc>, window_params = [{transform_indices = @transform_0, window_bounds = array<i64: 2, 1000, 128>}, {transform_indices = @transform_1, window_bounds = array<i64: 1000, 128>}, {transform_indices = @transform_2, window_bounds = array<i64: 1000, 1>}, {pipeline_mode = #tpu.pipeline_mode<synchronous>, transform_indices = @transform_3, window_bounds = array<i64: 1, 128>}, {pipeline_mode = #tpu.pipeline_mode<synchronous>, transform_indices = @transform_4, window_bounds = array<i64: 128, 128>}, {pipeline_mode = #tpu.pipeline_mode<synchronous>, transform_indices = @transform_5, window_bounds = array<i64: 1, 128>}, {pipeline_mode = #tpu.pipeline_mode<synchronous>, transform_indices = @transform_6, window_bounds = array<i64: 1, 128>}, {transform_indices = @transform_7, window_bounds = array<i64: 1000, 128>}]} {
    %eq3A = arith.constant 0 : i32
    %eq3A_0 = arith.cmpi eq, %arg0, %eq3A : i32
    %convert_element_type3A = arith.extui %eq3A_0 : i1 to i32
    %cond3A = arith.constant 0 : i32
    %cond3A_1 = arith.cmpi ne, %convert_element_type3A, %cond3A : i32
    scf.if %cond3A_1 {
      %get3A = arith.constant 0 : index
      %get3A_7 = arith.constant 0 : index
      %get3A_8 = arith.constant 0 : index
      %get3A_9 = vector.load %arg2[%get3A, %get3A_7, %get3A_8] : memref<2x1000x128xf32, #tpu.memory_space<vmem>>, vector<1x1000x128xf32>
      %get3A_10 = vector.shape_cast %get3A_9 : vector<1x1000x128xf32> to vector<1000x128xf32>
      %get3A_11 = arith.constant 1 : index
      %get3A_12 = arith.constant 0 : index
      %get3A_13 = arith.constant 0 : index
      %get3A_14 = vector.load %arg2[%get3A_11, %get3A_12, %get3A_13] : memref<2x1000x128xf32, #tpu.memory_space<vmem>>, vector<1x1000x128xf32>
      %get3A_15 = vector.shape_cast %get3A_14 : vector<1x1000x128xf32> to vector<1000x128xf32>
      %add3A = arith.addf %get3A_10, %get3A_15 : vector<1000x128xf32>
      %get3A_16 = arith.constant 0 : index
      %get3A_17 = arith.constant 0 : index
      %get3A_18 = vector.load %arg3[%get3A_16, %get3A_17] : memref<1000x128xf32, #tpu.memory_space<vmem>>, vector<1000x128xf32>
      %add3A_19 = arith.addf %add3A, %get3A_18 : vector<1000x128xf32>
      %get3A_20 = arith.constant 0 : index
      %get3A_21 = arith.constant 0 : index
      %get3A_22 = vector.load %arg4[%get3A_20, %get3A_21] : memref<1000x1xf32, #tpu.memory_space<vmem>>, vector<1000x1xf32>
      %mul3A = vector.broadcast %get3A_22 : vector<1000x1xf32> to vector<1000x128xf32>
      %mul3A_23 = arith.mulf %mul3A, %add3A_19 : vector<1000x128xf32>
      %get3A_24 = arith.constant 0 : index
      %get3A_25 = arith.constant 0 : index
      %get3A_26 = vector.load %arg5[%get3A_24, %get3A_25] : memref<1x128xf32, #tpu.memory_space<vmem>>, vector<1x128xf32>
      %add3A_27 = vector.broadcast %get3A_26 : vector<1x128xf32> to vector<1000x128xf32>
      %add3A_28 = arith.addf %mul3A_23, %add3A_27 : vector<1000x128xf32>
      %mul3A_29 = arith.constant 1000 : i32
      %mul3A_30 = arith.muli %arg1, %mul3A_29 : i32
      %swap3A = arith.index_cast %mul3A_30 : i32 to index
      %swap3A_31 = arith.constant 0 : index
      %swap3A_32 = vector.load %arg10[%swap3A, %swap3A_31] : memref<10000x128xf32, #tpu.memory_space<vmem>>, vector<1000x128xf32>
      tpu.vector_store %arg10[%swap3A, %swap3A_31], %add3A_28 {strides = array<i32>} : memref<10000x128xf32, #tpu.memory_space<vmem>>, vector<1000x128xf32>,
      %reduce_sum3A = arith.constant dense<0.000000e+00> : vector<128xf32>
      %reduce_sum3A_33 = vector.multi_reduction <add>, %add3A_28, %reduce_sum3A [0] : vector<1000x128xf32> to vector<128xf32>
      %broadcast_in_dim3A = vector.shape_cast %reduce_sum3A_33 : vector<128xf32> to vector<1x128xf32>
      %mul3A_34 = arith.mulf %add3A_28, %add3A_28 : vector<1000x128xf32>
      %reduce_sum3A_35 = arith.constant dense<0.000000e+00> : vector<128xf32>
      %reduce_sum3A_36 = vector.multi_reduction <add>, %mul3A_34, %reduce_sum3A_35 [0] : vector<1000x128xf32> to vector<128xf32>
      %broadcast_in_dim3A_37 = vector.shape_cast %reduce_sum3A_36 : vector<128xf32> to vector<1x128xf32>
      %concatenate3A = tpu.concatenate %broadcast_in_dim3A, %broadcast_in_dim3A_37 in 0 : vector<1x128xf32>, vector<1x128xf32> -> vector<2x128xf32>
      %eq3A_38 = arith.constant 0 : i32
      %eq3A_39 = arith.cmpi eq, %arg1, %eq3A_38 : i32
      %convert_element_type3A_40 = arith.extui %eq3A_39 : i1 to i32
      %cond3A_41 = arith.constant 0 : i32
      %cond3A_42 = arith.cmpi ne, %convert_element_type3A_40, %cond3A_41 : i32
      scf.if %cond3A_42 {
        %swap3A_47 = arith.constant 0 : index
        %swap3A_48 = arith.constant 0 : index
        %swap3A_49 = vector.load %arg11[%swap3A_47, %swap3A_48] : memref<2x128xf32, #tpu.memory_space<vmem>>, vector<2x128xf32>
        tpu.vector_store %arg11[%swap3A_47, %swap3A_48], %concatenate3A {strides = array<i32>} : memref<2x128xf32, #tpu.memory_space<vmem>>, vector<2x128xf32>,
      } else {
      }
      %gt3A = arith.constant 0 : i32
      %gt3A_43 = arith.cmpi sgt, %arg1, %gt3A : i32
      %convert_element_type3A_44 = arith.extui %gt3A_43 : i1 to i32
      %cond3A_45 = arith.constant 0 : i32
      %cond3A_46 = arith.cmpi ne, %convert_element_type3A_44, %cond3A_45 : i32
      scf.if %cond3A_46 {
        %get3A_47 = arith.constant 0 : index
        %get3A_48 = arith.constant 0 : index
        %get3A_49 = vector.load %arg11[%get3A_47, %get3A_48] : memref<2x128xf32, #tpu.memory_space<vmem>>, vector<2x128xf32>
        %add3A_50 = arith.addf %get3A_49, %concatenate3A : vector<2x128xf32>
        %swap3A_51 = arith.constant 0 : index
        %swap3A_52 = arith.constant 0 : index
        %swap3A_53 = vector.load %arg11[%swap3A_51, %swap3A_52] : memref<2x128xf32, #tpu.memory_space<vmem>>, vector<2x128xf32>
        tpu.vector_store %arg11[%swap3A_51, %swap3A_52], %add3A_50 {strides = array<i32>} : memref<2x128xf32, #tpu.memory_space<vmem>>, vector<2x128xf32>,
      } else {
      }
    } else {
    }
    %eq3A_2 = arith.constant 1 : i32
    %eq3A_3 = arith.cmpi eq, %arg0, %eq3A_2 : i32
    %convert_element_type3A_4 = arith.extui %eq3A_3 : i1 to i32
    %cond3A_5 = arith.constant 0 : i32
    %cond3A_6 = arith.cmpi ne, %convert_element_type3A_4, %cond3A_5 : i32
    scf.if %cond3A_6 {
      %get3A = arith.constant 0 : index
      %get3A_7 = arith.constant 0 : index
      %get3A_8 = vector.load %arg11[%get3A, %get3A_7] : memref<2x128xf32, #tpu.memory_space<vmem>>, vector<1x128xf32>
      %div3A = arith.constant 1.000000e+04 : f32
      %div3A_9 = vector.broadcast %div3A : f32 to vector<1x128xf32>
      %div3A_10 = arith.divf %get3A_8, %div3A_9 : vector<1x128xf32>
      %get3A_11 = arith.constant 1 : index
      %get3A_12 = arith.constant 0 : index
      %get3A_13 = vector.load %arg11[%get3A_11, %get3A_12] : memref<2x128xf32, #tpu.memory_space<vmem>>, vector<1x128xf32>
      %div3A_14 = arith.constant 1.000000e+04 : f32
      %div3A_15 = vector.broadcast %div3A_14 : f32 to vector<1x128xf32>
      %div3A_16 = arith.divf %get3A_13, %div3A_15 : vector<1x128xf32>
      %mul3A = arith.mulf %div3A_10, %div3A_10 : vector<1x128xf32>
      %sub3A = arith.subf %div3A_16, %mul3A : vector<1x128xf32>
      %add3A = arith.constant 9.99999974E-6 : f32
      %add3A_17 = vector.broadcast %add3A : f32 to vector<1x128xf32>
      %add3A_18 = arith.addf %sub3A, %add3A_17 : vector<1x128xf32>
      %rsqrt3A = math.rsqrt %add3A_18 : vector<1x128xf32>
      %mul3A_19 = arith.constant 1000 : i32
      %mul3A_20 = arith.muli %arg1, %mul3A_19 : i32
      %get3A_21 = arith.index_cast %mul3A_20 : i32 to index
      %get3A_22 = arith.constant 0 : index
      %get3A_23 = vector.load %arg10[%get3A_21, %get3A_22] : memref<10000x128xf32, #tpu.memory_space<vmem>>, vector<1000x128xf32>
      %get3A_24 = arith.constant 0 : index
      %get3A_25 = arith.constant 0 : index
      %get3A_26 = vector.load %arg7[%get3A_24, %get3A_25] : memref<1x128xf32, #tpu.memory_space<vmem>>, vector<1x128xf32>
      %sub3A_27 = vector.broadcast %div3A_10 : vector<1x128xf32> to vector<1000x128xf32>
      %sub3A_28 = arith.subf %get3A_23, %sub3A_27 : vector<1000x128xf32>
      %mul3A_29 = vector.broadcast %get3A_26 : vector<1x128xf32> to vector<1000x128xf32>
      %mul3A_30 = arith.mulf %mul3A_29, %sub3A_28 : vector<1000x128xf32>
      %mul3A_31 = vector.broadcast %rsqrt3A : vector<1x128xf32> to vector<1000x128xf32>
      %mul3A_32 = arith.mulf %mul3A_30, %mul3A_31 : vector<1000x128xf32>
      %get3A_33 = arith.constant 0 : index
      %get3A_34 = arith.constant 0 : index
      %get3A_35 = vector.load %arg8[%get3A_33, %get3A_34] : memref<1x128xf32, #tpu.memory_space<vmem>>, vector<1x128xf32>
      %add3A_36 = vector.broadcast %get3A_35 : vector<1x128xf32> to vector<1000x128xf32>
      %add3A_37 = arith.addf %mul3A_32, %add3A_36 : vector<1000x128xf32>
      %max3A = arith.constant 0.000000e+00 : f32
      %max3A_38 = vector.broadcast %max3A : f32 to vector<1000x128xf32>
      %max3A_39 = arith.maximumf %add3A_37, %max3A_38 : vector<1000x128xf32>
      %get3A_40 = arith.constant 0 : index
      %get3A_41 = arith.constant 0 : index
      %get3A_42 = vector.load %arg6[%get3A_40, %get3A_41] : memref<128x128xf32, #tpu.memory_space<vmem>>, vector<128x128xf32>
      %dot_general3A = arith.constant dense<0.000000e+00> : vector<1000x128xf32>
      %dot_general3A_43 = tpu.matmul %max3A_39, %get3A_42, %dot_general3A {dimension_numbers = #tpu.dot_dimension_numbers<[1], [0], [0], [1], [0, 0, 1, 1], [], []>, transpose_lhs_hint = false} : vector<1000x128xf32>, vector<128x128xf32>, vector<1000x128xf32> -> vector<1000x128xf32>
      %get3A_44 = arith.constant 0 : index
      %get3A_45 = arith.constant 0 : index
      %get3A_46 = vector.load %arg4[%get3A_44, %get3A_45] : memref<1000x1xf32, #tpu.memory_space<vmem>>, vector<1000x1xf32>
      %mul3A_47 = vector.broadcast %get3A_46 : vector<1000x1xf32> to vector<1000x128xf32>
      %mul3A_48 = arith.mulf %mul3A_47, %dot_general3A_43 : vector<1000x128xf32>
      %swap3A = arith.constant 0 : index
      %swap3A_49 = arith.constant 0 : index
      %swap3A_50 = vector.load %arg9[%swap3A, %swap3A_49] : memref<1000x128xf32, #tpu.memory_space<vmem>>, vector<1000x128xf32>
      tpu.vector_store %arg9[%swap3A, %swap3A_49], %mul3A_48 {strides = array<i32>} : memref<1000x128xf32, #tpu.memory_space<vmem>>, vector<1000x128xf32>,
    } else {
    }
    return
  }
  func.func @transform_0(%arg0: i32, %arg1: i32) -> (i32, i32, i32) {
    %sub3A = arith.constant 1 : i32
    %sub3A_0 = arith.subi %sub3A, %arg0 : i32
    %mul3A = arith.muli %arg1, %sub3A_0 : i32
    %c0_i32 = arith.constant 0 : i32
    %c0_i32_1 = arith.constant 0 : i32
    %c0_i32_2 = arith.constant 0 : i32
    return %c0_i32, %mul3A, %c0_i32_1 : i32, i32, i32
  }
  func.func @transform_1(%arg0: i32, %arg1: i32) -> (i32, i32) {
    %sub3A = arith.constant 1 : i32
    %sub3A_0 = arith.subi %sub3A, %arg0 : i32
    %mul3A = arith.muli %arg1, %sub3A_0 : i32
    %c0_i32 = arith.constant 0 : i32
    %c0_i32_1 = arith.constant 0 : i32
    return %mul3A, %c0_i32 : i32, i32
  }
  func.func @transform_2(%arg0: i32, %arg1: i32) -> (i32, i32) {
    %c0_i32 = arith.constant 0 : i32
    %c0_i32_0 = arith.constant 0 : i32
    return %arg1, %c0_i32 : i32, i32
  }
  func.func @transform_3(%arg0: i32, %arg1: i32) -> (i32, i32) {
    %c0_i32 = arith.constant 0 : i32
    %c0_i32_0 = arith.constant 0 : i32
    %c0_i32_1 = arith.constant 0 : i32
    return %c0_i32, %c0_i32_0 : i32, i32
  }
  func.func @transform_4(%arg0: i32, %arg1: i32) -> (i32, i32) {
    %c0_i32 = arith.constant 0 : i32
    %c0_i32_0 = arith.constant 0 : i32
    %c0_i32_1 = arith.constant 0 : i32
    return %c0_i32, %c0_i32_0 : i32, i32
  }
  func.func @transform_5(%arg0: i32, %arg1: i32) -> (i32, i32) {
    %c0_i32 = arith.constant 0 : i32
    %c0_i32_0 = arith.constant 0 : i32
    %c0_i32_1 = arith.constant 0 : i32
    return %c0_i32, %c0_i32_0 : i32, i32
  }
  func.func @transform_6(%arg0: i32, %arg1: i32) -> (i32, i32) {
    %c0_i32 = arith.constant 0 : i32
    %c0_i32_0 = arith.constant 0 : i32
    %c0_i32_1 = arith.constant 0 : i32
    return %c0_i32, %c0_i32_0 : i32, i32
  }
  func.func @transform_7(%arg0: i32, %arg1: i32) -> (i32, i32) {
    %mul3A = arith.muli %arg1, %arg0 : i32
    %c0_i32 = arith.constant 0 : i32
    %c0_i32_0 = arith.constant 0 : i32
    return %mul3A, %c0_i32 : i32, i32
  }
}

module attributes {stable_mosaic.version = 14 : i64} {
  func.func @_tc_fin_body(%arg0: i32, %arg1: memref<2x1000x128xf32, #tpu.memory_space<vmem>>, %arg2: memref<1000x128xf32, #tpu.memory_space<vmem>>, %arg3: memref<1000x1xf32, #tpu.memory_space<vmem>>, %arg4: memref<1x128xf32, #tpu.memory_space<vmem>>, %arg5: memref<2x128xf32, #tpu.memory_space<vmem>>, %arg6: memref<1000x1xf32, #tpu.memory_space<vmem>>, %arg7: memref<1000x1xf32, #tpu.memory_space<vmem>>) attributes {dimension_semantics = [#tpu.dimension_semantics<arbitrary>], iteration_bounds = array<i64: 10>, scalar_prefetch = 0 : i64, scratch_operands = 0 : i64, tpu.core_type = #tpu.core_type<tc>, window_params = [{transform_indices = @transform_0, window_bounds = array<i64: 2, 1000, 128>}, {transform_indices = @transform_1, window_bounds = array<i64: 1000, 128>}, {transform_indices = @transform_2, window_bounds = array<i64: 1000, 1>}, {pipeline_mode = #tpu.pipeline_mode<synchronous>, transform_indices = @transform_3, window_bounds = array<i64: 1, 128>}, {pipeline_mode = #tpu.pipeline_mode<synchronous>, transform_indices = @transform_4, window_bounds = array<i64: 2, 128>}, {transform_indices = @transform_5, window_bounds = array<i64: 1000, 1>}, {transform_indices = @transform_6, window_bounds = array<i64: 1000, 1>}]} {
    %get3A = arith.constant 0 : index
    %get3A_0 = arith.constant 0 : index
    %get3A_1 = arith.constant 0 : index
    %get3A_2 = vector.load %arg1[%get3A, %get3A_0, %get3A_1] : memref<2x1000x128xf32, #tpu.memory_space<vmem>>, vector<1x1000x128xf32>
    %get3A_3 = vector.shape_cast %get3A_2 : vector<1x1000x128xf32> to vector<1000x128xf32>
    %get3A_4 = arith.constant 1 : index
    %get3A_5 = arith.constant 0 : index
    %get3A_6 = arith.constant 0 : index
    %get3A_7 = vector.load %arg1[%get3A_4, %get3A_5, %get3A_6] : memref<2x1000x128xf32, #tpu.memory_space<vmem>>, vector<1x1000x128xf32>
    %get3A_8 = vector.shape_cast %get3A_7 : vector<1x1000x128xf32> to vector<1000x128xf32>
    %add3A = arith.addf %get3A_3, %get3A_8 : vector<1000x128xf32>
    %get3A_9 = arith.constant 0 : index
    %get3A_10 = arith.constant 0 : index
    %get3A_11 = vector.load %arg2[%get3A_9, %get3A_10] : memref<1000x128xf32, #tpu.memory_space<vmem>>, vector<1000x128xf32>
    %add3A_12 = arith.addf %add3A, %get3A_11 : vector<1000x128xf32>
    %get3A_13 = arith.constant 0 : index
    %get3A_14 = arith.constant 0 : index
    %get3A_15 = vector.load %arg3[%get3A_13, %get3A_14] : memref<1000x1xf32, #tpu.memory_space<vmem>>, vector<1000x1xf32>
    %mul3A = vector.broadcast %get3A_15 : vector<1000x1xf32> to vector<1000x128xf32>
    %mul3A_16 = arith.mulf %mul3A, %add3A_12 : vector<1000x128xf32>
    %get3A_17 = arith.constant 0 : index
    %get3A_18 = arith.constant 0 : index
    %get3A_19 = vector.load %arg4[%get3A_17, %get3A_18] : memref<1x128xf32, #tpu.memory_space<vmem>>, vector<1x128xf32>
    %add3A_20 = vector.broadcast %get3A_19 : vector<1x128xf32> to vector<1000x128xf32>
    %add3A_21 = arith.addf %mul3A_16, %add3A_20 : vector<1000x128xf32>
    %max3A = arith.constant 0.000000e+00 : f32
    %max3A_22 = vector.broadcast %max3A : f32 to vector<1000x128xf32>
    %max3A_23 = arith.maximumf %add3A_21, %max3A_22 : vector<1000x128xf32>
    %get3A_24 = arith.constant 0 : index
    %get3A_25 = arith.constant 0 : index
    %get3A_26 = vector.load %arg5[%get3A_24, %get3A_25] : memref<2x128xf32, #tpu.memory_space<vmem>>, vector<2x128xf32>
    %transpose3A = tpu.transpose %get3A_26, [1, 0] : vector<2x128xf32> -> vector<128x2xf32>
    %dot_general3A = arith.constant dense<0.000000e+00> : vector<1000x2xf32>
    %dot_general3A_27 = tpu.matmul %max3A_23, %transpose3A, %dot_general3A {dimension_numbers = #tpu.dot_dimension_numbers<[1], [0], [0], [1], [0, 0, 1, 1], [], []>, transpose_lhs_hint = false} : vector<1000x128xf32>, vector<128x2xf32>, vector<1000x2xf32> -> vector<1000x2xf32>
    %slice3A = vector.extract_strided_slice %dot_general3A_27 {offsets = [0, 0], sizes = [1000, 1], strides = [1, 1]} : vector<1000x2xf32> to vector<1000x1xf32>
    %swap3A = arith.constant 0 : index
    %swap3A_28 = arith.constant 0 : index
    %swap3A_29 = vector.load %arg6[%swap3A, %swap3A_28] : memref<1000x1xf32, #tpu.memory_space<vmem>>, vector<1000x1xf32>
    tpu.vector_store %arg6[%swap3A, %swap3A_28], %slice3A {strides = array<i32>} : memref<1000x1xf32, #tpu.memory_space<vmem>>, vector<1000x1xf32>,
    %slice3A_30 = vector.extract_strided_slice %dot_general3A_27 {offsets = [0, 1], sizes = [1000, 1], strides = [1, 1]} : vector<1000x2xf32> to vector<1000x1xf32>
    %swap3A_31 = arith.constant 0 : index
    %swap3A_32 = arith.constant 0 : index
    %swap3A_33 = vector.load %arg7[%swap3A_31, %swap3A_32] : memref<1000x1xf32, #tpu.memory_space<vmem>>, vector<1000x1xf32>
    tpu.vector_store %arg7[%swap3A_31, %swap3A_32], %slice3A_30 {strides = array<i32>} : memref<1000x1xf32, #tpu.memory_space<vmem>>, vector<1000x1xf32>,
    return
  }
  func.func @transform_0(%arg0: i32) -> (i32, i32, i32) {
    %c0_i32 = arith.constant 0 : i32
    %c0_i32_0 = arith.constant 0 : i32
    %c0_i32_1 = arith.constant 0 : i32
    return %c0_i32, %arg0, %c0_i32_0 : i32, i32, i32
  }
  func.func @transform_1(%arg0: i32) -> (i32, i32) {
    %c0_i32 = arith.constant 0 : i32
    %c0_i32_0 = arith.constant 0 : i32
    return %arg0, %c0_i32 : i32, i32
  }
  func.func @transform_2(%arg0: i32) -> (i32, i32) {
    %c0_i32 = arith.constant 0 : i32
    %c0_i32_0 = arith.constant 0 : i32
    return %arg0, %c0_i32 : i32, i32
  }
  func.func @transform_3(%arg0: i32) -> (i32, i32) {
    %c0_i32 = arith.constant 0 : i32
    %c0_i32_0 = arith.constant 0 : i32
    %c0_i32_1 = arith.constant 0 : i32
    return %c0_i32, %c0_i32_0 : i32, i32
  }
  func.func @transform_4(%arg0: i32) -> (i32, i32) {
    %c0_i32 = arith.constant 0 : i32
    %c0_i32_0 = arith.constant 0 : i32
    %c0_i32_1 = arith.constant 0 : i32
    return %c0_i32, %c0_i32_0 : i32, i32
  }
  func.func @transform_5(%arg0: i32) -> (i32, i32) {
    %c0_i32 = arith.constant 0 : i32
    %c0_i32_0 = arith.constant 0 : i32
    return %arg0, %c0_i32 : i32, i32
  }
  func.func @transform_6(%arg0: i32) -> (i32, i32) {
    %c0_i32 = arith.constant 0 : i32
    %c0_i32_0 = arith.constant 0 : i32
    return %arg0, %c0_i32 : i32, i32
  }
}

</mosaic_0001>

<sc_bundles>
// kernel: kernel.10.cloned.1.call-start
scs
__scs_entry_jumppad:
0x0: {  	(pc) =	sbr.rel $0x88, $3  }
0x1: {  	(tag) =	ssettag $0x0;
	lr =	simm.s32 $0x1  }
0x2: {  	[smem:$0x3F97] =	sst lr;
	_ =	strace $0xD0000000  }
0x3: {  	_ = 	snop  }
0x4: {  	_ = 	snop  }
0x5: {  	_ = 	snop  }
0x6: {  	_ = 	snop  }
0x7: {  	_ = 	snop  }
__scs_overlays_trampoline_lowered:
0x8: {  	[smem:$0x3FA6] =	sst s0  }
0x9: {  	[smem:$0x3FA7] =	sst s1  }
0xa: {  	[smem:$0x3FA8] =	sst s2  }
0xb: {  	[smem:$0x3FA9] =	sst s3  }
0xc: {  	[smem:$0x3FAA] =	sst s4  }
0xd: {  	[smem:$0x3FAB] =	sst s5  }
0xe: {  	[smem:$0x3FAC] =	sst s6  }
0xf: {  	[smem:$0x3FAD] =	sst s7  }
0x10: {  	[smem:$0x3FAE] =	sst s8  }
0x11: {  	[smem:$0x3FAF] =	sst s9;
	s0 =	simm.s32 @!p0 $0x0  }
0x12: {  	s1 =	sld [smem:$0x3F95];
	s0 =	simm.s32 @p0 $0x1  }
0x13: {  	[smem:$0x3FB0] =	sst s0;
	s0 =	simm.s32 @!p1 $0x0  }
0x14: {  	s2 =	sld [smem:$0x3F94];
	s0 =	simm.s32 @p1 $0x1  }
0x15: {  	[smem:$0x3FB1] =	sst s0;
	s0 =	simm.s32 @!p2 $0x0  }
0x16: {  	s3 =	sld [smem:$0x3FDB];
	s0 =	simm.s32 @p2 $0x1  }
0x17: {  	s4 =	simm.s32 $0x1BF5;
	[smem:$0x3FB3] =	sst s0  }
0x18: {  	s0 =	sld [smem:$0x3F96];
	_ =	swait.ge [sflag:s4], $0x0  }
0x19: {  	s7 =	sld [smem:$0x3F97]  }
0x1a: {  	s8 =	sadd.s32 $0xFFFFE003, lr  }
0x1b: {  	s9 =	sadd.s32 $0xFFFFFEF7, lr;
	s5 =	simm.s32 $0xFFFFFFFF;
	p2 =	slt.u32 s8, $0xFFFFF086  }
0x1c: {  	p1 =	slt.u32 s9, $0xF7A;
	s5 =	simm.s32 @!p2 $0x0  }
0x1d: {  	s5 =	simm.s32 @p1 $0x1;
	p0 =	seq.s32 s7, s2  }
0x1e: {  	s7 =	smul.u32 @!p0 $0xF7A, s2;
	p2 =	seq.s32 @!p0 s5, $0x0  }
0x1f: {  	s9 =	smul.u32 $0xF7A, s1;
	s8 =	simm.s32 @!p0 $0x1BF5;
	p2 =	por !p2, p0  }
0x20: {  	[sflag:s8] =	ssyncset.s32 @!p0 $0xFFFFF086;
	s6 =	sadd.s32 @!p0 s3, s7;
	s7 =	simm.s32 @!p0 $0x108  }
0x21: {  	s3 =	sadd.s32 s3, s9;
	s6 =	sadd.s32 @!p0 $0x88, s6;
	s7 =	simm.s32 @p2 $0x1082  }
0x22: {  	[simem:s7], [sflag:s8] =	dma.local @!p0 [hbm:s6], $0xF7A  }
0x23: {  	s9 =	sor.u32 $0xD0000000, s2;
	s6 =	simm.s32 $0x108;
	_ =	swait.ge @!p0 [sflag:s8], $0x0  }
0x24: {  	s3 =	sadd.s32 $0x88, s3;
	s6 =	simm.s32 @!p1 $0x1082;
	[sflag:s4] =	ssyncset.s32 $0xFFFFF086  }
0x25: {  	[simem:s6], [sflag:s4] =	dma.local [hbm:s3], $0xF7A  }
0x26: {  	[smem:$0x3F97] =	sst s1;
	(tag) =	ssettag s2;
	_ =	strace s9  }
0x27: {  	s1 =	sld [smem:$0x3FA7]  }
0x28: {  	s2 =	sld [smem:$0x3FA8]  }
0x29: {  	s4 =	sld [smem:$0x3FAA]  }
0x2a: {  	p0 =	seq.s32 s5, $0x0;
	s5 =	sld [smem:$0x3FAB]  }
0x2b: {  	s6 =	sld [smem:$0x3FAC]  }
0x2c: {  	s7 =	sld [smem:$0x3FAD]  }
0x2d: {  	s3 =	simm.s32 $0x108;
	s8 =	sld [smem:$0x3FAE]  }
0x2e: {  	s3 =	simm.s32 @!p0 $0x1082;
	s9 =	sld [smem:$0x3FAF]  }
0x2f: {  	lr =	sadd.s32 s0, s3;
	s0 =	sld [smem:$0x3FA6]  }
0x30: {  	s3 =	sld [smem:$0x3FA9]  }
0x31: {  	[smem:$0x3FB2] =	sst s10  }
0x32: {  	s10 =	sld [smem:$0x3FB0];
	_ =	sdelay $0x3  }
0x33: {  	p0 =	seq.s32 s10, $0x1;
	s10 =	sld [smem:$0x3FB2];
	_ =	sdelay $0x3  }
0x34: {  	[smem:$0x3FB2] =	sst s10  }
0x35: {  	s10 =	sld [smem:$0x3FB1];
	_ =	sdelay $0x3  }
0x36: {  	p1 =	seq.s32 s10, $0x1;
	s10 =	sld [smem:$0x3FB2];
	_ =	sdelay $0x3  }
0x37: {  	[smem:$0x3FB2] =	sst s10  }
0x38: {  	s10 =	sld [smem:$0x3FB3]  }
0x39: {  	_ = 	snop;
	(pc) =	sbr.ind lr, $3  }
0x3a: {  	_ = 	snop  }
0x3b: {  	_ = 	snop  }
0x3c: {  	p2 =	seq.s32 s10, $0x1;
	s10 =	sld [smem:$0x3FB2]  }
0x3d: {  	_ =	shalt  }
0x3e: {  	_ =	shalt  }
0x3f: {  	_ =	shalt  }
0x40: {  	_ =	shalt  }
0x41: {  	_ =	shalt  }
0x42: {  	_ =	shalt  }
0x43: {  	_ =	shalt  }
0x44: {  	_ =	shalt  }
0x45: {  	_ =	shalt  }
0x46: {  	_ =	shalt  }
0x47: {  	_ =	shalt  }
0x48: {  	_ =	shalt  }
0x49: {  	_ =	shalt  }
0x4a: {  	_ =	shalt  }
0x4b: {  	_ =	shalt  }
0x4c: {  	_ =	shalt  }
0x4d: {  	_ =	shalt  }
0x4e: {  	_ =	shalt  }
0x4f: {  	_ =	shalt  }
0x50: {  	_ =	shalt  }
0x51: {  	_ =	shalt  }
0x52: {  	_ =	shalt  }
0x53: {  	_ =	shalt  }
0x54: {  	_ =	shalt  }
0x55: {  	_ =	shalt  }
0x56: {  	_ =	shalt  }
0x57: {  	_ =	shalt  }
0x58: {  	_ =	shalt  }
0x59: {  	_ =	shalt  }
0x5a: {  	_ =	shalt  }
0x5b: {  	_ =	shalt  }
0x5c: {  	_ =	shalt  }
0x5d: {  	_ =	shalt  }
0x5e: {  	_ =	shalt  }
0x5f: {  	_ =	shalt  }
0x60: {  	_ =	shalt  }
0x61: {  	_ =	shalt  }
0x62: {  	_ =	shalt  }
0x63: {  	_ =	shalt  }
0x64: {  	_ =	shalt  }
0x65: {  	_ =	shalt  }
0x66: {  	_ =	shalt  }
0x67: {  	_ =	shalt  }
0x68: {  	_ =	shalt  }
0x69: {  	_ =	shalt  }
0x6a: {  	_ =	shalt  }
0x6b: {  	_ =	shalt  }
0x6c: {  	_ =	shalt  }
0x6d: {  	_ =	shalt  }
0x6e: {  	_ =	shalt  }
0x6f: {  	_ =	shalt  }
0x70: {  	_ =	shalt  }
0x71: {  	_ =	shalt  }
0x72: {  	_ =	shalt  }
0x73: {  	_ =	shalt  }
0x74: {  	_ =	shalt  }
0x75: {  	_ =	shalt  }
0x76: {  	_ =	shalt  }
0x77: {  	_ =	shalt  }
0x78: {  	_ =	shalt  }
0x79: {  	_ =	shalt  }
0x7a: {  	_ =	shalt  }
0x7b: {  	_ =	shalt  }
0x7c: {  	_ =	shalt  }
0x7d: {  	_ =	shalt  }
0x7e: {  	_ =	shalt  }
0x7f: {  	_ =	shalt  }
0x80: {  	_ =	shalt  }
0x81: {  	_ =	shalt  }
0x82: {  	_ =	shalt  }
0x83: {  	_ =	shalt  }
0x84: {  	_ =	shalt  }
0x85: {  	_ =	shalt  }
0x86: {  	_ =	shalt  }
0x87: {  	_ =	shalt  }
.Lfunc_end0:
.L_simem_size_0:
called_computation_lowered:
.L_overlay_start_0:
0x88: {  	s2 =	sld [smem:$0x3FD9]  }
0x89: {  	s3 =	sld [smem:$0x3FFE];
	_ =	sdelay $0x1  }
0x8a: {  	s1 =	srdreg.scid  }
0x8b: {  	s0 =	sand.u32 $0x1, s1  }
0x8c: {  	s17 =	sshll.u32 s0, $0xA;
	s2 =	sadd.s32 s3, s2  }
0x8d: {  	s2 =	sadd.s32 s2, s17  }
0x8e: {  	[smem:$0x3FBE] =	sst s2  }
0x8f: {  	_ = 	snop  }
0x90: {  	s2 =	sld [smem:$0x3FD0];
	(tm) =	ssettm $0x1  }
0x91: {  	s18 =	sld [smem:$0x3FFB];
	_ =	sdelay $0x3  }
0x92: {  	_ =	strace s18  }
0x93: {  	s3 =	sld [smem:$0x3FFC];
	_ =	sdelay $0x3  }
0x94: {  	_ =	strace s3  }
0x95: {  	s3 =	sld [smem:$0x3FFD];
	_ =	sdelay $0x3  }
0x96: {  	_ =	strace s3  }
0x97: {  	_ =	strace $0x8FFFFFFF  }
0x98: {  	s19 =	sld [smem:$0x3FDB];
	_ =	sdelay $0x1  }
0x99: {  	s4 =	simm.s32 $_scs_section_size  }
0x9a: {  	s5 =	simm.s32 $_size__tile_overlayer_lowered;
	s6 =	simm.s32 $_tile_overlayer_lowered  }
0x9b: {  	s22 =	simm.s32 $0x1BFF;
	s21 =	sshll.u32 s6, $0x1;
	s3 =	sadd.s32 s4, s19  }
0x9c: {  	s7 =	simm.s32 $0x0;
	s20 =	sshll.u32 s5, $0x1;
	s5 =	sadd.s32 s21, s3  }
0x9d: {  	[timem:s7], [sflag:s22] =	dma.local [hbm:s5], s20  }
0x9e: {  	_ =	swait.ge [sflag:s22], s20  }
0x9f: {  	s4 =	ssub.s32 $0x0, s20;
	[sflag:s22] =	ssyncset.done $0x0  }
0xa0: {  	[sflag:s22] =	ssyncadd.s32 s4;
	_ =	sdelay $0x1  }
0xa1: {  	s23 =	simm.s32 $0x1B8B  }
0xa2: {  	_ =	swait.ge [sflag:s23], $0x1  }
0xa3: {  	[sflag:s23] =	ssyncset.done $0x0  }
0xa4: {  	s25 =	simm.s32 $0x1B8E;
	s24 =	sld [smem:$0x3FFE];
	[sflag:s23] =	ssyncadd.s32 $0xFFFFFFFF  }
0xa5: {  	s26 =	simm.s32 $execute0_lowered;
	[smem:$0x3FD2] =	sst s25  }
0xa6: {  	s5 =	sshll.u32 s26, $0x1;
	_ =	strace $0x80000046;
	[dreg:$0x1] =	wrdreg $0xFFFFFFFF  }
0xa7: {  	s28 =	simm.s32 $_size_execute0_lowered;
	s3 =	sadd.s32 s3, s5;
	[dreg:$0x0] =	wrdreg $0x0  }
0xa8: {  	s5 =	sshll.u32 s28, $0x1;
	[dreg:$0x2] =	wrdreg s3  }
0xa9: {  	[dreg:$0x3] =	wrdreg s5  }
0xaa: {  	[dreg:$0x4] =	wrdreg $0xC0  }
0xab: {  	_ =	task [dreg:s7], $0x5FFFF  }
0xac: {  	[dreg:$0x1] =	wrdreg $0xFFFFFFFF  }
0xad: {  	[dreg:$0x0] =	wrdreg $0x60  }
0xae: {  	[dreg:$0x2] =	wrdreg s24  }
0xaf: {  	[dreg:$0x3] =	wrdreg s2  }
0xb0: {  	[dreg:$0x4] =	wrdreg $0x17000  }
0xb1: {  	[dreg:$0x5] =	wrdreg $0x9  }
0xb2: {  	_ =	task.clear_ibuf [dreg:s7], $0x6FFFF;
	_ =	strace $0x90000046  }
0xb3: {  	s29 =	simm.s32 $0x9;
	_ =	strace $0x80000048  }
0xb4: {  	_ =	swait.ge [sflag:s29], $0x1  }
0xb5: {  	[sflag:s29] =	ssyncadd.s32 $0xFFFFFFFF  }
0xb6: {  	_ =	strace $0x90000048  }
0xb7: {  	_ =	sfence  }
0xb8: {  	s30 =	sld [smem:$0x0];
	_ =	sdelay $0x2  }
0xb9: {  	s31 =	sshll.u32 s1, $0xD;
	s1 =	sshrl.u32 s1, $0x2  }
0xba: {  	s3 =	sand.u32 $0x4000, s31;
	s1 =	sadd.s32 s1, s30  }
0xbb: {  	s0 =	sor.u32 s3, s0;
	s1 =	sshll.u32 s1, $0x11  }
0xbc: {  	s0 =	sor.u32 s1, s0  }
0xbd: {  	s0 =	sadd.s32 $0x8F2B, s0  }
0xbe: {  	[sflag:s0] =	ssyncadd.remote.s32 $0x1  }
0xbf: {  	_ =	sfence.sel $0xFFFF  }
0xc0: {  	[dreg:$0x0] =	wrdreg $0xFFFFFFFF;
	(pc) =	sbr.abs _section_cstart, $3  }
0xc1: {  	[dreg:$0x1] =	wrdreg $0xFFFFFFFF  }
0xc2: {  	_ =	task.clear_ibuf [dreg:s7], $0x2FFFF;
	_ =	strace $0x9FFFFFFF  }
0xc3: {  	(tm) =	ssettm $0x7FFFFFFF  }
tec
execute0_lowered:
.L_overlay_start_1:
0x0: {  	(tag) =	ssettag $0x1  }
0x1: {  	s0 =	srdreg.scid;
	s1 =	rddreg [dreg:$0x0]  }
0x2: {  	s6 =	rddreg [dreg:$0x1];
	s8 =	stileid.u32  }
0x3: {  	s2 =	rddreg [dreg:$0x2];
	s9 =	simm.s32 $0x2;
	s10 =	simm.s32 $0x1  }
0x4: {  	s11 =	simm.s32 $0x80;
	s12 =	simm.s32 $0x1400;
	s14 =	simm.s32 $0xC00  }
0x5: {  	s15 =	simm.s32 $0xC80;
	s16 =	simm.s32 $0xD00;
	s17 =	simm.s32 $0xD80  }
0x6: {  	s18 =	simm.s32 $0xE00;
	s19 =	simm.s32 $0xE80;
	s20 =	simm.s32 $0xF00  }
0x7: {  	s21 =	simm.s32 $0xF80;
	s22 =	simm.s32 $0x1000;
	s23 =	simm.s32 $0x1080  }
0x8: {  	s24 =	simm.s32 $0x1100;
	s25 =	simm.s32 $0x1180;
	s28 =	simm.s32 $0x1280  }
0x9: {  	s29 =	simm.s32 $0x1300;
	s30 =	simm.s32 $0x1380;
	s0 =	sand.u32 $0x1, s0  }
0xa: {  	s31 =	simm.s32 $0x20;
	s5 =	smul.u32 $0xA00, s8;
	s3 =	sshll.u32 s0, $0x4  }
0xb: {  	s7 =	ssub.s32 $0x2, s0;
	s0 =	sshll.u32 s0, $0x7;
	s4 =	sor.u32 s8, s3  }
0xc: {  	s3 =	simm.s32 $0x0;
	s8 =	smul.u32 $0x500, s8;
	s26 =	sshrl.u32 s7, $0x1  }
0xd: {  	s5 =	sshrl.u32 s5, $0x2;
	s4 =	smul.u32 $0x280, s4;
	[smem:$0x7FF] =	sst s3  }
0xe: {  	s7 =	ssub.s32 s7, s26;
	s5 =	sadd.s32 s5, s2;
	s26 =	simm.s32 $0x1200  }
0xf: {  	_ =	strace $0x80000047;
	s0 =	sor.u32 s0, s8;
	s1 =	sadd.s32 s4, s1  }
0x10: {  	s7 =	smax.u32 s7, $0x1;
	s0 =	sshrl.u32 s0, $0x3;
	s4 =	sadd.s32 $0x1C00, s1  }
0x11: {  	v0 =	vimm.f32 $1.000000000e+00;
	v1 =	vimm.f32 $0.0e+00;
	s6 =	sadd.s32 s6, s0;
	s1 =	simm.s32 $0x10;
	s0 =	simm.s32 $0x0  }
.LBB2_1:
0x12: {  	[tilespmem:s3], [sflag:$0x1] =	stream.linear.gather [hbm4b:s4+s3], $0x1400, $0x38;
	[tilespmem:$0x1980] =	vst v63  }
0x13: {  	[tilespmem:$0x1400] =	vst v0  }
0x14: {  	[tilespmem:$0x1410] =	vst v0  }
0x15: {  	[tilespmem:$0x1420] =	vst v0  }
0x16: {  	[tilespmem:$0x1430] =	vst v0  }
0x17: {  	[tilespmem:$0x1440] =	vst v0  }
0x18: {  	[tilespmem:$0x1450] =	vst v0  }
0x19: {  	[tilespmem:$0x1460] =	vst v0  }
0x1a: {  	[tilespmem:$0x1470] =	vst v0  }
0x1b: {  	[tilespmem:$0x1480] =	vst v1  }
0x1c: {  	[tilespmem:$0x1490] =	vst v1  }
0x1d: {  	[tilespmem:$0x14A0] =	vst v1  }
0x1e: {  	[tilespmem:$0x14B0] =	vst v1  }
0x1f: {  	[tilespmem:$0x14C0] =	vst v1  }
0x20: {  	[tilespmem:$0x14D0] =	vst v1  }
0x21: {  	[tilespmem:$0x14E0] =	vst v1  }
0x22: {  	[tilespmem:$0x14F0] =	vst v1  }
0x23: {  	[tilespmem:$0x1500] =	vst v1  }
0x24: {  	[tilespmem:$0x1510] =	vst v1  }
0x25: {  	[tilespmem:$0x1520] =	vst v1  }
0x26: {  	[tilespmem:$0x1530] =	vst v1  }
0x27: {  	[tilespmem:$0x1540] =	vst v1  }
0x28: {  	[tilespmem:$0x1550] =	vst v1  }
0x29: {  	[tilespmem:$0x1560] =	vst v1  }
0x2a: {  	[tilespmem:$0x1570] =	vst v1  }
0x2b: {  	[tilespmem:$0x1580] =	vst v1  }
0x2c: {  	[tilespmem:$0x1590] =	vst v1  }
0x2d: {  	[tilespmem:$0x15A0] =	vst v1  }
0x2e: {  	[tilespmem:$0x15B0] =	vst v1  }
0x2f: {  	[tilespmem:$0x15C0] =	vst v1  }
0x30: {  	[tilespmem:$0x15D0] =	vst v1  }
0x31: {  	[tilespmem:$0x15E0] =	vst v1  }
0x32: {  	[tilespmem:$0x15F0] =	vst v1  }
0x33: {  	[tilespmem:$0x1600] =	vst v1  }
0x34: {  	[tilespmem:$0x1610] =	vst v1  }
0x35: {  	[tilespmem:$0x1620] =	vst v1  }
0x36: {  	[tilespmem:$0x1630] =	vst v1  }
0x37: {  	[tilespmem:$0x1640] =	vst v1  }
0x38: {  	[tilespmem:$0x1650] =	vst v1  }
0x39: {  	[tilespmem:$0x1660] =	vst v1  }
0x3a: {  	[tilespmem:$0x1670] =	vst v1  }
0x3b: {  	[tilespmem:$0x1680] =	vst v1  }
0x3c: {  	[tilespmem:$0x1690] =	vst v1  }
0x3d: {  	[tilespmem:$0x16A0] =	vst v1  }
0x3e: {  	[tilespmem:$0x16B0] =	vst v1  }
0x3f: {  	[tilespmem:$0x16C0] =	vst v1  }
0x40: {  	[tilespmem:$0x16D0] =	vst v1  }
0x41: {  	[tilespmem:$0x16E0] =	vst v1  }
0x42: {  	s8 =	simm.s32 $0x1480;
	[tilespmem:$0x16F0] =	vst v1  }
0x43: {  	[spmem:s5] =	stream.linear.scatter [tilespmem:s8], [sflag:$0x2], $0x280, $0x38;
	[tilespmem:$0x1980] =	vst v63  }
0x44: {  	_ =	swait.ge [sflag:s9], $0x280  }
0x45: {  	[sflag:s9] =	ssyncset.done $0x0  }
0x46: {  	[sflag:s9] =	ssyncadd.s32 $0xFFFFFD80  }
0x47: {  	_ =	swait.ge [sflag:s10], $0x1400  }
0x48: {  	[sflag:s10] =	ssyncset.done $0x0  }
0x49: {  	[sflag:s10] =	ssyncadd.s32 $0xFFFFEC00  }
0x4a: {  	[bflag:$0x0] =	sbarrier.arrive $0xFFFF  }
0x4b: {  	[spmem:s2] =	stream.indirect.scatter.add.f32 [tilespmem:s12], [sflag:$0x1], $0x1, s3, s11, $0xb8;
	[tilespmem:$0x1980] =	vst v63  }
0x4c: {  	_ = 	snop  }
0x4d: {  	[spmem:s2] =	stream.indirect.scatter.add.f32 [tilespmem:s12], [sflag:$0x1], $0x1, s11, s11, $0xb8;
	[tilespmem:$0x1980] =	vst v63  }
0x4e: {  	s13 =	simm.s32 $0x100  }
0x4f: {  	[spmem:s2] =	stream.indirect.scatter.add.f32 [tilespmem:s12], [sflag:$0x1], $0x1, s13, s11, $0xb8;
	[tilespmem:$0x1980] =	vst v63  }
0x50: {  	s13 =	simm.s32 $0x180  }
0x51: {  	[spmem:s2] =	stream.indirect.scatter.add.f32 [tilespmem:s12], [sflag:$0x1], $0x1, s13, s11, $0xb8;
	[tilespmem:$0x1980] =	vst v63  }
0x52: {  	s13 =	simm.s32 $0x200  }
0x53: {  	[spmem:s2] =	stream.indirect.scatter.add.f32 [tilespmem:s12], [sflag:$0x1], $0x1, s13, s11, $0xb8;
	[tilespmem:$0x1980] =	vst v63  }
0x54: {  	s13 =	simm.s32 $0x280  }
0x55: {  	[spmem:s2] =	stream.indirect.scatter.add.f32 [tilespmem:s12], [sflag:$0x1], $0x1, s13, s11, $0xb8;
	[tilespmem:$0x1980] =	vst v63  }
0x56: {  	s13 =	simm.s32 $0x300  }
0x57: {  	[spmem:s2] =	stream.indirect.scatter.add.f32 [tilespmem:s12], [sflag:$0x1], $0x1, s13, s11, $0xb8;
	[tilespmem:$0x1980] =	vst v63  }
0x58: {  	s13 =	simm.s32 $0x380  }
0x59: {  	[spmem:s2] =	stream.indirect.scatter.add.f32 [tilespmem:s12], [sflag:$0x1], $0x1, s13, s11, $0xb8;
	[tilespmem:$0x1980] =	vst v63  }
0x5a: {  	s13 =	simm.s32 $0x400  }
0x5b: {  	[spmem:s2] =	stream.indirect.scatter.add.f32 [tilespmem:s12], [sflag:$0x1], $0x1, s13, s11, $0xb8;
	[tilespmem:$0x1980] =	vst v63  }
0x5c: {  	s13 =	simm.s32 $0x480  }
0x5d: {  	[spmem:s2] =	stream.indirect.scatter.add.f32 [tilespmem:s12], [sflag:$0x1], $0x1, s13, s11, $0xb8;
	[tilespmem:$0x1980] =	vst v63  }
0x5e: {  	s13 =	simm.s32 $0x500  }
0x5f: {  	[spmem:s2] =	stream.indirect.scatter.add.f32 [tilespmem:s12], [sflag:$0x1], $0x1, s13, s11, $0xb8;
	[tilespmem:$0x1980] =	vst v63  }
0x60: {  	s13 =	simm.s32 $0x580  }
0x61: {  	[spmem:s2] =	stream.indirect.scatter.add.f32 [tilespmem:s12], [sflag:$0x1], $0x1, s13, s11, $0xb8;
	[tilespmem:$0x1980] =	vst v63  }
0x62: {  	s13 =	simm.s32 $0x600  }
0x63: {  	[spmem:s2] =	stream.indirect.scatter.add.f32 [tilespmem:s12], [sflag:$0x1], $0x1, s13, s11, $0xb8;
	[tilespmem:$0x1980] =	vst v63  }
0x64: {  	s13 =	simm.s32 $0x680  }
0x65: {  	[spmem:s2] =	stream.indirect.scatter.add.f32 [tilespmem:s12], [sflag:$0x1], $0x1, s13, s11, $0xb8;
	[tilespmem:$0x1980] =	vst v63  }
0x66: {  	s13 =	simm.s32 $0x700  }
0x67: {  	[spmem:s2] =	stream.indirect.scatter.add.f32 [tilespmem:s12], [sflag:$0x1], $0x1, s13, s11, $0xb8;
	[tilespmem:$0x1980] =	vst v63  }
0x68: {  	s13 =	simm.s32 $0x780  }
0x69: {  	[spmem:s2] =	stream.indirect.scatter.add.f32 [tilespmem:s12], [sflag:$0x1], $0x1, s13, s11, $0xb8;
	[tilespmem:$0x1980] =	vst v63  }
0x6a: {  	s13 =	simm.s32 $0x800  }
0x6b: {  	[spmem:s2] =	stream.indirect.scatter.add.f32 [tilespmem:s12], [sflag:$0x1], $0x1, s13, s11, $0xb8;
	[tilespmem:$0x1980] =	vst v63  }
0x6c: {  	s13 =	simm.s32 $0x880  }
0x6d: {  	[spmem:s2] =	stream.indirect.scatter.add.f32 [tilespmem:s12], [sflag:$0x1], $0x1, s13, s11, $0xb8;
	[tilespmem:$0x1980] =	vst v63  }
0x6e: {  	s13 =	simm.s32 $0x900  }
0x6f: {  	[spmem:s2] =	stream.indirect.scatter.add.f32 [tilespmem:s12], [sflag:$0x1], $0x1, s13, s11, $0xb8;
	[tilespmem:$0x1980] =	vst v63  }
0x70: {  	s13 =	simm.s32 $0x980  }
0x71: {  	[spmem:s2] =	stream.indirect.scatter.add.f32 [tilespmem:s12], [sflag:$0x1], $0x1, s13, s11, $0xb8;
	[tilespmem:$0x1980] =	vst v63  }
0x72: {  	s13 =	simm.s32 $0xA00  }
0x73: {  	[spmem:s2] =	stream.indirect.scatter.add.f32 [tilespmem:s12], [sflag:$0x1], $0x1, s13, s11, $0xb8;
	[tilespmem:$0x1980] =	vst v63  }
0x74: {  	s13 =	simm.s32 $0xA80  }
0x75: {  	[spmem:s2] =	stream.indirect.scatter.add.f32 [tilespmem:s12], [sflag:$0x1], $0x1, s13, s11, $0xb8;
	[tilespmem:$0x1980] =	vst v63  }
0x76: {  	s13 =	simm.s32 $0xB00  }
0x77: {  	[spmem:s2] =	stream.indirect.scatter.add.f32 [tilespmem:s12], [sflag:$0x1], $0x1, s13, s11, $0xb8;
	[tilespmem:$0x1980] =	vst v63  }
0x78: {  	s13 =	simm.s32 $0xB80  }
0x79: {  	[spmem:s2] =	stream.indirect.scatter.add.f32 [tilespmem:s12], [sflag:$0x1], $0x1, s13, s11, $0xb8;
	[tilespmem:$0x1980] =	vst v63  }
0x7a: {  	_ = 	snop  }
0x7b: {  	[spmem:s2] =	stream.indirect.scatter.add.f32 [tilespmem:s12], [sflag:$0x1], $0x1, s14, s11, $0xb8;
	[tilespmem:$0x1980] =	vst v63  }
0x7c: {  	_ = 	snop  }
0x7d: {  	[spmem:s2] =	stream.indirect.scatter.add.f32 [tilespmem:s12], [sflag:$0x1], $0x1, s15, s11, $0xb8;
	[tilespmem:$0x1980] =	vst v63  }
0x7e: {  	_ = 	snop  }
0x7f: {  	[spmem:s2] =	stream.indirect.scatter.add.f32 [tilespmem:s12], [sflag:$0x1], $0x1, s16, s11, $0xb8;
	[tilespmem:$0x1980] =	vst v63  }
0x80: {  	_ = 	snop  }
0x81: {  	[spmem:s2] =	stream.indirect.scatter.add.f32 [tilespmem:s12], [sflag:$0x1], $0x1, s17, s11, $0xb8;
	[tilespmem:$0x1980] =	vst v63  }
0x82: {  	_ = 	snop  }
0x83: {  	[spmem:s2] =	stream.indirect.scatter.add.f32 [tilespmem:s12], [sflag:$0x1], $0x1, s18, s11, $0xb8;
	[tilespmem:$0x1980] =	vst v63  }
0x84: {  	_ = 	snop  }
0x85: {  	[spmem:s2] =	stream.indirect.scatter.add.f32 [tilespmem:s12], [sflag:$0x1], $0x1, s19, s11, $0xb8;
	[tilespmem:$0x1980] =	vst v63  }
0x86: {  	_ = 	snop  }
0x87: {  	[spmem:s2] =	stream.indirect.scatter.add.f32 [tilespmem:s12], [sflag:$0x1], $0x1, s20, s11, $0xb8;
	[tilespmem:$0x1980] =	vst v63  }
0x88: {  	_ = 	snop  }
0x89: {  	[spmem:s2] =	stream.indirect.scatter.add.f32 [tilespmem:s12], [sflag:$0x1], $0x1, s21, s11, $0xb8;
	[tilespmem:$0x1980] =	vst v63  }
0x8a: {  	_ = 	snop  }
0x8b: {  	[spmem:s2] =	stream.indirect.scatter.add.f32 [tilespmem:s12], [sflag:$0x1], $0x1, s22, s11, $0xb8;
	[tilespmem:$0x1980] =	vst v63  }
0x8c: {  	_ = 	snop  }
0x8d: {  	[spmem:s2] =	stream.indirect.scatter.add.f32 [tilespmem:s12], [sflag:$0x1], $0x1, s23, s11, $0xb8;
	[tilespmem:$0x1980] =	vst v63  }
0x8e: {  	_ = 	snop  }
0x8f: {  	[spmem:s2] =	stream.indirect.scatter.add.f32 [tilespmem:s12], [sflag:$0x1], $0x1, s24, s11, $0xb8;
	[tilespmem:$0x1980] =	vst v63  }
0x90: {  	_ = 	snop  }
0x91: {  	[spmem:s2] =	stream.indirect.scatter.add.f32 [tilespmem:s12], [sflag:$0x1], $0x1, s25, s11, $0xb8;
	[tilespmem:$0x1980] =	vst v63  }
0x92: {  	_ = 	snop  }
0x93: {  	[spmem:s2] =	stream.indirect.scatter.add.f32 [tilespmem:s12], [sflag:$0x1], $0x1, s26, s11, $0xb8;
	[tilespmem:$0x1980] =	vst v63  }
0x94: {  	_ = 	snop  }
0x95: {  	[spmem:s2] =	stream.indirect.scatter.add.f32 [tilespmem:s12], [sflag:$0x1], $0x1, s28, s11, $0xb8;
	[tilespmem:$0x1980] =	vst v63  }
0x96: {  	_ = 	snop  }
0x97: {  	[spmem:s2] =	stream.indirect.scatter.add.f32 [tilespmem:s12], [sflag:$0x1], $0x1, s29, s11, $0xb8;
	[tilespmem:$0x1980] =	vst v63  }
0x98: {  	_ = 	snop  }
0x99: {  	[spmem:s2] =	stream.indirect.scatter.add.f32 [tilespmem:s12], [sflag:$0x1], $0x1, s30, s11, $0xb8;
	[tilespmem:$0x1980] =	vst v63  }
0x9a: {  	_ =	swait.ge [sflag:s10], $0x80  }
0x9b: {  	s8 =	simm.s32 $0x27;
	[sflag:s10] =	ssyncset.done $0x0  }
.LBB2_2:
0x9c: {  	p0 =	sne.s32 s8, $0x1;
	s8 =	sadd.s32 $0xFFFFFFFF, s8;
	[sflag:s10] =	ssyncadd.s32 $0xFFFFFF80  }
.Ltmp0:
0x9d: {  	(pc) =	sbr.rel @p0 .LBB2_2-.Ltmp0, $3  }
0x9e: {  	_ =	sdelay $0x1  }
0x9f: {  	_ =	swait.ge [sflag:s10], $0x80  }
0xa0: {  	[sflag:s10] =	ssyncset.done $0x0  }
0xa1: {  	[sflag:s10] =	ssyncadd.s32 $0xFFFFFF80;
	s8 =	stileid.u32;
	s0 =	sadd.s32 $0x1, s0  }
0xa2: {  	s13 =	sshrl.u32 s5, $0x3;
	s8 =	sshll.u32 s8, $0x6;
	p0 =	sne.s32 s0, s7  }
.Ltmp1:
0xa3: {  	[bflag:$0x0] =	sbarrier.arrive $0xFFFF;
	s8 =	sor.u32 $0x1C02, s8;
	(pc) =	sbr.rel @p0 .LBB2_1-.Ltmp1, $4  }
0xa4: {  	[hbm:s6@s31], [sflag:s8] =	dma.strided [spmem:s13@s1], $0x50, s10, $0x10   }
0xa5: {  	_ =	swait.ge [sflag:s9], $0x50  }
0xa6: {  	[sflag:s9] =	ssyncset.done $0x0  }
0xa7: {  	[sflag:s9] =	ssyncadd.s32 $0xFFFFFFB0  }
0xa8: {  	_ =	sfence.sel $0x180000  }
0xa9: {  	[bflag:$0x0] =	sbarrier.arrive $0xFFFF  }
0xaa: {  	_ =	strace $0x90000047  }
0xab: {  	s0 =	stileid.u32;
	[bflag:$0x2] =	sbarrier.arrive $0xFFFF  }
0xac: {  	p0 =	sne.s32 s0, $0x0;
	s0 =	rddreg [dreg:$0x3]  }
0xad: {  	s0 =	sadd.s32 @!p0 $0x100000, s0  }
0xae: {  	[sflag:s0] =	ssyncadd.tile.s32 @!p0 $0x1;
	_ =	shalt  }
.Lfunc_end2:
_tile_overlayer_lowered:
.L_overlay_start_2:
0xaf: {  	(tag) =	ssettag $0x2  }
0xb0: {  	s0 =	rddreg [dreg:$0x0];
	s2 =	stileid.u32  }
0xb1: {  	s1 =	rddreg [dreg:$0x1];
	p0 =	sne.s32 s2, $0x0  }
0xb2: {  	s3 =	rddreg [dreg:$0x2];
	[bflag:$0x3] =	sbarrier.arrive $0xFFFF;
	s2 =	simm.s32 @!p0 $0x1C02  }
0xb3: {  	[timem:s3], [sflag:s2] =	dma.local @!p0 [hbm:s0], s1  }
0xb4: {  	s0 =	simm.s32 @!p0 $0x2  }
0xb5: {  	_ =	swait.ge @!p0 [sflag:s0], s1  }
0xb6: {  	s1 =	ssub.s32 @!p0 $0x0, s1;
	[sflag:s0] =	ssyncset.done @!p0 $0x0  }
0xb7: {  	[sflag:s0] =	ssyncadd.s32 @!p0 s1  }
0xb8: {  	[bflag:$0x3] =	sbarrier.arrive $0xFFFF  }
0xb9: {  	_ =	shalt  }

// kernel: kernel.13.cloned.1.call-start
scs
__scs_entry_jumppad:
0x0: {  	(pc) =	sbr.rel $0x88, $3  }
0x1: {  	(tag) =	ssettag $0x0;
	lr =	simm.s32 $0x1  }
0x2: {  	[smem:$0x3F97] =	sst lr;
	_ =	strace $0xD0000000  }
0x3: {  	_ = 	snop  }
0x4: {  	_ = 	snop  }
0x5: {  	_ = 	snop  }
0x6: {  	_ = 	snop  }
0x7: {  	_ = 	snop  }
__scs_overlays_trampoline_lowered:
0x8: {  	[smem:$0x3FA6] =	sst s0  }
0x9: {  	[smem:$0x3FA7] =	sst s1  }
0xa: {  	[smem:$0x3FA8] =	sst s2  }
0xb: {  	[smem:$0x3FA9] =	sst s3  }
0xc: {  	[smem:$0x3FAA] =	sst s4  }
0xd: {  	[smem:$0x3FAB] =	sst s5  }
0xe: {  	[smem:$0x3FAC] =	sst s6  }
0xf: {  	[smem:$0x3FAD] =	sst s7  }
0x10: {  	[smem:$0x3FAE] =	sst s8  }
0x11: {  	[smem:$0x3FAF] =	sst s9;
	s0 =	simm.s32 @!p0 $0x0  }
0x12: {  	s1 =	sld [smem:$0x3F95];
	s0 =	simm.s32 @p0 $0x1  }
0x13: {  	[smem:$0x3FB0] =	sst s0;
	s0 =	simm.s32 @!p1 $0x0  }
0x14: {  	s2 =	sld [smem:$0x3F94];
	s0 =	simm.s32 @p1 $0x1  }
0x15: {  	[smem:$0x3FB1] =	sst s0;
	s0 =	simm.s32 @!p2 $0x0  }
0x16: {  	s3 =	sld [smem:$0x3FDB];
	s0 =	simm.s32 @p2 $0x1  }
0x17: {  	s4 =	simm.s32 $0x1BF5;
	[smem:$0x3FB3] =	sst s0  }
0x18: {  	s0 =	sld [smem:$0x3F96];
	_ =	swait.ge [sflag:s4], $0x0  }
0x19: {  	s7 =	sld [smem:$0x3F97]  }
0x1a: {  	s8 =	sadd.s32 $0xFFFFE003, lr  }
0x1b: {  	s9 =	sadd.s32 $0xFFFFFEF7, lr;
	s5 =	simm.s32 $0xFFFFFFFF;
	p2 =	slt.u32 s8, $0xFFFFF086  }
0x1c: {  	p1 =	slt.u32 s9, $0xF7A;
	s5 =	simm.s32 @!p2 $0x0  }
0x1d: {  	s5 =	simm.s32 @p1 $0x1;
	p0 =	seq.s32 s7, s2  }
0x1e: {  	s7 =	smul.u32 @!p0 $0xF7A, s2;
	p2 =	seq.s32 @!p0 s5, $0x0  }
0x1f: {  	s9 =	smul.u32 $0xF7A, s1;
	s8 =	simm.s32 @!p0 $0x1BF5;
	p2 =	por !p2, p0  }
0x20: {  	[sflag:s8] =	ssyncset.s32 @!p0 $0xFFFFF086;
	s6 =	sadd.s32 @!p0 s3, s7;
	s7 =	simm.s32 @!p0 $0x108  }
0x21: {  	s3 =	sadd.s32 s3, s9;
	s6 =	sadd.s32 @!p0 $0x88, s6;
	s7 =	simm.s32 @p2 $0x1082  }
0x22: {  	[simem:s7], [sflag:s8] =	dma.local @!p0 [hbm:s6], $0xF7A  }
0x23: {  	s9 =	sor.u32 $0xD0000000, s2;
	s6 =	simm.s32 $0x108;
	_ =	swait.ge @!p0 [sflag:s8], $0x0  }
0x24: {  	s3 =	sadd.s32 $0x88, s3;
	s6 =	simm.s32 @!p1 $0x1082;
	[sflag:s4] =	ssyncset.s32 $0xFFFFF086  }
0x25: {  	[simem:s6], [sflag:s4] =	dma.local [hbm:s3], $0xF7A  }
0x26: {  	[smem:$0x3F97] =	sst s1;
	(tag) =	ssettag s2;
	_ =	strace s9  }
0x27: {  	s1 =	sld [smem:$0x3FA7]  }
0x28: {  	s2 =	sld [smem:$0x3FA8]  }
0x29: {  	s4 =	sld [smem:$0x3FAA]  }
0x2a: {  	p0 =	seq.s32 s5, $0x0;
	s5 =	sld [smem:$0x3FAB]  }
0x2b: {  	s6 =	sld [smem:$0x3FAC]  }
0x2c: {  	s7 =	sld [smem:$0x3FAD]  }
0x2d: {  	s3 =	simm.s32 $0x108;
	s8 =	sld [smem:$0x3FAE]  }
0x2e: {  	s3 =	simm.s32 @!p0 $0x1082;
	s9 =	sld [smem:$0x3FAF]  }
0x2f: {  	lr =	sadd.s32 s0, s3;
	s0 =	sld [smem:$0x3FA6]  }
0x30: {  	s3 =	sld [smem:$0x3FA9]  }
0x31: {  	[smem:$0x3FB2] =	sst s10  }
0x32: {  	s10 =	sld [smem:$0x3FB0];
	_ =	sdelay $0x3  }
0x33: {  	p0 =	seq.s32 s10, $0x1;
	s10 =	sld [smem:$0x3FB2];
	_ =	sdelay $0x3  }
0x34: {  	[smem:$0x3FB2] =	sst s10  }
0x35: {  	s10 =	sld [smem:$0x3FB1];
	_ =	sdelay $0x3  }
0x36: {  	p1 =	seq.s32 s10, $0x1;
	s10 =	sld [smem:$0x3FB2];
	_ =	sdelay $0x3  }
0x37: {  	[smem:$0x3FB2] =	sst s10  }
0x38: {  	s10 =	sld [smem:$0x3FB3]  }
0x39: {  	_ = 	snop;
	(pc) =	sbr.ind lr, $3  }
0x3a: {  	_ = 	snop  }
0x3b: {  	_ = 	snop  }
0x3c: {  	p2 =	seq.s32 s10, $0x1;
	s10 =	sld [smem:$0x3FB2]  }
0x3d: {  	_ =	shalt  }
0x3e: {  	_ =	shalt  }
0x3f: {  	_ =	shalt  }
0x40: {  	_ =	shalt  }
0x41: {  	_ =	shalt  }
0x42: {  	_ =	shalt  }
0x43: {  	_ =	shalt  }
0x44: {  	_ =	shalt  }
0x45: {  	_ =	shalt  }
0x46: {  	_ =	shalt  }
0x47: {  	_ =	shalt  }
0x48: {  	_ =	shalt  }
0x49: {  	_ =	shalt  }
0x4a: {  	_ =	shalt  }
0x4b: {  	_ =	shalt  }
0x4c: {  	_ =	shalt  }
0x4d: {  	_ =	shalt  }
0x4e: {  	_ =	shalt  }
0x4f: {  	_ =	shalt  }
0x50: {  	_ =	shalt  }
0x51: {  	_ =	shalt  }
0x52: {  	_ =	shalt  }
0x53: {  	_ =	shalt  }
0x54: {  	_ =	shalt  }
0x55: {  	_ =	shalt  }
0x56: {  	_ =	shalt  }
0x57: {  	_ =	shalt  }
0x58: {  	_ =	shalt  }
0x59: {  	_ =	shalt  }
0x5a: {  	_ =	shalt  }
0x5b: {  	_ =	shalt  }
0x5c: {  	_ =	shalt  }
0x5d: {  	_ =	shalt  }
0x5e: {  	_ =	shalt  }
0x5f: {  	_ =	shalt  }
0x60: {  	_ =	shalt  }
0x61: {  	_ =	shalt  }
0x62: {  	_ =	shalt  }
0x63: {  	_ =	shalt  }
0x64: {  	_ =	shalt  }
0x65: {  	_ =	shalt  }
0x66: {  	_ =	shalt  }
0x67: {  	_ =	shalt  }
0x68: {  	_ =	shalt  }
0x69: {  	_ =	shalt  }
0x6a: {  	_ =	shalt  }
0x6b: {  	_ =	shalt  }
0x6c: {  	_ =	shalt  }
0x6d: {  	_ =	shalt  }
0x6e: {  	_ =	shalt  }
0x6f: {  	_ =	shalt  }
0x70: {  	_ =	shalt  }
0x71: {  	_ =	shalt  }
0x72: {  	_ =	shalt  }
0x73: {  	_ =	shalt  }
0x74: {  	_ =	shalt  }
0x75: {  	_ =	shalt  }
0x76: {  	_ =	shalt  }
0x77: {  	_ =	shalt  }
0x78: {  	_ =	shalt  }
0x79: {  	_ =	shalt  }
0x7a: {  	_ =	shalt  }
0x7b: {  	_ =	shalt  }
0x7c: {  	_ =	shalt  }
0x7d: {  	_ =	shalt  }
0x7e: {  	_ =	shalt  }
0x7f: {  	_ =	shalt  }
0x80: {  	_ =	shalt  }
0x81: {  	_ =	shalt  }
0x82: {  	_ =	shalt  }
0x83: {  	_ =	shalt  }
0x84: {  	_ =	shalt  }
0x85: {  	_ =	shalt  }
0x86: {  	_ =	shalt  }
0x87: {  	_ =	shalt  }
.Lfunc_end0:
.L_simem_size_0:
called_computation.1_lowered:
.L_overlay_start_0:
0x88: {  	s2 =	sld [smem:$0x3FD9]  }
0x89: {  	s3 =	sld [smem:$0x3FFE];
	_ =	sdelay $0x1  }
0x8a: {  	s1 =	srdreg.scid  }
0x8b: {  	s0 =	sand.u32 $0x1, s1  }
0x8c: {  	s16 =	sshll.u32 s0, $0xA;
	s2 =	sadd.s32 s3, s2  }
0x8d: {  	s2 =	sadd.s32 s2, s16  }
0x8e: {  	[smem:$0x3FBE] =	sst s2  }
0x8f: {  	_ = 	snop  }
0x90: {  	(tm) =	ssettm $0x1  }
0x91: {  	s17 =	sld [smem:$0x3FFB];
	_ =	sdelay $0x3  }
0x92: {  	_ =	strace s17  }
0x93: {  	s2 =	sld [smem:$0x3FFC];
	_ =	sdelay $0x3  }
0x94: {  	_ =	strace s2  }
0x95: {  	s2 =	sld [smem:$0x3FFD];
	_ =	sdelay $0x3  }
0x96: {  	_ =	strace s2  }
0x97: {  	_ =	strace $0x8FFFFFFF  }
0x98: {  	s18 =	sld [smem:$0x3FDB];
	_ =	sdelay $0x1  }
0x99: {  	s19 =	simm.s32 $_scs_section_size  }
0x9a: {  	s4 =	simm.s32 $_size__tile_overlayer_lowered;
	s5 =	simm.s32 $_tile_overlayer_lowered  }
0x9b: {  	s22 =	simm.s32 $0x1BFF;
	s21 =	sshll.u32 s5, $0x1;
	s2 =	sadd.s32 s19, s18  }
0x9c: {  	s6 =	simm.s32 $0x0;
	s20 =	sshll.u32 s4, $0x1;
	s4 =	sadd.s32 s21, s2  }
0x9d: {  	[timem:s6], [sflag:s22] =	dma.local [hbm:s4], s20  }
0x9e: {  	_ =	swait.ge [sflag:s22], s20  }
0x9f: {  	s3 =	ssub.s32 $0x0, s20;
	[sflag:s22] =	ssyncset.done $0x0  }
0xa0: {  	[sflag:s22] =	ssyncadd.s32 s3;
	_ =	sdelay $0x1  }
0xa1: {  	s23 =	simm.s32 $0x1B8B  }
0xa2: {  	_ =	swait.ge [sflag:s23], $0x1  }
0xa3: {  	[sflag:s23] =	ssyncset.done $0x0  }
0xa4: {  	s25 =	simm.s32 $0x1B8E;
	s24 =	sld [smem:$0x3FFE];
	[sflag:s23] =	ssyncadd.s32 $0xFFFFFFFF  }
0xa5: {  	s26 =	simm.s32 $execute0_lowered;
	[smem:$0x3FD2] =	sst s25  }
0xa6: {  	s4 =	sshll.u32 s26, $0x1;
	_ =	strace $0x80000049;
	[dreg:$0x1] =	wrdreg $0xFFFFFFFF  }
0xa7: {  	s28 =	simm.s32 $_size_execute0_lowered;
	s2 =	sadd.s32 s2, s4;
	[dreg:$0x0] =	wrdreg $0x0  }
0xa8: {  	s4 =	sshll.u32 s28, $0x1;
	[dreg:$0x2] =	wrdreg s2  }
0xa9: {  	[dreg:$0x3] =	wrdreg s4  }
0xaa: {  	[dreg:$0x4] =	wrdreg $0xC0  }
0xab: {  	_ =	task [dreg:s6], $0x5FFFF  }
0xac: {  	[dreg:$0x1] =	wrdreg $0xFFFFFFFF  }
0xad: {  	[dreg:$0x0] =	wrdreg $0x60  }
0xae: {  	[dreg:$0x2] =	wrdreg s24  }
0xaf: {  	[dreg:$0x3] =	wrdreg $0xA8000  }
0xb0: {  	[dreg:$0x4] =	wrdreg $0x9  }
0xb1: {  	_ =	task.clear_ibuf [dreg:s6], $0x5FFFF;
	_ =	strace $0x90000049  }
0xb2: {  	s29 =	simm.s32 $0x9;
	_ =	strace $0x8000004B  }
0xb3: {  	_ =	swait.ge [sflag:s29], $0x1  }
0xb4: {  	[sflag:s29] =	ssyncadd.s32 $0xFFFFFFFF  }
0xb5: {  	_ =	strace $0x9000004B  }
0xb6: {  	_ =	sfence  }
0xb7: {  	s30 =	sld [smem:$0x0];
	_ =	sdelay $0x2  }
0xb8: {  	s31 =	sshll.u32 s1, $0xD;
	s1 =	sshrl.u32 s1, $0x2  }
0xb9: {  	s3 =	sand.u32 $0x4000, s31;
	s1 =	sadd.s32 s1, s30  }
0xba: {  	s0 =	sor.u32 s3, s0;
	s1 =	sshll.u32 s1, $0x11  }
0xbb: {  	s0 =	sor.u32 s1, s0  }
0xbc: {  	s0 =	sadd.s32 $0x8F2B, s0  }
0xbd: {  	[sflag:s0] =	ssyncadd.remote.s32 $0x1  }
0xbe: {  	_ =	sfence.sel $0xFFFF  }
0xbf: {  	[dreg:$0x0] =	wrdreg $0xFFFFFFFF;
	(pc) =	sbr.abs _section_cstart, $3  }
0xc0: {  	[dreg:$0x1] =	wrdreg $0xFFFFFFFF  }
0xc1: {  	_ =	task.clear_ibuf [dreg:s6], $0x2FFFF;
	_ =	strace $0x9FFFFFFF  }
0xc2: {  	(tm) =	ssettm $0x7FFFFFFF  }
0xc3: {  	_ =	shalt  }
tec
execute0_lowered:
.L_overlay_start_1:
0x0: {  	(tag) =	ssettag $0x1  }
0x1: {  	s0 =	srdreg.scid;
	s5 =	rddreg [dreg:$0x0]  }
0x2: {  	s2 =	rddreg [dreg:$0x1];
	s1 =	stileid.u32  }
0x3: {  	s3 =	simm.s32 $0x0;
	s20 =	simm.s32 $0x3;
	s21 =	simm.s32 $0x1  }
0x4: {  	s22 =	simm.s32 $0x2;
	s23 =	simm.s32 $0x80;
	s24 =	simm.s32 $0x6800  }
0x5: {  	s25 =	simm.s32 $0x4;
	s28 =	simm.s32 $0x2700;
	s29 =	simm.s32 $0x2780  }
0x6: {  	s30 =	simm.s32 $0x0;
	s0 =	sand.u32 $0x1, s0;
	s8 =	smul.u32 $0x50000, s1  }
0x7: {  	[smem:$0x7FF] =	sst s3;
	s16 =	sadd.s32 $0x32E00, s5;
	s11 =	smul.u32 $0x14000, s1  }
0x8: {  	s4 =	sshll.u32 s0, $0x4;
	_ =	strace $0x8000004A;
	s7 =	ssub.s32 $0x2, s0  }
0x9: {  	s0 =	smul.u32 $0x140000, s0;
	s4 =	sor.u32 s1, s4;
	s26 =	sshrl.u32 s7, $0x1  }
0xa: {  	s31 =	sshrl.u32 s8, $0x2;
	s12 =	sadd.s32 $0x4000, s11;
	s14 =	sadd.s32 $0x8000, s11  }
0xb: {  	s15 =	sadd.s32 $0xC000, s11;
	s18 =	sadd.s32 $0x10000, s11;
	s6 =	smul.u32 $0x280, s4  }
0xc: {  	s4 =	sadd.s32 $0xBC00, s5;
	s17 =	ssub.s32 s7, s26;
	s7 =	sadd.s32 s31, s2  }
0xd: {  	s8 =	sadd.s32 s12, s2;
	s9 =	sadd.s32 s14, s2;
	s10 =	sadd.s32 s15, s2  }
0xe: {  	s13 =	sadd.s32 s11, s0;
	s12 =	sadd.s32 s0, s12;
	s11 =	sadd.s32 s18, s2  }
0xf: {  	s14 =	sadd.s32 s0, s14;
	s15 =	sadd.s32 s0, s15;
	s0 =	sadd.s32 s0, s18  }
0x10: {  	s13 =	sshrl.u32 s13, $0x3;
	s19 =	sshrl.u32 s12, $0x3;
	s14 =	sshrl.u32 s14, $0x3  }
0x11: {  	s15 =	sshrl.u32 s15, $0x3;
	s0 =	sshrl.u32 s0, $0x3;
	s17 =	smax.u32 s17, $0x1  }
0x12: {  	s6 =	sadd.s32 s6, s5;
	s12 =	sadd.s32 s16, s13;
	s13 =	sadd.s32 s16, s19  }
0x13: {  	s14 =	sadd.s32 s16, s14;
	s15 =	sadd.s32 s16, s15;
	s16 =	sadd.s32 s16, s0  }
0x14: {  	v0 =	vimm.f32 $0.0e+00;
	s19 =	simm.s32 $0x2800;
	s5 =	sadd.s32 $0x6C00, s6;
	s6 =	sadd.s32 $0x1C00, s6  }
.LBB2_1:
0x15: {  	[tilespmem:s3], [sflag:$0x1] =	stream.linear.gather [hbm4b:s5+s3], $0x1400, $0x38;
	[tilespmem:$0x1E800] =	vst v63  }
0x16: {  	s0 =	simm.s32 $0x1400  }
0x17: {  	[tilespmem:s0], [sflag:$0x2] =	stream.linear.gather [hbm4b:s6+s3], $0x1400, $0x38;
	[tilespmem:$0x1E800] =	vst v63  }
0x18: {  	s31 =	simm.s32 $0x0;
	s0 =	simm.s32 $0x200  }
.LBB2_2:
0x19: {  	p0 =	sne.s32 s0, $0xFE00;
	[tilespmem:s31+$0x2870] =	vst v0  }
0x1a: {  	[tilespmem:s31+$0x2800] =	vst v0  }
0x1b: {  	[tilespmem:s31+$0x2810] =	vst v0  }
.Ltmp0:
0x1c: {  	[tilespmem:s31+$0x2820] =	vst v0;
	(pc) =	sbr.rel @p0 .LBB2_2-.Ltmp0, $4  }
0x1d: {  	[tilespmem:s31+$0x2830] =	vst v0  }
0x1e: {  	[tilespmem:s31+$0x2840] =	vst v0  }
0x1f: {  	[tilespmem:s31+$0x2850] =	vst v0  }
0x20: {  	[tilespmem:s31+$0x2860] =	vst v0;
	s31 =	sshra.s32 s0, $0x2;
	s0 =	sadd.s32 $0x200, s0  }
0x21: {  	[tilespmem:s31+$0x2870] =	vst v0  }
0x22: {  	[tilespmem:s31+$0x2800] =	vst v0  }
0x23: {  	[tilespmem:s31+$0x2810] =	vst v0  }
0x24: {  	[tilespmem:s31+$0x2820] =	vst v0  }
0x25: {  	[tilespmem:s31+$0x2830] =	vst v0  }
0x26: {  	[tilespmem:s31+$0x2840] =	vst v0  }
0x27: {  	[tilespmem:s31+$0x2850] =	vst v0  }
0x28: {  	[tilespmem:s31+$0x2860] =	vst v0  }
0x29: {  	[spmem:s7] =	stream.linear.scatter [tilespmem:s19], [sflag:$0x3], $0x4000, $0x38;
	[tilespmem:$0x1E800] =	vst v63  }
0x2a: {  	_ = 	snop  }
0x2b: {  	[spmem:s8] =	stream.linear.scatter [tilespmem:s19], [sflag:$0x3], $0x4000, $0x38;
	[tilespmem:$0x1E800] =	vst v63  }
0x2c: {  	_ = 	snop  }
0x2d: {  	[spmem:s9] =	stream.linear.scatter [tilespmem:s19], [sflag:$0x3], $0x4000, $0x38;
	[tilespmem:$0x1E800] =	vst v63  }
0x2e: {  	_ = 	snop  }
0x2f: {  	[spmem:s10] =	stream.linear.scatter [tilespmem:s19], [sflag:$0x3], $0x4000, $0x38;
	[tilespmem:$0x1E800] =	vst v63  }
0x30: {  	_ = 	snop  }
0x31: {  	[spmem:s11] =	stream.linear.scatter [tilespmem:s19], [sflag:$0x3], $0x4000, $0x38;
	[tilespmem:$0x1E800] =	vst v63  }
0x32: {  	_ =	swait.ge [sflag:s20], $0x4000  }
0x33: {  	[sflag:s20] =	ssyncset.done $0x0  }
0x34: {  	[sflag:s20] =	ssyncadd.s32 $0xFFFFC000  }
0x35: {  	_ =	swait.ge [sflag:s20], $0x4000  }
0x36: {  	[sflag:s20] =	ssyncset.done $0x0  }
0x37: {  	[sflag:s20] =	ssyncadd.s32 $0xFFFFC000  }
0x38: {  	_ =	swait.ge [sflag:s20], $0x4000  }
0x39: {  	[sflag:s20] =	ssyncset.done $0x0  }
0x3a: {  	[sflag:s20] =	ssyncadd.s32 $0xFFFFC000  }
0x3b: {  	_ =	swait.ge [sflag:s20], $0x4000  }
0x3c: {  	[sflag:s20] =	ssyncset.done $0x0  }
0x3d: {  	[sflag:s20] =	ssyncadd.s32 $0xFFFFC000  }
0x3e: {  	_ =	swait.ge [sflag:s20], $0x4000  }
0x3f: {  	[sflag:s20] =	ssyncset.done $0x0  }
0x40: {  	[sflag:s20] =	ssyncadd.s32 $0xFFFFC000  }
0x41: {  	_ =	swait.ge [sflag:s21], $0x1400  }
0x42: {  	[sflag:s21] =	ssyncset.done $0x0  }
0x43: {  	[sflag:s21] =	ssyncadd.s32 $0xFFFFEC00  }
0x44: {  	_ =	swait.ge [sflag:s22], $0x1400  }
0x45: {  	[sflag:s22] =	ssyncset.done $0x0  }
0x46: {  	[sflag:s22] =	ssyncadd.s32 $0xFFFFEC00  }
0x47: {  	s0 =	simm.s32 $0x0;
	[bflag:$0x0] =	sbarrier.arrive $0xFFFF  }
0x48: {  	[tilespmem:s19], [sflag:$0x1] =	stream.indirect.gather [hbm4b:s4+s23], $0x80, s0, s23, $0xb8;
	[tilespmem:$0x1E800] =	vst v63  }
0x49: {  	s26 =	simm.s32 $0x80  }
0x4a: {  	[tilespmem:s24], [sflag:$0x2] =	stream.indirect.gather [hbm4b:s4+s23], $0x80, s26, s23, $0xb8;
	[tilespmem:$0x1E800] =	vst v63  }
0x4b: {  	_ =	swait.ge [sflag:s21], $0x4000  }
0x4c: {  	[sflag:s21] =	ssyncset.done $0x0  }
0x4d: {  	s1 =	simm.s32 $0x1400;
	[sflag:s21] =	ssyncadd.s32 $0xFFFFC000  }
0x4e: {  	[spmem:s2] =	stream.indirect.scatter.add.f32 [tilespmem:s19], [sflag:$0x4], $0x80, s1, s23, $0xb8;
	[tilespmem:$0x1E800] =	vst v63  }
0x4f: {  	_ =	swait.ge [sflag:s25], $0x4000  }
0x50: {  	[sflag:s25] =	ssyncset.done $0x0  }
0x51: {  	s18 =	simm.s32 $0x100;
	[sflag:s25] =	ssyncadd.s32 $0xFFFFC000  }
0x52: {  	[tilespmem:s19], [sflag:$0x1] =	stream.indirect.gather [hbm4b:s4+s23], $0x80, s18, s23, $0xb8;
	[tilespmem:$0x1E800] =	vst v63  }
0x53: {  	_ =	swait.ge [sflag:s22], $0x4000  }
0x54: {  	[sflag:s22] =	ssyncset.done $0x0  }
0x55: {  	s26 =	simm.s32 $0x1480;
	[sflag:s22] =	ssyncadd.s32 $0xFFFFC000  }
0x56: {  	[spmem:s2] =	stream.indirect.scatter.add.f32 [tilespmem:s24], [sflag:$0x4], $0x80, s26, s23, $0xb8;
	[tilespmem:$0x1E800] =	vst v63  }
0x57: {  	_ =	swait.ge [sflag:s25], $0x4000  }
0x58: {  	s31 =	simm.s32 $0x100;
	s0 =	simm.s32 $0x800;
	[sflag:s25] =	ssyncset.done $0x0  }
.LBB2_4:
0x59: {  	s1 =	sadd.s32 $0x80, s31  }
0x5a: {  	[sflag:s25] =	ssyncadd.s32 $0xFFFFC000;
	s18 =	smov.u32 s0;
	s26 =	sadd.s32 $0x400, s0  }
0x5b: {  	[tilespmem:s24], [sflag:$0x2] =	stream.indirect.gather [hbm4b:s4+s23], $0x80, s1, s23, $0xb8;
	[tilespmem:$0x1E800] =	vst v63  }
0x5c: {  	p0 =	sne.s32 s0, $0x4800;
	_ =	swait.ge [sflag:s21], $0x4000  }
0x5d: {  	[sflag:s21] =	ssyncset.done $0x0  }
0x5e: {  	s0 =	sadd.s32 $0x1400, s31;
	[sflag:s21] =	ssyncadd.s32 $0xFFFFC000  }
0x5f: {  	[spmem:s2] =	stream.indirect.scatter.add.f32 [tilespmem:s19], [sflag:$0x4], $0x80, s0, s23, $0xb8;
	[tilespmem:$0x1E800] =	vst v63  }
0x60: {  	_ =	swait.ge [sflag:s25], $0x4000  }
0x61: {  	[sflag:s25] =	ssyncset.done $0x0  }
0x62: {  	s0 =	sadd.s32 $0x100, s31;
	[sflag:s25] =	ssyncadd.s32 $0xFFFFC000  }
0x63: {  	[tilespmem:s19], [sflag:$0x1] =	stream.indirect.gather [hbm4b:s4+s23], $0x80, s0, s23, $0xb8;
	[tilespmem:$0x1E800] =	vst v63  }
0x64: {  	_ =	swait.ge [sflag:s22], $0x4000  }
.Ltmp1:
0x65: {  	[sflag:s22] =	ssyncset.done $0x0;
	(pc) =	sbr.rel @p0 .LBB2_4-.Ltmp1, $4  }
0x66: {  	s0 =	sadd.s32 $0x1480, s31;
	[sflag:s22] =	ssyncadd.s32 $0xFFFFC000  }
0x67: {  	[spmem:s2] =	stream.indirect.scatter.add.f32 [tilespmem:s24], [sflag:$0x4], $0x80, s0, s23, $0xb8;
	[tilespmem:$0x1E800] =	vst v63  }
0x68: {  	_ =	swait.ge [sflag:s25], $0x4000  }
0x69: {  	s31 =	sshra.s32 s18, $0x2;
	s0 =	smov.u32 s26;
	[sflag:s25] =	ssyncset.done $0x0  }
0x6a: {  	s0 =	sadd.s32 $0x80, s31;
	[sflag:s25] =	ssyncadd.s32 $0xFFFFC000  }
0x6b: {  	[tilespmem:s24], [sflag:$0x2] =	stream.indirect.gather [hbm4b:s4+s23], $0x80, s0, s23, $0xb8;
	[tilespmem:$0x1E800] =	vst v63  }
0x6c: {  	_ =	swait.ge [sflag:s21], $0x4000  }
0x6d: {  	[sflag:s21] =	ssyncset.done $0x0  }
0x6e: {  	s18 =	sadd.s32 $0x1400, s31;
	[sflag:s21] =	ssyncadd.s32 $0xFFFFC000  }
0x6f: {  	[spmem:s2] =	stream.indirect.scatter.add.f32 [tilespmem:s19], [sflag:$0x4], $0x80, s18, s23, $0xb8;
	[tilespmem:$0x1E800] =	vst v63  }
0x70: {  	_ =	swait.ge [sflag:s25], $0x4000  }
0x71: {  	[sflag:s25] =	ssyncset.done $0x0  }
0x72: {  	s26 =	sadd.s32 $0x100, s31;
	[sflag:s25] =	ssyncadd.s32 $0xFFFFC000  }
0x73: {  	[tilespmem:s19], [sflag:$0x1] =	stream.indirect.gather [hbm4b:s4+s23], $0x80, s26, s23, $0xb8;
	[tilespmem:$0x1E800] =	vst v63  }
0x74: {  	_ =	swait.ge [sflag:s22], $0x4000  }
0x75: {  	[sflag:s22] =	ssyncset.done $0x0  }
0x76: {  	s1 =	sadd.s32 $0x1480, s31;
	[sflag:s22] =	ssyncadd.s32 $0xFFFFC000  }
0x77: {  	[spmem:s2] =	stream.indirect.scatter.add.f32 [tilespmem:s24], [sflag:$0x4], $0x80, s1, s23, $0xb8;
	[tilespmem:$0x1E800] =	vst v63  }
0x78: {  	_ =	swait.ge [sflag:s25], $0x4000  }
0x79: {  	[sflag:s25] =	ssyncset.done $0x0  }
0x7a: {  	s18 =	simm.s32 $0x1380;
	[sflag:s25] =	ssyncadd.s32 $0xFFFFC000  }
0x7b: {  	[tilespmem:s24], [sflag:$0x2] =	stream.indirect.gather [hbm4b:s4+s23], $0x80, s18, s23, $0xb8;
	[tilespmem:$0x1E800] =	vst v63  }
0x7c: {  	_ =	swait.ge [sflag:s21], $0x4000  }
0x7d: {  	[sflag:s21] =	ssyncset.done $0x0  }
0x7e: {  	[sflag:s21] =	ssyncadd.s32 $0xFFFFC000  }
0x7f: {  	[spmem:s2] =	stream.indirect.scatter.add.f32 [tilespmem:s19], [sflag:$0x4], $0x80, s28, s23, $0xb8;
	[tilespmem:$0x1E800] =	vst v63  }
0x80: {  	_ =	swait.ge [sflag:s25], $0x4000  }
0x81: {  	[sflag:s25] =	ssyncset.done $0x0  }
0x82: {  	[sflag:s25] =	ssyncadd.s32 $0xFFFFC000  }
0x83: {  	_ =	swait.ge [sflag:s22], $0x4000  }
0x84: {  	[sflag:s22] =	ssyncset.done $0x0  }
0x85: {  	[sflag:s22] =	ssyncadd.s32 $0xFFFFC000  }
0x86: {  	[spmem:s2] =	stream.indirect.scatter.add.f32 [tilespmem:s24], [sflag:$0x4], $0x80, s29, s23, $0xb8;
	[tilespmem:$0x1E800] =	vst v63  }
0x87: {  	_ =	swait.ge [sflag:s25], $0x4000  }
0x88: {  	s26 =	stileid.u32;
	[sflag:s25] =	ssyncset.done $0x0  }
0x89: {  	s31 =	sshrl.u32 s8, $0x3;
	s0 =	sshll.u32 s26, $0x6;
	[sflag:s25] =	ssyncadd.s32 $0xFFFFC000  }
0x8a: {  	s0 =	sor.u32 $0x1C03, s0;
	s1 =	sshrl.u32 s7, $0x3;
	[bflag:$0x0] =	sbarrier.arrive $0xFFFF  }
0x8b: {  	[hbm:s12], [sflag:s0] =	dma.local [spmem:s1], $0x800  }
0x8c: {  	[hbm:s13], [sflag:s0] =	dma.local [spmem:s31], $0x800  }
0x8d: {  	s26 =	sshrl.u32 s10, $0x3;
	s18 =	sshrl.u32 s9, $0x3;
	s31 =	sshrl.u32 s11, $0x3  }
0x8e: {  	[hbm:s14], [sflag:s0] =	dma.local [spmem:s18], $0x800  }
0x8f: {  	[hbm:s15], [sflag:s0] =	dma.local [spmem:s26], $0x800  }
0x90: {  	[hbm:s16], [sflag:s0] =	dma.local [spmem:s31], $0x800  }
0x91: {  	_ =	swait.ge [sflag:s20], $0x800  }
0x92: {  	[sflag:s20] =	ssyncset.done $0x0  }
0x93: {  	[sflag:s20] =	ssyncadd.s32 $0xFFFFF800  }
0x94: {  	_ =	swait.ge [sflag:s20], $0x800  }
0x95: {  	[sflag:s20] =	ssyncset.done $0x0  }
0x96: {  	[sflag:s20] =	ssyncadd.s32 $0xFFFFF800  }
0x97: {  	_ =	swait.ge [sflag:s20], $0x800  }
0x98: {  	[sflag:s20] =	ssyncset.done $0x0  }
0x99: {  	s30 =	sadd.s32 $0x1, s30;
	[sflag:s20] =	ssyncadd.s32 $0xFFFFF800  }
0x9a: {  	p0 =	sne.s32 s30, s17;
	_ =	swait.ge [sflag:s20], $0x800  }
.Ltmp2:
0x9b: {  	[sflag:s20] =	ssyncset.done $0x0;
	(pc) =	sbr.rel @p0 .LBB2_1-.Ltmp2, $4  }
0x9c: {  	[sflag:s20] =	ssyncadd.s32 $0xFFFFF800  }
0x9d: {  	_ =	swait.ge [sflag:s20], $0x800  }
0x9e: {  	[sflag:s20] =	ssyncset.done $0x0  }
0x9f: {  	[sflag:s20] =	ssyncadd.s32 $0xFFFFF800  }
0xa0: {  	_ =	sfence.sel $0x180000  }
0xa1: {  	[bflag:$0x0] =	sbarrier.arrive $0xFFFF  }
0xa2: {  	_ =	strace $0x9000004A  }
0xa3: {  	s0 =	stileid.u32;
	[bflag:$0x2] =	sbarrier.arrive $0xFFFF  }
0xa4: {  	p0 =	sne.s32 s0, $0x0;
	s0 =	rddreg [dreg:$0x2]  }
0xa5: {  	s0 =	sadd.s32 @!p0 $0x100000, s0  }
0xa6: {  	[sflag:s0] =	ssyncadd.tile.s32 @!p0 $0x1;
	_ =	shalt  }
.Lfunc_end2:
_tile_overlayer_lowered:
.L_overlay_start_2:
0xa7: {  	(tag) =	ssettag $0x2  }
0xa8: {  	s0 =	rddreg [dreg:$0x0];
	s2 =	stileid.u32  }
0xa9: {  	s1 =	rddreg [dreg:$0x1];
	p0 =	sne.s32 s2, $0x0  }
0xaa: {  	s3 =	rddreg [dreg:$0x2];
	[bflag:$0x3] =	sbarrier.arrive $0xFFFF;
	s2 =	simm.s32 @!p0 $0x1C04  }
0xab: {  	[timem:s3], [sflag:s2] =	dma.local @!p0 [hbm:s0], s1  }
0xac: {  	s0 =	simm.s32 @!p0 $0x4  }
0xad: {  	_ =	swait.ge @!p0 [sflag:s0], s1  }
0xae: {  	s1 =	ssub.s32 @!p0 $0x0, s1;
	[sflag:s0] =	ssyncset.done @!p0 $0x0  }
0xaf: {  	[sflag:s0] =	ssyncadd.s32 @!p0 s1  }
0xb0: {  	[bflag:$0x3] =	sbarrier.arrive $0xFFFF  }
0xb1: {  	_ =	shalt  }

// kernel: kernel.16.cloned.1.call-start
scs
__scs_entry_jumppad:
0x0: {  	(pc) =	sbr.rel $0x88, $3  }
0x1: {  	(tag) =	ssettag $0x0;
	lr =	simm.s32 $0x1  }
0x2: {  	[smem:$0x3F97] =	sst lr;
	_ =	strace $0xD0000000  }
0x3: {  	_ = 	snop  }
0x4: {  	_ = 	snop  }
0x5: {  	_ = 	snop  }
0x6: {  	_ = 	snop  }
0x7: {  	_ = 	snop  }
__scs_overlays_trampoline_lowered:
0x8: {  	[smem:$0x3FA6] =	sst s0  }
0x9: {  	[smem:$0x3FA7] =	sst s1  }
0xa: {  	[smem:$0x3FA8] =	sst s2  }
0xb: {  	[smem:$0x3FA9] =	sst s3  }
0xc: {  	[smem:$0x3FAA] =	sst s4  }
0xd: {  	[smem:$0x3FAB] =	sst s5  }
0xe: {  	[smem:$0x3FAC] =	sst s6  }
0xf: {  	[smem:$0x3FAD] =	sst s7  }
0x10: {  	[smem:$0x3FAE] =	sst s8  }
0x11: {  	[smem:$0x3FAF] =	sst s9;
	s0 =	simm.s32 @!p0 $0x0  }
0x12: {  	s1 =	sld [smem:$0x3F95];
	s0 =	simm.s32 @p0 $0x1  }
0x13: {  	[smem:$0x3FB0] =	sst s0;
	s0 =	simm.s32 @!p1 $0x0  }
0x14: {  	s2 =	sld [smem:$0x3F94];
	s0 =	simm.s32 @p1 $0x1  }
0x15: {  	[smem:$0x3FB1] =	sst s0;
	s0 =	simm.s32 @!p2 $0x0  }
0x16: {  	s3 =	sld [smem:$0x3FDB];
	s0 =	simm.s32 @p2 $0x1  }
0x17: {  	s4 =	simm.s32 $0x1BF5;
	[smem:$0x3FB3] =	sst s0  }
0x18: {  	s0 =	sld [smem:$0x3F96];
	_ =	swait.ge [sflag:s4], $0x0  }
0x19: {  	s7 =	sld [smem:$0x3F97]  }
0x1a: {  	s8 =	sadd.s32 $0xFFFFE003, lr  }
0x1b: {  	s9 =	sadd.s32 $0xFFFFFEF7, lr;
	s5 =	simm.s32 $0xFFFFFFFF;
	p2 =	slt.u32 s8, $0xFFFFF086  }
0x1c: {  	p1 =	slt.u32 s9, $0xF7A;
	s5 =	simm.s32 @!p2 $0x0  }
0x1d: {  	s5 =	simm.s32 @p1 $0x1;
	p0 =	seq.s32 s7, s2  }
0x1e: {  	s7 =	smul.u32 @!p0 $0xF7A, s2;
	p2 =	seq.s32 @!p0 s5, $0x0  }
0x1f: {  	s9 =	smul.u32 $0xF7A, s1;
	s8 =	simm.s32 @!p0 $0x1BF5;
	p2 =	por !p2, p0  }
0x20: {  	[sflag:s8] =	ssyncset.s32 @!p0 $0xFFFFF086;
	s6 =	sadd.s32 @!p0 s3, s7;
	s7 =	simm.s32 @!p0 $0x108  }
0x21: {  	s3 =	sadd.s32 s3, s9;
	s6 =	sadd.s32 @!p0 $0x88, s6;
	s7 =	simm.s32 @p2 $0x1082  }
0x22: {  	[simem:s7], [sflag:s8] =	dma.local @!p0 [hbm:s6], $0xF7A  }
0x23: {  	s9 =	sor.u32 $0xD0000000, s2;
	s6 =	simm.s32 $0x108;
	_ =	swait.ge @!p0 [sflag:s8], $0x0  }
0x24: {  	s3 =	sadd.s32 $0x88, s3;
	s6 =	simm.s32 @!p1 $0x1082;
	[sflag:s4] =	ssyncset.s32 $0xFFFFF086  }
0x25: {  	[simem:s6], [sflag:s4] =	dma.local [hbm:s3], $0xF7A  }
0x26: {  	[smem:$0x3F97] =	sst s1;
	(tag) =	ssettag s2;
	_ =	strace s9  }
0x27: {  	s1 =	sld [smem:$0x3FA7]  }
0x28: {  	s2 =	sld [smem:$0x3FA8]  }
0x29: {  	s4 =	sld [smem:$0x3FAA]  }
0x2a: {  	p0 =	seq.s32 s5, $0x0;
	s5 =	sld [smem:$0x3FAB]  }
0x2b: {  	s6 =	sld [smem:$0x3FAC]  }
0x2c: {  	s7 =	sld [smem:$0x3FAD]  }
0x2d: {  	s3 =	simm.s32 $0x108;
	s8 =	sld [smem:$0x3FAE]  }
0x2e: {  	s3 =	simm.s32 @!p0 $0x1082;
	s9 =	sld [smem:$0x3FAF]  }
0x2f: {  	lr =	sadd.s32 s0, s3;
	s0 =	sld [smem:$0x3FA6]  }
0x30: {  	s3 =	sld [smem:$0x3FA9]  }
0x31: {  	[smem:$0x3FB2] =	sst s10  }
0x32: {  	s10 =	sld [smem:$0x3FB0];
	_ =	sdelay $0x3  }
0x33: {  	p0 =	seq.s32 s10, $0x1;
	s10 =	sld [smem:$0x3FB2];
	_ =	sdelay $0x3  }
0x34: {  	[smem:$0x3FB2] =	sst s10  }
0x35: {  	s10 =	sld [smem:$0x3FB1];
	_ =	sdelay $0x3  }
0x36: {  	p1 =	seq.s32 s10, $0x1;
	s10 =	sld [smem:$0x3FB2];
	_ =	sdelay $0x3  }
0x37: {  	[smem:$0x3FB2] =	sst s10  }
0x38: {  	s10 =	sld [smem:$0x3FB3]  }
0x39: {  	_ = 	snop;
	(pc) =	sbr.ind lr, $3  }
0x3a: {  	_ = 	snop  }
0x3b: {  	_ = 	snop  }
0x3c: {  	p2 =	seq.s32 s10, $0x1;
	s10 =	sld [smem:$0x3FB2]  }
0x3d: {  	_ =	shalt  }
0x3e: {  	_ =	shalt  }
0x3f: {  	_ =	shalt  }
0x40: {  	_ =	shalt  }
0x41: {  	_ =	shalt  }
0x42: {  	_ =	shalt  }
0x43: {  	_ =	shalt  }
0x44: {  	_ =	shalt  }
0x45: {  	_ =	shalt  }
0x46: {  	_ =	shalt  }
0x47: {  	_ =	shalt  }
0x48: {  	_ =	shalt  }
0x49: {  	_ =	shalt  }
0x4a: {  	_ =	shalt  }
0x4b: {  	_ =	shalt  }
0x4c: {  	_ =	shalt  }
0x4d: {  	_ =	shalt  }
0x4e: {  	_ =	shalt  }
0x4f: {  	_ =	shalt  }
0x50: {  	_ =	shalt  }
0x51: {  	_ =	shalt  }
0x52: {  	_ =	shalt  }
0x53: {  	_ =	shalt  }
0x54: {  	_ =	shalt  }
0x55: {  	_ =	shalt  }
0x56: {  	_ =	shalt  }
0x57: {  	_ =	shalt  }
0x58: {  	_ =	shalt  }
0x59: {  	_ =	shalt  }
0x5a: {  	_ =	shalt  }
0x5b: {  	_ =	shalt  }
0x5c: {  	_ =	shalt  }
0x5d: {  	_ =	shalt  }
0x5e: {  	_ =	shalt  }
0x5f: {  	_ =	shalt  }
0x60: {  	_ =	shalt  }
0x61: {  	_ =	shalt  }
0x62: {  	_ =	shalt  }
0x63: {  	_ =	shalt  }
0x64: {  	_ =	shalt  }
0x65: {  	_ =	shalt  }
0x66: {  	_ =	shalt  }
0x67: {  	_ =	shalt  }
0x68: {  	_ =	shalt  }
0x69: {  	_ =	shalt  }
0x6a: {  	_ =	shalt  }
0x6b: {  	_ =	shalt  }
0x6c: {  	_ =	shalt  }
0x6d: {  	_ =	shalt  }
0x6e: {  	_ =	shalt  }
0x6f: {  	_ =	shalt  }
0x70: {  	_ =	shalt  }
0x71: {  	_ =	shalt  }
0x72: {  	_ =	shalt  }
0x73: {  	_ =	shalt  }
0x74: {  	_ =	shalt  }
0x75: {  	_ =	shalt  }
0x76: {  	_ =	shalt  }
0x77: {  	_ =	shalt  }
0x78: {  	_ =	shalt  }
0x79: {  	_ =	shalt  }
0x7a: {  	_ =	shalt  }
0x7b: {  	_ =	shalt  }
0x7c: {  	_ =	shalt  }
0x7d: {  	_ =	shalt  }
0x7e: {  	_ =	shalt  }
0x7f: {  	_ =	shalt  }
0x80: {  	_ =	shalt  }
0x81: {  	_ =	shalt  }
0x82: {  	_ =	shalt  }
0x83: {  	_ =	shalt  }
0x84: {  	_ =	shalt  }
0x85: {  	_ =	shalt  }
0x86: {  	_ =	shalt  }
0x87: {  	_ =	shalt  }
.Lfunc_end0:
.L_simem_size_0:
called_computation.2_lowered:
.L_overlay_start_0:
0x88: {  	s2 =	sld [smem:$0x3FD9]  }
0x89: {  	s3 =	sld [smem:$0x3FFE];
	_ =	sdelay $0x1  }
0x8a: {  	s1 =	srdreg.scid  }
0x8b: {  	s0 =	sand.u32 $0x1, s1  }
0x8c: {  	s16 =	sshll.u32 s0, $0xA;
	s2 =	sadd.s32 s3, s2  }
0x8d: {  	s2 =	sadd.s32 s2, s16  }
0x8e: {  	[smem:$0x3FBE] =	sst s2  }
0x8f: {  	_ = 	snop  }
0x90: {  	(tm) =	ssettm $0x1  }
0x91: {  	s17 =	sld [smem:$0x3FFB];
	_ =	sdelay $0x3  }
0x92: {  	_ =	strace s17  }
0x93: {  	s2 =	sld [smem:$0x3FFC];
	_ =	sdelay $0x3  }
0x94: {  	_ =	strace s2  }
0x95: {  	s2 =	sld [smem:$0x3FFD];
	_ =	sdelay $0x3  }
0x96: {  	_ =	strace s2  }
0x97: {  	_ =	strace $0x8FFFFFFF  }
0x98: {  	s18 =	sld [smem:$0x3FDB];
	_ =	sdelay $0x1  }
0x99: {  	s19 =	simm.s32 $_scs_section_size  }
0x9a: {  	s4 =	simm.s32 $_size__tile_overlayer_lowered;
	s5 =	simm.s32 $_tile_overlayer_lowered  }
0x9b: {  	s22 =	simm.s32 $0x1BFF;
	s21 =	sshll.u32 s5, $0x1;
	s2 =	sadd.s32 s19, s18  }
0x9c: {  	s6 =	simm.s32 $0x0;
	s20 =	sshll.u32 s4, $0x1;
	s4 =	sadd.s32 s21, s2  }
0x9d: {  	[timem:s6], [sflag:s22] =	dma.local [hbm:s4], s20  }
0x9e: {  	_ =	swait.ge [sflag:s22], s20  }
0x9f: {  	s3 =	ssub.s32 $0x0, s20;
	[sflag:s22] =	ssyncset.done $0x0  }
0xa0: {  	[sflag:s22] =	ssyncadd.s32 s3;
	_ =	sdelay $0x1  }
0xa1: {  	s23 =	simm.s32 $0x1B8B  }
0xa2: {  	_ =	swait.ge [sflag:s23], $0x1  }
0xa3: {  	[sflag:s23] =	ssyncset.done $0x0  }
0xa4: {  	s25 =	simm.s32 $0x1B8E;
	s24 =	sld [smem:$0x3FFE];
	[sflag:s23] =	ssyncadd.s32 $0xFFFFFFFF  }
0xa5: {  	s26 =	simm.s32 $execute0_lowered;
	[smem:$0x3FD2] =	sst s25  }
0xa6: {  	s4 =	sshll.u32 s26, $0x1;
	_ =	strace $0x8000004C;
	[dreg:$0x1] =	wrdreg $0xFFFFFFFF  }
0xa7: {  	s28 =	simm.s32 $_size_execute0_lowered;
	s2 =	sadd.s32 s2, s4;
	[dreg:$0x0] =	wrdreg $0x0  }
0xa8: {  	s4 =	sshll.u32 s28, $0x1;
	[dreg:$0x2] =	wrdreg s2  }
0xa9: {  	[dreg:$0x3] =	wrdreg s4  }
0xaa: {  	[dreg:$0x4] =	wrdreg $0xC0  }
0xab: {  	_ =	task [dreg:s6], $0x5FFFF  }
0xac: {  	[dreg:$0x1] =	wrdreg $0xFFFFFFFF  }
0xad: {  	[dreg:$0x0] =	wrdreg $0x60  }
0xae: {  	[dreg:$0x2] =	wrdreg s24  }
0xaf: {  	[dreg:$0x3] =	wrdreg $0xA8000  }
0xb0: {  	[dreg:$0x4] =	wrdreg $0x9  }
0xb1: {  	_ =	task.clear_ibuf [dreg:s6], $0x5FFFF;
	_ =	strace $0x9000004C  }
0xb2: {  	s29 =	simm.s32 $0x9;
	_ =	strace $0x8000004E  }
0xb3: {  	_ =	swait.ge [sflag:s29], $0x1  }
0xb4: {  	[sflag:s29] =	ssyncadd.s32 $0xFFFFFFFF  }
0xb5: {  	_ =	strace $0x9000004E  }
0xb6: {  	_ =	sfence  }
0xb7: {  	s30 =	sld [smem:$0x0];
	_ =	sdelay $0x2  }
0xb8: {  	s31 =	sshll.u32 s1, $0xD;
	s1 =	sshrl.u32 s1, $0x2  }
0xb9: {  	s3 =	sand.u32 $0x4000, s31;
	s1 =	sadd.s32 s1, s30  }
0xba: {  	s0 =	sor.u32 s3, s0;
	s1 =	sshll.u32 s1, $0x11  }
0xbb: {  	s0 =	sor.u32 s1, s0  }
0xbc: {  	s0 =	sadd.s32 $0x8F2B, s0  }
0xbd: {  	[sflag:s0] =	ssyncadd.remote.s32 $0x1  }
0xbe: {  	_ =	sfence.sel $0xFFFF  }
0xbf: {  	[dreg:$0x0] =	wrdreg $0xFFFFFFFF;
	(pc) =	sbr.abs _section_cstart, $3  }
0xc0: {  	[dreg:$0x1] =	wrdreg $0xFFFFFFFF  }
0xc1: {  	_ =	task.clear_ibuf [dreg:s6], $0x2FFFF;
	_ =	strace $0x9FFFFFFF  }
0xc2: {  	(tm) =	ssettm $0x7FFFFFFF  }
0xc3: {  	_ =	shalt  }
tec
execute0_lowered:
.L_overlay_start_1:
0x0: {  	(tag) =	ssettag $0x1  }
0x1: {  	s0 =	srdreg.scid;
	s5 =	rddreg [dreg:$0x0]  }
0x2: {  	s2 =	rddreg [dreg:$0x1];
	s1 =	stileid.u32  }
0x3: {  	s3 =	simm.s32 $0x0;
	s20 =	simm.s32 $0x3;
	s21 =	simm.s32 $0x1  }
0x4: {  	s22 =	simm.s32 $0x2;
	s23 =	simm.s32 $0x80;
	s24 =	simm.s32 $0x6800  }
0x5: {  	s25 =	simm.s32 $0x4;
	s28 =	simm.s32 $0x2700;
	s29 =	simm.s32 $0x2780  }
0x6: {  	s30 =	simm.s32 $0x0;
	s0 =	sand.u32 $0x1, s0;
	s8 =	smul.u32 $0x50000, s1  }
0x7: {  	[smem:$0x7FF] =	sst s3;
	s16 =	sadd.s32 $0x32E00, s5;
	s11 =	smul.u32 $0x14000, s1  }
0x8: {  	s4 =	sshll.u32 s0, $0x4;
	_ =	strace $0x8000004D;
	s7 =	ssub.s32 $0x2, s0  }
0x9: {  	s0 =	smul.u32 $0x140000, s0;
	s4 =	sor.u32 s1, s4;
	s26 =	sshrl.u32 s7, $0x1  }
0xa: {  	s31 =	sshrl.u32 s8, $0x2;
	s12 =	sadd.s32 $0x4000, s11;
	s14 =	sadd.s32 $0x8000, s11  }
0xb: {  	s15 =	sadd.s32 $0xC000, s11;
	s18 =	sadd.s32 $0x10000, s11;
	s6 =	smul.u32 $0x280, s4  }
0xc: {  	s4 =	sadd.s32 $0xBC00, s5;
	s17 =	ssub.s32 s7, s26;
	s7 =	sadd.s32 s31, s2  }
0xd: {  	s8 =	sadd.s32 s12, s2;
	s9 =	sadd.s32 s14, s2;
	s10 =	sadd.s32 s15, s2  }
0xe: {  	s13 =	sadd.s32 s11, s0;
	s12 =	sadd.s32 s0, s12;
	s11 =	sadd.s32 s18, s2  }
0xf: {  	s14 =	sadd.s32 s0, s14;
	s15 =	sadd.s32 s0, s15;
	s0 =	sadd.s32 s0, s18  }
0x10: {  	s13 =	sshrl.u32 s13, $0x3;
	s19 =	sshrl.u32 s12, $0x3;
	s14 =	sshrl.u32 s14, $0x3  }
0x11: {  	s15 =	sshrl.u32 s15, $0x3;
	s0 =	sshrl.u32 s0, $0x3;
	s17 =	smax.u32 s17, $0x1  }
0x12: {  	s6 =	sadd.s32 s6, s5;
	s12 =	sadd.s32 s16, s13;
	s13 =	sadd.s32 s16, s19  }
0x13: {  	s14 =	sadd.s32 s16, s14;
	s15 =	sadd.s32 s16, s15;
	s16 =	sadd.s32 s16, s0  }
0x14: {  	v0 =	vimm.f32 $0.0e+00;
	s19 =	simm.s32 $0x2800;
	s5 =	sadd.s32 $0x6C00, s6;
	s6 =	sadd.s32 $0x1C00, s6  }
.LBB2_1:
0x15: {  	[tilespmem:s3], [sflag:$0x1] =	stream.linear.gather [hbm4b:s5+s3], $0x1400, $0x38;
	[tilespmem:$0x1E800] =	vst v63  }
0x16: {  	s0 =	simm.s32 $0x1400  }
0x17: {  	[tilespmem:s0], [sflag:$0x2] =	stream.linear.gather [hbm4b:s6+s3], $0x1400, $0x38;
	[tilespmem:$0x1E800] =	vst v63  }
0x18: {  	s31 =	simm.s32 $0x0;
	s0 =	simm.s32 $0x200  }
.LBB2_2:
0x19: {  	p0 =	sne.s32 s0, $0xFE00;
	[tilespmem:s31+$0x2870] =	vst v0  }
0x1a: {  	[tilespmem:s31+$0x2800] =	vst v0  }
0x1b: {  	[tilespmem:s31+$0x2810] =	vst v0  }
.Ltmp0:
0x1c: {  	[tilespmem:s31+$0x2820] =	vst v0;
	(pc) =	sbr.rel @p0 .LBB2_2-.Ltmp0, $4  }
0x1d: {  	[tilespmem:s31+$0x2830] =	vst v0  }
0x1e: {  	[tilespmem:s31+$0x2840] =	vst v0  }
0x1f: {  	[tilespmem:s31+$0x2850] =	vst v0  }
0x20: {  	[tilespmem:s31+$0x2860] =	vst v0;
	s31 =	sshra.s32 s0, $0x2;
	s0 =	sadd.s32 $0x200, s0  }
0x21: {  	[tilespmem:s31+$0x2870] =	vst v0  }
0x22: {  	[tilespmem:s31+$0x2800] =	vst v0  }
0x23: {  	[tilespmem:s31+$0x2810] =	vst v0  }
0x24: {  	[tilespmem:s31+$0x2820] =	vst v0  }
0x25: {  	[tilespmem:s31+$0x2830] =	vst v0  }
0x26: {  	[tilespmem:s31+$0x2840] =	vst v0  }
0x27: {  	[tilespmem:s31+$0x2850] =	vst v0  }
0x28: {  	[tilespmem:s31+$0x2860] =	vst v0  }
0x29: {  	[spmem:s7] =	stream.linear.scatter [tilespmem:s19], [sflag:$0x3], $0x4000, $0x38;
	[tilespmem:$0x1E800] =	vst v63  }
0x2a: {  	_ = 	snop  }
0x2b: {  	[spmem:s8] =	stream.linear.scatter [tilespmem:s19], [sflag:$0x3], $0x4000, $0x38;
	[tilespmem:$0x1E800] =	vst v63  }
0x2c: {  	_ = 	snop  }
0x2d: {  	[spmem:s9] =	stream.linear.scatter [tilespmem:s19], [sflag:$0x3], $0x4000, $0x38;
	[tilespmem:$0x1E800] =	vst v63  }
0x2e: {  	_ = 	snop  }
0x2f: {  	[spmem:s10] =	stream.linear.scatter [tilespmem:s19], [sflag:$0x3], $0x4000, $0x38;
	[tilespmem:$0x1E800] =	vst v63  }
0x30: {  	_ = 	snop  }
0x31: {  	[spmem:s11] =	stream.linear.scatter [tilespmem:s19], [sflag:$0x3], $0x4000, $0x38;
	[tilespmem:$0x1E800] =	vst v63  }
0x32: {  	_ =	swait.ge [sflag:s20], $0x4000  }
0x33: {  	[sflag:s20] =	ssyncset.done $0x0  }
0x34: {  	[sflag:s20] =	ssyncadd.s32 $0xFFFFC000  }
0x35: {  	_ =	swait.ge [sflag:s20], $0x4000  }
0x36: {  	[sflag:s20] =	ssyncset.done $0x0  }
0x37: {  	[sflag:s20] =	ssyncadd.s32 $0xFFFFC000  }
0x38: {  	_ =	swait.ge [sflag:s20], $0x4000  }
0x39: {  	[sflag:s20] =	ssyncset.done $0x0  }
0x3a: {  	[sflag:s20] =	ssyncadd.s32 $0xFFFFC000  }
0x3b: {  	_ =	swait.ge [sflag:s20], $0x4000  }
0x3c: {  	[sflag:s20] =	ssyncset.done $0x0  }
0x3d: {  	[sflag:s20] =	ssyncadd.s32 $0xFFFFC000  }
0x3e: {  	_ =	swait.ge [sflag:s20], $0x4000  }
0x3f: {  	[sflag:s20] =	ssyncset.done $0x0  }
0x40: {  	[sflag:s20] =	ssyncadd.s32 $0xFFFFC000  }
0x41: {  	_ =	swait.ge [sflag:s21], $0x1400  }
0x42: {  	[sflag:s21] =	ssyncset.done $0x0  }
0x43: {  	[sflag:s21] =	ssyncadd.s32 $0xFFFFEC00  }
0x44: {  	_ =	swait.ge [sflag:s22], $0x1400  }
0x45: {  	[sflag:s22] =	ssyncset.done $0x0  }
0x46: {  	[sflag:s22] =	ssyncadd.s32 $0xFFFFEC00  }
0x47: {  	s0 =	simm.s32 $0x0;
	[bflag:$0x0] =	sbarrier.arrive $0xFFFF  }
0x48: {  	[tilespmem:s19], [sflag:$0x1] =	stream.indirect.gather [hbm4b:s4+s23], $0x80, s0, s23, $0xb8;
	[tilespmem:$0x1E800] =	vst v63  }
0x49: {  	s26 =	simm.s32 $0x80  }
0x4a: {  	[tilespmem:s24], [sflag:$0x2] =	stream.indirect.gather [hbm4b:s4+s23], $0x80, s26, s23, $0xb8;
	[tilespmem:$0x1E800] =	vst v63  }
0x4b: {  	_ =	swait.ge [sflag:s21], $0x4000  }
0x4c: {  	[sflag:s21] =	ssyncset.done $0x0  }
0x4d: {  	s1 =	simm.s32 $0x1400;
	[sflag:s21] =	ssyncadd.s32 $0xFFFFC000  }
0x4e: {  	[spmem:s2] =	stream.indirect.scatter.add.f32 [tilespmem:s19], [sflag:$0x4], $0x80, s1, s23, $0xb8;
	[tilespmem:$0x1E800] =	vst v63  }
0x4f: {  	_ =	swait.ge [sflag:s25], $0x4000  }
0x50: {  	[sflag:s25] =	ssyncset.done $0x0  }
0x51: {  	s18 =	simm.s32 $0x100;
	[sflag:s25] =	ssyncadd.s32 $0xFFFFC000  }
0x52: {  	[tilespmem:s19], [sflag:$0x1] =	stream.indirect.gather [hbm4b:s4+s23], $0x80, s18, s23, $0xb8;
	[tilespmem:$0x1E800] =	vst v63  }
0x53: {  	_ =	swait.ge [sflag:s22], $0x4000  }
0x54: {  	[sflag:s22] =	ssyncset.done $0x0  }
0x55: {  	s26 =	simm.s32 $0x1480;
	[sflag:s22] =	ssyncadd.s32 $0xFFFFC000  }
0x56: {  	[spmem:s2] =	stream.indirect.scatter.add.f32 [tilespmem:s24], [sflag:$0x4], $0x80, s26, s23, $0xb8;
	[tilespmem:$0x1E800] =	vst v63  }
0x57: {  	_ =	swait.ge [sflag:s25], $0x4000  }
0x58: {  	s31 =	simm.s32 $0x100;
	s0 =	simm.s32 $0x800;
	[sflag:s25] =	ssyncset.done $0x0  }
.LBB2_4:
0x59: {  	s1 =	sadd.s32 $0x80, s31  }
0x5a: {  	[sflag:s25] =	ssyncadd.s32 $0xFFFFC000;
	s18 =	smov.u32 s0;
	s26 =	sadd.s32 $0x400, s0  }
0x5b: {  	[tilespmem:s24], [sflag:$0x2] =	stream.indirect.gather [hbm4b:s4+s23], $0x80, s1, s23, $0xb8;
	[tilespmem:$0x1E800] =	vst v63  }
0x5c: {  	p0 =	sne.s32 s0, $0x4800;
	_ =	swait.ge [sflag:s21], $0x4000  }
0x5d: {  	[sflag:s21] =	ssyncset.done $0x0  }
0x5e: {  	s0 =	sadd.s32 $0x1400, s31;
	[sflag:s21] =	ssyncadd.s32 $0xFFFFC000  }
0x5f: {  	[spmem:s2] =	stream.indirect.scatter.add.f32 [tilespmem:s19], [sflag:$0x4], $0x80, s0, s23, $0xb8;
	[tilespmem:$0x1E800] =	vst v63  }
0x60: {  	_ =	swait.ge [sflag:s25], $0x4000  }
0x61: {  	[sflag:s25] =	ssyncset.done $0x0  }
0x62: {  	s0 =	sadd.s32 $0x100, s31;
	[sflag:s25] =	ssyncadd.s32 $0xFFFFC000  }
0x63: {  	[tilespmem:s19], [sflag:$0x1] =	stream.indirect.gather [hbm4b:s4+s23], $0x80, s0, s23, $0xb8;
	[tilespmem:$0x1E800] =	vst v63  }
0x64: {  	_ =	swait.ge [sflag:s22], $0x4000  }
.Ltmp1:
0x65: {  	[sflag:s22] =	ssyncset.done $0x0;
	(pc) =	sbr.rel @p0 .LBB2_4-.Ltmp1, $4  }
0x66: {  	s0 =	sadd.s32 $0x1480, s31;
	[sflag:s22] =	ssyncadd.s32 $0xFFFFC000  }
0x67: {  	[spmem:s2] =	stream.indirect.scatter.add.f32 [tilespmem:s24], [sflag:$0x4], $0x80, s0, s23, $0xb8;
	[tilespmem:$0x1E800] =	vst v63  }
0x68: {  	_ =	swait.ge [sflag:s25], $0x4000  }
0x69: {  	s31 =	sshra.s32 s18, $0x2;
	s0 =	smov.u32 s26;
	[sflag:s25] =	ssyncset.done $0x0  }
0x6a: {  	s0 =	sadd.s32 $0x80, s31;
	[sflag:s25] =	ssyncadd.s32 $0xFFFFC000  }
0x6b: {  	[tilespmem:s24], [sflag:$0x2] =	stream.indirect.gather [hbm4b:s4+s23], $0x80, s0, s23, $0xb8;
	[tilespmem:$0x1E800] =	vst v63  }
0x6c: {  	_ =	swait.ge [sflag:s21], $0x4000  }
0x6d: {  	[sflag:s21] =	ssyncset.done $0x0  }
0x6e: {  	s18 =	sadd.s32 $0x1400, s31;
	[sflag:s21] =	ssyncadd.s32 $0xFFFFC000  }
0x6f: {  	[spmem:s2] =	stream.indirect.scatter.add.f32 [tilespmem:s19], [sflag:$0x4], $0x80, s18, s23, $0xb8;
	[tilespmem:$0x1E800] =	vst v63  }
0x70: {  	_ =	swait.ge [sflag:s25], $0x4000  }
0x71: {  	[sflag:s25] =	ssyncset.done $0x0  }
0x72: {  	s26 =	sadd.s32 $0x100, s31;
	[sflag:s25] =	ssyncadd.s32 $0xFFFFC000  }
0x73: {  	[tilespmem:s19], [sflag:$0x1] =	stream.indirect.gather [hbm4b:s4+s23], $0x80, s26, s23, $0xb8;
	[tilespmem:$0x1E800] =	vst v63  }
0x74: {  	_ =	swait.ge [sflag:s22], $0x4000  }
0x75: {  	[sflag:s22] =	ssyncset.done $0x0  }
0x76: {  	s1 =	sadd.s32 $0x1480, s31;
	[sflag:s22] =	ssyncadd.s32 $0xFFFFC000  }
0x77: {  	[spmem:s2] =	stream.indirect.scatter.add.f32 [tilespmem:s24], [sflag:$0x4], $0x80, s1, s23, $0xb8;
	[tilespmem:$0x1E800] =	vst v63  }
0x78: {  	_ =	swait.ge [sflag:s25], $0x4000  }
0x79: {  	[sflag:s25] =	ssyncset.done $0x0  }
0x7a: {  	s18 =	simm.s32 $0x1380;
	[sflag:s25] =	ssyncadd.s32 $0xFFFFC000  }
0x7b: {  	[tilespmem:s24], [sflag:$0x2] =	stream.indirect.gather [hbm4b:s4+s23], $0x80, s18, s23, $0xb8;
	[tilespmem:$0x1E800] =	vst v63  }
0x7c: {  	_ =	swait.ge [sflag:s21], $0x4000  }
0x7d: {  	[sflag:s21] =	ssyncset.done $0x0  }
0x7e: {  	[sflag:s21] =	ssyncadd.s32 $0xFFFFC000  }
0x7f: {  	[spmem:s2] =	stream.indirect.scatter.add.f32 [tilespmem:s19], [sflag:$0x4], $0x80, s28, s23, $0xb8;
	[tilespmem:$0x1E800] =	vst v63  }
0x80: {  	_ =	swait.ge [sflag:s25], $0x4000  }
0x81: {  	[sflag:s25] =	ssyncset.done $0x0  }
0x82: {  	[sflag:s25] =	ssyncadd.s32 $0xFFFFC000  }
0x83: {  	_ =	swait.ge [sflag:s22], $0x4000  }
0x84: {  	[sflag:s22] =	ssyncset.done $0x0  }
0x85: {  	[sflag:s22] =	ssyncadd.s32 $0xFFFFC000  }
0x86: {  	[spmem:s2] =	stream.indirect.scatter.add.f32 [tilespmem:s24], [sflag:$0x4], $0x80, s29, s23, $0xb8;
	[tilespmem:$0x1E800] =	vst v63  }
0x87: {  	_ =	swait.ge [sflag:s25], $0x4000  }
0x88: {  	s26 =	stileid.u32;
	[sflag:s25] =	ssyncset.done $0x0  }
0x89: {  	s31 =	sshrl.u32 s8, $0x3;
	s0 =	sshll.u32 s26, $0x6;
	[sflag:s25] =	ssyncadd.s32 $0xFFFFC000  }
0x8a: {  	s0 =	sor.u32 $0x1C03, s0;
	s1 =	sshrl.u32 s7, $0x3;
	[bflag:$0x0] =	sbarrier.arrive $0xFFFF  }
0x8b: {  	[hbm:s12], [sflag:s0] =	dma.local [spmem:s1], $0x800  }
0x8c: {  	[hbm:s13], [sflag:s0] =	dma.local [spmem:s31], $0x800  }
0x8d: {  	s26 =	sshrl.u32 s10, $0x3;
	s18 =	sshrl.u32 s9, $0x3;
	s31 =	sshrl.u32 s11, $0x3  }
0x8e: {  	[hbm:s14], [sflag:s0] =	dma.local [spmem:s18], $0x800  }
0x8f: {  	[hbm:s15], [sflag:s0] =	dma.local [spmem:s26], $0x800  }
0x90: {  	[hbm:s16], [sflag:s0] =	dma.local [spmem:s31], $0x800  }
0x91: {  	_ =	swait.ge [sflag:s20], $0x800  }
0x92: {  	[sflag:s20] =	ssyncset.done $0x0  }
0x93: {  	[sflag:s20] =	ssyncadd.s32 $0xFFFFF800  }
0x94: {  	_ =	swait.ge [sflag:s20], $0x800  }
0x95: {  	[sflag:s20] =	ssyncset.done $0x0  }
0x96: {  	[sflag:s20] =	ssyncadd.s32 $0xFFFFF800  }
0x97: {  	_ =	swait.ge [sflag:s20], $0x800  }
0x98: {  	[sflag:s20] =	ssyncset.done $0x0  }
0x99: {  	s30 =	sadd.s32 $0x1, s30;
	[sflag:s20] =	ssyncadd.s32 $0xFFFFF800  }
0x9a: {  	p0 =	sne.s32 s30, s17;
	_ =	swait.ge [sflag:s20], $0x800  }
.Ltmp2:
0x9b: {  	[sflag:s20] =	ssyncset.done $0x0;
	(pc) =	sbr.rel @p0 .LBB2_1-.Ltmp2, $4  }
0x9c: {  	[sflag:s20] =	ssyncadd.s32 $0xFFFFF800  }
0x9d: {  	_ =	swait.ge [sflag:s20], $0x800  }
0x9e: {  	[sflag:s20] =	ssyncset.done $0x0  }
0x9f: {  	[sflag:s20] =	ssyncadd.s32 $0xFFFFF800  }
0xa0: {  	_ =	sfence.sel $0x180000  }
0xa1: {  	[bflag:$0x0] =	sbarrier.arrive $0xFFFF  }
0xa2: {  	_ =	strace $0x9000004D  }
0xa3: {  	s0 =	stileid.u32;
	[bflag:$0x2] =	sbarrier.arrive $0xFFFF  }
0xa4: {  	p0 =	sne.s32 s0, $0x0;
	s0 =	rddreg [dreg:$0x2]  }
0xa5: {  	s0 =	sadd.s32 @!p0 $0x100000, s0  }
0xa6: {  	[sflag:s0] =	ssyncadd.tile.s32 @!p0 $0x1;
	_ =	shalt  }
.Lfunc_end2:
_tile_overlayer_lowered:
.L_overlay_start_2:
0xa7: {  	(tag) =	ssettag $0x2  }
0xa8: {  	s0 =	rddreg [dreg:$0x0];
	s2 =	stileid.u32  }
0xa9: {  	s1 =	rddreg [dreg:$0x1];
	p0 =	sne.s32 s2, $0x0  }
0xaa: {  	s3 =	rddreg [dreg:$0x2];
	[bflag:$0x3] =	sbarrier.arrive $0xFFFF;
	s2 =	simm.s32 @!p0 $0x1C04  }
0xab: {  	[timem:s3], [sflag:s2] =	dma.local @!p0 [hbm:s0], s1  }
0xac: {  	s0 =	simm.s32 @!p0 $0x4  }
0xad: {  	_ =	swait.ge @!p0 [sflag:s0], s1  }
0xae: {  	s1 =	ssub.s32 @!p0 $0x0, s1;
	[sflag:s0] =	ssyncset.done @!p0 $0x0  }
0xaf: {  	[sflag:s0] =	ssyncadd.s32 @!p0 s1  }
0xb0: {  	[bflag:$0x3] =	sbarrier.arrive $0xFFFF  }
0xb1: {  	_ =	shalt  }

// kernel: kernel.19.cloned.1.call-start
scs
__scs_entry_jumppad:
0x0: {  	(pc) =	sbr.rel $0x88, $3  }
0x1: {  	(tag) =	ssettag $0x0;
	lr =	simm.s32 $0x1  }
0x2: {  	[smem:$0x3F97] =	sst lr;
	_ =	strace $0xD0000000  }
0x3: {  	_ = 	snop  }
0x4: {  	_ = 	snop  }
0x5: {  	_ = 	snop  }
0x6: {  	_ = 	snop  }
0x7: {  	_ = 	snop  }
__scs_overlays_trampoline_lowered:
0x8: {  	[smem:$0x3FA6] =	sst s0  }
0x9: {  	[smem:$0x3FA7] =	sst s1  }
0xa: {  	[smem:$0x3FA8] =	sst s2  }
0xb: {  	[smem:$0x3FA9] =	sst s3  }
0xc: {  	[smem:$0x3FAA] =	sst s4  }
0xd: {  	[smem:$0x3FAB] =	sst s5  }
0xe: {  	[smem:$0x3FAC] =	sst s6  }
0xf: {  	[smem:$0x3FAD] =	sst s7  }
0x10: {  	[smem:$0x3FAE] =	sst s8  }
0x11: {  	[smem:$0x3FAF] =	sst s9;
	s0 =	simm.s32 @!p0 $0x0  }
0x12: {  	s1 =	sld [smem:$0x3F95];
	s0 =	simm.s32 @p0 $0x1  }
0x13: {  	[smem:$0x3FB0] =	sst s0;
	s0 =	simm.s32 @!p1 $0x0  }
0x14: {  	s2 =	sld [smem:$0x3F94];
	s0 =	simm.s32 @p1 $0x1  }
0x15: {  	[smem:$0x3FB1] =	sst s0;
	s0 =	simm.s32 @!p2 $0x0  }
0x16: {  	s3 =	sld [smem:$0x3FDB];
	s0 =	simm.s32 @p2 $0x1  }
0x17: {  	s4 =	simm.s32 $0x1BF5;
	[smem:$0x3FB3] =	sst s0  }
0x18: {  	s0 =	sld [smem:$0x3F96];
	_ =	swait.ge [sflag:s4], $0x0  }
0x19: {  	s7 =	sld [smem:$0x3F97]  }
0x1a: {  	s8 =	sadd.s32 $0xFFFFE003, lr  }
0x1b: {  	s9 =	sadd.s32 $0xFFFFFEF7, lr;
	s5 =	simm.s32 $0xFFFFFFFF;
	p2 =	slt.u32 s8, $0xFFFFF086  }
0x1c: {  	p1 =	slt.u32 s9, $0xF7A;
	s5 =	simm.s32 @!p2 $0x0  }
0x1d: {  	s5 =	simm.s32 @p1 $0x1;
	p0 =	seq.s32 s7, s2  }
0x1e: {  	s7 =	smul.u32 @!p0 $0xF7A, s2;
	p2 =	seq.s32 @!p0 s5, $0x0  }
0x1f: {  	s9 =	smul.u32 $0xF7A, s1;
	s8 =	simm.s32 @!p0 $0x1BF5;
	p2 =	por !p2, p0  }
0x20: {  	[sflag:s8] =	ssyncset.s32 @!p0 $0xFFFFF086;
	s6 =	sadd.s32 @!p0 s3, s7;
	s7 =	simm.s32 @!p0 $0x108  }
0x21: {  	s3 =	sadd.s32 s3, s9;
	s6 =	sadd.s32 @!p0 $0x88, s6;
	s7 =	simm.s32 @p2 $0x1082  }
0x22: {  	[simem:s7], [sflag:s8] =	dma.local @!p0 [hbm:s6], $0xF7A  }
0x23: {  	s9 =	sor.u32 $0xD0000000, s2;
	s6 =	simm.s32 $0x108;
	_ =	swait.ge @!p0 [sflag:s8], $0x0  }
0x24: {  	s3 =	sadd.s32 $0x88, s3;
	s6 =	simm.s32 @!p1 $0x1082;
	[sflag:s4] =	ssyncset.s32 $0xFFFFF086  }
0x25: {  	[simem:s6], [sflag:s4] =	dma.local [hbm:s3], $0xF7A  }
0x26: {  	[smem:$0x3F97] =	sst s1;
	(tag) =	ssettag s2;
	_ =	strace s9  }
0x27: {  	s1 =	sld [smem:$0x3FA7]  }
0x28: {  	s2 =	sld [smem:$0x3FA8]  }
0x29: {  	s4 =	sld [smem:$0x3FAA]  }
0x2a: {  	p0 =	seq.s32 s5, $0x0;
	s5 =	sld [smem:$0x3FAB]  }
0x2b: {  	s6 =	sld [smem:$0x3FAC]  }
0x2c: {  	s7 =	sld [smem:$0x3FAD]  }
0x2d: {  	s3 =	simm.s32 $0x108;
	s8 =	sld [smem:$0x3FAE]  }
0x2e: {  	s3 =	simm.s32 @!p0 $0x1082;
	s9 =	sld [smem:$0x3FAF]  }
0x2f: {  	lr =	sadd.s32 s0, s3;
	s0 =	sld [smem:$0x3FA6]  }
0x30: {  	s3 =	sld [smem:$0x3FA9]  }
0x31: {  	[smem:$0x3FB2] =	sst s10  }
0x32: {  	s10 =	sld [smem:$0x3FB0];
	_ =	sdelay $0x3  }
0x33: {  	p0 =	seq.s32 s10, $0x1;
	s10 =	sld [smem:$0x3FB2];
	_ =	sdelay $0x3  }
0x34: {  	[smem:$0x3FB2] =	sst s10  }
0x35: {  	s10 =	sld [smem:$0x3FB1];
	_ =	sdelay $0x3  }
0x36: {  	p1 =	seq.s32 s10, $0x1;
	s10 =	sld [smem:$0x3FB2];
	_ =	sdelay $0x3  }
0x37: {  	[smem:$0x3FB2] =	sst s10  }
0x38: {  	s10 =	sld [smem:$0x3FB3]  }
0x39: {  	_ = 	snop;
	(pc) =	sbr.ind lr, $3  }
0x3a: {  	_ = 	snop  }
0x3b: {  	_ = 	snop  }
0x3c: {  	p2 =	seq.s32 s10, $0x1;
	s10 =	sld [smem:$0x3FB2]  }
0x3d: {  	_ =	shalt  }
0x3e: {  	_ =	shalt  }
0x3f: {  	_ =	shalt  }
0x40: {  	_ =	shalt  }
0x41: {  	_ =	shalt  }
0x42: {  	_ =	shalt  }
0x43: {  	_ =	shalt  }
0x44: {  	_ =	shalt  }
0x45: {  	_ =	shalt  }
0x46: {  	_ =	shalt  }
0x47: {  	_ =	shalt  }
0x48: {  	_ =	shalt  }
0x49: {  	_ =	shalt  }
0x4a: {  	_ =	shalt  }
0x4b: {  	_ =	shalt  }
0x4c: {  	_ =	shalt  }
0x4d: {  	_ =	shalt  }
0x4e: {  	_ =	shalt  }
0x4f: {  	_ =	shalt  }
0x50: {  	_ =	shalt  }
0x51: {  	_ =	shalt  }
0x52: {  	_ =	shalt  }
0x53: {  	_ =	shalt  }
0x54: {  	_ =	shalt  }
0x55: {  	_ =	shalt  }
0x56: {  	_ =	shalt  }
0x57: {  	_ =	shalt  }
0x58: {  	_ =	shalt  }
0x59: {  	_ =	shalt  }
0x5a: {  	_ =	shalt  }
0x5b: {  	_ =	shalt  }
0x5c: {  	_ =	shalt  }
0x5d: {  	_ =	shalt  }
0x5e: {  	_ =	shalt  }
0x5f: {  	_ =	shalt  }
0x60: {  	_ =	shalt  }
0x61: {  	_ =	shalt  }
0x62: {  	_ =	shalt  }
0x63: {  	_ =	shalt  }
0x64: {  	_ =	shalt  }
0x65: {  	_ =	shalt  }
0x66: {  	_ =	shalt  }
0x67: {  	_ =	shalt  }
0x68: {  	_ =	shalt  }
0x69: {  	_ =	shalt  }
0x6a: {  	_ =	shalt  }
0x6b: {  	_ =	shalt  }
0x6c: {  	_ =	shalt  }
0x6d: {  	_ =	shalt  }
0x6e: {  	_ =	shalt  }
0x6f: {  	_ =	shalt  }
0x70: {  	_ =	shalt  }
0x71: {  	_ =	shalt  }
0x72: {  	_ =	shalt  }
0x73: {  	_ =	shalt  }
0x74: {  	_ =	shalt  }
0x75: {  	_ =	shalt  }
0x76: {  	_ =	shalt  }
0x77: {  	_ =	shalt  }
0x78: {  	_ =	shalt  }
0x79: {  	_ =	shalt  }
0x7a: {  	_ =	shalt  }
0x7b: {  	_ =	shalt  }
0x7c: {  	_ =	shalt  }
0x7d: {  	_ =	shalt  }
0x7e: {  	_ =	shalt  }
0x7f: {  	_ =	shalt  }
0x80: {  	_ =	shalt  }
0x81: {  	_ =	shalt  }
0x82: {  	_ =	shalt  }
0x83: {  	_ =	shalt  }
0x84: {  	_ =	shalt  }
0x85: {  	_ =	shalt  }
0x86: {  	_ =	shalt  }
0x87: {  	_ =	shalt  }
.Lfunc_end0:
.L_simem_size_0:
called_computation.3_lowered:
.L_overlay_start_0:
0x88: {  	s2 =	sld [smem:$0x3FD9]  }
0x89: {  	s3 =	sld [smem:$0x3FFE];
	_ =	sdelay $0x1  }
0x8a: {  	s1 =	srdreg.scid  }
0x8b: {  	s0 =	sand.u32 $0x1, s1  }
0x8c: {  	s17 =	sshll.u32 s0, $0xA;
	s2 =	sadd.s32 s3, s2  }
0x8d: {  	s2 =	sadd.s32 s2, s17  }
0x8e: {  	[smem:$0x3FBE] =	sst s2  }
0x8f: {  	_ = 	snop  }
0x90: {  	s2 =	sld [smem:$0x3FD0];
	(tm) =	ssettm $0x1  }
0x91: {  	s18 =	sld [smem:$0x3FFB];
	_ =	sdelay $0x3  }
0x92: {  	_ =	strace s18  }
0x93: {  	s3 =	sld [smem:$0x3FFC];
	_ =	sdelay $0x3  }
0x94: {  	_ =	strace s3  }
0x95: {  	s3 =	sld [smem:$0x3FFD];
	_ =	sdelay $0x3  }
0x96: {  	_ =	strace s3  }
0x97: {  	_ =	strace $0x8FFFFFFF  }
0x98: {  	s19 =	sld [smem:$0x3FDB];
	_ =	sdelay $0x1  }
0x99: {  	s4 =	simm.s32 $_scs_section_size  }
0x9a: {  	s5 =	simm.s32 $_size__tile_overlayer_lowered;
	s6 =	simm.s32 $_tile_overlayer_lowered  }
0x9b: {  	s22 =	simm.s32 $0x1BFF;
	s21 =	sshll.u32 s6, $0x1;
	s3 =	sadd.s32 s4, s19  }
0x9c: {  	s7 =	simm.s32 $0x0;
	s20 =	sshll.u32 s5, $0x1;
	s5 =	sadd.s32 s21, s3  }
0x9d: {  	[timem:s7], [sflag:s22] =	dma.local [hbm:s5], s20  }
0x9e: {  	_ =	swait.ge [sflag:s22], s20  }
0x9f: {  	s4 =	ssub.s32 $0x0, s20;
	[sflag:s22] =	ssyncset.done $0x0  }
0xa0: {  	[sflag:s22] =	ssyncadd.s32 s4;
	_ =	sdelay $0x1  }
0xa1: {  	s23 =	simm.s32 $0x1B8B  }
0xa2: {  	_ =	swait.ge [sflag:s23], $0x1  }
0xa3: {  	[sflag:s23] =	ssyncset.done $0x0  }
0xa4: {  	s25 =	simm.s32 $0x1B8E;
	s24 =	sld [smem:$0x3FFE];
	[sflag:s23] =	ssyncadd.s32 $0xFFFFFFFF  }
0xa5: {  	s26 =	simm.s32 $execute0_lowered;
	[smem:$0x3FD2] =	sst s25  }
0xa6: {  	s5 =	sshll.u32 s26, $0x1;
	_ =	strace $0x8000004F;
	[dreg:$0x1] =	wrdreg $0xFFFFFFFF  }
0xa7: {  	s28 =	simm.s32 $_size_execute0_lowered;
	s3 =	sadd.s32 s3, s5;
	[dreg:$0x0] =	wrdreg $0x0  }
0xa8: {  	s5 =	sshll.u32 s28, $0x1;
	[dreg:$0x2] =	wrdreg s3  }
0xa9: {  	[dreg:$0x3] =	wrdreg s5  }
0xaa: {  	[dreg:$0x4] =	wrdreg $0xC0  }
0xab: {  	_ =	task [dreg:s7], $0x5FFFF  }
0xac: {  	[dreg:$0x1] =	wrdreg $0xFFFFFFFF  }
0xad: {  	[dreg:$0x0] =	wrdreg $0x60  }
0xae: {  	[dreg:$0x2] =	wrdreg s24  }
0xaf: {  	[dreg:$0x3] =	wrdreg s2  }
0xb0: {  	[dreg:$0x4] =	wrdreg $0xB6800  }
0xb1: {  	[dreg:$0x5] =	wrdreg $0x9  }
0xb2: {  	_ =	task.clear_ibuf [dreg:s7], $0x6FFFF;
	_ =	strace $0x9000004F  }
0xb3: {  	s29 =	simm.s32 $0x9;
	_ =	strace $0x80000051  }
0xb4: {  	_ =	swait.ge [sflag:s29], $0x1  }
0xb5: {  	[sflag:s29] =	ssyncadd.s32 $0xFFFFFFFF  }
0xb6: {  	_ =	strace $0x90000051  }
0xb7: {  	_ =	sfence  }
0xb8: {  	s30 =	sld [smem:$0x0];
	_ =	sdelay $0x2  }
0xb9: {  	s31 =	sshll.u32 s1, $0xD;
	s1 =	sshrl.u32 s1, $0x2  }
0xba: {  	s3 =	sand.u32 $0x4000, s31;
	s1 =	sadd.s32 s1, s30  }
0xbb: {  	s0 =	sor.u32 s3, s0;
	s1 =	sshll.u32 s1, $0x11  }
0xbc: {  	s0 =	sor.u32 s1, s0  }
0xbd: {  	s0 =	sadd.s32 $0x8F2B, s0  }
0xbe: {  	[sflag:s0] =	ssyncadd.remote.s32 $0x1  }
0xbf: {  	_ =	sfence.sel $0xFFFF  }
0xc0: {  	[dreg:$0x0] =	wrdreg $0xFFFFFFFF;
	(pc) =	sbr.abs _section_cstart, $3  }
0xc1: {  	[dreg:$0x1] =	wrdreg $0xFFFFFFFF  }
0xc2: {  	_ =	task.clear_ibuf [dreg:s7], $0x2FFFF;
	_ =	strace $0x9FFFFFFF  }
0xc3: {  	(tm) =	ssettm $0x7FFFFFFF  }
tec
execute0_lowered:
.L_overlay_start_1:
0x0: {  	(tag) =	ssettag $0x1  }
0x1: {  	s7 =	rddreg [dreg:$0x0]  }
0x2: {  	s10 =	rddreg [dreg:$0x1]  }
0x3: {  	s1 =	rddreg [dreg:$0x2];
	s2 =	srdreg.scid  }
0x4: {  	s0 =	rddreg [dreg:$0x3];
	s3 =	simm.s32 $0x0;
	s14 =	simm.s32 $0x5000  }
0x5: {  	s15 =	simm.s32 $0x7800;
	s16 =	simm.s32 $0xB400;
	s17 =	simm.s32 $0x3  }
0x6: {  	s18 =	simm.s32 $0x1;
	s19 =	simm.s32 $0x80;
	s20 =	simm.s32 $0x2  }
0x7: {  	s23 =	simm.s32 $0x20;
	s24 =	simm.s32 $0x10;
	s25 =	simm.s32 $0x0  }
0x8: {  	s8 =	sand.u32 $0x1, s2;
	s2 =	stileid.u32;
	[smem:$0x7FF] =	sst s3  }
0x9: {  	s5 =	sadd.s32 $0xC200, s7;
	s6 =	sadd.s32 $0x82E00, s7;
	s4 =	sshll.u32 s8, $0x4  }
0xa: {  	_ =	strace $0x80000050;
	s30 =	ssub.s32 $0x2, s8;
	s11 =	smul.u32 $0x500, s2  }
0xb: {  	s13 =	smul.u32 $0xA00, s2;
	s8 =	sshll.u32 s8, $0x7;
	s21 =	sshll.u32 s2, $0x6  }
0xc: {  	s4 =	sor.u32 s2, s4;
	s12 =	sshrl.u32 s30, $0x1;
	s21 =	sor.u32 $0x1C03, s21  }
0xd: {  	s9 =	smul.u32 $0x280, s4;
	s4 =	sadd.s32 $0xBC00, s7;
	s11 =	sor.u32 s8, s11  }
0xe: {  	s12 =	ssub.s32 s30, s12;
	s31 =	sshrl.u32 s13, $0x2;
	s11 =	sshrl.u32 s11, $0x3  }
0xf: {  	s13 =	simm.s32 $0x2800;
	s9 =	sadd.s32 s9, s7;
	s10 =	sadd.s32 s10, s11  }
0x10: {  	s7 =	sadd.s32 $0x6C00, s9;
	s8 =	sadd.s32 $0x1C00, s9;
	s9 =	sadd.s32 s31, s1  }
0x11: {  	v0 =	vimm.f32 $0.0e+00;
	s11 =	smax.u32 s12, $0x1;
	s12 =	simm.s32 $0x1400;
	s22 =	sshrl.u32 s9, $0x3  }
.LBB2_1:
0x12: {  	[tilespmem:s3], [sflag:$0x1] =	stream.linear.gather [hbm4b:s7+s3], $0x1400, $0x38;
	[tilespmem:$0xB900] =	vst v63  }
0x13: {  	_ = 	snop  }
0x14: {  	[tilespmem:s12], [sflag:$0x1] =	stream.linear.gather [hbm4b:s8+s3], $0x1400, $0x38;
	[tilespmem:$0xB900] =	vst v63  }
0x15: {  	_ = 	snop  }
0x16: {  	[tilespmem:s13], [sflag:$0x1] =	stream.linear.gather [hbm4b:s4+s3], $0x2710, $0x38;
	[tilespmem:$0xB900] =	vst v63  }
0x17: {  	_ = 	snop  }
0x18: {  	[tilespmem:s14], [sflag:$0x1] =	stream.linear.gather [hbm4b:s5+s3], $0x2710, $0x38;
	[tilespmem:$0xB900] =	vst v63  }
0x19: {  	_ = 	snop  }
0x1a: {  	[tilespmem:s15], [sflag:$0x1] =	stream.linear.gather [hbm4b:s6+s3], $0x2710, $0x38;
	[tilespmem:$0xB900] =	vst v63  }
0x1b: {  	[tilespmem:$0xB400] =	vst v0  }
0x1c: {  	[tilespmem:$0xB410] =	vst v0  }
0x1d: {  	[tilespmem:$0xB420] =	vst v0  }
0x1e: {  	[tilespmem:$0xB430] =	vst v0  }
0x1f: {  	[tilespmem:$0xB440] =	vst v0  }
0x20: {  	[tilespmem:$0xB450] =	vst v0  }
0x21: {  	[tilespmem:$0xB460] =	vst v0  }
0x22: {  	[tilespmem:$0xB470] =	vst v0  }
0x23: {  	[tilespmem:$0xB480] =	vst v0  }
0x24: {  	[tilespmem:$0xB490] =	vst v0  }
0x25: {  	[tilespmem:$0xB4A0] =	vst v0  }
0x26: {  	[tilespmem:$0xB4B0] =	vst v0  }
0x27: {  	[tilespmem:$0xB4C0] =	vst v0  }
0x28: {  	[tilespmem:$0xB4D0] =	vst v0  }
0x29: {  	[tilespmem:$0xB4E0] =	vst v0  }
0x2a: {  	[tilespmem:$0xB4F0] =	vst v0  }
0x2b: {  	[tilespmem:$0xB500] =	vst v0  }
0x2c: {  	[tilespmem:$0xB510] =	vst v0  }
0x2d: {  	[tilespmem:$0xB520] =	vst v0  }
0x2e: {  	[tilespmem:$0xB530] =	vst v0  }
0x2f: {  	[tilespmem:$0xB540] =	vst v0  }
0x30: {  	[tilespmem:$0xB550] =	vst v0  }
0x31: {  	[tilespmem:$0xB560] =	vst v0  }
0x32: {  	[tilespmem:$0xB570] =	vst v0  }
0x33: {  	[tilespmem:$0xB580] =	vst v0  }
0x34: {  	[tilespmem:$0xB590] =	vst v0  }
0x35: {  	[tilespmem:$0xB5A0] =	vst v0  }
0x36: {  	[tilespmem:$0xB5B0] =	vst v0  }
0x37: {  	[tilespmem:$0xB5C0] =	vst v0  }
0x38: {  	[tilespmem:$0xB5D0] =	vst v0  }
0x39: {  	[tilespmem:$0xB5E0] =	vst v0  }
0x3a: {  	[tilespmem:$0xB5F0] =	vst v0  }
0x3b: {  	[tilespmem:$0xB600] =	vst v0  }
0x3c: {  	[tilespmem:$0xB610] =	vst v0  }
0x3d: {  	[tilespmem:$0xB620] =	vst v0  }
0x3e: {  	[tilespmem:$0xB630] =	vst v0  }
0x3f: {  	[tilespmem:$0xB640] =	vst v0  }
0x40: {  	[tilespmem:$0xB650] =	vst v0  }
0x41: {  	[tilespmem:$0xB660] =	vst v0  }
0x42: {  	[tilespmem:$0xB670] =	vst v0  }
0x43: {  	[spmem:s9] =	stream.linear.scatter [tilespmem:s16], [sflag:$0x3], $0x280, $0x38;
	[tilespmem:$0xB900] =	vst v63  }
0x44: {  	_ =	swait.ge [sflag:s17], $0x280  }
0x45: {  	[sflag:s17] =	ssyncset.done $0x0  }
0x46: {  	[sflag:s17] =	ssyncadd.s32 $0xFFFFFD80  }
0x47: {  	[tilespmem:$0x7710] =	vst v0  }
0x48: {  	[tilespmem:$0x7720] =	vst v0  }
0x49: {  	[tilespmem:$0x7730] =	vst v0  }
0x4a: {  	[tilespmem:$0x7740] =	vst v0  }
0x4b: {  	[tilespmem:$0x7750] =	vst v0  }
0x4c: {  	[tilespmem:$0x7760] =	vst v0  }
0x4d: {  	[tilespmem:$0x7770] =	vst v0  }
0x4e: {  	[tilespmem:$0x7780] =	vst v0  }
0x4f: {  	[tilespmem:$0x7790] =	vst v0  }
0x50: {  	[tilespmem:$0x77A0] =	vst v0  }
0x51: {  	[tilespmem:$0x77B0] =	vst v0  }
0x52: {  	[tilespmem:$0x77C0] =	vst v0  }
0x53: {  	[tilespmem:$0x77D0] =	vst v0  }
0x54: {  	[tilespmem:$0x77E0] =	vst v0  }
0x55: {  	[tilespmem:$0x77F0] =	vst v0  }
0x56: {  	_ =	swait.ge [sflag:s18], $0x1400  }
0x57: {  	[sflag:s18] =	ssyncset.done $0x0  }
0x58: {  	[sflag:s18] =	ssyncadd.s32 $0xFFFFEC00  }
0x59: {  	_ =	swait.ge [sflag:s18], $0x1400  }
0x5a: {  	[sflag:s18] =	ssyncset.done $0x0  }
0x5b: {  	[sflag:s18] =	ssyncadd.s32 $0xFFFFEC00  }
0x5c: {  	_ =	swait.ge [sflag:s18], $0x2710  }
0x5d: {  	[sflag:s18] =	ssyncset.done $0x0  }
0x5e: {  	[sflag:s18] =	ssyncadd.s32 $0xFFFFD8F0  }
0x5f: {  	_ =	swait.ge [sflag:s18], $0x2710  }
0x60: {  	[sflag:s18] =	ssyncset.done $0x0  }
0x61: {  	[sflag:s18] =	ssyncadd.s32 $0xFFFFD8F0  }
0x62: {  	_ =	swait.ge [sflag:s18], $0x2710  }
0x63: {  	[sflag:s18] =	ssyncset.done $0x0  }
0x64: {  	[sflag:s18] =	ssyncadd.s32 $0xFFFFD8F0  }
0x65: {  	s26 =	simm.s32 $0x0;
	[bflag:$0x0] =	sbarrier.arrive $0xFFFF  }
0x66: {  	v1 =	vld [tilespmem:s26+$0x0]  }
0x67: {  	v2 =	vld [tilespmem:s26+$0x1400];
	_ =	sdelay $0x6  }
0x68: {  	v3 =	vld.idx.msk [tilespmem:v1+s13+$0x0], $0xffff  }
0x69: {  	v2 =	vld.idx.msk [tilespmem:v2+s14+$0x0], $0xffff  }
0x6a: {  	v4 =	vld [tilespmem:s26+$0x10]  }
0x6b: {  	v1 =	vld.idx.msk [tilespmem:v1+s15+$0x0], $0xffff  }
0x6c: {  	v5 =	vld [tilespmem:s26+$0x1410];
	_ =	sdelay $0x1  }
0x6d: {  	v2 =	vadd.f32 v2, v3;
	_ =	sdelay $0x1  }
0x6e: {  	v1 =	vmul.f32 v2, v1;
	_ =	sdelay $0x1  }
0x6f: {  	[tilespmem:s26+$0xA000] =	vst v1  }
0x70: {  	v1 =	vld.idx.msk [tilespmem:v4+s13+$0x0], $0xffff  }
0x71: {  	v2 =	vld.idx.msk [tilespmem:v5+s14+$0x0], $0xffff  }
0x72: {  	v3 =	vld.idx.msk [tilespmem:v4+s15+$0x0], $0xffff  }
0x73: {  	v4 =	vld [tilespmem:s26+$0x20]  }
0x74: {  	v5 =	vld [tilespmem:s26+$0x1420];
	_ =	sdelay $0x1  }
0x75: {  	v1 =	vadd.f32 v2, v1;
	_ =	sdelay $0x1  }
0x76: {  	v1 =	vmul.f32 v1, v3;
	_ =	sdelay $0x1  }
0x77: {  	[tilespmem:s26+$0xA010] =	vst v1  }
0x78: {  	v1 =	vld.idx.msk [tilespmem:v4+s13+$0x0], $0xffff  }
0x79: {  	v2 =	vld.idx.msk [tilespmem:v5+s14+$0x0], $0xffff  }
0x7a: {  	v3 =	vld.idx.msk [tilespmem:v4+s15+$0x0], $0xffff  }
0x7b: {  	v4 =	vld [tilespmem:s26+$0x30]  }
0x7c: {  	v5 =	vld [tilespmem:s26+$0x1430];
	_ =	sdelay $0x1  }
0x7d: {  	v1 =	vadd.f32 v2, v1;
	_ =	sdelay $0x1  }
0x7e: {  	v1 =	vmul.f32 v1, v3;
	_ =	sdelay $0x1  }
0x7f: {  	[tilespmem:s26+$0xA020] =	vst v1  }
0x80: {  	v1 =	vld.idx.msk [tilespmem:v4+s13+$0x0], $0xffff  }
0x81: {  	v2 =	vld.idx.msk [tilespmem:v5+s14+$0x0], $0xffff  }
0x82: {  	v3 =	vld.idx.msk [tilespmem:v4+s15+$0x0], $0xffff  }
0x83: {  	v4 =	vld [tilespmem:s26+$0x40]  }
0x84: {  	v5 =	vld [tilespmem:s26+$0x1440];
	_ =	sdelay $0x1  }
0x85: {  	v1 =	vadd.f32 v2, v1;
	_ =	sdelay $0x1  }
0x86: {  	v1 =	vmul.f32 v1, v3;
	_ =	sdelay $0x1  }
0x87: {  	[tilespmem:s26+$0xA030] =	vst v1  }
0x88: {  	v1 =	vld.idx.msk [tilespmem:v4+s13+$0x0], $0xffff  }
0x89: {  	v2 =	vld.idx.msk [tilespmem:v5+s14+$0x0], $0xffff  }
0x8a: {  	v3 =	vld.idx.msk [tilespmem:v4+s15+$0x0], $0xffff  }
0x8b: {  	v4 =	vld [tilespmem:s26+$0x50]  }
0x8c: {  	v5 =	vld [tilespmem:s26+$0x1450];
	_ =	sdelay $0x1  }
0x8d: {  	v1 =	vadd.f32 v2, v1;
	_ =	sdelay $0x1  }
0x8e: {  	v1 =	vmul.f32 v1, v3;
	_ =	sdelay $0x1  }
0x8f: {  	[tilespmem:s26+$0xA040] =	vst v1  }
0x90: {  	v1 =	vld.idx.msk [tilespmem:v4+s13+$0x0], $0xffff  }
0x91: {  	v2 =	vld.idx.msk [tilespmem:v5+s14+$0x0], $0xffff  }
0x92: {  	v3 =	vld.idx.msk [tilespmem:v4+s15+$0x0], $0xffff  }
0x93: {  	v4 =	vld [tilespmem:s26+$0x60]  }
0x94: {  	v5 =	vld [tilespmem:s26+$0x1460];
	_ =	sdelay $0x1  }
0x95: {  	v1 =	vadd.f32 v2, v1;
	_ =	sdelay $0x1  }
0x96: {  	v1 =	vmul.f32 v1, v3;
	_ =	sdelay $0x1  }
0x97: {  	[tilespmem:s26+$0xA050] =	vst v1  }
0x98: {  	v1 =	vld.idx.msk [tilespmem:v4+s13+$0x0], $0xffff  }
0x99: {  	v2 =	vld.idx.msk [tilespmem:v5+s14+$0x0], $0xffff  }
0x9a: {  	v3 =	vld.idx.msk [tilespmem:v4+s15+$0x0], $0xffff  }
0x9b: {  	v4 =	vld [tilespmem:s26+$0x70]  }
0x9c: {  	v5 =	vld [tilespmem:s26+$0x1470];
	_ =	sdelay $0x1  }
0x9d: {  	v1 =	vadd.f32 v2, v1;
	_ =	sdelay $0x1  }
0x9e: {  	v1 =	vmul.f32 v1, v3;
	_ =	sdelay $0x1  }
0x9f: {  	[tilespmem:s26+$0xA060] =	vst v1  }
0xa0: {  	v1 =	vld.idx.msk [tilespmem:v4+s13+$0x0], $0xffff  }
0xa1: {  	v2 =	vld.idx.msk [tilespmem:v5+s14+$0x0], $0xffff  }
0xa2: {  	s28 =	simm.s32 $0x200;
	v3 =	vld.idx.msk [tilespmem:v4+s15+$0x0], $0xffff  }
.LBB2_2:
0xa3: {  	p0 =	sne.s32 s28, $0x4E00;
	s29 =	smov.u32 s28;
	s28 =	sadd.s32 $0x200, s28  }
0xa4: {  	_ =	sdelay $0x2  }
0xa5: {  	v1 =	vadd.f32 v2, v1;
	_ =	sdelay $0x1  }
0xa6: {  	v1 =	vmul.f32 v1, v3  }
0xa7: {  	s30 =	sadd.s32 $0x1400, s26;
	s31 =	sadd.s32 $0xA000, s26  }
0xa8: {  	[tilespmem:s26+$0xA070] =	vst v1;
	s26 =	sshra.s32 s29, $0x2  }
0xa9: {  	[spmem:s1] =	stream.indirect.scatter.add.f32 [tilespmem:s31], [sflag:$0x2], $0x1, s30, s19, $0xb8;
	[tilespmem:$0xB900] =	vst v63  }
0xaa: {  	v1 =	vld [tilespmem:s26+$0x0]  }
0xab: {  	v2 =	vld [tilespmem:s26+$0x1400];
	_ =	sdelay $0x6  }
0xac: {  	v3 =	vld.idx.msk [tilespmem:v1+s13+$0x0], $0xffff  }
0xad: {  	v2 =	vld.idx.msk [tilespmem:v2+s14+$0x0], $0xffff;
	_ =	sdelay $0x1  }
0xae: {  	v1 =	vld.idx.msk [tilespmem:v1+s15+$0x0], $0xffff  }
0xaf: {  	v4 =	vld [tilespmem:s26+$0x10]  }
0xb0: {  	v5 =	vld [tilespmem:s26+$0x1410];
	_ =	sdelay $0x1  }
0xb1: {  	v2 =	vadd.f32 v2, v3;
	_ =	sdelay $0x1  }
0xb2: {  	v1 =	vmul.f32 v2, v1;
	_ =	sdelay $0x1  }
0xb3: {  	[tilespmem:s26+$0xA000] =	vst v1  }
0xb4: {  	v1 =	vld.idx.msk [tilespmem:v4+s13+$0x0], $0xffff  }
0xb5: {  	v2 =	vld.idx.msk [tilespmem:v5+s14+$0x0], $0xffff;
	_ =	sdelay $0x1  }
0xb6: {  	v3 =	vld.idx.msk [tilespmem:v4+s15+$0x0], $0xffff  }
0xb7: {  	v4 =	vld [tilespmem:s26+$0x20]  }
0xb8: {  	v5 =	vld [tilespmem:s26+$0x1420];
	_ =	sdelay $0x1  }
0xb9: {  	v1 =	vadd.f32 v2, v1;
	_ =	sdelay $0x1  }
0xba: {  	v1 =	vmul.f32 v1, v3;
	_ =	sdelay $0x1  }
0xbb: {  	[tilespmem:s26+$0xA010] =	vst v1  }
0xbc: {  	v1 =	vld.idx.msk [tilespmem:v4+s13+$0x0], $0xffff  }
0xbd: {  	v2 =	vld.idx.msk [tilespmem:v5+s14+$0x0], $0xffff;
	_ =	sdelay $0x1  }
0xbe: {  	v3 =	vld.idx.msk [tilespmem:v4+s15+$0x0], $0xffff  }
0xbf: {  	v4 =	vld [tilespmem:s26+$0x30]  }
0xc0: {  	v5 =	vld [tilespmem:s26+$0x1430];
	_ =	sdelay $0x1  }
0xc1: {  	v1 =	vadd.f32 v2, v1;
	_ =	sdelay $0x1  }
0xc2: {  	v1 =	vmul.f32 v1, v3;
	_ =	sdelay $0x1  }
0xc3: {  	[tilespmem:s26+$0xA020] =	vst v1  }
0xc4: {  	v1 =	vld.idx.msk [tilespmem:v4+s13+$0x0], $0xffff  }
0xc5: {  	v2 =	vld.idx.msk [tilespmem:v5+s14+$0x0], $0xffff;
	_ =	sdelay $0x1  }
0xc6: {  	v3 =	vld.idx.msk [tilespmem:v4+s15+$0x0], $0xffff  }
0xc7: {  	v4 =	vld [tilespmem:s26+$0x40]  }
0xc8: {  	v5 =	vld [tilespmem:s26+$0x1440];
	_ =	sdelay $0x1  }
0xc9: {  	v1 =	vadd.f32 v2, v1;
	_ =	sdelay $0x1  }
0xca: {  	v1 =	vmul.f32 v1, v3;
	_ =	sdelay $0x1  }
0xcb: {  	[tilespmem:s26+$0xA030] =	vst v1  }
0xcc: {  	v1 =	vld.idx.msk [tilespmem:v4+s13+$0x0], $0xffff  }
0xcd: {  	v2 =	vld.idx.msk [tilespmem:v5+s14+$0x0], $0xffff;
	_ =	sdelay $0x1  }
0xce: {  	v3 =	vld.idx.msk [tilespmem:v4+s15+$0x0], $0xffff  }
0xcf: {  	v4 =	vld [tilespmem:s26+$0x50]  }
0xd0: {  	v5 =	vld [tilespmem:s26+$0x1450];
	_ =	sdelay $0x1  }
0xd1: {  	v1 =	vadd.f32 v2, v1;
	_ =	sdelay $0x1  }
0xd2: {  	v1 =	vmul.f32 v1, v3;
	_ =	sdelay $0x1  }
0xd3: {  	[tilespmem:s26+$0xA040] =	vst v1  }
0xd4: {  	v1 =	vld.idx.msk [tilespmem:v4+s13+$0x0], $0xffff  }
0xd5: {  	v2 =	vld.idx.msk [tilespmem:v5+s14+$0x0], $0xffff;
	_ =	sdelay $0x1  }
0xd6: {  	v3 =	vld.idx.msk [tilespmem:v4+s15+$0x0], $0xffff  }
0xd7: {  	v4 =	vld [tilespmem:s26+$0x60]  }
0xd8: {  	v5 =	vld [tilespmem:s26+$0x1460];
	_ =	sdelay $0x1  }
0xd9: {  	v1 =	vadd.f32 v2, v1;
	_ =	sdelay $0x1  }
0xda: {  	v1 =	vmul.f32 v1, v3;
	_ =	sdelay $0x1  }
0xdb: {  	[tilespmem:s26+$0xA050] =	vst v1  }
0xdc: {  	v1 =	vld.idx.msk [tilespmem:v4+s13+$0x0], $0xffff  }
0xdd: {  	v2 =	vld.idx.msk [tilespmem:v5+s14+$0x0], $0xffff  }
0xde: {  	v3 =	vld.idx.msk [tilespmem:v4+s15+$0x0], $0xffff;
	_ =	sdelay $0x1  }
0xdf: {  	v4 =	vld [tilespmem:s26+$0x70]  }
0xe0: {  	v5 =	vld [tilespmem:s26+$0x1470];
	_ =	sdelay $0x1  }
0xe1: {  	v1 =	vadd.f32 v2, v1;
	_ =	sdelay $0x1  }
0xe2: {  	v1 =	vmul.f32 v1, v3  }
.Ltmp0:
0xe3: {  	(pc) =	sbr.rel @p0 .LBB2_2-.Ltmp0, $4  }
0xe4: {  	[tilespmem:s26+$0xA060] =	vst v1  }
0xe5: {  	v1 =	vld.idx.msk [tilespmem:v4+s13+$0x0], $0xffff  }
0xe6: {  	v2 =	vld.idx.msk [tilespmem:v5+s14+$0x0], $0xffff  }
0xe7: {  	v3 =	vld.idx.msk [tilespmem:v4+s15+$0x0], $0xffff  }
0xe8: {  	_ =	sdelay $0x2  }
0xe9: {  	v1 =	vadd.f32 v2, v1;
	_ =	sdelay $0x1  }
0xea: {  	v1 =	vmul.f32 v1, v3;
	_ =	sdelay $0x1  }
0xeb: {  	s28 =	sadd.s32 $0x1400, s26;
	s29 =	sadd.s32 $0xA000, s26;
	[tilespmem:s26+$0xA070] =	vst v1  }
0xec: {  	[spmem:s1] =	stream.indirect.scatter.add.f32 [tilespmem:s29], [sflag:$0x2], $0x1, s28, s19, $0xb8;
	[tilespmem:$0xB900] =	vst v63  }
0xed: {  	_ =	swait.ge [sflag:s20], $0x80  }
0xee: {  	s26 =	simm.s32 $0x27;
	[sflag:s20] =	ssyncset.done $0x0  }
.LBB2_4:
0xef: {  	p0 =	sne.s32 s26, $0x1;
	s26 =	sadd.s32 $0xFFFFFFFF, s26;
	[sflag:s20] =	ssyncadd.s32 $0xFFFFFF80  }
.Ltmp1:
0xf0: {  	(pc) =	sbr.rel @p0 .LBB2_4-.Ltmp1, $3  }
0xf1: {  	_ =	sdelay $0x1  }
0xf2: {  	_ =	swait.ge [sflag:s20], $0x80  }
0xf3: {  	[sflag:s20] =	ssyncset.done $0x0  }
0xf4: {  	s25 =	sadd.s32 $0x1, s25  }
0xf5: {  	[sflag:s20] =	ssyncadd.s32 $0xFFFFFF80;
	p0 =	sne.s32 s25, s11  }
.Ltmp2:
0xf6: {  	[bflag:$0x0] =	sbarrier.arrive $0xFFFF;
	(pc) =	sbr.rel @p0 .LBB2_1-.Ltmp2, $4  }
0xf7: {  	[hbm:s10@s23], [sflag:s21] =	dma.strided [spmem:s22@s24], $0x50, s18, $0x10   }
0xf8: {  	_ =	swait.ge [sflag:s17], $0x50  }
0xf9: {  	[sflag:s17] =	ssyncset.done $0x0  }
0xfa: {  	[sflag:s17] =	ssyncadd.s32 $0xFFFFFFB0  }
0xfb: {  	_ =	sfence.sel $0x180000  }
0xfc: {  	[bflag:$0x0] =	sbarrier.arrive $0xFFFF  }
0xfd: {  	p0 =	sne.s32 s2, $0x0;
	_ =	strace $0x90000050  }
0xfe: {  	s0 =	sadd.s32 @!p0 $0x100000, s0;
	[bflag:$0x2] =	sbarrier.arrive $0xFFFF  }
0xff: {  	[sflag:s0] =	ssyncadd.tile.s32 @!p0 $0x1;
	_ =	shalt  }
.Lfunc_end2:
_tile_overlayer_lowered:
.L_overlay_start_2:
0x100: {  	(tag) =	ssettag $0x2  }
0x101: {  	s0 =	rddreg [dreg:$0x0];
	s2 =	stileid.u32  }
0x102: {  	s1 =	rddreg [dreg:$0x1];
	p0 =	sne.s32 s2, $0x0  }
0x103: {  	s3 =	rddreg [dreg:$0x2];
	[bflag:$0x3] =	sbarrier.arrive $0xFFFF;
	s2 =	simm.s32 @!p0 $0x1C03  }
0x104: {  	[timem:s3], [sflag:s2] =	dma.local @!p0 [hbm:s0], s1  }
0x105: {  	s0 =	simm.s32 @!p0 $0x3  }
0x106: {  	_ =	swait.ge @!p0 [sflag:s0], s1  }
0x107: {  	s1 =	ssub.s32 @!p0 $0x0, s1;
	[sflag:s0] =	ssyncset.done @!p0 $0x0  }
0x108: {  	[sflag:s0] =	ssyncadd.s32 @!p0 s1  }
0x109: {  	[bflag:$0x3] =	sbarrier.arrive $0xFFFF  }
0x10a: {  	_ =	shalt  }

// kernel: kernel.22.cloned.1.call-start
scs
__scs_entry_jumppad:
0x0: {  	(pc) =	sbr.rel $0x88, $3  }
0x1: {  	(tag) =	ssettag $0x0;
	lr =	simm.s32 $0x1  }
0x2: {  	[smem:$0x3F97] =	sst lr;
	_ =	strace $0xD0000000  }
0x3: {  	_ = 	snop  }
0x4: {  	_ = 	snop  }
0x5: {  	_ = 	snop  }
0x6: {  	_ = 	snop  }
0x7: {  	_ = 	snop  }
__scs_overlays_trampoline_lowered:
0x8: {  	[smem:$0x3FA6] =	sst s0  }
0x9: {  	[smem:$0x3FA7] =	sst s1  }
0xa: {  	[smem:$0x3FA8] =	sst s2  }
0xb: {  	[smem:$0x3FA9] =	sst s3  }
0xc: {  	[smem:$0x3FAA] =	sst s4  }
0xd: {  	[smem:$0x3FAB] =	sst s5  }
0xe: {  	[smem:$0x3FAC] =	sst s6  }
0xf: {  	[smem:$0x3FAD] =	sst s7  }
0x10: {  	[smem:$0x3FAE] =	sst s8  }
0x11: {  	[smem:$0x3FAF] =	sst s9;
	s0 =	simm.s32 @!p0 $0x0  }
0x12: {  	s1 =	sld [smem:$0x3F95];
	s0 =	simm.s32 @p0 $0x1  }
0x13: {  	[smem:$0x3FB0] =	sst s0;
	s0 =	simm.s32 @!p1 $0x0  }
0x14: {  	s2 =	sld [smem:$0x3F94];
	s0 =	simm.s32 @p1 $0x1  }
0x15: {  	[smem:$0x3FB1] =	sst s0;
	s0 =	simm.s32 @!p2 $0x0  }
0x16: {  	s3 =	sld [smem:$0x3FDB];
	s0 =	simm.s32 @p2 $0x1  }
0x17: {  	s4 =	simm.s32 $0x1BF5;
	[smem:$0x3FB3] =	sst s0  }
0x18: {  	s0 =	sld [smem:$0x3F96];
	_ =	swait.ge [sflag:s4], $0x0  }
0x19: {  	s7 =	sld [smem:$0x3F97]  }
0x1a: {  	s8 =	sadd.s32 $0xFFFFE003, lr  }
0x1b: {  	s9 =	sadd.s32 $0xFFFFFEF7, lr;
	s5 =	simm.s32 $0xFFFFFFFF;
	p2 =	slt.u32 s8, $0xFFFFF086  }
0x1c: {  	p1 =	slt.u32 s9, $0xF7A;
	s5 =	simm.s32 @!p2 $0x0  }
0x1d: {  	s5 =	simm.s32 @p1 $0x1;
	p0 =	seq.s32 s7, s2  }
0x1e: {  	s7 =	smul.u32 @!p0 $0xF7A, s2;
	p2 =	seq.s32 @!p0 s5, $0x0  }
0x1f: {  	s9 =	smul.u32 $0xF7A, s1;
	s8 =	simm.s32 @!p0 $0x1BF5;
	p2 =	por !p2, p0  }
0x20: {  	[sflag:s8] =	ssyncset.s32 @!p0 $0xFFFFF086;
	s6 =	sadd.s32 @!p0 s3, s7;
	s7 =	simm.s32 @!p0 $0x108  }
0x21: {  	s3 =	sadd.s32 s3, s9;
	s6 =	sadd.s32 @!p0 $0x88, s6;
	s7 =	simm.s32 @p2 $0x1082  }
0x22: {  	[simem:s7], [sflag:s8] =	dma.local @!p0 [hbm:s6], $0xF7A  }
0x23: {  	s9 =	sor.u32 $0xD0000000, s2;
	s6 =	simm.s32 $0x108;
	_ =	swait.ge @!p0 [sflag:s8], $0x0  }
0x24: {  	s3 =	sadd.s32 $0x88, s3;
	s6 =	simm.s32 @!p1 $0x1082;
	[sflag:s4] =	ssyncset.s32 $0xFFFFF086  }
0x25: {  	[simem:s6], [sflag:s4] =	dma.local [hbm:s3], $0xF7A  }
0x26: {  	[smem:$0x3F97] =	sst s1;
	(tag) =	ssettag s2;
	_ =	strace s9  }
0x27: {  	s1 =	sld [smem:$0x3FA7]  }
0x28: {  	s2 =	sld [smem:$0x3FA8]  }
0x29: {  	s4 =	sld [smem:$0x3FAA]  }
0x2a: {  	p0 =	seq.s32 s5, $0x0;
	s5 =	sld [smem:$0x3FAB]  }
0x2b: {  	s6 =	sld [smem:$0x3FAC]  }
0x2c: {  	s7 =	sld [smem:$0x3FAD]  }
0x2d: {  	s3 =	simm.s32 $0x108;
	s8 =	sld [smem:$0x3FAE]  }
0x2e: {  	s3 =	simm.s32 @!p0 $0x1082;
	s9 =	sld [smem:$0x3FAF]  }
0x2f: {  	lr =	sadd.s32 s0, s3;
	s0 =	sld [smem:$0x3FA6]  }
0x30: {  	s3 =	sld [smem:$0x3FA9]  }
0x31: {  	[smem:$0x3FB2] =	sst s10  }
0x32: {  	s10 =	sld [smem:$0x3FB0];
	_ =	sdelay $0x3  }
0x33: {  	p0 =	seq.s32 s10, $0x1;
	s10 =	sld [smem:$0x3FB2];
	_ =	sdelay $0x3  }
0x34: {  	[smem:$0x3FB2] =	sst s10  }
0x35: {  	s10 =	sld [smem:$0x3FB1];
	_ =	sdelay $0x3  }
0x36: {  	p1 =	seq.s32 s10, $0x1;
	s10 =	sld [smem:$0x3FB2];
	_ =	sdelay $0x3  }
0x37: {  	[smem:$0x3FB2] =	sst s10  }
0x38: {  	s10 =	sld [smem:$0x3FB3]  }
0x39: {  	_ = 	snop;
	(pc) =	sbr.ind lr, $3  }
0x3a: {  	_ = 	snop  }
0x3b: {  	_ = 	snop  }
0x3c: {  	p2 =	seq.s32 s10, $0x1;
	s10 =	sld [smem:$0x3FB2]  }
0x3d: {  	_ =	shalt  }
0x3e: {  	_ =	shalt  }
0x3f: {  	_ =	shalt  }
0x40: {  	_ =	shalt  }
0x41: {  	_ =	shalt  }
0x42: {  	_ =	shalt  }
0x43: {  	_ =	shalt  }
0x44: {  	_ =	shalt  }
0x45: {  	_ =	shalt  }
0x46: {  	_ =	shalt  }
0x47: {  	_ =	shalt  }
0x48: {  	_ =	shalt  }
0x49: {  	_ =	shalt  }
0x4a: {  	_ =	shalt  }
0x4b: {  	_ =	shalt  }
0x4c: {  	_ =	shalt  }
0x4d: {  	_ =	shalt  }
0x4e: {  	_ =	shalt  }
0x4f: {  	_ =	shalt  }
0x50: {  	_ =	shalt  }
0x51: {  	_ =	shalt  }
0x52: {  	_ =	shalt  }
0x53: {  	_ =	shalt  }
0x54: {  	_ =	shalt  }
0x55: {  	_ =	shalt  }
0x56: {  	_ =	shalt  }
0x57: {  	_ =	shalt  }
0x58: {  	_ =	shalt  }
0x59: {  	_ =	shalt  }
0x5a: {  	_ =	shalt  }
0x5b: {  	_ =	shalt  }
0x5c: {  	_ =	shalt  }
0x5d: {  	_ =	shalt  }
0x5e: {  	_ =	shalt  }
0x5f: {  	_ =	shalt  }
0x60: {  	_ =	shalt  }
0x61: {  	_ =	shalt  }
0x62: {  	_ =	shalt  }
0x63: {  	_ =	shalt  }
0x64: {  	_ =	shalt  }
0x65: {  	_ =	shalt  }
0x66: {  	_ =	shalt  }
0x67: {  	_ =	shalt  }
0x68: {  	_ =	shalt  }
0x69: {  	_ =	shalt  }
0x6a: {  	_ =	shalt  }
0x6b: {  	_ =	shalt  }
0x6c: {  	_ =	shalt  }
0x6d: {  	_ =	shalt  }
0x6e: {  	_ =	shalt  }
0x6f: {  	_ =	shalt  }
0x70: {  	_ =	shalt  }
0x71: {  	_ =	shalt  }
0x72: {  	_ =	shalt  }
0x73: {  	_ =	shalt  }
0x74: {  	_ =	shalt  }
0x75: {  	_ =	shalt  }
0x76: {  	_ =	shalt  }
0x77: {  	_ =	shalt  }
0x78: {  	_ =	shalt  }
0x79: {  	_ =	shalt  }
0x7a: {  	_ =	shalt  }
0x7b: {  	_ =	shalt  }
0x7c: {  	_ =	shalt  }
0x7d: {  	_ =	shalt  }
0x7e: {  	_ =	shalt  }
0x7f: {  	_ =	shalt  }
0x80: {  	_ =	shalt  }
0x81: {  	_ =	shalt  }
0x82: {  	_ =	shalt  }
0x83: {  	_ =	shalt  }
0x84: {  	_ =	shalt  }
0x85: {  	_ =	shalt  }
0x86: {  	_ =	shalt  }
0x87: {  	_ =	shalt  }
.Lfunc_end0:
.L_simem_size_0:
called_computation.4_lowered:
.L_overlay_start_0:
0x88: {  	s2 =	sld [smem:$0x3FD9]  }
0x89: {  	s3 =	sld [smem:$0x3FFE];
	_ =	sdelay $0x1  }
0x8a: {  	s1 =	srdreg.scid  }
0x8b: {  	s0 =	sand.u32 $0x1, s1  }
0x8c: {  	s17 =	sshll.u32 s0, $0xA;
	s2 =	sadd.s32 s3, s2  }
0x8d: {  	s2 =	sadd.s32 s2, s17  }
0x8e: {  	[smem:$0x3FBE] =	sst s2  }
0x8f: {  	_ = 	snop  }
0x90: {  	s2 =	sld [smem:$0x3FD0];
	(tm) =	ssettm $0x1  }
0x91: {  	s18 =	sld [smem:$0x3FFB];
	_ =	sdelay $0x3  }
0x92: {  	_ =	strace s18  }
0x93: {  	s3 =	sld [smem:$0x3FFC];
	_ =	sdelay $0x3  }
0x94: {  	_ =	strace s3  }
0x95: {  	s3 =	sld [smem:$0x3FFD];
	_ =	sdelay $0x3  }
0x96: {  	_ =	strace s3  }
0x97: {  	_ =	strace $0x8FFFFFFF  }
0x98: {  	s19 =	sld [smem:$0x3FDB];
	_ =	sdelay $0x1  }
0x99: {  	s4 =	simm.s32 $_scs_section_size  }
0x9a: {  	s5 =	simm.s32 $_size__tile_overlayer_lowered;
	s6 =	simm.s32 $_tile_overlayer_lowered  }
0x9b: {  	s22 =	simm.s32 $0x1BFF;
	s21 =	sshll.u32 s6, $0x1;
	s3 =	sadd.s32 s4, s19  }
0x9c: {  	s7 =	simm.s32 $0x0;
	s20 =	sshll.u32 s5, $0x1;
	s5 =	sadd.s32 s21, s3  }
0x9d: {  	[timem:s7], [sflag:s22] =	dma.local [hbm:s5], s20  }
0x9e: {  	_ =	swait.ge [sflag:s22], s20  }
0x9f: {  	s4 =	ssub.s32 $0x0, s20;
	[sflag:s22] =	ssyncset.done $0x0  }
0xa0: {  	[sflag:s22] =	ssyncadd.s32 s4;
	_ =	sdelay $0x1  }
0xa1: {  	s23 =	simm.s32 $0x1B8B  }
0xa2: {  	_ =	swait.ge [sflag:s23], $0x1  }
0xa3: {  	[sflag:s23] =	ssyncset.done $0x0  }
0xa4: {  	s25 =	simm.s32 $0x1B8E;
	s24 =	sld [smem:$0x3FFE];
	[sflag:s23] =	ssyncadd.s32 $0xFFFFFFFF  }
0xa5: {  	s26 =	simm.s32 $execute0_lowered;
	[smem:$0x3FD2] =	sst s25  }
0xa6: {  	s5 =	sshll.u32 s26, $0x1;
	_ =	strace $0x80000052;
	[dreg:$0x1] =	wrdreg $0xFFFFFFFF  }
0xa7: {  	s28 =	simm.s32 $_size_execute0_lowered;
	s3 =	sadd.s32 s3, s5;
	[dreg:$0x0] =	wrdreg $0x0  }
0xa8: {  	s5 =	sshll.u32 s28, $0x1;
	[dreg:$0x2] =	wrdreg s3  }
0xa9: {  	[dreg:$0x3] =	wrdreg s5  }
0xaa: {  	[dreg:$0x4] =	wrdreg $0xC0  }
0xab: {  	_ =	task [dreg:s7], $0x5FFFF  }
0xac: {  	[dreg:$0x1] =	wrdreg $0xFFFFFFFF  }
0xad: {  	[dreg:$0x0] =	wrdreg $0x60  }
0xae: {  	[dreg:$0x2] =	wrdreg s24  }
0xaf: {  	[dreg:$0x3] =	wrdreg s2  }
0xb0: {  	[dreg:$0x4] =	wrdreg $0x9  }
0xb1: {  	_ =	task.clear_ibuf [dreg:s7], $0x5FFFF;
	_ =	strace $0x90000052  }
0xb2: {  	s29 =	simm.s32 $0x9;
	_ =	strace $0x80000054  }
0xb3: {  	_ =	swait.ge [sflag:s29], $0x1  }
0xb4: {  	[sflag:s29] =	ssyncadd.s32 $0xFFFFFFFF  }
0xb5: {  	_ =	strace $0x90000054  }
0xb6: {  	_ =	sfence  }
0xb7: {  	s30 =	sld [smem:$0x0];
	_ =	sdelay $0x2  }
0xb8: {  	s31 =	sshll.u32 s1, $0xD;
	s1 =	sshrl.u32 s1, $0x2  }
0xb9: {  	s3 =	sand.u32 $0x4000, s31;
	s1 =	sadd.s32 s1, s30  }
0xba: {  	s0 =	sor.u32 s3, s0;
	s1 =	sshll.u32 s1, $0x11  }
0xbb: {  	s0 =	sor.u32 s1, s0  }
0xbc: {  	s0 =	sadd.s32 $0x8F2B, s0  }
0xbd: {  	[sflag:s0] =	ssyncadd.remote.s32 $0x1  }
0xbe: {  	_ =	sfence.sel $0xFFFF  }
0xbf: {  	[dreg:$0x0] =	wrdreg $0xFFFFFFFF;
	(pc) =	sbr.abs _section_cstart, $3  }
0xc0: {  	[dreg:$0x1] =	wrdreg $0xFFFFFFFF  }
0xc1: {  	_ =	task.clear_ibuf [dreg:s7], $0x2FFFF;
	_ =	strace $0x9FFFFFFF  }
0xc2: {  	(tm) =	ssettm $0x7FFFFFFF  }
0xc3: {  	_ =	shalt  }
tec
execute0_lowered:
.L_overlay_start_1:
0x0: {  	(tag) =	ssettag $0x1  }
0x1: {  	s8 =	rddreg [dreg:$0x0]  }
0x2: {  	s1 =	rddreg [dreg:$0x1]  }
0x3: {  	s2 =	srdreg.scid;
	s0 =	rddreg [dreg:$0x2]  }
0x4: {  	s3 =	simm.s32 $0x0;
	s14 =	simm.s32 $0x2800;
	s15 =	simm.s32 $0x5000  }
0x5: {  	s16 =	simm.s32 $0x7800;
	s17 =	simm.s32 $0x80;
	s18 =	simm.s32 $0x100  }
0x6: {  	s19 =	simm.s32 $0xA000;
	s20 =	simm.s32 $0xC800;
	s21 =	simm.s32 $0xF000  }
0x7: {  	s22 =	simm.s32 $0x1;
	s23 =	simm.s32 $0xF080;
	s24 =	simm.s32 $0x2  }
0x8: {  	s25 =	simm.s32 $0x0;
	s6 =	sand.u32 $0x1, s2;
	s2 =	stileid.u32  }
0x9: {  	[smem:$0x7FF] =	sst s3;
	s5 =	sadd.s32 $0xC200, s8;
	s4 =	sshll.u32 s6, $0x4  }
0xa: {  	_ =	strace $0x80000053;
	s11 =	ssub.s32 $0x2, s6;
	s7 =	sor.u32 s2, s4  }
0xb: {  	s6 =	sadd.s32 $0x82E00, s8;
	s12 =	sshrl.u32 s11, $0x1;
	s9 =	smul.u32 $0x280, s7  }
0xc: {  	s4 =	sadd.s32 $0xBC00, s8;
	s10 =	smul.u32 $0x271, s7;
	s12 =	ssub.s32 s11, s12  }
0xd: {  	s7 =	sadd.s32 $0xCA00, s8;
	s12 =	smax.u32 s12, $0x1;
	s9 =	sadd.s32 s9, s8  }
0xe: {  	s13 =	sadd.s32 s10, s8;
	s10 =	sadd.s32 $0x10, s1;
	s8 =	sadd.s32 $0x6C00, s9  }
0xf: {  	v0 =	vimm.f32 $0.0e+00;
	s9 =	sadd.s32 $0x1C00, s9;
	s11 =	sadd.s32 $0xCC00, s13;
	s13 =	simm.s32 $0x1400  }
.LBB2_1:
0x10: {  	[tilespmem:s3], [sflag:$0x1] =	stream.linear.gather [hbm4b:s8+s3], $0x1400, $0x38;
	[tilespmem:$0x10480] =	vst v63  }
0x11: {  	_ = 	snop  }
0x12: {  	[tilespmem:s13], [sflag:$0x1] =	stream.linear.gather [hbm4b:s9+s3], $0x1400, $0x38;
	[tilespmem:$0x10480] =	vst v63  }
0x13: {  	_ = 	snop  }
0x14: {  	[tilespmem:s14], [sflag:$0x1] =	stream.linear.gather [hbm4b:s4+s3], $0x2710, $0x38;
	[tilespmem:$0x10480] =	vst v63  }
0x15: {  	_ = 	snop  }
0x16: {  	[tilespmem:s15], [sflag:$0x1] =	stream.linear.gather [hbm4b:s5+s3], $0x2710, $0x38;
	[tilespmem:$0x10480] =	vst v63  }
0x17: {  	_ = 	snop  }
0x18: {  	[tilespmem:s16], [sflag:$0x1] =	stream.linear.gather [hbm4b:s6+s3], $0x2710, $0x38;
	[tilespmem:$0x10480] =	vst v63  }
0x19: {  	_ = 	snop  }
0x1a: {  	[tilespmem:s19], [sflag:$0x1] =	stream.strided.gather [hbm4b:s1+s17], $0x2800, s18, s17, $0x38;
	[tilespmem:$0x10480] =	vst v63  }
0x1b: {  	_ = 	snop  }
0x1c: {  	[tilespmem:s20], [sflag:$0x1] =	stream.strided.gather [hbm4b:s10+s17], $0x2800, s18, s17, $0x38;
	[tilespmem:$0x10480] =	vst v63  }
0x1d: {  	_ = 	snop  }
0x1e: {  	[tilespmem:s21], [sflag:$0x1] =	stream.linear.gather [hbm4b:s7+s3], $0x80, $0x38;
	[tilespmem:$0x10480] =	vst v63  }
0x1f: {  	[tilespmem:$0x7710] =	vst v0  }
0x20: {  	[tilespmem:$0x7720] =	vst v0  }
0x21: {  	[tilespmem:$0x7730] =	vst v0  }
0x22: {  	[tilespmem:$0x7740] =	vst v0  }
0x23: {  	[tilespmem:$0x7750] =	vst v0  }
0x24: {  	[tilespmem:$0x7760] =	vst v0  }
0x25: {  	[tilespmem:$0x7770] =	vst v0  }
0x26: {  	[tilespmem:$0x7780] =	vst v0  }
0x27: {  	[tilespmem:$0x7790] =	vst v0  }
0x28: {  	[tilespmem:$0x77A0] =	vst v0  }
0x29: {  	[tilespmem:$0x77B0] =	vst v0  }
0x2a: {  	[tilespmem:$0x77C0] =	vst v0  }
0x2b: {  	[tilespmem:$0x77D0] =	vst v0  }
0x2c: {  	[tilespmem:$0x77E0] =	vst v0  }
0x2d: {  	[tilespmem:$0x77F0] =	vst v0  }
0x2e: {  	_ =	swait.ge [sflag:s22], $0x1400  }
0x2f: {  	[sflag:s22] =	ssyncset.done $0x0  }
0x30: {  	[sflag:s22] =	ssyncadd.s32 $0xFFFFEC00  }
0x31: {  	_ =	swait.ge [sflag:s22], $0x1400  }
0x32: {  	[sflag:s22] =	ssyncset.done $0x0  }
0x33: {  	[sflag:s22] =	ssyncadd.s32 $0xFFFFEC00  }
0x34: {  	_ =	swait.ge [sflag:s22], $0x2710  }
0x35: {  	[sflag:s22] =	ssyncset.done $0x0  }
0x36: {  	[sflag:s22] =	ssyncadd.s32 $0xFFFFD8F0  }
0x37: {  	_ =	swait.ge [sflag:s22], $0x2710  }
0x38: {  	[sflag:s22] =	ssyncset.done $0x0  }
0x39: {  	[sflag:s22] =	ssyncadd.s32 $0xFFFFD8F0  }
0x3a: {  	_ =	swait.ge [sflag:s22], $0x2710  }
0x3b: {  	[sflag:s22] =	ssyncset.done $0x0  }
0x3c: {  	[sflag:s22] =	ssyncadd.s32 $0xFFFFD8F0  }
0x3d: {  	_ =	swait.ge [sflag:s22], $0x2800  }
0x3e: {  	[sflag:s22] =	ssyncset.done $0x0  }
0x3f: {  	[sflag:s22] =	ssyncadd.s32 $0xFFFFD800  }
0x40: {  	_ =	swait.ge [sflag:s22], $0x2800  }
0x41: {  	[sflag:s22] =	ssyncset.done $0x0  }
0x42: {  	[sflag:s22] =	ssyncadd.s32 $0xFFFFD800  }
0x43: {  	_ =	swait.ge [sflag:s22], $0x80  }
0x44: {  	[sflag:s22] =	ssyncset.done $0x0  }
0x45: {  	s26 =	simm.s32 $0x0;
	[sflag:s22] =	ssyncadd.s32 $0xFFFFFF80  }
0x46: {  	s28 =	simm.s32 $0x40;
	v1 =	vld [tilespmem:s26+$0xC800]  }
.LBB2_2:
0x47: {  	p0 =	sne.s32 s28, $0x9FC0;
	v2 =	vld [tilespmem:s26+$0xA000];
	_ =	sdelay $0x2  }
.Ltmp0:
0x48: {  	(pc) =	sbr.rel @p0 .LBB2_2-.Ltmp0, $4  }
0x49: {  	_ = 	snop  }
0x4a: {  	v2 =	vadd.f32 v1, v2  }
0x4b: {  	s29 =	sshra.s32 s28, $0x2  }
0x4c: {  	s28 =	sadd.s32 $0x40, s28;
	v1 =	vld [tilespmem:s29+$0xC800];
	[tilespmem:s26+$0xA000] =	vst v2;
	s26 =	smov.u32 s29  }
0x4d: {  	v2 =	vld [tilespmem:s26+$0xA000];
	_ =	sdelay $0x4  }
0x4e: {  	v1 =	vadd.f32 v1, v2;
	_ =	sdelay $0x1  }
0x4f: {  	[tilespmem:s26+$0xA000] =	vst v1  }
0x50: {  	s26 =	simm.s32 $0x0;
	v1 =	vld [tilespmem:$0xF000]  }
.LBB2_4:
0x51: {  	s28 =	sshra.s32 s26, $0x2  }
0x52: {  	v2 =	vld [tilespmem:s28+$0x0]  }
0x53: {  	v3 =	vld [tilespmem:s28+$0x1400];
	_ =	sdelay $0x6  }
0x54: {  	v4 =	vld.idx.msk [tilespmem:v2+s14+$0x0], $0xffff  }
0x55: {  	v3 =	vld.idx.msk [tilespmem:v3+s15+$0x0], $0xffff  }
0x56: {  	v5 =	vld.idx.msk [tilespmem:v2+s16+$0x0], $0xffff;
	_ =	sdelay $0x1  }
0x57: {  	v2 =	vld.idx.msk [tilespmem:v2+s19+$0x0], $0xffff;
	_ =	sdelay $0x2  }
0x58: {  	v3 =	vadd.f32 v3, v4;
	v42 =	vmul.f32 v5, v5;
	_ =	sdelay $0x1  }
0x59: {  	v2 =	vmul.f32 v2, v5;
	v3 =	vmul.f32 v42, v3;
	_ =	sdelay $0x1  }
0x5a: {  	v2 =	vadd.f32 v3, v2;
	_ =	sdelay $0x1  }
0x5b: {  	v2 =	vadd.f32 v2, v1;
	_ =	sdelay $0x1  }
0x5c: {  	v2 =	vsub.f32 $0.0e+00, v2;
	_ =	sdelay $0x1  }
0x5d: {  	v2 =	vmul.f32 $1.442695020e+00, v2;
	_ =	sdelay $0x1  }
0x5e: {  	(erf) = vpow2.f32 v2;
	_ =	sdelay $0x8  }
0x5f: {  	v2 =	vpop (erf)  }
0x60: {  	v2 =	vadd.f32 $1.000000000e+00, v2;
	_ =	sdelay $0x1  }
0x61: {  	(erf) = vrcp.f32 v2;
	_ =	sdelay $0x2  }
0x62: {  	v2 =	vld [tilespmem:s28+$0x10]  }
0x63: {  	v3 =	vld [tilespmem:s28+$0x1410];
	_ =	sdelay $0x4  }
0x64: {  	v43 =	vpop (erf)  }
0x65: {  	[tilespmem:s28+$0xF080] =	vst v43  }
0x66: {  	v4 =	vld.idx.msk [tilespmem:v2+s14+$0x0], $0xffff  }
0x67: {  	v3 =	vld.idx.msk [tilespmem:v3+s15+$0x0], $0xffff  }
0x68: {  	v44 =	vld.idx.msk [tilespmem:v2+s16+$0x0], $0xffff;
	_ =	sdelay $0x1  }
0x69: {  	v2 =	vld.idx.msk [tilespmem:v2+s19+$0x0], $0xffff;
	_ =	sdelay $0x2  }
0x6a: {  	v3 =	vadd.f32 v3, v4;
	v45 =	vmul.f32 v44, v44;
	_ =	sdelay $0x1  }
0x6b: {  	v2 =	vmul.f32 v2, v44;
	v3 =	vmul.f32 v45, v3;
	_ =	sdelay $0x1  }
0x6c: {  	v2 =	vadd.f32 v3, v2;
	_ =	sdelay $0x1  }
0x6d: {  	v2 =	vadd.f32 v2, v1;
	_ =	sdelay $0x1  }
0x6e: {  	v2 =	vsub.f32 $0.0e+00, v2;
	_ =	sdelay $0x1  }
0x6f: {  	v2 =	vmul.f32 $1.442695020e+00, v2;
	_ =	sdelay $0x1  }
0x70: {  	(erf) = vpow2.f32 v2;
	_ =	sdelay $0x8  }
0x71: {  	v2 =	vpop (erf)  }
0x72: {  	v2 =	vadd.f32 $1.000000000e+00, v2;
	_ =	sdelay $0x1  }
0x73: {  	(erf) = vrcp.f32 v2;
	_ =	sdelay $0x2  }
0x74: {  	v2 =	vld [tilespmem:s28+$0x20]  }
0x75: {  	v3 =	vld [tilespmem:s28+$0x1420];
	_ =	sdelay $0x4  }
0x76: {  	v46 =	vpop (erf)  }
0x77: {  	[tilespmem:s28+$0xF090] =	vst v46  }
0x78: {  	v4 =	vld.idx.msk [tilespmem:v2+s14+$0x0], $0xffff  }
0x79: {  	v3 =	vld.idx.msk [tilespmem:v3+s15+$0x0], $0xffff  }
0x7a: {  	v47 =	vld.idx.msk [tilespmem:v2+s16+$0x0], $0xffff;
	_ =	sdelay $0x1  }
0x7b: {  	v2 =	vld.idx.msk [tilespmem:v2+s19+$0x0], $0xffff;
	_ =	sdelay $0x2  }
0x7c: {  	v3 =	vadd.f32 v3, v4;
	v48 =	vmul.f32 v47, v47;
	_ =	sdelay $0x1  }
0x7d: {  	v2 =	vmul.f32 v2, v47;
	v3 =	vmul.f32 v48, v3;
	_ =	sdelay $0x1  }
0x7e: {  	v2 =	vadd.f32 v3, v2;
	_ =	sdelay $0x1  }
0x7f: {  	v2 =	vadd.f32 v2, v1;
	_ =	sdelay $0x1  }
0x80: {  	v2 =	vsub.f32 $0.0e+00, v2;
	_ =	sdelay $0x1  }
0x81: {  	v2 =	vmul.f32 $1.442695020e+00, v2;
	_ =	sdelay $0x1  }
0x82: {  	(erf) = vpow2.f32 v2;
	_ =	sdelay $0x8  }
0x83: {  	v2 =	vpop (erf)  }
0x84: {  	v2 =	vadd.f32 $1.000000000e+00, v2;
	_ =	sdelay $0x1  }
0x85: {  	(erf) = vrcp.f32 v2;
	_ =	sdelay $0x2  }
0x86: {  	v2 =	vld [tilespmem:s28+$0x30]  }
0x87: {  	v3 =	vld [tilespmem:s28+$0x1430];
	_ =	sdelay $0x4  }
0x88: {  	v49 =	vpop (erf)  }
0x89: {  	[tilespmem:s28+$0xF0A0] =	vst v49  }
0x8a: {  	v4 =	vld.idx.msk [tilespmem:v2+s14+$0x0], $0xffff  }
0x8b: {  	v3 =	vld.idx.msk [tilespmem:v3+s15+$0x0], $0xffff  }
0x8c: {  	v50 =	vld.idx.msk [tilespmem:v2+s16+$0x0], $0xffff;
	_ =	sdelay $0x1  }
0x8d: {  	v2 =	vld.idx.msk [tilespmem:v2+s19+$0x0], $0xffff;
	_ =	sdelay $0x2  }
0x8e: {  	v3 =	vadd.f32 v3, v4;
	v51 =	vmul.f32 v50, v50;
	_ =	sdelay $0x1  }
0x8f: {  	v2 =	vmul.f32 v2, v50;
	v3 =	vmul.f32 v51, v3;
	_ =	sdelay $0x1  }
0x90: {  	v2 =	vadd.f32 v3, v2;
	_ =	sdelay $0x1  }
0x91: {  	v2 =	vadd.f32 v2, v1;
	_ =	sdelay $0x1  }
0x92: {  	v2 =	vsub.f32 $0.0e+00, v2;
	_ =	sdelay $0x1  }
0x93: {  	v2 =	vmul.f32 $1.442695020e+00, v2;
	_ =	sdelay $0x1  }
0x94: {  	(erf) = vpow2.f32 v2;
	_ =	sdelay $0x8  }
0x95: {  	v2 =	vpop (erf)  }
0x96: {  	v2 =	vadd.f32 $1.000000000e+00, v2;
	_ =	sdelay $0x1  }
0x97: {  	(erf) = vrcp.f32 v2;
	_ =	sdelay $0x2  }
0x98: {  	v2 =	vld [tilespmem:s28+$0x40]  }
0x99: {  	v3 =	vld [tilespmem:s28+$0x1440];
	_ =	sdelay $0x4  }
0x9a: {  	v52 =	vpop (erf)  }
0x9b: {  	[tilespmem:s28+$0xF0B0] =	vst v52  }
0x9c: {  	v4 =	vld.idx.msk [tilespmem:v2+s14+$0x0], $0xffff  }
0x9d: {  	v3 =	vld.idx.msk [tilespmem:v3+s15+$0x0], $0xffff  }
0x9e: {  	v53 =	vld.idx.msk [tilespmem:v2+s16+$0x0], $0xffff;
	_ =	sdelay $0x1  }
0x9f: {  	v2 =	vld.idx.msk [tilespmem:v2+s19+$0x0], $0xffff;
	_ =	sdelay $0x2  }
0xa0: {  	v3 =	vadd.f32 v3, v4;
	v54 =	vmul.f32 v53, v53;
	_ =	sdelay $0x1  }
0xa1: {  	v2 =	vmul.f32 v2, v53;
	v3 =	vmul.f32 v54, v3;
	_ =	sdelay $0x1  }
0xa2: {  	v2 =	vadd.f32 v3, v2;
	_ =	sdelay $0x1  }
0xa3: {  	v2 =	vadd.f32 v2, v1;
	_ =	sdelay $0x1  }
0xa4: {  	v2 =	vsub.f32 $0.0e+00, v2;
	_ =	sdelay $0x1  }
0xa5: {  	v2 =	vmul.f32 $1.442695020e+00, v2;
	_ =	sdelay $0x1  }
0xa6: {  	(erf) = vpow2.f32 v2;
	_ =	sdelay $0x8  }
0xa7: {  	v2 =	vpop (erf)  }
0xa8: {  	v2 =	vadd.f32 $1.000000000e+00, v2;
	_ =	sdelay $0x1  }
0xa9: {  	(erf) = vrcp.f32 v2;
	_ =	sdelay $0x2  }
0xaa: {  	v2 =	vld [tilespmem:s28+$0x50]  }
0xab: {  	v3 =	vld [tilespmem:s28+$0x1450];
	_ =	sdelay $0x4  }
0xac: {  	v55 =	vpop (erf)  }
0xad: {  	[tilespmem:s28+$0xF0C0] =	vst v55  }
0xae: {  	v4 =	vld.idx.msk [tilespmem:v2+s14+$0x0], $0xffff  }
0xaf: {  	v3 =	vld.idx.msk [tilespmem:v3+s15+$0x0], $0xffff  }
0xb0: {  	v56 =	vld.idx.msk [tilespmem:v2+s16+$0x0], $0xffff;
	_ =	sdelay $0x1  }
0xb1: {  	v2 =	vld.idx.msk [tilespmem:v2+s19+$0x0], $0xffff;
	_ =	sdelay $0x2  }
0xb2: {  	v3 =	vadd.f32 v3, v4;
	v57 =	vmul.f32 v56, v56;
	_ =	sdelay $0x1  }
0xb3: {  	v2 =	vmul.f32 v2, v56;
	v3 =	vmul.f32 v57, v3;
	_ =	sdelay $0x1  }
0xb4: {  	v2 =	vadd.f32 v3, v2;
	_ =	sdelay $0x1  }
0xb5: {  	v2 =	vadd.f32 v2, v1;
	_ =	sdelay $0x1  }
0xb6: {  	v2 =	vsub.f32 $0.0e+00, v2;
	_ =	sdelay $0x1  }
0xb7: {  	v2 =	vmul.f32 $1.442695020e+00, v2;
	_ =	sdelay $0x1  }
0xb8: {  	(erf) = vpow2.f32 v2;
	_ =	sdelay $0x8  }
0xb9: {  	v2 =	vpop (erf)  }
0xba: {  	v2 =	vadd.f32 $1.000000000e+00, v2;
	_ =	sdelay $0x1  }
0xbb: {  	(erf) = vrcp.f32 v2;
	_ =	sdelay $0x2  }
0xbc: {  	v2 =	vld [tilespmem:s28+$0x60]  }
0xbd: {  	v3 =	vld [tilespmem:s28+$0x1460];
	_ =	sdelay $0x4  }
0xbe: {  	v58 =	vpop (erf)  }
0xbf: {  	[tilespmem:s28+$0xF0D0] =	vst v58  }
0xc0: {  	v4 =	vld.idx.msk [tilespmem:v2+s14+$0x0], $0xffff  }
0xc1: {  	v3 =	vld.idx.msk [tilespmem:v3+s15+$0x0], $0xffff  }
0xc2: {  	v59 =	vld.idx.msk [tilespmem:v2+s16+$0x0], $0xffff;
	_ =	sdelay $0x1  }
0xc3: {  	v2 =	vld.idx.msk [tilespmem:v2+s19+$0x0], $0xffff;
	_ =	sdelay $0x2  }
0xc4: {  	v3 =	vadd.f32 v3, v4;
	v60 =	vmul.f32 v59, v59;
	_ =	sdelay $0x1  }
0xc5: {  	v2 =	vmul.f32 v2, v59;
	v3 =	vmul.f32 v60, v3;
	_ =	sdelay $0x1  }
0xc6: {  	v2 =	vadd.f32 v3, v2;
	_ =	sdelay $0x1  }
0xc7: {  	v2 =	vadd.f32 v2, v1;
	_ =	sdelay $0x1  }
0xc8: {  	v2 =	vsub.f32 $0.0e+00, v2;
	_ =	sdelay $0x1  }
0xc9: {  	v2 =	vmul.f32 $1.442695020e+00, v2;
	_ =	sdelay $0x1  }
0xca: {  	(erf) = vpow2.f32 v2;
	_ =	sdelay $0x8  }
0xcb: {  	v2 =	vpop (erf)  }
0xcc: {  	v2 =	vadd.f32 $1.000000000e+00, v2;
	_ =	sdelay $0x1  }
0xcd: {  	(erf) = vrcp.f32 v2;
	_ =	sdelay $0x2  }
0xce: {  	v2 =	vld [tilespmem:s28+$0x70]  }
0xcf: {  	v3 =	vld [tilespmem:s28+$0x1470];
	_ =	sdelay $0x4  }
0xd0: {  	v61 =	vpop (erf)  }
0xd1: {  	[tilespmem:s28+$0xF0E0] =	vst v61  }
0xd2: {  	v4 =	vld.idx.msk [tilespmem:v2+s14+$0x0], $0xffff  }
0xd3: {  	v3 =	vld.idx.msk [tilespmem:v3+s15+$0x0], $0xffff  }
0xd4: {  	v62 =	vld.idx.msk [tilespmem:v2+s16+$0x0], $0xffff;
	_ =	sdelay $0x1  }
0xd5: {  	v2 =	vld.idx.msk [tilespmem:v2+s19+$0x0], $0xffff;
	_ =	sdelay $0x2  }
0xd6: {  	v3 =	vadd.f32 v3, v4;
	v63 =	vmul.f32 v62, v62;
	_ =	sdelay $0x1  }
0xd7: {  	v2 =	vmul.f32 v2, v62;
	v3 =	vmul.f32 v63, v3;
	_ =	sdelay $0x1  }
0xd8: {  	v2 =	vadd.f32 v3, v2;
	_ =	sdelay $0x1  }
0xd9: {  	v2 =	vadd.f32 v2, v1;
	_ =	sdelay $0x1  }
0xda: {  	v2 =	vsub.f32 $0.0e+00, v2;
	_ =	sdelay $0x1  }
0xdb: {  	v2 =	vmul.f32 $1.442695020e+00, v2;
	_ =	sdelay $0x1  }
0xdc: {  	(erf) = vpow2.f32 v2;
	_ =	sdelay $0x8  }
0xdd: {  	v2 =	vpop (erf)  }
0xde: {  	v2 =	vadd.f32 $1.000000000e+00, v2;
	_ =	sdelay $0x1  }
0xdf: {  	(erf) = vrcp.f32 v2;
	_ =	sdelay $0x4  }
0xe0: {  	p0 =	sne.s32 s26, $0x4E00  }
.Ltmp1:
0xe1: {  	_ = 	snop;
	(pc) =	sbr.rel @p0 .LBB2_4-.Ltmp1, $3  }
0xe2: {  	_ =	sdelay $0x1  }
0xe3: {  	v2 =	vpop (erf)  }
0xe4: {  	s26 =	sadd.s32 $0x200, s26;
	[tilespmem:s28+$0xF0F0] =	vst v2  }
0xe5: {  	s25 =	sadd.s32 $0x1, s25  }
0xe6: {  	p0 =	sne.s32 s25, s12  }
.Ltmp2:
0xe7: {  	_ = 	snop;
	(pc) =	sbr.rel @p0 .LBB2_1-.Ltmp2, $4  }
0xe8: {  	[hbm4b:s11+s3] =	stream.linear.scatter [tilespmem:s23], [sflag:$0x2], $0x1388, $0x38;
	[tilespmem:$0x10480] =	vst v63  }
0xe9: {  	_ =	swait.ge [sflag:s24], $0x1388  }
0xea: {  	[sflag:s24] =	ssyncset.done $0x0  }
0xeb: {  	[sflag:s24] =	ssyncadd.s32 $0xFFFFEC78  }
0xec: {  	_ =	sfence.sel $0x180000  }
0xed: {  	[bflag:$0x0] =	sbarrier.arrive $0xFFFF  }
0xee: {  	p0 =	sne.s32 s2, $0x0;
	_ =	strace $0x90000053  }
0xef: {  	s0 =	sadd.s32 @!p0 $0x100000, s0;
	[bflag:$0x2] =	sbarrier.arrive $0xFFFF  }
0xf0: {  	[sflag:s0] =	ssyncadd.tile.s32 @!p0 $0x1;
	_ =	shalt  }
.Lfunc_end2:
_tile_overlayer_lowered:
.L_overlay_start_2:
0xf1: {  	(tag) =	ssettag $0x2  }
0xf2: {  	s0 =	rddreg [dreg:$0x0];
	s2 =	stileid.u32  }
0xf3: {  	s1 =	rddreg [dreg:$0x1];
	p0 =	sne.s32 s2, $0x0  }
0xf4: {  	s3 =	rddreg [dreg:$0x2];
	[bflag:$0x3] =	sbarrier.arrive $0xFFFF;
	s2 =	simm.s32 @!p0 $0x1C02  }
0xf5: {  	[timem:s3], [sflag:s2] =	dma.local @!p0 [hbm:s0], s1  }
0xf6: {  	s0 =	simm.s32 @!p0 $0x2  }
0xf7: {  	_ =	swait.ge @!p0 [sflag:s0], s1  }
0xf8: {  	s1 =	ssub.s32 @!p0 $0x0, s1;
	[sflag:s0] =	ssyncset.done @!p0 $0x0  }
0xf9: {  	[sflag:s0] =	ssyncadd.s32 @!p0 s1  }
0xfa: {  	[bflag:$0x3] =	sbarrier.arrive $0xFFFF  }
0xfb: {  	_ =	shalt  }

</sc_bundles>
